<compile_context>
chip_gen: v7x
topology: tpu7x:2x2x1
jax: 0.10.2.dev20260603
libtpu: 0.0.44.dev20260713+nightly
codegen_flags: <defaults>
</compile_context>

<pallas_src>
import functools

import jax
import jax.numpy as jnp
from jax import lax
from jax.experimental import pallas as pl
from jax.experimental.pallas import tpu as pltpu
from jax.experimental.pallas import tpu_sc as plsc

S = 7
B = 2
C = 20
CH = B * 5 + C
CELLS = S * S
WPS = CELLS * CH
N = 8192
NW = 32
SAMPLES_PER_W = N // NW
CS = 16
NCHUNKS = SAMPLES_PER_W // CS
CHUNK_WORDS = CS * WPS
GROUPS = CS * CELLS // 16
GSTRIDE = 16 * CH


def _sqrt16(x):
    i = lax.bitcast_convert_type(x, jnp.int32)
    i = jnp.int32(0x5F3759DF) - lax.shift_right_arithmetic(i, 1)
    y = lax.bitcast_convert_type(i, jnp.float32)
    for _ in range(3):
        y = y * (1.5 - 0.5 * x * y * y)
    return x * y


def _group_body(g, carry, pbuf, tbuf, lane30):
    acc_coord, acc_obj, acc_noobj, acc_cls = carry
    idx0 = lane30 + g * GSTRIDE

    def ld(buf, c):
        return plsc.load_gather(buf, [idx0 + c])

    tm = {}
    cls = None
    for c in range(10, 30):
        tv = ld(tbuf, c)
        if c in (14, 19, 24, 29):
            tm[c] = tv
        d = ld(pbuf, c) - tv
        d2 = d * d
        cls = d2 if cls is None else cls + d2

    t = [ld(tbuf, c) for c in range(10)]
    p = [ld(pbuf, c) for c in range(10)]

    mrest = jnp.maximum(jnp.maximum(tm[14], tm[19]),
                        jnp.maximum(tm[24], tm[29]))
    c4 = t[4] > 0.0
    c9r = jnp.maximum(t[9], mrest) > 0.0
    obj = jnp.logical_or(c4, c9r)
    use_b1 = jnp.logical_and(jnp.logical_not(c4), c9r)

    tbx = jnp.where(use_b1, t[5], t[0])
    tby = jnp.where(use_b1, t[6], t[1])
    tbw = jnp.where(use_b1, t[7], t[2])
    tbh = jnp.where(use_b1, t[8], t[3])

    thw = tbw * 0.5
    thh = tbh * 0.5
    tx1 = tbx - thw
    tx2 = tbx + thw
    ty1 = tby - thh
    ty2 = tby + thh
    ta = tbw * tbh

    def iou(px, py, pw, ph):
        phw = pw * 0.5
        phh = ph * 0.5
        ix1 = jnp.maximum(px - phw, tx1)
        ix2 = jnp.minimum(px + phw, tx2)
        iy1 = jnp.maximum(py - phh, ty1)
        iy2 = jnp.minimum(py + phh, ty2)
        iw = jnp.maximum(ix2 - ix1, 0.0)
        ih = jnp.maximum(iy2 - iy1, 0.0)
        inter = iw * ih
        union = pw * ph + ta - inter
        return inter / (union + 1e-6)

    iou0 = iou(p[0], p[1], p[2], p[3])
    iou1 = iou(p[5], p[6], p[7], p[8])
    best1 = iou1 > iou0
    best_iou = jnp.maximum(iou0, iou1)

    sx = jnp.where(best1, p[5], p[0])
    sy = jnp.where(best1, p[6], p[1])
    sw = jnp.where(best1, p[7], p[2])
    sh = jnp.where(best1, p[8], p[3])
    sc = jnp.where(best1, p[9], p[4])

    zero = jnp.zeros((16,), jnp.float32)

    dx = sx - tbx
    dy = sy - tby
    xy = dx * dx + dy * dy

    pwc = jnp.maximum(sw, 1e-6)
    phc = jnp.maximum(sh, 1e-6)
    twc = jnp.maximum(tbw, 1e-6)
    thc = jnp.maximum(tbh, 1e-6)
    wh = (pwc + twc + phc + thc) - 2.0 * (_sqrt16(pwc * twc) + _sqrt16(phc * thc))

    acc_coord = acc_coord + jnp.where(obj, xy + wh, zero)

    dconf = sc - best_iou
    acc_obj = acc_obj + jnp.where(obj, dconf * dconf, zero)

    acc_noobj = acc_noobj + (p[4] * p[4] + p[9] * p[9]
                             - jnp.where(obj, sc * sc, zero))

    acc_cls = acc_cls + jnp.where(obj, cls, zero)

    return acc_coord, acc_obj, acc_noobj, acc_cls


def _make_kernel():
    mesh = plsc.VectorSubcoreMesh(core_axis_name="c", subcore_axis_name="s")

    @functools.partial(
        pl.kernel,
        mesh=mesh,
        out_type=jax.ShapeDtypeStruct((NW, 4, 16), jnp.float32),
        scratch_types=[
            pltpu.VMEM((CHUNK_WORDS,), jnp.float32),
            pltpu.VMEM((CHUNK_WORDS,), jnp.float32),
            pltpu.VMEM((CHUNK_WORDS,), jnp.float32),
            pltpu.VMEM((CHUNK_WORDS,), jnp.float32),
            pltpu.VMEM((4, 16), jnp.float32),
            pltpu.SemaphoreType.DMA,
            pltpu.SemaphoreType.DMA,
            pltpu.SemaphoreType.DMA,
            pltpu.SemaphoreType.DMA,
        ],
        compiler_params=pltpu.CompilerParams(needs_layout_passes=False),
    )
    def yolo_loss(pred_hbm, targ_hbm, out_hbm, pbuf0, tbuf0, pbuf1, tbuf1,
                  accbuf, sp0, st0, sp1, st1):
        wid = lax.axis_index("s") * 2 + lax.axis_index("c")
        lane30 = lax.iota(jnp.int32, 16) * CH
        zero = jnp.zeros((16,), jnp.float32)
        bufs = ((pbuf0, tbuf0, sp0, st0), (pbuf1, tbuf1, sp1, st1))

        def start(k, slot):
            pb, tb, sp, st = bufs[slot]
            row = wid * NCHUNKS + k
            pltpu.async_copy(pred_hbm.at[row], pb, sp)
            pltpu.async_copy(targ_hbm.at[row], tb, st)

        def wait(k, slot):
            pb, tb, sp, st = bufs[slot]
            row = wid * NCHUNKS + k
            pltpu.make_async_copy(pred_hbm.at[row], pb, sp).wait()
            pltpu.make_async_copy(targ_hbm.at[row], tb, st).wait()

        def compute(slot, carry):
            pb, tb, _, _ = bufs[slot]

            @plsc.parallel_loop(0, GROUPS, unroll=7, carry=carry)
            def accs(g, c):
                return _group_body(g, c, pb, tb, lane30)

            return accs

        start(0, 0)

        def pair_body(m, carry):
            k0 = 2 * m
            wait(k0, 0)
            start(k0 + 1, 1)
            carry = compute(0, carry)
            wait(k0 + 1, 1)

            @pl.when(m < NCHUNKS // 2 - 1)
            def _():
                start(k0 + 2, 0)

            return compute(1, carry)

        accs = lax.fori_loop(0, NCHUNKS // 2, pair_body,
                             (zero, zero, zero, zero))
        accbuf[0, :] = accs[0]
        accbuf[1, :] = accs[1]
        accbuf[2, :] = accs[2]
        accbuf[3, :] = accs[3]
        pltpu.sync_copy(accbuf, out_hbm.at[wid])

    return yolo_loss


_yolo_loss = _make_kernel()


@jax.jit
def kernel(predictions, targets):
    n = predictions.shape[0]
    pred2d = predictions.reshape(NW * NCHUNKS, CHUNK_WORDS)
    targ2d = targets.reshape(NW * NCHUNKS, CHUNK_WORDS)
    parts = _yolo_loss(pred2d, targ2d)
    sums = jnp.sum(parts, axis=(0, 2))
    coord = 5.0 * sums[0] / n
    conf_obj = sums[1] / n
    conf_noobj = 0.5 * sums[2] / n
    cls = sums[3] / n
    total = coord + conf_obj + conf_noobj + cls
    return (total, coord, conf_obj, conf_noobj, cls)

# --- scband reference (transcript-rebuilt; emitter-appended) ---
"""Pipeline reference for scband-yololoss-87359634801308 (READ-ONLY COPY).

The authoritative reference and input builder live on the scoring server;
editing this copy changes nothing except your own understanding.
"""

import jax, jax.numpy as jnp
import numpy as np

S, B, C = 7, 2, 20
LAMBDA_COORD, LAMBDA_NOOBJ = 5.0, 0.5


def compute_iou(boxes1, boxes2):
    box1_x1 = boxes1[..., 0] - boxes1[..., 2] / 2
    box1_y1 = boxes1[..., 1] - boxes1[..., 3] / 2
    box1_x2 = boxes1[..., 0] + boxes1[..., 2] / 2
    box1_y2 = boxes1[..., 1] + boxes1[..., 3] / 2
    box2_x1 = boxes2[..., 0] - boxes2[..., 2] / 2
    box2_y1 = boxes2[..., 1] - boxes2[..., 3] / 2
    box2_x2 = boxes2[..., 0] + boxes2[..., 2] / 2
    box2_y2 = boxes2[..., 1] + boxes2[..., 3] / 2
    inter_x1 = jnp.maximum(box1_x1, box2_x1)
    inter_y1 = jnp.maximum(box1_y1, box2_y1)
    inter_x2 = jnp.minimum(box1_x2, box2_x2)
    inter_y2 = jnp.minimum(box1_y2, box2_y2)
    inter_area = jnp.clip(inter_x2 - inter_x1, 0, None) * jnp.clip(inter_y2 - inter_y1, 0, None)
    box1_area = boxes1[..., 2] * boxes1[..., 3]
    box2_area = boxes2[..., 2] * boxes2[..., 3]
    union = box1_area + box2_area - inter_area
    return inter_area / (union + 1e-06)


def setup_inputs(seed: int = 0) -> dict:
    key = jax.random.key(seed)
    k1, k2 = jax.random.split(key)
    predictions = jax.random.uniform(k1, (8192, S, S, B * 5 + C), dtype=jnp.float32)
    targets = jax.random.uniform(k2, (8192, S, S, B * 5 + C), dtype=jnp.float32)
    return {"predictions": predictions, "targets": targets}


def reference(predictions, targets):
    N = predictions.shape[0]
    pred_boxes = predictions[..., :B * 5].reshape(N, S, S, B, 5)
    pred_cls = predictions[..., B * 5:]
    target_boxes = targets[..., :B * 5].reshape(N, S, S, B, 5)
    target_cls = targets[..., B * 5:]
    target_conf_mask = targets[..., 4::5] > 0
    obj_mask = jnp.any(target_conf_mask, axis=-1)
    target_box_idx = jnp.argmax(target_conf_mask.astype(jnp.float32), axis=-1)
    idx = jnp.clip(target_box_idx, 0, B - 1)
    target_box = jnp.take_along_axis(target_boxes[..., :4], idx[..., None, None], axis=3)[..., 0, :]
    ious = compute_iou(pred_boxes[..., :4], target_box[..., None, :])
    best_box = jnp.argmax(ious, axis=3)
    best_ious = jnp.take_along_axis(ious, best_box[..., None], axis=3)[..., 0]
    box_mask = jnp.arange(B) == best_box[..., None]
    responsible_mask = box_mask & obj_mask[..., None]
    rm = responsible_mask.astype(predictions.dtype)
    xy_loss = jnp.sum(rm[..., None] * (pred_boxes[..., :2] - target_box[..., None, :2]) ** 2)
    pw = jnp.sqrt(jnp.clip(pred_boxes[..., 2:4], 1e-06, None))
    tw = jnp.sqrt(jnp.clip(target_box[..., None, 2:4], 1e-06, None))
    wh_loss = jnp.sum(rm[..., None] * (pw - tw) ** 2)
    coord_loss = LAMBDA_COORD * (xy_loss + wh_loss)
    conf_loss_obj = jnp.sum(rm * (pred_boxes[..., 4] - best_ious[..., None]) ** 2)
    noobj = 1.0 - rm
    conf_loss_noobj = LAMBDA_NOOBJ * jnp.sum(noobj * pred_boxes[..., 4] ** 2)
    om = obj_mask.astype(predictions.dtype)
    class_loss = jnp.sum(om[..., None] * (pred_cls - target_cls) ** 2)
    total_loss = (coord_loss + conf_loss_obj + conf_loss_noobj + class_loss) / N
    return (total_loss, coord_loss / N, conf_loss_obj / N, conf_loss_noobj / N, class_loss / N)

if __name__ == "__main__":
    import jax
    _d = setup_inputs()
    print(jax.jit(kernel)(*tuple(_d.values())))

</pallas_src>

<mosaic_0001>
#map = affine_map<(d0, d1) -> (0, 0)>
#map1 = affine_map<(d0, d1) -> (0, 0, 0)>
module attributes {stable_mosaic.version = 14 : i64} {
  func.func @yolo_loss(%arg0: i32, %arg1: i32, %arg2: memref<512x23520xf32, #tpu.memory_space<hbm>>, %arg3: memref<512x23520xf32, #tpu.memory_space<hbm>>, %arg4: memref<32x4x16xf32, #tpu.memory_space<hbm>>, %arg5: memref<23520xf32, #tpu.memory_space<vmem>>, %arg6: memref<23520xf32, #tpu.memory_space<vmem>>, %arg7: memref<23520xf32, #tpu.memory_space<vmem>>, %arg8: memref<23520xf32, #tpu.memory_space<vmem>>, %arg9: memref<4x16xf32, #tpu.memory_space<vmem>>, %arg10: memref<!tpu.dma_semaphore, #tpu.memory_space<semaphore_mem>>, %arg11: memref<!tpu.dma_semaphore, #tpu.memory_space<semaphore_mem>>, %arg12: memref<!tpu.dma_semaphore, #tpu.memory_space<semaphore_mem>>, %arg13: memref<!tpu.dma_semaphore, #tpu.memory_space<semaphore_mem>>) attributes {dimension_semantics = [#tpu.dimension_semantics<core_parallel>, #tpu.dimension_semantics<subcore_parallel>], iteration_bounds = array<i64: 2, 16>, scalar_prefetch = 0 : i64, scratch_operands = 9 : i64, tpu.core_type = #tpu.core_type<sc_vector_subcore>, window_params = [{transform_indices = #map}, {transform_indices = #map}, {transform_indices = #map1}]} {
    %mul3A = arith.constant 2 : i32
    %mul3A_0 = arith.muli %arg1, %mul3A : i32
    %add3A = arith.addi %mul3A_0, %arg0 : i32
    %iota3A = tpu.iota {dimensions = array<i32: 0>} : vector<16xi32>
    %mul3A_1 = arith.constant 30 : i32
    %mul3A_2 = vector.broadcast %mul3A_1 : i32 to vector<16xi32>
    %mul3A_3 = arith.muli %iota3A, %mul3A_2 : vector<16xi32>
    %broadcast_in_dim3A = arith.constant 0.000000e+00 : f32
    %broadcast_in_dim3A_4 = vector.broadcast %broadcast_in_dim3A : f32 to vector<16xf32>
    %mul3A_5 = arith.constant 16 : i32
    %mul3A_6 = arith.muli %add3A, %mul3A_5 : i32
    %add3A_7 = arith.constant 0 : i32
    %add3A_8 = arith.addi %mul3A_6, %add3A_7 : i32
    %dma_start3A = arith.constant 0 : i32
    %dma_start3A_9 = tpu.memref_slice %arg2[%add3A_8, %dma_start3A] : memref<512x23520xf32, #tpu.memory_space<hbm>> -> memref<1x23520xf32, #tpu.memory_space<hbm>>
    %dma_start3A_10 = tpu.memref_squeeze %dma_start3A_9 : memref<1x23520xf32, #tpu.memory_space<hbm>> -> memref<23520xf32, #tpu.memory_space<hbm>>
    %dma_start3A_11 = arith.constant 0 : i32
    %dma_start3A_12 = tpu.memref_slice %arg2[%add3A_8, %dma_start3A_11] : memref<512x23520xf32, #tpu.memory_space<hbm>> -> memref<1x23520xf32, #tpu.memory_space<hbm>>
    %dma_start3A_13 = tpu.memref_squeeze %dma_start3A_12 : memref<1x23520xf32, #tpu.memory_space<hbm>> -> memref<23520xf32, #tpu.memory_space<hbm>>
    tpu.enqueue_dma source(%dma_start3A_13 : memref<23520xf32, #tpu.memory_space<hbm>>) target(%arg5 : memref<23520xf32, #tpu.memory_space<vmem>>) target_semaphore(%arg10 : memref<!tpu.dma_semaphore, #tpu.memory_space<semaphore_mem>>)
    %dma_start3A_14 = arith.constant 0 : i32
    %dma_start3A_15 = tpu.memref_slice %arg3[%add3A_8, %dma_start3A_14] : memref<512x23520xf32, #tpu.memory_space<hbm>> -> memref<1x23520xf32, #tpu.memory_space<hbm>>
    %dma_start3A_16 = tpu.memref_squeeze %dma_start3A_15 : memref<1x23520xf32, #tpu.memory_space<hbm>> -> memref<23520xf32, #tpu.memory_space<hbm>>
    %dma_start3A_17 = arith.constant 0 : i32
    %dma_start3A_18 = tpu.memref_slice %arg3[%add3A_8, %dma_start3A_17] : memref<512x23520xf32, #tpu.memory_space<hbm>> -> memref<1x23520xf32, #tpu.memory_space<hbm>>
    %dma_start3A_19 = tpu.memref_squeeze %dma_start3A_18 : memref<1x23520xf32, #tpu.memory_space<hbm>> -> memref<23520xf32, #tpu.memory_space<hbm>>
    tpu.enqueue_dma source(%dma_start3A_19 : memref<23520xf32, #tpu.memory_space<hbm>>) target(%arg6 : memref<23520xf32, #tpu.memory_space<vmem>>) target_semaphore(%arg11 : memref<!tpu.dma_semaphore, #tpu.memory_space<semaphore_mem>>)
    %scan3A = arith.constant 0 : i32
    %scan3A_20 = arith.constant 8 : i32
    %scan3A_21 = arith.addi %scan3A, %scan3A_20 : i32
    %scan3A_22 = arith.constant 1 : i32
    %scan3A_23:4 = scf.for %scan3A_40 = %scan3A to %scan3A_21 step %scan3A_22 iter_args(%scan3A_41 = %broadcast_in_dim3A_4, %scan3A_42 = %broadcast_in_dim3A_4, %scan3A_43 = %broadcast_in_dim3A_4, %scan3A_44 = %broadcast_in_dim3A_4) -> (vector<16xf32>, vector<16xf32>, vector<16xf32>, vector<16xf32>)  : i32 {
      %mul3A_45 = arith.constant 2 : i32
      %mul3A_46 = arith.muli %mul3A_45, %scan3A_40 : i32
      %mul3A_47 = arith.constant 16 : i32
      %mul3A_48 = arith.muli %add3A, %mul3A_47 : i32
      %add3A_49 = arith.addi %mul3A_48, %mul3A_46 : i32
      %dma_wait3A = arith.constant 0 : i32
      %dma_wait3A_50 = tpu.memref_slice %arg2[%add3A_49, %dma_wait3A] : memref<512x23520xf32, #tpu.memory_space<hbm>> -> memref<1x23520xf32, #tpu.memory_space<hbm>>
      %dma_wait3A_51 = tpu.memref_squeeze %dma_wait3A_50 : memref<1x23520xf32, #tpu.memory_space<hbm>> -> memref<23520xf32, #tpu.memory_space<hbm>>
      %dma_wait3A_52 = arith.constant 0 : i32
      %dma_wait3A_53 = tpu.memref_slice %arg2[%add3A_49, %dma_wait3A_52] : memref<512x23520xf32, #tpu.memory_space<hbm>> -> memref<1x23520xf32, #tpu.memory_space<hbm>>
      %dma_wait3A_54 = tpu.memref_squeeze %dma_wait3A_53 : memref<1x23520xf32, #tpu.memory_space<hbm>> -> memref<23520xf32, #tpu.memory_space<hbm>>
      tpu.wait_dma2 semaphore(%arg10 : memref<!tpu.dma_semaphore, #tpu.memory_space<semaphore_mem>>) src(%dma_wait3A_54 : memref<23520xf32, #tpu.memory_space<hbm>>) dst(%arg5 : memref<23520xf32, #tpu.memory_space<vmem>>)
      %dma_wait3A_55 = arith.constant 0 : i32
      %dma_wait3A_56 = tpu.memref_slice %arg3[%add3A_49, %dma_wait3A_55] : memref<512x23520xf32, #tpu.memory_space<hbm>> -> memref<1x23520xf32, #tpu.memory_space<hbm>>
      %dma_wait3A_57 = tpu.memref_squeeze %dma_wait3A_56 : memref<1x23520xf32, #tpu.memory_space<hbm>> -> memref<23520xf32, #tpu.memory_space<hbm>>
      %dma_wait3A_58 = arith.constant 0 : i32
      %dma_wait3A_59 = tpu.memref_slice %arg3[%add3A_49, %dma_wait3A_58] : memref<512x23520xf32, #tpu.memory_space<hbm>> -> memref<1x23520xf32, #tpu.memory_space<hbm>>
      %dma_wait3A_60 = tpu.memref_squeeze %dma_wait3A_59 : memref<1x23520xf32, #tpu.memory_space<hbm>> -> memref<23520xf32, #tpu.memory_space<hbm>>
      tpu.wait_dma2 semaphore(%arg11 : memref<!tpu.dma_semaphore, #tpu.memory_space<semaphore_mem>>) src(%dma_wait3A_60 : memref<23520xf32, #tpu.memory_space<hbm>>) dst(%arg6 : memref<23520xf32, #tpu.memory_space<vmem>>)
      %add3A_61 = arith.constant 1 : i32
      %add3A_62 = arith.addi %mul3A_46, %add3A_61 : i32
      %mul3A_63 = arith.constant 16 : i32
      %mul3A_64 = arith.muli %add3A, %mul3A_63 : i32
      %add3A_65 = arith.addi %mul3A_64, %add3A_62 : i32
      %dma_start3A_66 = arith.constant 0 : i32
      %dma_start3A_67 = tpu.memref_slice %arg2[%add3A_65, %dma_start3A_66] : memref<512x23520xf32, #tpu.memory_space<hbm>> -> memref<1x23520xf32, #tpu.memory_space<hbm>>
      %dma_start3A_68 = tpu.memref_squeeze %dma_start3A_67 : memref<1x23520xf32, #tpu.memory_space<hbm>> -> memref<23520xf32, #tpu.memory_space<hbm>>
      %dma_start3A_69 = arith.constant 0 : i32
      %dma_start3A_70 = tpu.memref_slice %arg2[%add3A_65, %dma_start3A_69] : memref<512x23520xf32, #tpu.memory_space<hbm>> -> memref<1x23520xf32, #tpu.memory_space<hbm>>
      %dma_start3A_71 = tpu.memref_squeeze %dma_start3A_70 : memref<1x23520xf32, #tpu.memory_space<hbm>> -> memref<23520xf32, #tpu.memory_space<hbm>>
      tpu.enqueue_dma source(%dma_start3A_71 : memref<23520xf32, #tpu.memory_space<hbm>>) target(%arg7 : memref<23520xf32, #tpu.memory_space<vmem>>) target_semaphore(%arg12 : memref<!tpu.dma_semaphore, #tpu.memory_space<semaphore_mem>>)
      %dma_start3A_72 = arith.constant 0 : i32
      %dma_start3A_73 = tpu.memref_slice %arg3[%add3A_65, %dma_start3A_72] : memref<512x23520xf32, #tpu.memory_space<hbm>> -> memref<1x23520xf32, #tpu.memory_space<hbm>>
      %dma_start3A_74 = tpu.memref_squeeze %dma_start3A_73 : memref<1x23520xf32, #tpu.memory_space<hbm>> -> memref<23520xf32, #tpu.memory_space<hbm>>
      %dma_start3A_75 = arith.constant 0 : i32
      %dma_start3A_76 = tpu.memref_slice %arg3[%add3A_65, %dma_start3A_75] : memref<512x23520xf32, #tpu.memory_space<hbm>> -> memref<1x23520xf32, #tpu.memory_space<hbm>>
      %dma_start3A_77 = tpu.memref_squeeze %dma_start3A_76 : memref<1x23520xf32, #tpu.memory_space<hbm>> -> memref<23520xf32, #tpu.memory_space<hbm>>
      tpu.enqueue_dma source(%dma_start3A_77 : memref<23520xf32, #tpu.memory_space<hbm>>) target(%arg8 : memref<23520xf32, #tpu.memory_space<vmem>>) target_semaphore(%arg13 : memref<!tpu.dma_semaphore, #tpu.memory_space<semaphore_mem>>)
      %parallel_loop3A = arith.constant 0 : i32
      %parallel_loop3A_78 = arith.constant 49 : i32
      %parallel_loop3A_79 = arith.constant 1 : i32
      %parallel_loop3A_80:4 = scf.for %parallel_loop3A_104 = %parallel_loop3A to %parallel_loop3A_78 step %parallel_loop3A_79 iter_args(%parallel_loop3A_105 = %scan3A_41, %parallel_loop3A_106 = %scan3A_42, %parallel_loop3A_107 = %scan3A_43, %parallel_loop3A_108 = %scan3A_44) -> (vector<16xf32>, vector<16xf32>, vector<16xf32>, vector<16xf32>)  : i32 {
        %parallel_loop3A_109 = arith.constant 480 : i32
        %parallel_loop3A_110 = arith.muli %parallel_loop3A_104, %parallel_loop3A_109 : i32
        %parallel_loop3A_111 = vector.broadcast %parallel_loop3A_110 : i32 to vector<16xi32>
        %parallel_loop3A_112 = arith.addi %mul3A_3, %parallel_loop3A_111 : vector<16xi32>
        %parallel_loop3A_113 = arith.constant 10 : i32
        %parallel_loop3A_114 = vector.broadcast %parallel_loop3A_113 : i32 to vector<16xi32>
        %parallel_loop3A_115 = arith.addi %parallel_loop3A_112, %parallel_loop3A_114 : vector<16xi32>
        %parallel_loop3A_116 = tpu.vector_load_idx %arg6[%parallel_loop3A_115] : memref<23520xf32, #tpu.memory_space<vmem>>[vector<16xi32>], vector<16xf32>,
        %parallel_loop3A_117 = arith.constant 10 : i32
        %parallel_loop3A_118 = vector.broadcast %parallel_loop3A_117 : i32 to vector<16xi32>
        %parallel_loop3A_119 = arith.addi %parallel_loop3A_112, %parallel_loop3A_118 : vector<16xi32>
        %parallel_loop3A_120 = tpu.vector_load_idx %arg5[%parallel_loop3A_119] : memref<23520xf32, #tpu.memory_space<vmem>>[vector<16xi32>], vector<16xf32>,
        %parallel_loop3A_121 = arith.subf %parallel_loop3A_120, %parallel_loop3A_116 : vector<16xf32>
        %parallel_loop3A_122 = arith.mulf %parallel_loop3A_121, %parallel_loop3A_121 : vector<16xf32>
        %parallel_loop3A_123 = arith.constant 11 : i32
        %parallel_loop3A_124 = vector.broadcast %parallel_loop3A_123 : i32 to vector<16xi32>
        %parallel_loop3A_125 = arith.addi %parallel_loop3A_112, %parallel_loop3A_124 : vector<16xi32>
        %parallel_loop3A_126 = tpu.vector_load_idx %arg6[%parallel_loop3A_125] : memref<23520xf32, #tpu.memory_space<vmem>>[vector<16xi32>], vector<16xf32>,
        %parallel_loop3A_127 = arith.constant 11 : i32
        %parallel_loop3A_128 = vector.broadcast %parallel_loop3A_127 : i32 to vector<16xi32>
        %parallel_loop3A_129 = arith.addi %parallel_loop3A_112, %parallel_loop3A_128 : vector<16xi32>
        %parallel_loop3A_130 = tpu.vector_load_idx %arg5[%parallel_loop3A_129] : memref<23520xf32, #tpu.memory_space<vmem>>[vector<16xi32>], vector<16xf32>,
        %parallel_loop3A_131 = arith.subf %parallel_loop3A_130, %parallel_loop3A_126 : vector<16xf32>
        %parallel_loop3A_132 = arith.mulf %parallel_loop3A_131, %parallel_loop3A_131 : vector<16xf32>
        %parallel_loop3A_133 = arith.addf %parallel_loop3A_122, %parallel_loop3A_132 : vector<16xf32>
        %parallel_loop3A_134 = arith.constant 12 : i32
        %parallel_loop3A_135 = vector.broadcast %parallel_loop3A_134 : i32 to vector<16xi32>
        %parallel_loop3A_136 = arith.addi %parallel_loop3A_112, %parallel_loop3A_135 : vector<16xi32>
        %parallel_loop3A_137 = tpu.vector_load_idx %arg6[%parallel_loop3A_136] : memref<23520xf32, #tpu.memory_space<vmem>>[vector<16xi32>], vector<16xf32>,
        %parallel_loop3A_138 = arith.constant 12 : i32
        %parallel_loop3A_139 = vector.broadcast %parallel_loop3A_138 : i32 to vector<16xi32>
        %parallel_loop3A_140 = arith.addi %parallel_loop3A_112, %parallel_loop3A_139 : vector<16xi32>
        %parallel_loop3A_141 = tpu.vector_load_idx %arg5[%parallel_loop3A_140] : memref<23520xf32, #tpu.memory_space<vmem>>[vector<16xi32>], vector<16xf32>,
        %parallel_loop3A_142 = arith.subf %parallel_loop3A_141, %parallel_loop3A_137 : vector<16xf32>
        %parallel_loop3A_143 = arith.mulf %parallel_loop3A_142, %parallel_loop3A_142 : vector<16xf32>
        %parallel_loop3A_144 = arith.addf %parallel_loop3A_133, %parallel_loop3A_143 : vector<16xf32>
        %parallel_loop3A_145 = arith.constant 13 : i32
        %parallel_loop3A_146 = vector.broadcast %parallel_loop3A_145 : i32 to vector<16xi32>
        %parallel_loop3A_147 = arith.addi %parallel_loop3A_112, %parallel_loop3A_146 : vector<16xi32>
        %parallel_loop3A_148 = tpu.vector_load_idx %arg6[%parallel_loop3A_147] : memref<23520xf32, #tpu.memory_space<vmem>>[vector<16xi32>], vector<16xf32>,
        %parallel_loop3A_149 = arith.constant 13 : i32
        %parallel_loop3A_150 = vector.broadcast %parallel_loop3A_149 : i32 to vector<16xi32>
        %parallel_loop3A_151 = arith.addi %parallel_loop3A_112, %parallel_loop3A_150 : vector<16xi32>
        %parallel_loop3A_152 = tpu.vector_load_idx %arg5[%parallel_loop3A_151] : memref<23520xf32, #tpu.memory_space<vmem>>[vector<16xi32>], vector<16xf32>,
        %parallel_loop3A_153 = arith.subf %parallel_loop3A_152, %parallel_loop3A_148 : vector<16xf32>
        %parallel_loop3A_154 = arith.mulf %parallel_loop3A_153, %parallel_loop3A_153 : vector<16xf32>
        %parallel_loop3A_155 = arith.addf %parallel_loop3A_144, %parallel_loop3A_154 : vector<16xf32>
        %parallel_loop3A_156 = arith.constant 14 : i32
        %parallel_loop3A_157 = vector.broadcast %parallel_loop3A_156 : i32 to vector<16xi32>
        %parallel_loop3A_158 = arith.addi %parallel_loop3A_112, %parallel_loop3A_157 : vector<16xi32>
        %parallel_loop3A_159 = tpu.vector_load_idx %arg6[%parallel_loop3A_158] : memref<23520xf32, #tpu.memory_space<vmem>>[vector<16xi32>], vector<16xf32>,
        %parallel_loop3A_160 = arith.constant 14 : i32
        %parallel_loop3A_161 = vector.broadcast %parallel_loop3A_160 : i32 to vector<16xi32>
        %parallel_loop3A_162 = arith.addi %parallel_loop3A_112, %parallel_loop3A_161 : vector<16xi32>
        %parallel_loop3A_163 = tpu.vector_load_idx %arg5[%parallel_loop3A_162] : memref<23520xf32, #tpu.memory_space<vmem>>[vector<16xi32>], vector<16xf32>,
        %parallel_loop3A_164 = arith.subf %parallel_loop3A_163, %parallel_loop3A_159 : vector<16xf32>
        %parallel_loop3A_165 = arith.mulf %parallel_loop3A_164, %parallel_loop3A_164 : vector<16xf32>
        %parallel_loop3A_166 = arith.addf %parallel_loop3A_155, %parallel_loop3A_165 : vector<16xf32>
        %parallel_loop3A_167 = arith.constant 15 : i32
        %parallel_loop3A_168 = vector.broadcast %parallel_loop3A_167 : i32 to vector<16xi32>
        %parallel_loop3A_169 = arith.addi %parallel_loop3A_112, %parallel_loop3A_168 : vector<16xi32>
        %parallel_loop3A_170 = tpu.vector_load_idx %arg6[%parallel_loop3A_169] : memref<23520xf32, #tpu.memory_space<vmem>>[vector<16xi32>], vector<16xf32>,
        %parallel_loop3A_171 = arith.constant 15 : i32
        %parallel_loop3A_172 = vector.broadcast %parallel_loop3A_171 : i32 to vector<16xi32>
        %parallel_loop3A_173 = arith.addi %parallel_loop3A_112, %parallel_loop3A_172 : vector<16xi32>
        %parallel_loop3A_174 = tpu.vector_load_idx %arg5[%parallel_loop3A_173] : memref<23520xf32, #tpu.memory_space<vmem>>[vector<16xi32>], vector<16xf32>,
        %parallel_loop3A_175 = arith.subf %parallel_loop3A_174, %parallel_loop3A_170 : vector<16xf32>
        %parallel_loop3A_176 = arith.mulf %parallel_loop3A_175, %parallel_loop3A_175 : vector<16xf32>
        %parallel_loop3A_177 = arith.addf %parallel_loop3A_166, %parallel_loop3A_176 : vector<16xf32>
        %parallel_loop3A_178 = arith.constant 16 : i32
        %parallel_loop3A_179 = vector.broadcast %parallel_loop3A_178 : i32 to vector<16xi32>
        %parallel_loop3A_180 = arith.addi %parallel_loop3A_112, %parallel_loop3A_179 : vector<16xi32>
        %parallel_loop3A_181 = tpu.vector_load_idx %arg6[%parallel_loop3A_180] : memref<23520xf32, #tpu.memory_space<vmem>>[vector<16xi32>], vector<16xf32>,
        %parallel_loop3A_182 = arith.constant 16 : i32
        %parallel_loop3A_183 = vector.broadcast %parallel_loop3A_182 : i32 to vector<16xi32>
        %parallel_loop3A_184 = arith.addi %parallel_loop3A_112, %parallel_loop3A_183 : vector<16xi32>
        %parallel_loop3A_185 = tpu.vector_load_idx %arg5[%parallel_loop3A_184] : memref<23520xf32, #tpu.memory_space<vmem>>[vector<16xi32>], vector<16xf32>,
        %parallel_loop3A_186 = arith.subf %parallel_loop3A_185, %parallel_loop3A_181 : vector<16xf32>
        %parallel_loop3A_187 = arith.mulf %parallel_loop3A_186, %parallel_loop3A_186 : vector<16xf32>
        %parallel_loop3A_188 = arith.addf %parallel_loop3A_177, %parallel_loop3A_187 : vector<16xf32>
        %parallel_loop3A_189 = arith.constant 17 : i32
        %parallel_loop3A_190 = vector.broadcast %parallel_loop3A_189 : i32 to vector<16xi32>
        %parallel_loop3A_191 = arith.addi %parallel_loop3A_112, %parallel_loop3A_190 : vector<16xi32>
        %parallel_loop3A_192 = tpu.vector_load_idx %arg6[%parallel_loop3A_191] : memref<23520xf32, #tpu.memory_space<vmem>>[vector<16xi32>], vector<16xf32>,
        %parallel_loop3A_193 = arith.constant 17 : i32
        %parallel_loop3A_194 = vector.broadcast %parallel_loop3A_193 : i32 to vector<16xi32>
        %parallel_loop3A_195 = arith.addi %parallel_loop3A_112, %parallel_loop3A_194 : vector<16xi32>
        %parallel_loop3A_196 = tpu.vector_load_idx %arg5[%parallel_loop3A_195] : memref<23520xf32, #tpu.memory_space<vmem>>[vector<16xi32>], vector<16xf32>,
        %parallel_loop3A_197 = arith.subf %parallel_loop3A_196, %parallel_loop3A_192 : vector<16xf32>
        %parallel_loop3A_198 = arith.mulf %parallel_loop3A_197, %parallel_loop3A_197 : vector<16xf32>
        %parallel_loop3A_199 = arith.addf %parallel_loop3A_188, %parallel_loop3A_198 : vector<16xf32>
        %parallel_loop3A_200 = arith.constant 18 : i32
        %parallel_loop3A_201 = vector.broadcast %parallel_loop3A_200 : i32 to vector<16xi32>
        %parallel_loop3A_202 = arith.addi %parallel_loop3A_112, %parallel_loop3A_201 : vector<16xi32>
        %parallel_loop3A_203 = tpu.vector_load_idx %arg6[%parallel_loop3A_202] : memref<23520xf32, #tpu.memory_space<vmem>>[vector<16xi32>], vector<16xf32>,
        %parallel_loop3A_204 = arith.constant 18 : i32
        %parallel_loop3A_205 = vector.broadcast %parallel_loop3A_204 : i32 to vector<16xi32>
        %parallel_loop3A_206 = arith.addi %parallel_loop3A_112, %parallel_loop3A_205 : vector<16xi32>
        %parallel_loop3A_207 = tpu.vector_load_idx %arg5[%parallel_loop3A_206] : memref<23520xf32, #tpu.memory_space<vmem>>[vector<16xi32>], vector<16xf32>,
        %parallel_loop3A_208 = arith.subf %parallel_loop3A_207, %parallel_loop3A_203 : vector<16xf32>
        %parallel_loop3A_209 = arith.mulf %parallel_loop3A_208, %parallel_loop3A_208 : vector<16xf32>
        %parallel_loop3A_210 = arith.addf %parallel_loop3A_199, %parallel_loop3A_209 : vector<16xf32>
        %parallel_loop3A_211 = arith.constant 19 : i32
        %parallel_loop3A_212 = vector.broadcast %parallel_loop3A_211 : i32 to vector<16xi32>
        %parallel_loop3A_213 = arith.addi %parallel_loop3A_112, %parallel_loop3A_212 : vector<16xi32>
        %parallel_loop3A_214 = tpu.vector_load_idx %arg6[%parallel_loop3A_213] : memref<23520xf32, #tpu.memory_space<vmem>>[vector<16xi32>], vector<16xf32>,
        %parallel_loop3A_215 = arith.constant 19 : i32
        %parallel_loop3A_216 = vector.broadcast %parallel_loop3A_215 : i32 to vector<16xi32>
        %parallel_loop3A_217 = arith.addi %parallel_loop3A_112, %parallel_loop3A_216 : vector<16xi32>
        %parallel_loop3A_218 = tpu.vector_load_idx %arg5[%parallel_loop3A_217] : memref<23520xf32, #tpu.memory_space<vmem>>[vector<16xi32>], vector<16xf32>,
        %parallel_loop3A_219 = arith.subf %parallel_loop3A_218, %parallel_loop3A_214 : vector<16xf32>
        %parallel_loop3A_220 = arith.mulf %parallel_loop3A_219, %parallel_loop3A_219 : vector<16xf32>
        %parallel_loop3A_221 = arith.addf %parallel_loop3A_210, %parallel_loop3A_220 : vector<16xf32>
        %parallel_loop3A_222 = arith.constant 20 : i32
        %parallel_loop3A_223 = vector.broadcast %parallel_loop3A_222 : i32 to vector<16xi32>
        %parallel_loop3A_224 = arith.addi %parallel_loop3A_112, %parallel_loop3A_223 : vector<16xi32>
        %parallel_loop3A_225 = tpu.vector_load_idx %arg6[%parallel_loop3A_224] : memref<23520xf32, #tpu.memory_space<vmem>>[vector<16xi32>], vector<16xf32>,
        %parallel_loop3A_226 = arith.constant 20 : i32
        %parallel_loop3A_227 = vector.broadcast %parallel_loop3A_226 : i32 to vector<16xi32>
        %parallel_loop3A_228 = arith.addi %parallel_loop3A_112, %parallel_loop3A_227 : vector<16xi32>
        %parallel_loop3A_229 = tpu.vector_load_idx %arg5[%parallel_loop3A_228] : memref<23520xf32, #tpu.memory_space<vmem>>[vector<16xi32>], vector<16xf32>,
        %parallel_loop3A_230 = arith.subf %parallel_loop3A_229, %parallel_loop3A_225 : vector<16xf32>
        %parallel_loop3A_231 = arith.mulf %parallel_loop3A_230, %parallel_loop3A_230 : vector<16xf32>
        %parallel_loop3A_232 = arith.addf %parallel_loop3A_221, %parallel_loop3A_231 : vector<16xf32>
        %parallel_loop3A_233 = arith.constant 21 : i32
        %parallel_loop3A_234 = vector.broadcast %parallel_loop3A_233 : i32 to vector<16xi32>
        %parallel_loop3A_235 = arith.addi %parallel_loop3A_112, %parallel_loop3A_234 : vector<16xi32>
        %parallel_loop3A_236 = tpu.vector_load_idx %arg6[%parallel_loop3A_235] : memref<23520xf32, #tpu.memory_space<vmem>>[vector<16xi32>], vector<16xf32>,
        %parallel_loop3A_237 = arith.constant 21 : i32
        %parallel_loop3A_238 = vector.broadcast %parallel_loop3A_237 : i32 to vector<16xi32>
        %parallel_loop3A_239 = arith.addi %parallel_loop3A_112, %parallel_loop3A_238 : vector<16xi32>
        %parallel_loop3A_240 = tpu.vector_load_idx %arg5[%parallel_loop3A_239] : memref<23520xf32, #tpu.memory_space<vmem>>[vector<16xi32>], vector<16xf32>,
        %parallel_loop3A_241 = arith.subf %parallel_loop3A_240, %parallel_loop3A_236 : vector<16xf32>
        %parallel_loop3A_242 = arith.mulf %parallel_loop3A_241, %parallel_loop3A_241 : vector<16xf32>
        %parallel_loop3A_243 = arith.addf %parallel_loop3A_232, %parallel_loop3A_242 : vector<16xf32>
        %parallel_loop3A_244 = arith.constant 22 : i32
        %parallel_loop3A_245 = vector.broadcast %parallel_loop3A_244 : i32 to vector<16xi32>
        %parallel_loop3A_246 = arith.addi %parallel_loop3A_112, %parallel_loop3A_245 : vector<16xi32>
        %parallel_loop3A_247 = tpu.vector_load_idx %arg6[%parallel_loop3A_246] : memref<23520xf32, #tpu.memory_space<vmem>>[vector<16xi32>], vector<16xf32>,
        %parallel_loop3A_248 = arith.constant 22 : i32
        %parallel_loop3A_249 = vector.broadcast %parallel_loop3A_248 : i32 to vector<16xi32>
        %parallel_loop3A_250 = arith.addi %parallel_loop3A_112, %parallel_loop3A_249 : vector<16xi32>
        %parallel_loop3A_251 = tpu.vector_load_idx %arg5[%parallel_loop3A_250] : memref<23520xf32, #tpu.memory_space<vmem>>[vector<16xi32>], vector<16xf32>,
        %parallel_loop3A_252 = arith.subf %parallel_loop3A_251, %parallel_loop3A_247 : vector<16xf32>
        %parallel_loop3A_253 = arith.mulf %parallel_loop3A_252, %parallel_loop3A_252 : vector<16xf32>
        %parallel_loop3A_254 = arith.addf %parallel_loop3A_243, %parallel_loop3A_253 : vector<16xf32>
        %parallel_loop3A_255 = arith.constant 23 : i32
        %parallel_loop3A_256 = vector.broadcast %parallel_loop3A_255 : i32 to vector<16xi32>
        %parallel_loop3A_257 = arith.addi %parallel_loop3A_112, %parallel_loop3A_256 : vector<16xi32>
        %parallel_loop3A_258 = tpu.vector_load_idx %arg6[%parallel_loop3A_257] : memref<23520xf32, #tpu.memory_space<vmem>>[vector<16xi32>], vector<16xf32>,
        %parallel_loop3A_259 = arith.constant 23 : i32
        %parallel_loop3A_260 = vector.broadcast %parallel_loop3A_259 : i32 to vector<16xi32>
        %parallel_loop3A_261 = arith.addi %parallel_loop3A_112, %parallel_loop3A_260 : vector<16xi32>
        %parallel_loop3A_262 = tpu.vector_load_idx %arg5[%parallel_loop3A_261] : memref<23520xf32, #tpu.memory_space<vmem>>[vector<16xi32>], vector<16xf32>,
        %parallel_loop3A_263 = arith.subf %parallel_loop3A_262, %parallel_loop3A_258 : vector<16xf32>
        %parallel_loop3A_264 = arith.mulf %parallel_loop3A_263, %parallel_loop3A_263 : vector<16xf32>
        %parallel_loop3A_265 = arith.addf %parallel_loop3A_254, %parallel_loop3A_264 : vector<16xf32>
        %parallel_loop3A_266 = arith.constant 24 : i32
        %parallel_loop3A_267 = vector.broadcast %parallel_loop3A_266 : i32 to vector<16xi32>
        %parallel_loop3A_268 = arith.addi %parallel_loop3A_112, %parallel_loop3A_267 : vector<16xi32>
        %parallel_loop3A_269 = tpu.vector_load_idx %arg6[%parallel_loop3A_268] : memref<23520xf32, #tpu.memory_space<vmem>>[vector<16xi32>], vector<16xf32>,
        %parallel_loop3A_270 = arith.constant 24 : i32
        %parallel_loop3A_271 = vector.broadcast %parallel_loop3A_270 : i32 to vector<16xi32>
        %parallel_loop3A_272 = arith.addi %parallel_loop3A_112, %parallel_loop3A_271 : vector<16xi32>
        %parallel_loop3A_273 = tpu.vector_load_idx %arg5[%parallel_loop3A_272] : memref<23520xf32, #tpu.memory_space<vmem>>[vector<16xi32>], vector<16xf32>,
        %parallel_loop3A_274 = arith.subf %parallel_loop3A_273, %parallel_loop3A_269 : vector<16xf32>
        %parallel_loop3A_275 = arith.mulf %parallel_loop3A_274, %parallel_loop3A_274 : vector<16xf32>
        %parallel_loop3A_276 = arith.addf %parallel_loop3A_265, %parallel_loop3A_275 : vector<16xf32>
        %parallel_loop3A_277 = arith.constant 25 : i32
        %parallel_loop3A_278 = vector.broadcast %parallel_loop3A_277 : i32 to vector<16xi32>
        %parallel_loop3A_279 = arith.addi %parallel_loop3A_112, %parallel_loop3A_278 : vector<16xi32>
        %parallel_loop3A_280 = tpu.vector_load_idx %arg6[%parallel_loop3A_279] : memref<23520xf32, #tpu.memory_space<vmem>>[vector<16xi32>], vector<16xf32>,
        %parallel_loop3A_281 = arith.constant 25 : i32
        %parallel_loop3A_282 = vector.broadcast %parallel_loop3A_281 : i32 to vector<16xi32>
        %parallel_loop3A_283 = arith.addi %parallel_loop3A_112, %parallel_loop3A_282 : vector<16xi32>
        %parallel_loop3A_284 = tpu.vector_load_idx %arg5[%parallel_loop3A_283] : memref<23520xf32, #tpu.memory_space<vmem>>[vector<16xi32>], vector<16xf32>,
        %parallel_loop3A_285 = arith.subf %parallel_loop3A_284, %parallel_loop3A_280 : vector<16xf32>
        %parallel_loop3A_286 = arith.mulf %parallel_loop3A_285, %parallel_loop3A_285 : vector<16xf32>
        %parallel_loop3A_287 = arith.addf %parallel_loop3A_276, %parallel_loop3A_286 : vector<16xf32>
        %parallel_loop3A_288 = arith.constant 26 : i32
        %parallel_loop3A_289 = vector.broadcast %parallel_loop3A_288 : i32 to vector<16xi32>
        %parallel_loop3A_290 = arith.addi %parallel_loop3A_112, %parallel_loop3A_289 : vector<16xi32>
        %parallel_loop3A_291 = tpu.vector_load_idx %arg6[%parallel_loop3A_290] : memref<23520xf32, #tpu.memory_space<vmem>>[vector<16xi32>], vector<16xf32>,
        %parallel_loop3A_292 = arith.constant 26 : i32
        %parallel_loop3A_293 = vector.broadcast %parallel_loop3A_292 : i32 to vector<16xi32>
        %parallel_loop3A_294 = arith.addi %parallel_loop3A_112, %parallel_loop3A_293 : vector<16xi32>
        %parallel_loop3A_295 = tpu.vector_load_idx %arg5[%parallel_loop3A_294] : memref<23520xf32, #tpu.memory_space<vmem>>[vector<16xi32>], vector<16xf32>,
        %parallel_loop3A_296 = arith.subf %parallel_loop3A_295, %parallel_loop3A_291 : vector<16xf32>
        %parallel_loop3A_297 = arith.mulf %parallel_loop3A_296, %parallel_loop3A_296 : vector<16xf32>
        %parallel_loop3A_298 = arith.addf %parallel_loop3A_287, %parallel_loop3A_297 : vector<16xf32>
        %parallel_loop3A_299 = arith.constant 27 : i32
        %parallel_loop3A_300 = vector.broadcast %parallel_loop3A_299 : i32 to vector<16xi32>
        %parallel_loop3A_301 = arith.addi %parallel_loop3A_112, %parallel_loop3A_300 : vector<16xi32>
        %parallel_loop3A_302 = tpu.vector_load_idx %arg6[%parallel_loop3A_301] : memref<23520xf32, #tpu.memory_space<vmem>>[vector<16xi32>], vector<16xf32>,
        %parallel_loop3A_303 = arith.constant 27 : i32
        %parallel_loop3A_304 = vector.broadcast %parallel_loop3A_303 : i32 to vector<16xi32>
        %parallel_loop3A_305 = arith.addi %parallel_loop3A_112, %parallel_loop3A_304 : vector<16xi32>
        %parallel_loop3A_306 = tpu.vector_load_idx %arg5[%parallel_loop3A_305] : memref<23520xf32, #tpu.memory_space<vmem>>[vector<16xi32>], vector<16xf32>,
        %parallel_loop3A_307 = arith.subf %parallel_loop3A_306, %parallel_loop3A_302 : vector<16xf32>
        %parallel_loop3A_308 = arith.mulf %parallel_loop3A_307, %parallel_loop3A_307 : vector<16xf32>
        %parallel_loop3A_309 = arith.addf %parallel_loop3A_298, %parallel_loop3A_308 : vector<16xf32>
        %parallel_loop3A_310 = arith.constant 28 : i32
        %parallel_loop3A_311 = vector.broadcast %parallel_loop3A_310 : i32 to vector<16xi32>
        %parallel_loop3A_312 = arith.addi %parallel_loop3A_112, %parallel_loop3A_311 : vector<16xi32>
        %parallel_loop3A_313 = tpu.vector_load_idx %arg6[%parallel_loop3A_312] : memref<23520xf32, #tpu.memory_space<vmem>>[vector<16xi32>], vector<16xf32>,
        %parallel_loop3A_314 = arith.constant 28 : i32
        %parallel_loop3A_315 = vector.broadcast %parallel_loop3A_314 : i32 to vector<16xi32>
        %parallel_loop3A_316 = arith.addi %parallel_loop3A_112, %parallel_loop3A_315 : vector<16xi32>
        %parallel_loop3A_317 = tpu.vector_load_idx %arg5[%parallel_loop3A_316] : memref<23520xf32, #tpu.memory_space<vmem>>[vector<16xi32>], vector<16xf32>,
        %parallel_loop3A_318 = arith.subf %parallel_loop3A_317, %parallel_loop3A_313 : vector<16xf32>
        %parallel_loop3A_319 = arith.mulf %parallel_loop3A_318, %parallel_loop3A_318 : vector<16xf32>
        %parallel_loop3A_320 = arith.addf %parallel_loop3A_309, %parallel_loop3A_319 : vector<16xf32>
        %parallel_loop3A_321 = arith.constant 29 : i32
        %parallel_loop3A_322 = vector.broadcast %parallel_loop3A_321 : i32 to vector<16xi32>
        %parallel_loop3A_323 = arith.addi %parallel_loop3A_112, %parallel_loop3A_322 : vector<16xi32>
        %parallel_loop3A_324 = tpu.vector_load_idx %arg6[%parallel_loop3A_323] : memref<23520xf32, #tpu.memory_space<vmem>>[vector<16xi32>], vector<16xf32>,
        %parallel_loop3A_325 = arith.constant 29 : i32
        %parallel_loop3A_326 = vector.broadcast %parallel_loop3A_325 : i32 to vector<16xi32>
        %parallel_loop3A_327 = arith.addi %parallel_loop3A_112, %parallel_loop3A_326 : vector<16xi32>
        %parallel_loop3A_328 = tpu.vector_load_idx %arg5[%parallel_loop3A_327] : memref<23520xf32, #tpu.memory_space<vmem>>[vector<16xi32>], vector<16xf32>,
        %parallel_loop3A_329 = arith.subf %parallel_loop3A_328, %parallel_loop3A_324 : vector<16xf32>
        %parallel_loop3A_330 = arith.mulf %parallel_loop3A_329, %parallel_loop3A_329 : vector<16xf32>
        %parallel_loop3A_331 = arith.addf %parallel_loop3A_320, %parallel_loop3A_330 : vector<16xf32>
        %parallel_loop3A_332 = arith.constant 0 : i32
        %parallel_loop3A_333 = vector.broadcast %parallel_loop3A_332 : i32 to vector<16xi32>
        %parallel_loop3A_334 = arith.addi %parallel_loop3A_112, %parallel_loop3A_333 : vector<16xi32>
        %parallel_loop3A_335 = tpu.vector_load_idx %arg6[%parallel_loop3A_334] : memref<23520xf32, #tpu.memory_space<vmem>>[vector<16xi32>], vector<16xf32>,
        %parallel_loop3A_336 = arith.constant 1 : i32
        %parallel_loop3A_337 = vector.broadcast %parallel_loop3A_336 : i32 to vector<16xi32>
        %parallel_loop3A_338 = arith.addi %parallel_loop3A_112, %parallel_loop3A_337 : vector<16xi32>
        %parallel_loop3A_339 = tpu.vector_load_idx %arg6[%parallel_loop3A_338] : memref<23520xf32, #tpu.memory_space<vmem>>[vector<16xi32>], vector<16xf32>,
        %parallel_loop3A_340 = arith.constant 2 : i32
        %parallel_loop3A_341 = vector.broadcast %parallel_loop3A_340 : i32 to vector<16xi32>
        %parallel_loop3A_342 = arith.addi %parallel_loop3A_112, %parallel_loop3A_341 : vector<16xi32>
        %parallel_loop3A_343 = tpu.vector_load_idx %arg6[%parallel_loop3A_342] : memref<23520xf32, #tpu.memory_space<vmem>>[vector<16xi32>], vector<16xf32>,
        %parallel_loop3A_344 = arith.constant 3 : i32
        %parallel_loop3A_345 = vector.broadcast %parallel_loop3A_344 : i32 to vector<16xi32>
        %parallel_loop3A_346 = arith.addi %parallel_loop3A_112, %parallel_loop3A_345 : vector<16xi32>
        %parallel_loop3A_347 = tpu.vector_load_idx %arg6[%parallel_loop3A_346] : memref<23520xf32, #tpu.memory_space<vmem>>[vector<16xi32>], vector<16xf32>,
        %parallel_loop3A_348 = arith.constant 4 : i32
        %parallel_loop3A_349 = vector.broadcast %parallel_loop3A_348 : i32 to vector<16xi32>
        %parallel_loop3A_350 = arith.addi %parallel_loop3A_112, %parallel_loop3A_349 : vector<16xi32>
        %parallel_loop3A_351 = tpu.vector_load_idx %arg6[%parallel_loop3A_350] : memref<23520xf32, #tpu.memory_space<vmem>>[vector<16xi32>], vector<16xf32>,
        %parallel_loop3A_352 = arith.constant 5 : i32
        %parallel_loop3A_353 = vector.broadcast %parallel_loop3A_352 : i32 to vector<16xi32>
        %parallel_loop3A_354 = arith.addi %parallel_loop3A_112, %parallel_loop3A_353 : vector<16xi32>
        %parallel_loop3A_355 = tpu.vector_load_idx %arg6[%parallel_loop3A_354] : memref<23520xf32, #tpu.memory_space<vmem>>[vector<16xi32>], vector<16xf32>,
        %parallel_loop3A_356 = arith.constant 6 : i32
        %parallel_loop3A_357 = vector.broadcast %parallel_loop3A_356 : i32 to vector<16xi32>
        %parallel_loop3A_358 = arith.addi %parallel_loop3A_112, %parallel_loop3A_357 : vector<16xi32>
        %parallel_loop3A_359 = tpu.vector_load_idx %arg6[%parallel_loop3A_358] : memref<23520xf32, #tpu.memory_space<vmem>>[vector<16xi32>], vector<16xf32>,
        %parallel_loop3A_360 = arith.constant 7 : i32
        %parallel_loop3A_361 = vector.broadcast %parallel_loop3A_360 : i32 to vector<16xi32>
        %parallel_loop3A_362 = arith.addi %parallel_loop3A_112, %parallel_loop3A_361 : vector<16xi32>
        %parallel_loop3A_363 = tpu.vector_load_idx %arg6[%parallel_loop3A_362] : memref<23520xf32, #tpu.memory_space<vmem>>[vector<16xi32>], vector<16xf32>,
        %parallel_loop3A_364 = arith.constant 8 : i32
        %parallel_loop3A_365 = vector.broadcast %parallel_loop3A_364 : i32 to vector<16xi32>
        %parallel_loop3A_366 = arith.addi %parallel_loop3A_112, %parallel_loop3A_365 : vector<16xi32>
        %parallel_loop3A_367 = tpu.vector_load_idx %arg6[%parallel_loop3A_366] : memref<23520xf32, #tpu.memory_space<vmem>>[vector<16xi32>], vector<16xf32>,
        %parallel_loop3A_368 = arith.constant 9 : i32
        %parallel_loop3A_369 = vector.broadcast %parallel_loop3A_368 : i32 to vector<16xi32>
        %parallel_loop3A_370 = arith.addi %parallel_loop3A_112, %parallel_loop3A_369 : vector<16xi32>
        %parallel_loop3A_371 = tpu.vector_load_idx %arg6[%parallel_loop3A_370] : memref<23520xf32, #tpu.memory_space<vmem>>[vector<16xi32>], vector<16xf32>,
        %parallel_loop3A_372 = arith.constant 0 : i32
        %parallel_loop3A_373 = vector.broadcast %parallel_loop3A_372 : i32 to vector<16xi32>
        %parallel_loop3A_374 = arith.addi %parallel_loop3A_112, %parallel_loop3A_373 : vector<16xi32>
        %parallel_loop3A_375 = tpu.vector_load_idx %arg5[%parallel_loop3A_374] : memref<23520xf32, #tpu.memory_space<vmem>>[vector<16xi32>], vector<16xf32>,
        %parallel_loop3A_376 = arith.constant 1 : i32
        %parallel_loop3A_377 = vector.broadcast %parallel_loop3A_376 : i32 to vector<16xi32>
        %parallel_loop3A_378 = arith.addi %parallel_loop3A_112, %parallel_loop3A_377 : vector<16xi32>
        %parallel_loop3A_379 = tpu.vector_load_idx %arg5[%parallel_loop3A_378] : memref<23520xf32, #tpu.memory_space<vmem>>[vector<16xi32>], vector<16xf32>,
        %parallel_loop3A_380 = arith.constant 2 : i32
        %parallel_loop3A_381 = vector.broadcast %parallel_loop3A_380 : i32 to vector<16xi32>
        %parallel_loop3A_382 = arith.addi %parallel_loop3A_112, %parallel_loop3A_381 : vector<16xi32>
        %parallel_loop3A_383 = tpu.vector_load_idx %arg5[%parallel_loop3A_382] : memref<23520xf32, #tpu.memory_space<vmem>>[vector<16xi32>], vector<16xf32>,
        %parallel_loop3A_384 = arith.constant 3 : i32
        %parallel_loop3A_385 = vector.broadcast %parallel_loop3A_384 : i32 to vector<16xi32>
        %parallel_loop3A_386 = arith.addi %parallel_loop3A_112, %parallel_loop3A_385 : vector<16xi32>
        %parallel_loop3A_387 = tpu.vector_load_idx %arg5[%parallel_loop3A_386] : memref<23520xf32, #tpu.memory_space<vmem>>[vector<16xi32>], vector<16xf32>,
        %parallel_loop3A_388 = arith.constant 4 : i32
        %parallel_loop3A_389 = vector.broadcast %parallel_loop3A_388 : i32 to vector<16xi32>
        %parallel_loop3A_390 = arith.addi %parallel_loop3A_112, %parallel_loop3A_389 : vector<16xi32>
        %parallel_loop3A_391 = tpu.vector_load_idx %arg5[%parallel_loop3A_390] : memref<23520xf32, #tpu.memory_space<vmem>>[vector<16xi32>], vector<16xf32>,
        %parallel_loop3A_392 = arith.constant 5 : i32
        %parallel_loop3A_393 = vector.broadcast %parallel_loop3A_392 : i32 to vector<16xi32>
        %parallel_loop3A_394 = arith.addi %parallel_loop3A_112, %parallel_loop3A_393 : vector<16xi32>
        %parallel_loop3A_395 = tpu.vector_load_idx %arg5[%parallel_loop3A_394] : memref<23520xf32, #tpu.memory_space<vmem>>[vector<16xi32>], vector<16xf32>,
        %parallel_loop3A_396 = arith.constant 6 : i32
        %parallel_loop3A_397 = vector.broadcast %parallel_loop3A_396 : i32 to vector<16xi32>
        %parallel_loop3A_398 = arith.addi %parallel_loop3A_112, %parallel_loop3A_397 : vector<16xi32>
        %parallel_loop3A_399 = tpu.vector_load_idx %arg5[%parallel_loop3A_398] : memref<23520xf32, #tpu.memory_space<vmem>>[vector<16xi32>], vector<16xf32>,
        %parallel_loop3A_400 = arith.constant 7 : i32
        %parallel_loop3A_401 = vector.broadcast %parallel_loop3A_400 : i32 to vector<16xi32>
        %parallel_loop3A_402 = arith.addi %parallel_loop3A_112, %parallel_loop3A_401 : vector<16xi32>
        %parallel_loop3A_403 = tpu.vector_load_idx %arg5[%parallel_loop3A_402] : memref<23520xf32, #tpu.memory_space<vmem>>[vector<16xi32>], vector<16xf32>,
        %parallel_loop3A_404 = arith.constant 8 : i32
        %parallel_loop3A_405 = vector.broadcast %parallel_loop3A_404 : i32 to vector<16xi32>
        %parallel_loop3A_406 = arith.addi %parallel_loop3A_112, %parallel_loop3A_405 : vector<16xi32>
        %parallel_loop3A_407 = tpu.vector_load_idx %arg5[%parallel_loop3A_406] : memref<23520xf32, #tpu.memory_space<vmem>>[vector<16xi32>], vector<16xf32>,
        %parallel_loop3A_408 = arith.constant 9 : i32
        %parallel_loop3A_409 = vector.broadcast %parallel_loop3A_408 : i32 to vector<16xi32>
        %parallel_loop3A_410 = arith.addi %parallel_loop3A_112, %parallel_loop3A_409 : vector<16xi32>
        %parallel_loop3A_411 = tpu.vector_load_idx %arg5[%parallel_loop3A_410] : memref<23520xf32, #tpu.memory_space<vmem>>[vector<16xi32>], vector<16xf32>,
        %parallel_loop3A_412 = arith.maximumf %parallel_loop3A_159, %parallel_loop3A_214 : vector<16xf32>
        %parallel_loop3A_413 = arith.maximumf %parallel_loop3A_269, %parallel_loop3A_324 : vector<16xf32>
        %parallel_loop3A_414 = arith.maximumf %parallel_loop3A_412, %parallel_loop3A_413 : vector<16xf32>
        %parallel_loop3A_415 = arith.constant 0.000000e+00 : f32
        %parallel_loop3A_416 = vector.broadcast %parallel_loop3A_415 : f32 to vector<16xf32>
        %parallel_loop3A_417 = arith.cmpf ogt, %parallel_loop3A_351, %parallel_loop3A_416 : vector<16xf32>
        %parallel_loop3A_418 = arith.maximumf %parallel_loop3A_371, %parallel_loop3A_414 : vector<16xf32>
        %parallel_loop3A_419 = arith.constant 0.000000e+00 : f32
        %parallel_loop3A_420 = vector.broadcast %parallel_loop3A_419 : f32 to vector<16xf32>
        %parallel_loop3A_421 = arith.cmpf ogt, %parallel_loop3A_418, %parallel_loop3A_420 : vector<16xf32>
        %parallel_loop3A_422 = arith.ori %parallel_loop3A_417, %parallel_loop3A_421 : vector<16xi1>
        %parallel_loop3A_423 = arith.constant dense<true> : vector<16xi1>
        %parallel_loop3A_424 = arith.xori %parallel_loop3A_417, %parallel_loop3A_423 : vector<16xi1>
        %parallel_loop3A_425 = arith.andi %parallel_loop3A_424, %parallel_loop3A_421 : vector<16xi1>
        %parallel_loop3A_426 = arith.select %parallel_loop3A_425, %parallel_loop3A_355, %parallel_loop3A_335 : vector<16xi1>, vector<16xf32>
        %parallel_loop3A_427 = arith.select %parallel_loop3A_425, %parallel_loop3A_359, %parallel_loop3A_339 : vector<16xi1>, vector<16xf32>
        %parallel_loop3A_428 = arith.select %parallel_loop3A_425, %parallel_loop3A_363, %parallel_loop3A_343 : vector<16xi1>, vector<16xf32>
        %parallel_loop3A_429 = arith.select %parallel_loop3A_425, %parallel_loop3A_367, %parallel_loop3A_347 : vector<16xi1>, vector<16xf32>
        %parallel_loop3A_430 = arith.constant 5.000000e-01 : f32
        %parallel_loop3A_431 = vector.broadcast %parallel_loop3A_430 : f32 to vector<16xf32>
        %parallel_loop3A_432 = arith.mulf %parallel_loop3A_428, %parallel_loop3A_431 : vector<16xf32>
        %parallel_loop3A_433 = arith.constant 5.000000e-01 : f32
        %parallel_loop3A_434 = vector.broadcast %parallel_loop3A_433 : f32 to vector<16xf32>
        %parallel_loop3A_435 = arith.mulf %parallel_loop3A_429, %parallel_loop3A_434 : vector<16xf32>
        %parallel_loop3A_436 = arith.subf %parallel_loop3A_426, %parallel_loop3A_432 : vector<16xf32>
        %parallel_loop3A_437 = arith.addf %parallel_loop3A_426, %parallel_loop3A_432 : vector<16xf32>
        %parallel_loop3A_438 = arith.subf %parallel_loop3A_427, %parallel_loop3A_435 : vector<16xf32>
        %parallel_loop3A_439 = arith.addf %parallel_loop3A_427, %parallel_loop3A_435 : vector<16xf32>
        %parallel_loop3A_440 = arith.mulf %parallel_loop3A_428, %parallel_loop3A_429 : vector<16xf32>
        %parallel_loop3A_441 = arith.constant 5.000000e-01 : f32
        %parallel_loop3A_442 = vector.broadcast %parallel_loop3A_441 : f32 to vector<16xf32>
        %parallel_loop3A_443 = arith.mulf %parallel_loop3A_383, %parallel_loop3A_442 : vector<16xf32>
        %parallel_loop3A_444 = arith.constant 5.000000e-01 : f32
        %parallel_loop3A_445 = vector.broadcast %parallel_loop3A_444 : f32 to vector<16xf32>
        %parallel_loop3A_446 = arith.mulf %parallel_loop3A_387, %parallel_loop3A_445 : vector<16xf32>
        %parallel_loop3A_447 = arith.subf %parallel_loop3A_375, %parallel_loop3A_443 : vector<16xf32>
        %parallel_loop3A_448 = arith.maximumf %parallel_loop3A_447, %parallel_loop3A_436 : vector<16xf32>
        %parallel_loop3A_449 = arith.addf %parallel_loop3A_375, %parallel_loop3A_443 : vector<16xf32>
        %parallel_loop3A_450 = arith.minimumf %parallel_loop3A_449, %parallel_loop3A_437 : vector<16xf32>
        %parallel_loop3A_451 = arith.subf %parallel_loop3A_379, %parallel_loop3A_446 : vector<16xf32>
        %parallel_loop3A_452 = arith.maximumf %parallel_loop3A_451, %parallel_loop3A_438 : vector<16xf32>
        %parallel_loop3A_453 = arith.addf %parallel_loop3A_379, %parallel_loop3A_446 : vector<16xf32>
        %parallel_loop3A_454 = arith.minimumf %parallel_loop3A_453, %parallel_loop3A_439 : vector<16xf32>
        %parallel_loop3A_455 = arith.subf %parallel_loop3A_450, %parallel_loop3A_448 : vector<16xf32>
        %parallel_loop3A_456 = arith.constant 0.000000e+00 : f32
        %parallel_loop3A_457 = vector.broadcast %parallel_loop3A_456 : f32 to vector<16xf32>
        %parallel_loop3A_458 = arith.maximumf %parallel_loop3A_455, %parallel_loop3A_457 : vector<16xf32>
        %parallel_loop3A_459 = arith.subf %parallel_loop3A_454, %parallel_loop3A_452 : vector<16xf32>
        %parallel_loop3A_460 = arith.constant 0.000000e+00 : f32
        %parallel_loop3A_461 = vector.broadcast %parallel_loop3A_460 : f32 to vector<16xf32>
        %parallel_loop3A_462 = arith.maximumf %parallel_loop3A_459, %parallel_loop3A_461 : vector<16xf32>
        %parallel_loop3A_463 = arith.mulf %parallel_loop3A_458, %parallel_loop3A_462 : vector<16xf32>
        %parallel_loop3A_464 = arith.mulf %parallel_loop3A_383, %parallel_loop3A_387 : vector<16xf32>
        %parallel_loop3A_465 = arith.addf %parallel_loop3A_464, %parallel_loop3A_440 : vector<16xf32>
        %parallel_loop3A_466 = arith.subf %parallel_loop3A_465, %parallel_loop3A_463 : vector<16xf32>
        %parallel_loop3A_467 = arith.constant 9.99999997E-7 : f32
        %parallel_loop3A_468 = vector.broadcast %parallel_loop3A_467 : f32 to vector<16xf32>
        %parallel_loop3A_469 = arith.addf %parallel_loop3A_466, %parallel_loop3A_468 : vector<16xf32>
        %parallel_loop3A_470 = arith.divf %parallel_loop3A_463, %parallel_loop3A_469 : vector<16xf32>
        %parallel_loop3A_471 = arith.constant 5.000000e-01 : f32
        %parallel_loop3A_472 = vector.broadcast %parallel_loop3A_471 : f32 to vector<16xf32>
        %parallel_loop3A_473 = arith.mulf %parallel_loop3A_403, %parallel_loop3A_472 : vector<16xf32>
        %parallel_loop3A_474 = arith.constant 5.000000e-01 : f32
        %parallel_loop3A_475 = vector.broadcast %parallel_loop3A_474 : f32 to vector<16xf32>
        %parallel_loop3A_476 = arith.mulf %parallel_loop3A_407, %parallel_loop3A_475 : vector<16xf32>
        %parallel_loop3A_477 = arith.subf %parallel_loop3A_395, %parallel_loop3A_473 : vector<16xf32>
        %parallel_loop3A_478 = arith.maximumf %parallel_loop3A_477, %parallel_loop3A_436 : vector<16xf32>
        %parallel_loop3A_479 = arith.addf %parallel_loop3A_395, %parallel_loop3A_473 : vector<16xf32>
        %parallel_loop3A_480 = arith.minimumf %parallel_loop3A_479, %parallel_loop3A_437 : vector<16xf32>
        %parallel_loop3A_481 = arith.subf %parallel_loop3A_399, %parallel_loop3A_476 : vector<16xf32>
        %parallel_loop3A_482 = arith.maximumf %parallel_loop3A_481, %parallel_loop3A_438 : vector<16xf32>
        %parallel_loop3A_483 = arith.addf %parallel_loop3A_399, %parallel_loop3A_476 : vector<16xf32>
        %parallel_loop3A_484 = arith.minimumf %parallel_loop3A_483, %parallel_loop3A_439 : vector<16xf32>
        %parallel_loop3A_485 = arith.subf %parallel_loop3A_480, %parallel_loop3A_478 : vector<16xf32>
        %parallel_loop3A_486 = arith.constant 0.000000e+00 : f32
        %parallel_loop3A_487 = vector.broadcast %parallel_loop3A_486 : f32 to vector<16xf32>
        %parallel_loop3A_488 = arith.maximumf %parallel_loop3A_485, %parallel_loop3A_487 : vector<16xf32>
        %parallel_loop3A_489 = arith.subf %parallel_loop3A_484, %parallel_loop3A_482 : vector<16xf32>
        %parallel_loop3A_490 = arith.constant 0.000000e+00 : f32
        %parallel_loop3A_491 = vector.broadcast %parallel_loop3A_490 : f32 to vector<16xf32>
        %parallel_loop3A_492 = arith.maximumf %parallel_loop3A_489, %parallel_loop3A_491 : vector<16xf32>
        %parallel_loop3A_493 = arith.mulf %parallel_loop3A_488, %parallel_loop3A_492 : vector<16xf32>
        %parallel_loop3A_494 = arith.mulf %parallel_loop3A_403, %parallel_loop3A_407 : vector<16xf32>
        %parallel_loop3A_495 = arith.addf %parallel_loop3A_494, %parallel_loop3A_440 : vector<16xf32>
        %parallel_loop3A_496 = arith.subf %parallel_loop3A_495, %parallel_loop3A_493 : vector<16xf32>
        %parallel_loop3A_497 = arith.constant 9.99999997E-7 : f32
        %parallel_loop3A_498 = vector.broadcast %parallel_loop3A_497 : f32 to vector<16xf32>
        %parallel_loop3A_499 = arith.addf %parallel_loop3A_496, %parallel_loop3A_498 : vector<16xf32>
        %parallel_loop3A_500 = arith.divf %parallel_loop3A_493, %parallel_loop3A_499 : vector<16xf32>
        %parallel_loop3A_501 = arith.cmpf ogt, %parallel_loop3A_500, %parallel_loop3A_470 : vector<16xf32>
        %parallel_loop3A_502 = arith.maximumf %parallel_loop3A_470, %parallel_loop3A_500 : vector<16xf32>
        %parallel_loop3A_503 = arith.select %parallel_loop3A_501, %parallel_loop3A_395, %parallel_loop3A_375 : vector<16xi1>, vector<16xf32>
        %parallel_loop3A_504 = arith.select %parallel_loop3A_501, %parallel_loop3A_399, %parallel_loop3A_379 : vector<16xi1>, vector<16xf32>
        %parallel_loop3A_505 = arith.select %parallel_loop3A_501, %parallel_loop3A_403, %parallel_loop3A_383 : vector<16xi1>, vector<16xf32>
        %parallel_loop3A_506 = arith.select %parallel_loop3A_501, %parallel_loop3A_407, %parallel_loop3A_387 : vector<16xi1>, vector<16xf32>
        %parallel_loop3A_507 = arith.select %parallel_loop3A_501, %parallel_loop3A_411, %parallel_loop3A_391 : vector<16xi1>, vector<16xf32>
        %parallel_loop3A_508 = arith.constant 0.000000e+00 : f32
        %parallel_loop3A_509 = vector.broadcast %parallel_loop3A_508 : f32 to vector<16xf32>
        %parallel_loop3A_510 = arith.subf %parallel_loop3A_503, %parallel_loop3A_426 : vector<16xf32>
        %parallel_loop3A_511 = arith.subf %parallel_loop3A_504, %parallel_loop3A_427 : vector<16xf32>
        %parallel_loop3A_512 = arith.mulf %parallel_loop3A_510, %parallel_loop3A_510 : vector<16xf32>
        %parallel_loop3A_513 = arith.mulf %parallel_loop3A_511, %parallel_loop3A_511 : vector<16xf32>
        %parallel_loop3A_514 = arith.addf %parallel_loop3A_512, %parallel_loop3A_513 : vector<16xf32>
        %parallel_loop3A_515 = arith.constant 9.99999997E-7 : f32
        %parallel_loop3A_516 = vector.broadcast %parallel_loop3A_515 : f32 to vector<16xf32>
        %parallel_loop3A_517 = arith.maximumf %parallel_loop3A_505, %parallel_loop3A_516 : vector<16xf32>
        %parallel_loop3A_518 = arith.constant 9.99999997E-7 : f32
        %parallel_loop3A_519 = vector.broadcast %parallel_loop3A_518 : f32 to vector<16xf32>
        %parallel_loop3A_520 = arith.maximumf %parallel_loop3A_506, %parallel_loop3A_519 : vector<16xf32>
        %parallel_loop3A_521 = arith.constant 9.99999997E-7 : f32
        %parallel_loop3A_522 = vector.broadcast %parallel_loop3A_521 : f32 to vector<16xf32>
        %parallel_loop3A_523 = arith.maximumf %parallel_loop3A_428, %parallel_loop3A_522 : vector<16xf32>
        %parallel_loop3A_524 = arith.constant 9.99999997E-7 : f32
        %parallel_loop3A_525 = vector.broadcast %parallel_loop3A_524 : f32 to vector<16xf32>
        %parallel_loop3A_526 = arith.maximumf %parallel_loop3A_429, %parallel_loop3A_525 : vector<16xf32>
        %parallel_loop3A_527 = arith.addf %parallel_loop3A_517, %parallel_loop3A_523 : vector<16xf32>
        %parallel_loop3A_528 = arith.addf %parallel_loop3A_527, %parallel_loop3A_520 : vector<16xf32>
        %parallel_loop3A_529 = arith.addf %parallel_loop3A_528, %parallel_loop3A_526 : vector<16xf32>
        %parallel_loop3A_530 = arith.mulf %parallel_loop3A_517, %parallel_loop3A_523 : vector<16xf32>
        %parallel_loop3A_531 = tpu.bitcast %parallel_loop3A_530 : vector<16xf32> -> vector<16xi32>
        %parallel_loop3A_532 = arith.constant 1 : i32
        %parallel_loop3A_533 = vector.broadcast %parallel_loop3A_532 : i32 to vector<16xi32>
        %parallel_loop3A_534 = arith.shrsi %parallel_loop3A_531, %parallel_loop3A_533 : vector<16xi32>
        %parallel_loop3A_535 = arith.constant 1597463007 : i32
        %parallel_loop3A_536 = vector.broadcast %parallel_loop3A_535 : i32 to vector<16xi32>
        %parallel_loop3A_537 = arith.subi %parallel_loop3A_536, %parallel_loop3A_534 : vector<16xi32>
        %parallel_loop3A_538 = tpu.bitcast %parallel_loop3A_537 : vector<16xi32> -> vector<16xf32>
        %parallel_loop3A_539 = arith.constant 5.000000e-01 : f32
        %parallel_loop3A_540 = vector.broadcast %parallel_loop3A_539 : f32 to vector<16xf32>
        %parallel_loop3A_541 = arith.mulf %parallel_loop3A_540, %parallel_loop3A_530 : vector<16xf32>
        %parallel_loop3A_542 = arith.mulf %parallel_loop3A_541, %parallel_loop3A_538 : vector<16xf32>
        %parallel_loop3A_543 = arith.mulf %parallel_loop3A_542, %parallel_loop3A_538 : vector<16xf32>
        %parallel_loop3A_544 = arith.constant 1.500000e+00 : f32
        %parallel_loop3A_545 = vector.broadcast %parallel_loop3A_544 : f32 to vector<16xf32>
        %parallel_loop3A_546 = arith.subf %parallel_loop3A_545, %parallel_loop3A_543 : vector<16xf32>
        %parallel_loop3A_547 = arith.mulf %parallel_loop3A_538, %parallel_loop3A_546 : vector<16xf32>
        %parallel_loop3A_548 = arith.constant 5.000000e-01 : f32
        %parallel_loop3A_549 = vector.broadcast %parallel_loop3A_548 : f32 to vector<16xf32>
        %parallel_loop3A_550 = arith.mulf %parallel_loop3A_549, %parallel_loop3A_530 : vector<16xf32>
        %parallel_loop3A_551 = arith.mulf %parallel_loop3A_550, %parallel_loop3A_547 : vector<16xf32>
        %parallel_loop3A_552 = arith.mulf %parallel_loop3A_551, %parallel_loop3A_547 : vector<16xf32>
        %parallel_loop3A_553 = arith.constant 1.500000e+00 : f32
        %parallel_loop3A_554 = vector.broadcast %parallel_loop3A_553 : f32 to vector<16xf32>
        %parallel_loop3A_555 = arith.subf %parallel_loop3A_554, %parallel_loop3A_552 : vector<16xf32>
        %parallel_loop3A_556 = arith.mulf %parallel_loop3A_547, %parallel_loop3A_555 : vector<16xf32>
        %parallel_loop3A_557 = arith.constant 5.000000e-01 : f32
        %parallel_loop3A_558 = vector.broadcast %parallel_loop3A_557 : f32 to vector<16xf32>
        %parallel_loop3A_559 = arith.mulf %parallel_loop3A_558, %parallel_loop3A_530 : vector<16xf32>
        %parallel_loop3A_560 = arith.mulf %parallel_loop3A_559, %parallel_loop3A_556 : vector<16xf32>
        %parallel_loop3A_561 = arith.mulf %parallel_loop3A_560, %parallel_loop3A_556 : vector<16xf32>
        %parallel_loop3A_562 = arith.constant 1.500000e+00 : f32
        %parallel_loop3A_563 = vector.broadcast %parallel_loop3A_562 : f32 to vector<16xf32>
        %parallel_loop3A_564 = arith.subf %parallel_loop3A_563, %parallel_loop3A_561 : vector<16xf32>
        %parallel_loop3A_565 = arith.mulf %parallel_loop3A_556, %parallel_loop3A_564 : vector<16xf32>
        %parallel_loop3A_566 = arith.mulf %parallel_loop3A_530, %parallel_loop3A_565 : vector<16xf32>
        %parallel_loop3A_567 = arith.mulf %parallel_loop3A_520, %parallel_loop3A_526 : vector<16xf32>
        %parallel_loop3A_568 = tpu.bitcast %parallel_loop3A_567 : vector<16xf32> -> vector<16xi32>
        %parallel_loop3A_569 = arith.constant 1 : i32
        %parallel_loop3A_570 = vector.broadcast %parallel_loop3A_569 : i32 to vector<16xi32>
        %parallel_loop3A_571 = arith.shrsi %parallel_loop3A_568, %parallel_loop3A_570 : vector<16xi32>
        %parallel_loop3A_572 = arith.constant 1597463007 : i32
        %parallel_loop3A_573 = vector.broadcast %parallel_loop3A_572 : i32 to vector<16xi32>
        %parallel_loop3A_574 = arith.subi %parallel_loop3A_573, %parallel_loop3A_571 : vector<16xi32>
        %parallel_loop3A_575 = tpu.bitcast %parallel_loop3A_574 : vector<16xi32> -> vector<16xf32>
        %parallel_loop3A_576 = arith.constant 5.000000e-01 : f32
        %parallel_loop3A_577 = vector.broadcast %parallel_loop3A_576 : f32 to vector<16xf32>
        %parallel_loop3A_578 = arith.mulf %parallel_loop3A_577, %parallel_loop3A_567 : vector<16xf32>
        %parallel_loop3A_579 = arith.mulf %parallel_loop3A_578, %parallel_loop3A_575 : vector<16xf32>
        %parallel_loop3A_580 = arith.mulf %parallel_loop3A_579, %parallel_loop3A_575 : vector<16xf32>
        %parallel_loop3A_581 = arith.constant 1.500000e+00 : f32
        %parallel_loop3A_582 = vector.broadcast %parallel_loop3A_581 : f32 to vector<16xf32>
        %parallel_loop3A_583 = arith.subf %parallel_loop3A_582, %parallel_loop3A_580 : vector<16xf32>
        %parallel_loop3A_584 = arith.mulf %parallel_loop3A_575, %parallel_loop3A_583 : vector<16xf32>
        %parallel_loop3A_585 = arith.constant 5.000000e-01 : f32
        %parallel_loop3A_586 = vector.broadcast %parallel_loop3A_585 : f32 to vector<16xf32>
        %parallel_loop3A_587 = arith.mulf %parallel_loop3A_586, %parallel_loop3A_567 : vector<16xf32>
        %parallel_loop3A_588 = arith.mulf %parallel_loop3A_587, %parallel_loop3A_584 : vector<16xf32>
        %parallel_loop3A_589 = arith.mulf %parallel_loop3A_588, %parallel_loop3A_584 : vector<16xf32>
        %parallel_loop3A_590 = arith.constant 1.500000e+00 : f32
        %parallel_loop3A_591 = vector.broadcast %parallel_loop3A_590 : f32 to vector<16xf32>
        %parallel_loop3A_592 = arith.subf %parallel_loop3A_591, %parallel_loop3A_589 : vector<16xf32>
        %parallel_loop3A_593 = arith.mulf %parallel_loop3A_584, %parallel_loop3A_592 : vector<16xf32>
        %parallel_loop3A_594 = arith.constant 5.000000e-01 : f32
        %parallel_loop3A_595 = vector.broadcast %parallel_loop3A_594 : f32 to vector<16xf32>
        %parallel_loop3A_596 = arith.mulf %parallel_loop3A_595, %parallel_loop3A_567 : vector<16xf32>
        %parallel_loop3A_597 = arith.mulf %parallel_loop3A_596, %parallel_loop3A_593 : vector<16xf32>
        %parallel_loop3A_598 = arith.mulf %parallel_loop3A_597, %parallel_loop3A_593 : vector<16xf32>
        %parallel_loop3A_599 = arith.constant 1.500000e+00 : f32
        %parallel_loop3A_600 = vector.broadcast %parallel_loop3A_599 : f32 to vector<16xf32>
        %parallel_loop3A_601 = arith.subf %parallel_loop3A_600, %parallel_loop3A_598 : vector<16xf32>
        %parallel_loop3A_602 = arith.mulf %parallel_loop3A_593, %parallel_loop3A_601 : vector<16xf32>
        %parallel_loop3A_603 = arith.mulf %parallel_loop3A_567, %parallel_loop3A_602 : vector<16xf32>
        %parallel_loop3A_604 = arith.addf %parallel_loop3A_566, %parallel_loop3A_603 : vector<16xf32>
        %parallel_loop3A_605 = arith.constant 2.000000e+00 : f32
        %parallel_loop3A_606 = vector.broadcast %parallel_loop3A_605 : f32 to vector<16xf32>
        %parallel_loop3A_607 = arith.mulf %parallel_loop3A_606, %parallel_loop3A_604 : vector<16xf32>
        %parallel_loop3A_608 = arith.subf %parallel_loop3A_529, %parallel_loop3A_607 : vector<16xf32>
        %parallel_loop3A_609 = arith.addf %parallel_loop3A_514, %parallel_loop3A_608 : vector<16xf32>
        %parallel_loop3A_610 = arith.select %parallel_loop3A_422, %parallel_loop3A_609, %parallel_loop3A_509 : vector<16xi1>, vector<16xf32>
        %parallel_loop3A_611 = arith.addf %parallel_loop3A_105, %parallel_loop3A_610 : vector<16xf32>
        %parallel_loop3A_612 = arith.subf %parallel_loop3A_507, %parallel_loop3A_502 : vector<16xf32>
        %parallel_loop3A_613 = arith.mulf %parallel_loop3A_612, %parallel_loop3A_612 : vector<16xf32>
        %parallel_loop3A_614 = arith.select %parallel_loop3A_422, %parallel_loop3A_613, %parallel_loop3A_509 : vector<16xi1>, vector<16xf32>
        %parallel_loop3A_615 = arith.addf %parallel_loop3A_106, %parallel_loop3A_614 : vector<16xf32>
        %parallel_loop3A_616 = arith.mulf %parallel_loop3A_391, %parallel_loop3A_391 : vector<16xf32>
        %parallel_loop3A_617 = arith.mulf %parallel_loop3A_411, %parallel_loop3A_411 : vector<16xf32>
        %parallel_loop3A_618 = arith.addf %parallel_loop3A_616, %parallel_loop3A_617 : vector<16xf32>
        %parallel_loop3A_619 = arith.mulf %parallel_loop3A_507, %parallel_loop3A_507 : vector<16xf32>
        %parallel_loop3A_620 = arith.select %parallel_loop3A_422, %parallel_loop3A_619, %parallel_loop3A_509 : vector<16xi1>, vector<16xf32>
        %parallel_loop3A_621 = arith.subf %parallel_loop3A_618, %parallel_loop3A_620 : vector<16xf32>
        %parallel_loop3A_622 = arith.addf %parallel_loop3A_107, %parallel_loop3A_621 : vector<16xf32>
        %parallel_loop3A_623 = arith.select %parallel_loop3A_422, %parallel_loop3A_331, %parallel_loop3A_509 : vector<16xi1>, vector<16xf32>
        %parallel_loop3A_624 = arith.addf %parallel_loop3A_108, %parallel_loop3A_623 : vector<16xf32>
        scf.yield %parallel_loop3A_611, %parallel_loop3A_615, %parallel_loop3A_622, %parallel_loop3A_624 : vector<16xf32>, vector<16xf32>, vector<16xf32>, vector<16xf32>
      } {sc.loop_unroll_factor = 7 : i64, sc.parallel_access}
      %add3A_81 = arith.constant 1 : i32
      %add3A_82 = arith.addi %mul3A_46, %add3A_81 : i32
      %mul3A_83 = arith.constant 16 : i32
      %mul3A_84 = arith.muli %add3A, %mul3A_83 : i32
      %add3A_85 = arith.addi %mul3A_84, %add3A_82 : i32
      %dma_wait3A_86 = arith.constant 0 : i32
      %dma_wait3A_87 = tpu.memref_slice %arg2[%add3A_85, %dma_wait3A_86] : memref<512x23520xf32, #tpu.memory_space<hbm>> -> memref<1x23520xf32, #tpu.memory_space<hbm>>
      %dma_wait3A_88 = tpu.memref_squeeze %dma_wait3A_87 : memref<1x23520xf32, #tpu.memory_space<hbm>> -> memref<23520xf32, #tpu.memory_space<hbm>>
      %dma_wait3A_89 = arith.constant 0 : i32
      %dma_wait3A_90 = tpu.memref_slice %arg2[%add3A_85, %dma_wait3A_89] : memref<512x23520xf32, #tpu.memory_space<hbm>> -> memref<1x23520xf32, #tpu.memory_space<hbm>>
      %dma_wait3A_91 = tpu.memref_squeeze %dma_wait3A_90 : memref<1x23520xf32, #tpu.memory_space<hbm>> -> memref<23520xf32, #tpu.memory_space<hbm>>
      tpu.wait_dma2 semaphore(%arg12 : memref<!tpu.dma_semaphore, #tpu.memory_space<semaphore_mem>>) src(%dma_wait3A_91 : memref<23520xf32, #tpu.memory_space<hbm>>) dst(%arg7 : memref<23520xf32, #tpu.memory_space<vmem>>)
      %dma_wait3A_92 = arith.constant 0 : i32
      %dma_wait3A_93 = tpu.memref_slice %arg3[%add3A_85, %dma_wait3A_92] : memref<512x23520xf32, #tpu.memory_space<hbm>> -> memref<1x23520xf32, #tpu.memory_space<hbm>>
      %dma_wait3A_94 = tpu.memref_squeeze %dma_wait3A_93 : memref<1x23520xf32, #tpu.memory_space<hbm>> -> memref<23520xf32, #tpu.memory_space<hbm>>
      %dma_wait3A_95 = arith.constant 0 : i32
      %dma_wait3A_96 = tpu.memref_slice %arg3[%add3A_85, %dma_wait3A_95] : memref<512x23520xf32, #tpu.memory_space<hbm>> -> memref<1x23520xf32, #tpu.memory_space<hbm>>
      %dma_wait3A_97 = tpu.memref_squeeze %dma_wait3A_96 : memref<1x23520xf32, #tpu.memory_space<hbm>> -> memref<23520xf32, #tpu.memory_space<hbm>>
      tpu.wait_dma2 semaphore(%arg13 : memref<!tpu.dma_semaphore, #tpu.memory_space<semaphore_mem>>) src(%dma_wait3A_97 : memref<23520xf32, #tpu.memory_space<hbm>>) dst(%arg8 : memref<23520xf32, #tpu.memory_space<vmem>>)
      %lt3A = arith.constant 7 : i32
      %lt3A_98 = arith.cmpi slt, %scan3A_40, %lt3A : i32
      %convert_element_type3A = arith.extui %lt3A_98 : i1 to i32
      %cond3A = arith.constant 0 : i32
      %cond3A_99 = arith.cmpi ne, %convert_element_type3A, %cond3A : i32
      scf.if %cond3A_99 {
        %add3A_104 = arith.constant 2 : i32
        %add3A_105 = arith.addi %mul3A_46, %add3A_104 : i32
        %mul3A_106 = arith.constant 16 : i32
        %mul3A_107 = arith.muli %add3A, %mul3A_106 : i32
        %add3A_108 = arith.addi %mul3A_107, %add3A_105 : i32
        %dma_start3A_109 = arith.constant 0 : i32
        %dma_start3A_110 = tpu.memref_slice %arg2[%add3A_108, %dma_start3A_109] : memref<512x23520xf32, #tpu.memory_space<hbm>> -> memref<1x23520xf32, #tpu.memory_space<hbm>>
        %dma_start3A_111 = tpu.memref_squeeze %dma_start3A_110 : memref<1x23520xf32, #tpu.memory_space<hbm>> -> memref<23520xf32, #tpu.memory_space<hbm>>
        %dma_start3A_112 = arith.constant 0 : i32
        %dma_start3A_113 = tpu.memref_slice %arg2[%add3A_108, %dma_start3A_112] : memref<512x23520xf32, #tpu.memory_space<hbm>> -> memref<1x23520xf32, #tpu.memory_space<hbm>>
        %dma_start3A_114 = tpu.memref_squeeze %dma_start3A_113 : memref<1x23520xf32, #tpu.memory_space<hbm>> -> memref<23520xf32, #tpu.memory_space<hbm>>
        tpu.enqueue_dma source(%dma_start3A_114 : memref<23520xf32, #tpu.memory_space<hbm>>) target(%arg5 : memref<23520xf32, #tpu.memory_space<vmem>>) target_semaphore(%arg10 : memref<!tpu.dma_semaphore, #tpu.memory_space<semaphore_mem>>)
        %dma_start3A_115 = arith.constant 0 : i32
        %dma_start3A_116 = tpu.memref_slice %arg3[%add3A_108, %dma_start3A_115] : memref<512x23520xf32, #tpu.memory_space<hbm>> -> memref<1x23520xf32, #tpu.memory_space<hbm>>
        %dma_start3A_117 = tpu.memref_squeeze %dma_start3A_116 : memref<1x23520xf32, #tpu.memory_space<hbm>> -> memref<23520xf32, #tpu.memory_space<hbm>>
        %dma_start3A_118 = arith.constant 0 : i32
        %dma_start3A_119 = tpu.memref_slice %arg3[%add3A_108, %dma_start3A_118] : memref<512x23520xf32, #tpu.memory_space<hbm>> -> memref<1x23520xf32, #tpu.memory_space<hbm>>
        %dma_start3A_120 = tpu.memref_squeeze %dma_start3A_119 : memref<1x23520xf32, #tpu.memory_space<hbm>> -> memref<23520xf32, #tpu.memory_space<hbm>>
        tpu.enqueue_dma source(%dma_start3A_120 : memref<23520xf32, #tpu.memory_space<hbm>>) target(%arg6 : memref<23520xf32, #tpu.memory_space<vmem>>) target_semaphore(%arg11 : memref<!tpu.dma_semaphore, #tpu.memory_space<semaphore_mem>>)
      } else {
      }
      %parallel_loop3A_100 = arith.constant 0 : i32
      %parallel_loop3A_101 = arith.constant 49 : i32
      %parallel_loop3A_102 = arith.constant 1 : i32
      %parallel_loop3A_103:4 = scf.for %parallel_loop3A_104 = %parallel_loop3A_100 to %parallel_loop3A_101 step %parallel_loop3A_102 iter_args(%parallel_loop3A_105 = %parallel_loop3A_80#0, %parallel_loop3A_106 = %parallel_loop3A_80#1, %parallel_loop3A_107 = %parallel_loop3A_80#2, %parallel_loop3A_108 = %parallel_loop3A_80#3) -> (vector<16xf32>, vector<16xf32>, vector<16xf32>, vector<16xf32>)  : i32 {
        %parallel_loop3A_109 = arith.constant 480 : i32
        %parallel_loop3A_110 = arith.muli %parallel_loop3A_104, %parallel_loop3A_109 : i32
        %parallel_loop3A_111 = vector.broadcast %parallel_loop3A_110 : i32 to vector<16xi32>
        %parallel_loop3A_112 = arith.addi %mul3A_3, %parallel_loop3A_111 : vector<16xi32>
        %parallel_loop3A_113 = arith.constant 10 : i32
        %parallel_loop3A_114 = vector.broadcast %parallel_loop3A_113 : i32 to vector<16xi32>
        %parallel_loop3A_115 = arith.addi %parallel_loop3A_112, %parallel_loop3A_114 : vector<16xi32>
        %parallel_loop3A_116 = tpu.vector_load_idx %arg8[%parallel_loop3A_115] : memref<23520xf32, #tpu.memory_space<vmem>>[vector<16xi32>], vector<16xf32>,
        %parallel_loop3A_117 = arith.constant 10 : i32
        %parallel_loop3A_118 = vector.broadcast %parallel_loop3A_117 : i32 to vector<16xi32>
        %parallel_loop3A_119 = arith.addi %parallel_loop3A_112, %parallel_loop3A_118 : vector<16xi32>
        %parallel_loop3A_120 = tpu.vector_load_idx %arg7[%parallel_loop3A_119] : memref<23520xf32, #tpu.memory_space<vmem>>[vector<16xi32>], vector<16xf32>,
        %parallel_loop3A_121 = arith.subf %parallel_loop3A_120, %parallel_loop3A_116 : vector<16xf32>
        %parallel_loop3A_122 = arith.mulf %parallel_loop3A_121, %parallel_loop3A_121 : vector<16xf32>
        %parallel_loop3A_123 = arith.constant 11 : i32
        %parallel_loop3A_124 = vector.broadcast %parallel_loop3A_123 : i32 to vector<16xi32>
        %parallel_loop3A_125 = arith.addi %parallel_loop3A_112, %parallel_loop3A_124 : vector<16xi32>
        %parallel_loop3A_126 = tpu.vector_load_idx %arg8[%parallel_loop3A_125] : memref<23520xf32, #tpu.memory_space<vmem>>[vector<16xi32>], vector<16xf32>,
        %parallel_loop3A_127 = arith.constant 11 : i32
        %parallel_loop3A_128 = vector.broadcast %parallel_loop3A_127 : i32 to vector<16xi32>
        %parallel_loop3A_129 = arith.addi %parallel_loop3A_112, %parallel_loop3A_128 : vector<16xi32>
        %parallel_loop3A_130 = tpu.vector_load_idx %arg7[%parallel_loop3A_129] : memref<23520xf32, #tpu.memory_space<vmem>>[vector<16xi32>], vector<16xf32>,
        %parallel_loop3A_131 = arith.subf %parallel_loop3A_130, %parallel_loop3A_126 : vector<16xf32>
        %parallel_loop3A_132 = arith.mulf %parallel_loop3A_131, %parallel_loop3A_131 : vector<16xf32>
        %parallel_loop3A_133 = arith.addf %parallel_loop3A_122, %parallel_loop3A_132 : vector<16xf32>
        %parallel_loop3A_134 = arith.constant 12 : i32
        %parallel_loop3A_135 = vector.broadcast %parallel_loop3A_134 : i32 to vector<16xi32>
        %parallel_loop3A_136 = arith.addi %parallel_loop3A_112, %parallel_loop3A_135 : vector<16xi32>
        %parallel_loop3A_137 = tpu.vector_load_idx %arg8[%parallel_loop3A_136] : memref<23520xf32, #tpu.memory_space<vmem>>[vector<16xi32>], vector<16xf32>,
        %parallel_loop3A_138 = arith.constant 12 : i32
        %parallel_loop3A_139 = vector.broadcast %parallel_loop3A_138 : i32 to vector<16xi32>
        %parallel_loop3A_140 = arith.addi %parallel_loop3A_112, %parallel_loop3A_139 : vector<16xi32>
        %parallel_loop3A_141 = tpu.vector_load_idx %arg7[%parallel_loop3A_140] : memref<23520xf32, #tpu.memory_space<vmem>>[vector<16xi32>], vector<16xf32>,
        %parallel_loop3A_142 = arith.subf %parallel_loop3A_141, %parallel_loop3A_137 : vector<16xf32>
        %parallel_loop3A_143 = arith.mulf %parallel_loop3A_142, %parallel_loop3A_142 : vector<16xf32>
        %parallel_loop3A_144 = arith.addf %parallel_loop3A_133, %parallel_loop3A_143 : vector<16xf32>
        %parallel_loop3A_145 = arith.constant 13 : i32
        %parallel_loop3A_146 = vector.broadcast %parallel_loop3A_145 : i32 to vector<16xi32>
        %parallel_loop3A_147 = arith.addi %parallel_loop3A_112, %parallel_loop3A_146 : vector<16xi32>
        %parallel_loop3A_148 = tpu.vector_load_idx %arg8[%parallel_loop3A_147] : memref<23520xf32, #tpu.memory_space<vmem>>[vector<16xi32>], vector<16xf32>,
        %parallel_loop3A_149 = arith.constant 13 : i32
        %parallel_loop3A_150 = vector.broadcast %parallel_loop3A_149 : i32 to vector<16xi32>
        %parallel_loop3A_151 = arith.addi %parallel_loop3A_112, %parallel_loop3A_150 : vector<16xi32>
        %parallel_loop3A_152 = tpu.vector_load_idx %arg7[%parallel_loop3A_151] : memref<23520xf32, #tpu.memory_space<vmem>>[vector<16xi32>], vector<16xf32>,
        %parallel_loop3A_153 = arith.subf %parallel_loop3A_152, %parallel_loop3A_148 : vector<16xf32>
        %parallel_loop3A_154 = arith.mulf %parallel_loop3A_153, %parallel_loop3A_153 : vector<16xf32>
        %parallel_loop3A_155 = arith.addf %parallel_loop3A_144, %parallel_loop3A_154 : vector<16xf32>
        %parallel_loop3A_156 = arith.constant 14 : i32
        %parallel_loop3A_157 = vector.broadcast %parallel_loop3A_156 : i32 to vector<16xi32>
        %parallel_loop3A_158 = arith.addi %parallel_loop3A_112, %parallel_loop3A_157 : vector<16xi32>
        %parallel_loop3A_159 = tpu.vector_load_idx %arg8[%parallel_loop3A_158] : memref<23520xf32, #tpu.memory_space<vmem>>[vector<16xi32>], vector<16xf32>,
        %parallel_loop3A_160 = arith.constant 14 : i32
        %parallel_loop3A_161 = vector.broadcast %parallel_loop3A_160 : i32 to vector<16xi32>
        %parallel_loop3A_162 = arith.addi %parallel_loop3A_112, %parallel_loop3A_161 : vector<16xi32>
        %parallel_loop3A_163 = tpu.vector_load_idx %arg7[%parallel_loop3A_162] : memref<23520xf32, #tpu.memory_space<vmem>>[vector<16xi32>], vector<16xf32>,
        %parallel_loop3A_164 = arith.subf %parallel_loop3A_163, %parallel_loop3A_159 : vector<16xf32>
        %parallel_loop3A_165 = arith.mulf %parallel_loop3A_164, %parallel_loop3A_164 : vector<16xf32>
        %parallel_loop3A_166 = arith.addf %parallel_loop3A_155, %parallel_loop3A_165 : vector<16xf32>
        %parallel_loop3A_167 = arith.constant 15 : i32
        %parallel_loop3A_168 = vector.broadcast %parallel_loop3A_167 : i32 to vector<16xi32>
        %parallel_loop3A_169 = arith.addi %parallel_loop3A_112, %parallel_loop3A_168 : vector<16xi32>
        %parallel_loop3A_170 = tpu.vector_load_idx %arg8[%parallel_loop3A_169] : memref<23520xf32, #tpu.memory_space<vmem>>[vector<16xi32>], vector<16xf32>,
        %parallel_loop3A_171 = arith.constant 15 : i32
        %parallel_loop3A_172 = vector.broadcast %parallel_loop3A_171 : i32 to vector<16xi32>
        %parallel_loop3A_173 = arith.addi %parallel_loop3A_112, %parallel_loop3A_172 : vector<16xi32>
        %parallel_loop3A_174 = tpu.vector_load_idx %arg7[%parallel_loop3A_173] : memref<23520xf32, #tpu.memory_space<vmem>>[vector<16xi32>], vector<16xf32>,
        %parallel_loop3A_175 = arith.subf %parallel_loop3A_174, %parallel_loop3A_170 : vector<16xf32>
        %parallel_loop3A_176 = arith.mulf %parallel_loop3A_175, %parallel_loop3A_175 : vector<16xf32>
        %parallel_loop3A_177 = arith.addf %parallel_loop3A_166, %parallel_loop3A_176 : vector<16xf32>
        %parallel_loop3A_178 = arith.constant 16 : i32
        %parallel_loop3A_179 = vector.broadcast %parallel_loop3A_178 : i32 to vector<16xi32>
        %parallel_loop3A_180 = arith.addi %parallel_loop3A_112, %parallel_loop3A_179 : vector<16xi32>
        %parallel_loop3A_181 = tpu.vector_load_idx %arg8[%parallel_loop3A_180] : memref<23520xf32, #tpu.memory_space<vmem>>[vector<16xi32>], vector<16xf32>,
        %parallel_loop3A_182 = arith.constant 16 : i32
        %parallel_loop3A_183 = vector.broadcast %parallel_loop3A_182 : i32 to vector<16xi32>
        %parallel_loop3A_184 = arith.addi %parallel_loop3A_112, %parallel_loop3A_183 : vector<16xi32>
        %parallel_loop3A_185 = tpu.vector_load_idx %arg7[%parallel_loop3A_184] : memref<23520xf32, #tpu.memory_space<vmem>>[vector<16xi32>], vector<16xf32>,
        %parallel_loop3A_186 = arith.subf %parallel_loop3A_185, %parallel_loop3A_181 : vector<16xf32>
        %parallel_loop3A_187 = arith.mulf %parallel_loop3A_186, %parallel_loop3A_186 : vector<16xf32>
        %parallel_loop3A_188 = arith.addf %parallel_loop3A_177, %parallel_loop3A_187 : vector<16xf32>
        %parallel_loop3A_189 = arith.constant 17 : i32
        %parallel_loop3A_190 = vector.broadcast %parallel_loop3A_189 : i32 to vector<16xi32>
        %parallel_loop3A_191 = arith.addi %parallel_loop3A_112, %parallel_loop3A_190 : vector<16xi32>
        %parallel_loop3A_192 = tpu.vector_load_idx %arg8[%parallel_loop3A_191] : memref<23520xf32, #tpu.memory_space<vmem>>[vector<16xi32>], vector<16xf32>,
        %parallel_loop3A_193 = arith.constant 17 : i32
        %parallel_loop3A_194 = vector.broadcast %parallel_loop3A_193 : i32 to vector<16xi32>
        %parallel_loop3A_195 = arith.addi %parallel_loop3A_112, %parallel_loop3A_194 : vector<16xi32>
        %parallel_loop3A_196 = tpu.vector_load_idx %arg7[%parallel_loop3A_195] : memref<23520xf32, #tpu.memory_space<vmem>>[vector<16xi32>], vector<16xf32>,
        %parallel_loop3A_197 = arith.subf %parallel_loop3A_196, %parallel_loop3A_192 : vector<16xf32>
        %parallel_loop3A_198 = arith.mulf %parallel_loop3A_197, %parallel_loop3A_197 : vector<16xf32>
        %parallel_loop3A_199 = arith.addf %parallel_loop3A_188, %parallel_loop3A_198 : vector<16xf32>
        %parallel_loop3A_200 = arith.constant 18 : i32
        %parallel_loop3A_201 = vector.broadcast %parallel_loop3A_200 : i32 to vector<16xi32>
        %parallel_loop3A_202 = arith.addi %parallel_loop3A_112, %parallel_loop3A_201 : vector<16xi32>
        %parallel_loop3A_203 = tpu.vector_load_idx %arg8[%parallel_loop3A_202] : memref<23520xf32, #tpu.memory_space<vmem>>[vector<16xi32>], vector<16xf32>,
        %parallel_loop3A_204 = arith.constant 18 : i32
        %parallel_loop3A_205 = vector.broadcast %parallel_loop3A_204 : i32 to vector<16xi32>
        %parallel_loop3A_206 = arith.addi %parallel_loop3A_112, %parallel_loop3A_205 : vector<16xi32>
        %parallel_loop3A_207 = tpu.vector_load_idx %arg7[%parallel_loop3A_206] : memref<23520xf32, #tpu.memory_space<vmem>>[vector<16xi32>], vector<16xf32>,
        %parallel_loop3A_208 = arith.subf %parallel_loop3A_207, %parallel_loop3A_203 : vector<16xf32>
        %parallel_loop3A_209 = arith.mulf %parallel_loop3A_208, %parallel_loop3A_208 : vector<16xf32>
        %parallel_loop3A_210 = arith.addf %parallel_loop3A_199, %parallel_loop3A_209 : vector<16xf32>
        %parallel_loop3A_211 = arith.constant 19 : i32
        %parallel_loop3A_212 = vector.broadcast %parallel_loop3A_211 : i32 to vector<16xi32>
        %parallel_loop3A_213 = arith.addi %parallel_loop3A_112, %parallel_loop3A_212 : vector<16xi32>
        %parallel_loop3A_214 = tpu.vector_load_idx %arg8[%parallel_loop3A_213] : memref<23520xf32, #tpu.memory_space<vmem>>[vector<16xi32>], vector<16xf32>,
        %parallel_loop3A_215 = arith.constant 19 : i32
        %parallel_loop3A_216 = vector.broadcast %parallel_loop3A_215 : i32 to vector<16xi32>
        %parallel_loop3A_217 = arith.addi %parallel_loop3A_112, %parallel_loop3A_216 : vector<16xi32>
        %parallel_loop3A_218 = tpu.vector_load_idx %arg7[%parallel_loop3A_217] : memref<23520xf32, #tpu.memory_space<vmem>>[vector<16xi32>], vector<16xf32>,
        %parallel_loop3A_219 = arith.subf %parallel_loop3A_218, %parallel_loop3A_214 : vector<16xf32>
        %parallel_loop3A_220 = arith.mulf %parallel_loop3A_219, %parallel_loop3A_219 : vector<16xf32>
        %parallel_loop3A_221 = arith.addf %parallel_loop3A_210, %parallel_loop3A_220 : vector<16xf32>
        %parallel_loop3A_222 = arith.constant 20 : i32
        %parallel_loop3A_223 = vector.broadcast %parallel_loop3A_222 : i32 to vector<16xi32>
        %parallel_loop3A_224 = arith.addi %parallel_loop3A_112, %parallel_loop3A_223 : vector<16xi32>
        %parallel_loop3A_225 = tpu.vector_load_idx %arg8[%parallel_loop3A_224] : memref<23520xf32, #tpu.memory_space<vmem>>[vector<16xi32>], vector<16xf32>,
        %parallel_loop3A_226 = arith.constant 20 : i32
        %parallel_loop3A_227 = vector.broadcast %parallel_loop3A_226 : i32 to vector<16xi32>
        %parallel_loop3A_228 = arith.addi %parallel_loop3A_112, %parallel_loop3A_227 : vector<16xi32>
        %parallel_loop3A_229 = tpu.vector_load_idx %arg7[%parallel_loop3A_228] : memref<23520xf32, #tpu.memory_space<vmem>>[vector<16xi32>], vector<16xf32>,
        %parallel_loop3A_230 = arith.subf %parallel_loop3A_229, %parallel_loop3A_225 : vector<16xf32>
        %parallel_loop3A_231 = arith.mulf %parallel_loop3A_230, %parallel_loop3A_230 : vector<16xf32>
        %parallel_loop3A_232 = arith.addf %parallel_loop3A_221, %parallel_loop3A_231 : vector<16xf32>
        %parallel_loop3A_233 = arith.constant 21 : i32
        %parallel_loop3A_234 = vector.broadcast %parallel_loop3A_233 : i32 to vector<16xi32>
        %parallel_loop3A_235 = arith.addi %parallel_loop3A_112, %parallel_loop3A_234 : vector<16xi32>
        %parallel_loop3A_236 = tpu.vector_load_idx %arg8[%parallel_loop3A_235] : memref<23520xf32, #tpu.memory_space<vmem>>[vector<16xi32>], vector<16xf32>,
        %parallel_loop3A_237 = arith.constant 21 : i32
        %parallel_loop3A_238 = vector.broadcast %parallel_loop3A_237 : i32 to vector<16xi32>
        %parallel_loop3A_239 = arith.addi %parallel_loop3A_112, %parallel_loop3A_238 : vector<16xi32>
        %parallel_loop3A_240 = tpu.vector_load_idx %arg7[%parallel_loop3A_239] : memref<23520xf32, #tpu.memory_space<vmem>>[vector<16xi32>], vector<16xf32>,
        %parallel_loop3A_241 = arith.subf %parallel_loop3A_240, %parallel_loop3A_236 : vector<16xf32>
        %parallel_loop3A_242 = arith.mulf %parallel_loop3A_241, %parallel_loop3A_241 : vector<16xf32>
        %parallel_loop3A_243 = arith.addf %parallel_loop3A_232, %parallel_loop3A_242 : vector<16xf32>
        %parallel_loop3A_244 = arith.constant 22 : i32
        %parallel_loop3A_245 = vector.broadcast %parallel_loop3A_244 : i32 to vector<16xi32>
        %parallel_loop3A_246 = arith.addi %parallel_loop3A_112, %parallel_loop3A_245 : vector<16xi32>
        %parallel_loop3A_247 = tpu.vector_load_idx %arg8[%parallel_loop3A_246] : memref<23520xf32, #tpu.memory_space<vmem>>[vector<16xi32>], vector<16xf32>,
        %parallel_loop3A_248 = arith.constant 22 : i32
        %parallel_loop3A_249 = vector.broadcast %parallel_loop3A_248 : i32 to vector<16xi32>
        %parallel_loop3A_250 = arith.addi %parallel_loop3A_112, %parallel_loop3A_249 : vector<16xi32>
        %parallel_loop3A_251 = tpu.vector_load_idx %arg7[%parallel_loop3A_250] : memref<23520xf32, #tpu.memory_space<vmem>>[vector<16xi32>], vector<16xf32>,
        %parallel_loop3A_252 = arith.subf %parallel_loop3A_251, %parallel_loop3A_247 : vector<16xf32>
        %parallel_loop3A_253 = arith.mulf %parallel_loop3A_252, %parallel_loop3A_252 : vector<16xf32>
        %parallel_loop3A_254 = arith.addf %parallel_loop3A_243, %parallel_loop3A_253 : vector<16xf32>
        %parallel_loop3A_255 = arith.constant 23 : i32
        %parallel_loop3A_256 = vector.broadcast %parallel_loop3A_255 : i32 to vector<16xi32>
        %parallel_loop3A_257 = arith.addi %parallel_loop3A_112, %parallel_loop3A_256 : vector<16xi32>
        %parallel_loop3A_258 = tpu.vector_load_idx %arg8[%parallel_loop3A_257] : memref<23520xf32, #tpu.memory_space<vmem>>[vector<16xi32>], vector<16xf32>,
        %parallel_loop3A_259 = arith.constant 23 : i32
        %parallel_loop3A_260 = vector.broadcast %parallel_loop3A_259 : i32 to vector<16xi32>
        %parallel_loop3A_261 = arith.addi %parallel_loop3A_112, %parallel_loop3A_260 : vector<16xi32>
        %parallel_loop3A_262 = tpu.vector_load_idx %arg7[%parallel_loop3A_261] : memref<23520xf32, #tpu.memory_space<vmem>>[vector<16xi32>], vector<16xf32>,
        %parallel_loop3A_263 = arith.subf %parallel_loop3A_262, %parallel_loop3A_258 : vector<16xf32>
        %parallel_loop3A_264 = arith.mulf %parallel_loop3A_263, %parallel_loop3A_263 : vector<16xf32>
        %parallel_loop3A_265 = arith.addf %parallel_loop3A_254, %parallel_loop3A_264 : vector<16xf32>
        %parallel_loop3A_266 = arith.constant 24 : i32
        %parallel_loop3A_267 = vector.broadcast %parallel_loop3A_266 : i32 to vector<16xi32>
        %parallel_loop3A_268 = arith.addi %parallel_loop3A_112, %parallel_loop3A_267 : vector<16xi32>
        %parallel_loop3A_269 = tpu.vector_load_idx %arg8[%parallel_loop3A_268] : memref<23520xf32, #tpu.memory_space<vmem>>[vector<16xi32>], vector<16xf32>,
        %parallel_loop3A_270 = arith.constant 24 : i32
        %parallel_loop3A_271 = vector.broadcast %parallel_loop3A_270 : i32 to vector<16xi32>
        %parallel_loop3A_272 = arith.addi %parallel_loop3A_112, %parallel_loop3A_271 : vector<16xi32>
        %parallel_loop3A_273 = tpu.vector_load_idx %arg7[%parallel_loop3A_272] : memref<23520xf32, #tpu.memory_space<vmem>>[vector<16xi32>], vector<16xf32>,
        %parallel_loop3A_274 = arith.subf %parallel_loop3A_273, %parallel_loop3A_269 : vector<16xf32>
        %parallel_loop3A_275 = arith.mulf %parallel_loop3A_274, %parallel_loop3A_274 : vector<16xf32>
        %parallel_loop3A_276 = arith.addf %parallel_loop3A_265, %parallel_loop3A_275 : vector<16xf32>
        %parallel_loop3A_277 = arith.constant 25 : i32
        %parallel_loop3A_278 = vector.broadcast %parallel_loop3A_277 : i32 to vector<16xi32>
        %parallel_loop3A_279 = arith.addi %parallel_loop3A_112, %parallel_loop3A_278 : vector<16xi32>
        %parallel_loop3A_280 = tpu.vector_load_idx %arg8[%parallel_loop3A_279] : memref<23520xf32, #tpu.memory_space<vmem>>[vector<16xi32>], vector<16xf32>,
        %parallel_loop3A_281 = arith.constant 25 : i32
        %parallel_loop3A_282 = vector.broadcast %parallel_loop3A_281 : i32 to vector<16xi32>
        %parallel_loop3A_283 = arith.addi %parallel_loop3A_112, %parallel_loop3A_282 : vector<16xi32>
        %parallel_loop3A_284 = tpu.vector_load_idx %arg7[%parallel_loop3A_283] : memref<23520xf32, #tpu.memory_space<vmem>>[vector<16xi32>], vector<16xf32>,
        %parallel_loop3A_285 = arith.subf %parallel_loop3A_284, %parallel_loop3A_280 : vector<16xf32>
        %parallel_loop3A_286 = arith.mulf %parallel_loop3A_285, %parallel_loop3A_285 : vector<16xf32>
        %parallel_loop3A_287 = arith.addf %parallel_loop3A_276, %parallel_loop3A_286 : vector<16xf32>
        %parallel_loop3A_288 = arith.constant 26 : i32
        %parallel_loop3A_289 = vector.broadcast %parallel_loop3A_288 : i32 to vector<16xi32>
        %parallel_loop3A_290 = arith.addi %parallel_loop3A_112, %parallel_loop3A_289 : vector<16xi32>
        %parallel_loop3A_291 = tpu.vector_load_idx %arg8[%parallel_loop3A_290] : memref<23520xf32, #tpu.memory_space<vmem>>[vector<16xi32>], vector<16xf32>,
        %parallel_loop3A_292 = arith.constant 26 : i32
        %parallel_loop3A_293 = vector.broadcast %parallel_loop3A_292 : i32 to vector<16xi32>
        %parallel_loop3A_294 = arith.addi %parallel_loop3A_112, %parallel_loop3A_293 : vector<16xi32>
        %parallel_loop3A_295 = tpu.vector_load_idx %arg7[%parallel_loop3A_294] : memref<23520xf32, #tpu.memory_space<vmem>>[vector<16xi32>], vector<16xf32>,
        %parallel_loop3A_296 = arith.subf %parallel_loop3A_295, %parallel_loop3A_291 : vector<16xf32>
        %parallel_loop3A_297 = arith.mulf %parallel_loop3A_296, %parallel_loop3A_296 : vector<16xf32>
        %parallel_loop3A_298 = arith.addf %parallel_loop3A_287, %parallel_loop3A_297 : vector<16xf32>
        %parallel_loop3A_299 = arith.constant 27 : i32
        %parallel_loop3A_300 = vector.broadcast %parallel_loop3A_299 : i32 to vector<16xi32>
        %parallel_loop3A_301 = arith.addi %parallel_loop3A_112, %parallel_loop3A_300 : vector<16xi32>
        %parallel_loop3A_302 = tpu.vector_load_idx %arg8[%parallel_loop3A_301] : memref<23520xf32, #tpu.memory_space<vmem>>[vector<16xi32>], vector<16xf32>,
        %parallel_loop3A_303 = arith.constant 27 : i32
        %parallel_loop3A_304 = vector.broadcast %parallel_loop3A_303 : i32 to vector<16xi32>
        %parallel_loop3A_305 = arith.addi %parallel_loop3A_112, %parallel_loop3A_304 : vector<16xi32>
        %parallel_loop3A_306 = tpu.vector_load_idx %arg7[%parallel_loop3A_305] : memref<23520xf32, #tpu.memory_space<vmem>>[vector<16xi32>], vector<16xf32>,
        %parallel_loop3A_307 = arith.subf %parallel_loop3A_306, %parallel_loop3A_302 : vector<16xf32>
        %parallel_loop3A_308 = arith.mulf %parallel_loop3A_307, %parallel_loop3A_307 : vector<16xf32>
        %parallel_loop3A_309 = arith.addf %parallel_loop3A_298, %parallel_loop3A_308 : vector<16xf32>
        %parallel_loop3A_310 = arith.constant 28 : i32
        %parallel_loop3A_311 = vector.broadcast %parallel_loop3A_310 : i32 to vector<16xi32>
        %parallel_loop3A_312 = arith.addi %parallel_loop3A_112, %parallel_loop3A_311 : vector<16xi32>
        %parallel_loop3A_313 = tpu.vector_load_idx %arg8[%parallel_loop3A_312] : memref<23520xf32, #tpu.memory_space<vmem>>[vector<16xi32>], vector<16xf32>,
        %parallel_loop3A_314 = arith.constant 28 : i32
        %parallel_loop3A_315 = vector.broadcast %parallel_loop3A_314 : i32 to vector<16xi32>
        %parallel_loop3A_316 = arith.addi %parallel_loop3A_112, %parallel_loop3A_315 : vector<16xi32>
        %parallel_loop3A_317 = tpu.vector_load_idx %arg7[%parallel_loop3A_316] : memref<23520xf32, #tpu.memory_space<vmem>>[vector<16xi32>], vector<16xf32>,
        %parallel_loop3A_318 = arith.subf %parallel_loop3A_317, %parallel_loop3A_313 : vector<16xf32>
        %parallel_loop3A_319 = arith.mulf %parallel_loop3A_318, %parallel_loop3A_318 : vector<16xf32>
        %parallel_loop3A_320 = arith.addf %parallel_loop3A_309, %parallel_loop3A_319 : vector<16xf32>
        %parallel_loop3A_321 = arith.constant 29 : i32
        %parallel_loop3A_322 = vector.broadcast %parallel_loop3A_321 : i32 to vector<16xi32>
        %parallel_loop3A_323 = arith.addi %parallel_loop3A_112, %parallel_loop3A_322 : vector<16xi32>
        %parallel_loop3A_324 = tpu.vector_load_idx %arg8[%parallel_loop3A_323] : memref<23520xf32, #tpu.memory_space<vmem>>[vector<16xi32>], vector<16xf32>,
        %parallel_loop3A_325 = arith.constant 29 : i32
        %parallel_loop3A_326 = vector.broadcast %parallel_loop3A_325 : i32 to vector<16xi32>
        %parallel_loop3A_327 = arith.addi %parallel_loop3A_112, %parallel_loop3A_326 : vector<16xi32>
        %parallel_loop3A_328 = tpu.vector_load_idx %arg7[%parallel_loop3A_327] : memref<23520xf32, #tpu.memory_space<vmem>>[vector<16xi32>], vector<16xf32>,
        %parallel_loop3A_329 = arith.subf %parallel_loop3A_328, %parallel_loop3A_324 : vector<16xf32>
        %parallel_loop3A_330 = arith.mulf %parallel_loop3A_329, %parallel_loop3A_329 : vector<16xf32>
        %parallel_loop3A_331 = arith.addf %parallel_loop3A_320, %parallel_loop3A_330 : vector<16xf32>
        %parallel_loop3A_332 = arith.constant 0 : i32
        %parallel_loop3A_333 = vector.broadcast %parallel_loop3A_332 : i32 to vector<16xi32>
        %parallel_loop3A_334 = arith.addi %parallel_loop3A_112, %parallel_loop3A_333 : vector<16xi32>
        %parallel_loop3A_335 = tpu.vector_load_idx %arg8[%parallel_loop3A_334] : memref<23520xf32, #tpu.memory_space<vmem>>[vector<16xi32>], vector<16xf32>,
        %parallel_loop3A_336 = arith.constant 1 : i32
        %parallel_loop3A_337 = vector.broadcast %parallel_loop3A_336 : i32 to vector<16xi32>
        %parallel_loop3A_338 = arith.addi %parallel_loop3A_112, %parallel_loop3A_337 : vector<16xi32>
        %parallel_loop3A_339 = tpu.vector_load_idx %arg8[%parallel_loop3A_338] : memref<23520xf32, #tpu.memory_space<vmem>>[vector<16xi32>], vector<16xf32>,
        %parallel_loop3A_340 = arith.constant 2 : i32
        %parallel_loop3A_341 = vector.broadcast %parallel_loop3A_340 : i32 to vector<16xi32>
        %parallel_loop3A_342 = arith.addi %parallel_loop3A_112, %parallel_loop3A_341 : vector<16xi32>
        %parallel_loop3A_343 = tpu.vector_load_idx %arg8[%parallel_loop3A_342] : memref<23520xf32, #tpu.memory_space<vmem>>[vector<16xi32>], vector<16xf32>,
        %parallel_loop3A_344 = arith.constant 3 : i32
        %parallel_loop3A_345 = vector.broadcast %parallel_loop3A_344 : i32 to vector<16xi32>
        %parallel_loop3A_346 = arith.addi %parallel_loop3A_112, %parallel_loop3A_345 : vector<16xi32>
        %parallel_loop3A_347 = tpu.vector_load_idx %arg8[%parallel_loop3A_346] : memref<23520xf32, #tpu.memory_space<vmem>>[vector<16xi32>], vector<16xf32>,
        %parallel_loop3A_348 = arith.constant 4 : i32
        %parallel_loop3A_349 = vector.broadcast %parallel_loop3A_348 : i32 to vector<16xi32>
        %parallel_loop3A_350 = arith.addi %parallel_loop3A_112, %parallel_loop3A_349 : vector<16xi32>
        %parallel_loop3A_351 = tpu.vector_load_idx %arg8[%parallel_loop3A_350] : memref<23520xf32, #tpu.memory_space<vmem>>[vector<16xi32>], vector<16xf32>,
        %parallel_loop3A_352 = arith.constant 5 : i32
        %parallel_loop3A_353 = vector.broadcast %parallel_loop3A_352 : i32 to vector<16xi32>
        %parallel_loop3A_354 = arith.addi %parallel_loop3A_112, %parallel_loop3A_353 : vector<16xi32>
        %parallel_loop3A_355 = tpu.vector_load_idx %arg8[%parallel_loop3A_354] : memref<23520xf32, #tpu.memory_space<vmem>>[vector<16xi32>], vector<16xf32>,
        %parallel_loop3A_356 = arith.constant 6 : i32
        %parallel_loop3A_357 = vector.broadcast %parallel_loop3A_356 : i32 to vector<16xi32>
        %parallel_loop3A_358 = arith.addi %parallel_loop3A_112, %parallel_loop3A_357 : vector<16xi32>
        %parallel_loop3A_359 = tpu.vector_load_idx %arg8[%parallel_loop3A_358] : memref<23520xf32, #tpu.memory_space<vmem>>[vector<16xi32>], vector<16xf32>,
        %parallel_loop3A_360 = arith.constant 7 : i32
        %parallel_loop3A_361 = vector.broadcast %parallel_loop3A_360 : i32 to vector<16xi32>
        %parallel_loop3A_362 = arith.addi %parallel_loop3A_112, %parallel_loop3A_361 : vector<16xi32>
        %parallel_loop3A_363 = tpu.vector_load_idx %arg8[%parallel_loop3A_362] : memref<23520xf32, #tpu.memory_space<vmem>>[vector<16xi32>], vector<16xf32>,
        %parallel_loop3A_364 = arith.constant 8 : i32
        %parallel_loop3A_365 = vector.broadcast %parallel_loop3A_364 : i32 to vector<16xi32>
        %parallel_loop3A_366 = arith.addi %parallel_loop3A_112, %parallel_loop3A_365 : vector<16xi32>
        %parallel_loop3A_367 = tpu.vector_load_idx %arg8[%parallel_loop3A_366] : memref<23520xf32, #tpu.memory_space<vmem>>[vector<16xi32>], vector<16xf32>,
        %parallel_loop3A_368 = arith.constant 9 : i32
        %parallel_loop3A_369 = vector.broadcast %parallel_loop3A_368 : i32 to vector<16xi32>
        %parallel_loop3A_370 = arith.addi %parallel_loop3A_112, %parallel_loop3A_369 : vector<16xi32>
        %parallel_loop3A_371 = tpu.vector_load_idx %arg8[%parallel_loop3A_370] : memref<23520xf32, #tpu.memory_space<vmem>>[vector<16xi32>], vector<16xf32>,
        %parallel_loop3A_372 = arith.constant 0 : i32
        %parallel_loop3A_373 = vector.broadcast %parallel_loop3A_372 : i32 to vector<16xi32>
        %parallel_loop3A_374 = arith.addi %parallel_loop3A_112, %parallel_loop3A_373 : vector<16xi32>
        %parallel_loop3A_375 = tpu.vector_load_idx %arg7[%parallel_loop3A_374] : memref<23520xf32, #tpu.memory_space<vmem>>[vector<16xi32>], vector<16xf32>,
        %parallel_loop3A_376 = arith.constant 1 : i32
        %parallel_loop3A_377 = vector.broadcast %parallel_loop3A_376 : i32 to vector<16xi32>
        %parallel_loop3A_378 = arith.addi %parallel_loop3A_112, %parallel_loop3A_377 : vector<16xi32>
        %parallel_loop3A_379 = tpu.vector_load_idx %arg7[%parallel_loop3A_378] : memref<23520xf32, #tpu.memory_space<vmem>>[vector<16xi32>], vector<16xf32>,
        %parallel_loop3A_380 = arith.constant 2 : i32
        %parallel_loop3A_381 = vector.broadcast %parallel_loop3A_380 : i32 to vector<16xi32>
        %parallel_loop3A_382 = arith.addi %parallel_loop3A_112, %parallel_loop3A_381 : vector<16xi32>
        %parallel_loop3A_383 = tpu.vector_load_idx %arg7[%parallel_loop3A_382] : memref<23520xf32, #tpu.memory_space<vmem>>[vector<16xi32>], vector<16xf32>,
        %parallel_loop3A_384 = arith.constant 3 : i32
        %parallel_loop3A_385 = vector.broadcast %parallel_loop3A_384 : i32 to vector<16xi32>
        %parallel_loop3A_386 = arith.addi %parallel_loop3A_112, %parallel_loop3A_385 : vector<16xi32>
        %parallel_loop3A_387 = tpu.vector_load_idx %arg7[%parallel_loop3A_386] : memref<23520xf32, #tpu.memory_space<vmem>>[vector<16xi32>], vector<16xf32>,
        %parallel_loop3A_388 = arith.constant 4 : i32
        %parallel_loop3A_389 = vector.broadcast %parallel_loop3A_388 : i32 to vector<16xi32>
        %parallel_loop3A_390 = arith.addi %parallel_loop3A_112, %parallel_loop3A_389 : vector<16xi32>
        %parallel_loop3A_391 = tpu.vector_load_idx %arg7[%parallel_loop3A_390] : memref<23520xf32, #tpu.memory_space<vmem>>[vector<16xi32>], vector<16xf32>,
        %parallel_loop3A_392 = arith.constant 5 : i32
        %parallel_loop3A_393 = vector.broadcast %parallel_loop3A_392 : i32 to vector<16xi32>
        %parallel_loop3A_394 = arith.addi %parallel_loop3A_112, %parallel_loop3A_393 : vector<16xi32>
        %parallel_loop3A_395 = tpu.vector_load_idx %arg7[%parallel_loop3A_394] : memref<23520xf32, #tpu.memory_space<vmem>>[vector<16xi32>], vector<16xf32>,
        %parallel_loop3A_396 = arith.constant 6 : i32
        %parallel_loop3A_397 = vector.broadcast %parallel_loop3A_396 : i32 to vector<16xi32>
        %parallel_loop3A_398 = arith.addi %parallel_loop3A_112, %parallel_loop3A_397 : vector<16xi32>
        %parallel_loop3A_399 = tpu.vector_load_idx %arg7[%parallel_loop3A_398] : memref<23520xf32, #tpu.memory_space<vmem>>[vector<16xi32>], vector<16xf32>,
        %parallel_loop3A_400 = arith.constant 7 : i32
        %parallel_loop3A_401 = vector.broadcast %parallel_loop3A_400 : i32 to vector<16xi32>
        %parallel_loop3A_402 = arith.addi %parallel_loop3A_112, %parallel_loop3A_401 : vector<16xi32>
        %parallel_loop3A_403 = tpu.vector_load_idx %arg7[%parallel_loop3A_402] : memref<23520xf32, #tpu.memory_space<vmem>>[vector<16xi32>], vector<16xf32>,
        %parallel_loop3A_404 = arith.constant 8 : i32
        %parallel_loop3A_405 = vector.broadcast %parallel_loop3A_404 : i32 to vector<16xi32>
        %parallel_loop3A_406 = arith.addi %parallel_loop3A_112, %parallel_loop3A_405 : vector<16xi32>
        %parallel_loop3A_407 = tpu.vector_load_idx %arg7[%parallel_loop3A_406] : memref<23520xf32, #tpu.memory_space<vmem>>[vector<16xi32>], vector<16xf32>,
        %parallel_loop3A_408 = arith.constant 9 : i32
        %parallel_loop3A_409 = vector.broadcast %parallel_loop3A_408 : i32 to vector<16xi32>
        %parallel_loop3A_410 = arith.addi %parallel_loop3A_112, %parallel_loop3A_409 : vector<16xi32>
        %parallel_loop3A_411 = tpu.vector_load_idx %arg7[%parallel_loop3A_410] : memref<23520xf32, #tpu.memory_space<vmem>>[vector<16xi32>], vector<16xf32>,
        %parallel_loop3A_412 = arith.maximumf %parallel_loop3A_159, %parallel_loop3A_214 : vector<16xf32>
        %parallel_loop3A_413 = arith.maximumf %parallel_loop3A_269, %parallel_loop3A_324 : vector<16xf32>
        %parallel_loop3A_414 = arith.maximumf %parallel_loop3A_412, %parallel_loop3A_413 : vector<16xf32>
        %parallel_loop3A_415 = arith.constant 0.000000e+00 : f32
        %parallel_loop3A_416 = vector.broadcast %parallel_loop3A_415 : f32 to vector<16xf32>
        %parallel_loop3A_417 = arith.cmpf ogt, %parallel_loop3A_351, %parallel_loop3A_416 : vector<16xf32>
        %parallel_loop3A_418 = arith.maximumf %parallel_loop3A_371, %parallel_loop3A_414 : vector<16xf32>
        %parallel_loop3A_419 = arith.constant 0.000000e+00 : f32
        %parallel_loop3A_420 = vector.broadcast %parallel_loop3A_419 : f32 to vector<16xf32>
        %parallel_loop3A_421 = arith.cmpf ogt, %parallel_loop3A_418, %parallel_loop3A_420 : vector<16xf32>
        %parallel_loop3A_422 = arith.ori %parallel_loop3A_417, %parallel_loop3A_421 : vector<16xi1>
        %parallel_loop3A_423 = arith.constant dense<true> : vector<16xi1>
        %parallel_loop3A_424 = arith.xori %parallel_loop3A_417, %parallel_loop3A_423 : vector<16xi1>
        %parallel_loop3A_425 = arith.andi %parallel_loop3A_424, %parallel_loop3A_421 : vector<16xi1>
        %parallel_loop3A_426 = arith.select %parallel_loop3A_425, %parallel_loop3A_355, %parallel_loop3A_335 : vector<16xi1>, vector<16xf32>
        %parallel_loop3A_427 = arith.select %parallel_loop3A_425, %parallel_loop3A_359, %parallel_loop3A_339 : vector<16xi1>, vector<16xf32>
        %parallel_loop3A_428 = arith.select %parallel_loop3A_425, %parallel_loop3A_363, %parallel_loop3A_343 : vector<16xi1>, vector<16xf32>
        %parallel_loop3A_429 = arith.select %parallel_loop3A_425, %parallel_loop3A_367, %parallel_loop3A_347 : vector<16xi1>, vector<16xf32>
        %parallel_loop3A_430 = arith.constant 5.000000e-01 : f32
        %parallel_loop3A_431 = vector.broadcast %parallel_loop3A_430 : f32 to vector<16xf32>
        %parallel_loop3A_432 = arith.mulf %parallel_loop3A_428, %parallel_loop3A_431 : vector<16xf32>
        %parallel_loop3A_433 = arith.constant 5.000000e-01 : f32
        %parallel_loop3A_434 = vector.broadcast %parallel_loop3A_433 : f32 to vector<16xf32>
        %parallel_loop3A_435 = arith.mulf %parallel_loop3A_429, %parallel_loop3A_434 : vector<16xf32>
        %parallel_loop3A_436 = arith.subf %parallel_loop3A_426, %parallel_loop3A_432 : vector<16xf32>
        %parallel_loop3A_437 = arith.addf %parallel_loop3A_426, %parallel_loop3A_432 : vector<16xf32>
        %parallel_loop3A_438 = arith.subf %parallel_loop3A_427, %parallel_loop3A_435 : vector<16xf32>
        %parallel_loop3A_439 = arith.addf %parallel_loop3A_427, %parallel_loop3A_435 : vector<16xf32>
        %parallel_loop3A_440 = arith.mulf %parallel_loop3A_428, %parallel_loop3A_429 : vector<16xf32>
        %parallel_loop3A_441 = arith.constant 5.000000e-01 : f32
        %parallel_loop3A_442 = vector.broadcast %parallel_loop3A_441 : f32 to vector<16xf32>
        %parallel_loop3A_443 = arith.mulf %parallel_loop3A_383, %parallel_loop3A_442 : vector<16xf32>
        %parallel_loop3A_444 = arith.constant 5.000000e-01 : f32
        %parallel_loop3A_445 = vector.broadcast %parallel_loop3A_444 : f32 to vector<16xf32>
        %parallel_loop3A_446 = arith.mulf %parallel_loop3A_387, %parallel_loop3A_445 : vector<16xf32>
        %parallel_loop3A_447 = arith.subf %parallel_loop3A_375, %parallel_loop3A_443 : vector<16xf32>
        %parallel_loop3A_448 = arith.maximumf %parallel_loop3A_447, %parallel_loop3A_436 : vector<16xf32>
        %parallel_loop3A_449 = arith.addf %parallel_loop3A_375, %parallel_loop3A_443 : vector<16xf32>
        %parallel_loop3A_450 = arith.minimumf %parallel_loop3A_449, %parallel_loop3A_437 : vector<16xf32>
        %parallel_loop3A_451 = arith.subf %parallel_loop3A_379, %parallel_loop3A_446 : vector<16xf32>
        %parallel_loop3A_452 = arith.maximumf %parallel_loop3A_451, %parallel_loop3A_438 : vector<16xf32>
        %parallel_loop3A_453 = arith.addf %parallel_loop3A_379, %parallel_loop3A_446 : vector<16xf32>
        %parallel_loop3A_454 = arith.minimumf %parallel_loop3A_453, %parallel_loop3A_439 : vector<16xf32>
        %parallel_loop3A_455 = arith.subf %parallel_loop3A_450, %parallel_loop3A_448 : vector<16xf32>
        %parallel_loop3A_456 = arith.constant 0.000000e+00 : f32
        %parallel_loop3A_457 = vector.broadcast %parallel_loop3A_456 : f32 to vector<16xf32>
        %parallel_loop3A_458 = arith.maximumf %parallel_loop3A_455, %parallel_loop3A_457 : vector<16xf32>
        %parallel_loop3A_459 = arith.subf %parallel_loop3A_454, %parallel_loop3A_452 : vector<16xf32>
        %parallel_loop3A_460 = arith.constant 0.000000e+00 : f32
        %parallel_loop3A_461 = vector.broadcast %parallel_loop3A_460 : f32 to vector<16xf32>
        %parallel_loop3A_462 = arith.maximumf %parallel_loop3A_459, %parallel_loop3A_461 : vector<16xf32>
        %parallel_loop3A_463 = arith.mulf %parallel_loop3A_458, %parallel_loop3A_462 : vector<16xf32>
        %parallel_loop3A_464 = arith.mulf %parallel_loop3A_383, %parallel_loop3A_387 : vector<16xf32>
        %parallel_loop3A_465 = arith.addf %parallel_loop3A_464, %parallel_loop3A_440 : vector<16xf32>
        %parallel_loop3A_466 = arith.subf %parallel_loop3A_465, %parallel_loop3A_463 : vector<16xf32>
        %parallel_loop3A_467 = arith.constant 9.99999997E-7 : f32
        %parallel_loop3A_468 = vector.broadcast %parallel_loop3A_467 : f32 to vector<16xf32>
        %parallel_loop3A_469 = arith.addf %parallel_loop3A_466, %parallel_loop3A_468 : vector<16xf32>
        %parallel_loop3A_470 = arith.divf %parallel_loop3A_463, %parallel_loop3A_469 : vector<16xf32>
        %parallel_loop3A_471 = arith.constant 5.000000e-01 : f32
        %parallel_loop3A_472 = vector.broadcast %parallel_loop3A_471 : f32 to vector<16xf32>
        %parallel_loop3A_473 = arith.mulf %parallel_loop3A_403, %parallel_loop3A_472 : vector<16xf32>
        %parallel_loop3A_474 = arith.constant 5.000000e-01 : f32
        %parallel_loop3A_475 = vector.broadcast %parallel_loop3A_474 : f32 to vector<16xf32>
        %parallel_loop3A_476 = arith.mulf %parallel_loop3A_407, %parallel_loop3A_475 : vector<16xf32>
        %parallel_loop3A_477 = arith.subf %parallel_loop3A_395, %parallel_loop3A_473 : vector<16xf32>
        %parallel_loop3A_478 = arith.maximumf %parallel_loop3A_477, %parallel_loop3A_436 : vector<16xf32>
        %parallel_loop3A_479 = arith.addf %parallel_loop3A_395, %parallel_loop3A_473 : vector<16xf32>
        %parallel_loop3A_480 = arith.minimumf %parallel_loop3A_479, %parallel_loop3A_437 : vector<16xf32>
        %parallel_loop3A_481 = arith.subf %parallel_loop3A_399, %parallel_loop3A_476 : vector<16xf32>
        %parallel_loop3A_482 = arith.maximumf %parallel_loop3A_481, %parallel_loop3A_438 : vector<16xf32>
        %parallel_loop3A_483 = arith.addf %parallel_loop3A_399, %parallel_loop3A_476 : vector<16xf32>
        %parallel_loop3A_484 = arith.minimumf %parallel_loop3A_483, %parallel_loop3A_439 : vector<16xf32>
        %parallel_loop3A_485 = arith.subf %parallel_loop3A_480, %parallel_loop3A_478 : vector<16xf32>
        %parallel_loop3A_486 = arith.constant 0.000000e+00 : f32
        %parallel_loop3A_487 = vector.broadcast %parallel_loop3A_486 : f32 to vector<16xf32>
        %parallel_loop3A_488 = arith.maximumf %parallel_loop3A_485, %parallel_loop3A_487 : vector<16xf32>
        %parallel_loop3A_489 = arith.subf %parallel_loop3A_484, %parallel_loop3A_482 : vector<16xf32>
        %parallel_loop3A_490 = arith.constant 0.000000e+00 : f32
        %parallel_loop3A_491 = vector.broadcast %parallel_loop3A_490 : f32 to vector<16xf32>
        %parallel_loop3A_492 = arith.maximumf %parallel_loop3A_489, %parallel_loop3A_491 : vector<16xf32>
        %parallel_loop3A_493 = arith.mulf %parallel_loop3A_488, %parallel_loop3A_492 : vector<16xf32>
        %parallel_loop3A_494 = arith.mulf %parallel_loop3A_403, %parallel_loop3A_407 : vector<16xf32>
        %parallel_loop3A_495 = arith.addf %parallel_loop3A_494, %parallel_loop3A_440 : vector<16xf32>
        %parallel_loop3A_496 = arith.subf %parallel_loop3A_495, %parallel_loop3A_493 : vector<16xf32>
        %parallel_loop3A_497 = arith.constant 9.99999997E-7 : f32
        %parallel_loop3A_498 = vector.broadcast %parallel_loop3A_497 : f32 to vector<16xf32>
        %parallel_loop3A_499 = arith.addf %parallel_loop3A_496, %parallel_loop3A_498 : vector<16xf32>
        %parallel_loop3A_500 = arith.divf %parallel_loop3A_493, %parallel_loop3A_499 : vector<16xf32>
        %parallel_loop3A_501 = arith.cmpf ogt, %parallel_loop3A_500, %parallel_loop3A_470 : vector<16xf32>
        %parallel_loop3A_502 = arith.maximumf %parallel_loop3A_470, %parallel_loop3A_500 : vector<16xf32>
        %parallel_loop3A_503 = arith.select %parallel_loop3A_501, %parallel_loop3A_395, %parallel_loop3A_375 : vector<16xi1>, vector<16xf32>
        %parallel_loop3A_504 = arith.select %parallel_loop3A_501, %parallel_loop3A_399, %parallel_loop3A_379 : vector<16xi1>, vector<16xf32>
        %parallel_loop3A_505 = arith.select %parallel_loop3A_501, %parallel_loop3A_403, %parallel_loop3A_383 : vector<16xi1>, vector<16xf32>
        %parallel_loop3A_506 = arith.select %parallel_loop3A_501, %parallel_loop3A_407, %parallel_loop3A_387 : vector<16xi1>, vector<16xf32>
        %parallel_loop3A_507 = arith.select %parallel_loop3A_501, %parallel_loop3A_411, %parallel_loop3A_391 : vector<16xi1>, vector<16xf32>
        %parallel_loop3A_508 = arith.constant 0.000000e+00 : f32
        %parallel_loop3A_509 = vector.broadcast %parallel_loop3A_508 : f32 to vector<16xf32>
        %parallel_loop3A_510 = arith.subf %parallel_loop3A_503, %parallel_loop3A_426 : vector<16xf32>
        %parallel_loop3A_511 = arith.subf %parallel_loop3A_504, %parallel_loop3A_427 : vector<16xf32>
        %parallel_loop3A_512 = arith.mulf %parallel_loop3A_510, %parallel_loop3A_510 : vector<16xf32>
        %parallel_loop3A_513 = arith.mulf %parallel_loop3A_511, %parallel_loop3A_511 : vector<16xf32>
        %parallel_loop3A_514 = arith.addf %parallel_loop3A_512, %parallel_loop3A_513 : vector<16xf32>
        %parallel_loop3A_515 = arith.constant 9.99999997E-7 : f32
        %parallel_loop3A_516 = vector.broadcast %parallel_loop3A_515 : f32 to vector<16xf32>
        %parallel_loop3A_517 = arith.maximumf %parallel_loop3A_505, %parallel_loop3A_516 : vector<16xf32>
        %parallel_loop3A_518 = arith.constant 9.99999997E-7 : f32
        %parallel_loop3A_519 = vector.broadcast %parallel_loop3A_518 : f32 to vector<16xf32>
        %parallel_loop3A_520 = arith.maximumf %parallel_loop3A_506, %parallel_loop3A_519 : vector<16xf32>
        %parallel_loop3A_521 = arith.constant 9.99999997E-7 : f32
        %parallel_loop3A_522 = vector.broadcast %parallel_loop3A_521 : f32 to vector<16xf32>
        %parallel_loop3A_523 = arith.maximumf %parallel_loop3A_428, %parallel_loop3A_522 : vector<16xf32>
        %parallel_loop3A_524 = arith.constant 9.99999997E-7 : f32
        %parallel_loop3A_525 = vector.broadcast %parallel_loop3A_524 : f32 to vector<16xf32>
        %parallel_loop3A_526 = arith.maximumf %parallel_loop3A_429, %parallel_loop3A_525 : vector<16xf32>
        %parallel_loop3A_527 = arith.addf %parallel_loop3A_517, %parallel_loop3A_523 : vector<16xf32>
        %parallel_loop3A_528 = arith.addf %parallel_loop3A_527, %parallel_loop3A_520 : vector<16xf32>
        %parallel_loop3A_529 = arith.addf %parallel_loop3A_528, %parallel_loop3A_526 : vector<16xf32>
        %parallel_loop3A_530 = arith.mulf %parallel_loop3A_517, %parallel_loop3A_523 : vector<16xf32>
        %parallel_loop3A_531 = tpu.bitcast %parallel_loop3A_530 : vector<16xf32> -> vector<16xi32>
        %parallel_loop3A_532 = arith.constant 1 : i32
        %parallel_loop3A_533 = vector.broadcast %parallel_loop3A_532 : i32 to vector<16xi32>
        %parallel_loop3A_534 = arith.shrsi %parallel_loop3A_531, %parallel_loop3A_533 : vector<16xi32>
        %parallel_loop3A_535 = arith.constant 1597463007 : i32
        %parallel_loop3A_536 = vector.broadcast %parallel_loop3A_535 : i32 to vector<16xi32>
        %parallel_loop3A_537 = arith.subi %parallel_loop3A_536, %parallel_loop3A_534 : vector<16xi32>
        %parallel_loop3A_538 = tpu.bitcast %parallel_loop3A_537 : vector<16xi32> -> vector<16xf32>
        %parallel_loop3A_539 = arith.constant 5.000000e-01 : f32
        %parallel_loop3A_540 = vector.broadcast %parallel_loop3A_539 : f32 to vector<16xf32>
        %parallel_loop3A_541 = arith.mulf %parallel_loop3A_540, %parallel_loop3A_530 : vector<16xf32>
        %parallel_loop3A_542 = arith.mulf %parallel_loop3A_541, %parallel_loop3A_538 : vector<16xf32>
        %parallel_loop3A_543 = arith.mulf %parallel_loop3A_542, %parallel_loop3A_538 : vector<16xf32>
        %parallel_loop3A_544 = arith.constant 1.500000e+00 : f32
        %parallel_loop3A_545 = vector.broadcast %parallel_loop3A_544 : f32 to vector<16xf32>
        %parallel_loop3A_546 = arith.subf %parallel_loop3A_545, %parallel_loop3A_543 : vector<16xf32>
        %parallel_loop3A_547 = arith.mulf %parallel_loop3A_538, %parallel_loop3A_546 : vector<16xf32>
        %parallel_loop3A_548 = arith.constant 5.000000e-01 : f32
        %parallel_loop3A_549 = vector.broadcast %parallel_loop3A_548 : f32 to vector<16xf32>
        %parallel_loop3A_550 = arith.mulf %parallel_loop3A_549, %parallel_loop3A_530 : vector<16xf32>
        %parallel_loop3A_551 = arith.mulf %parallel_loop3A_550, %parallel_loop3A_547 : vector<16xf32>
        %parallel_loop3A_552 = arith.mulf %parallel_loop3A_551, %parallel_loop3A_547 : vector<16xf32>
        %parallel_loop3A_553 = arith.constant 1.500000e+00 : f32
        %parallel_loop3A_554 = vector.broadcast %parallel_loop3A_553 : f32 to vector<16xf32>
        %parallel_loop3A_555 = arith.subf %parallel_loop3A_554, %parallel_loop3A_552 : vector<16xf32>
        %parallel_loop3A_556 = arith.mulf %parallel_loop3A_547, %parallel_loop3A_555 : vector<16xf32>
        %parallel_loop3A_557 = arith.constant 5.000000e-01 : f32
        %parallel_loop3A_558 = vector.broadcast %parallel_loop3A_557 : f32 to vector<16xf32>
        %parallel_loop3A_559 = arith.mulf %parallel_loop3A_558, %parallel_loop3A_530 : vector<16xf32>
        %parallel_loop3A_560 = arith.mulf %parallel_loop3A_559, %parallel_loop3A_556 : vector<16xf32>
        %parallel_loop3A_561 = arith.mulf %parallel_loop3A_560, %parallel_loop3A_556 : vector<16xf32>
        %parallel_loop3A_562 = arith.constant 1.500000e+00 : f32
        %parallel_loop3A_563 = vector.broadcast %parallel_loop3A_562 : f32 to vector<16xf32>
        %parallel_loop3A_564 = arith.subf %parallel_loop3A_563, %parallel_loop3A_561 : vector<16xf32>
        %parallel_loop3A_565 = arith.mulf %parallel_loop3A_556, %parallel_loop3A_564 : vector<16xf32>
        %parallel_loop3A_566 = arith.mulf %parallel_loop3A_530, %parallel_loop3A_565 : vector<16xf32>
        %parallel_loop3A_567 = arith.mulf %parallel_loop3A_520, %parallel_loop3A_526 : vector<16xf32>
        %parallel_loop3A_568 = tpu.bitcast %parallel_loop3A_567 : vector<16xf32> -> vector<16xi32>
        %parallel_loop3A_569 = arith.constant 1 : i32
        %parallel_loop3A_570 = vector.broadcast %parallel_loop3A_569 : i32 to vector<16xi32>
        %parallel_loop3A_571 = arith.shrsi %parallel_loop3A_568, %parallel_loop3A_570 : vector<16xi32>
        %parallel_loop3A_572 = arith.constant 1597463007 : i32
        %parallel_loop3A_573 = vector.broadcast %parallel_loop3A_572 : i32 to vector<16xi32>
        %parallel_loop3A_574 = arith.subi %parallel_loop3A_573, %parallel_loop3A_571 : vector<16xi32>
        %parallel_loop3A_575 = tpu.bitcast %parallel_loop3A_574 : vector<16xi32> -> vector<16xf32>
        %parallel_loop3A_576 = arith.constant 5.000000e-01 : f32
        %parallel_loop3A_577 = vector.broadcast %parallel_loop3A_576 : f32 to vector<16xf32>
        %parallel_loop3A_578 = arith.mulf %parallel_loop3A_577, %parallel_loop3A_567 : vector<16xf32>
        %parallel_loop3A_579 = arith.mulf %parallel_loop3A_578, %parallel_loop3A_575 : vector<16xf32>
        %parallel_loop3A_580 = arith.mulf %parallel_loop3A_579, %parallel_loop3A_575 : vector<16xf32>
        %parallel_loop3A_581 = arith.constant 1.500000e+00 : f32
        %parallel_loop3A_582 = vector.broadcast %parallel_loop3A_581 : f32 to vector<16xf32>
        %parallel_loop3A_583 = arith.subf %parallel_loop3A_582, %parallel_loop3A_580 : vector<16xf32>
        %parallel_loop3A_584 = arith.mulf %parallel_loop3A_575, %parallel_loop3A_583 : vector<16xf32>
        %parallel_loop3A_585 = arith.constant 5.000000e-01 : f32
        %parallel_loop3A_586 = vector.broadcast %parallel_loop3A_585 : f32 to vector<16xf32>
        %parallel_loop3A_587 = arith.mulf %parallel_loop3A_586, %parallel_loop3A_567 : vector<16xf32>
        %parallel_loop3A_588 = arith.mulf %parallel_loop3A_587, %parallel_loop3A_584 : vector<16xf32>
        %parallel_loop3A_589 = arith.mulf %parallel_loop3A_588, %parallel_loop3A_584 : vector<16xf32>
        %parallel_loop3A_590 = arith.constant 1.500000e+00 : f32
        %parallel_loop3A_591 = vector.broadcast %parallel_loop3A_590 : f32 to vector<16xf32>
        %parallel_loop3A_592 = arith.subf %parallel_loop3A_591, %parallel_loop3A_589 : vector<16xf32>
        %parallel_loop3A_593 = arith.mulf %parallel_loop3A_584, %parallel_loop3A_592 : vector<16xf32>
        %parallel_loop3A_594 = arith.constant 5.000000e-01 : f32
        %parallel_loop3A_595 = vector.broadcast %parallel_loop3A_594 : f32 to vector<16xf32>
        %parallel_loop3A_596 = arith.mulf %parallel_loop3A_595, %parallel_loop3A_567 : vector<16xf32>
        %parallel_loop3A_597 = arith.mulf %parallel_loop3A_596, %parallel_loop3A_593 : vector<16xf32>
        %parallel_loop3A_598 = arith.mulf %parallel_loop3A_597, %parallel_loop3A_593 : vector<16xf32>
        %parallel_loop3A_599 = arith.constant 1.500000e+00 : f32
        %parallel_loop3A_600 = vector.broadcast %parallel_loop3A_599 : f32 to vector<16xf32>
        %parallel_loop3A_601 = arith.subf %parallel_loop3A_600, %parallel_loop3A_598 : vector<16xf32>
        %parallel_loop3A_602 = arith.mulf %parallel_loop3A_593, %parallel_loop3A_601 : vector<16xf32>
        %parallel_loop3A_603 = arith.mulf %parallel_loop3A_567, %parallel_loop3A_602 : vector<16xf32>
        %parallel_loop3A_604 = arith.addf %parallel_loop3A_566, %parallel_loop3A_603 : vector<16xf32>
        %parallel_loop3A_605 = arith.constant 2.000000e+00 : f32
        %parallel_loop3A_606 = vector.broadcast %parallel_loop3A_605 : f32 to vector<16xf32>
        %parallel_loop3A_607 = arith.mulf %parallel_loop3A_606, %parallel_loop3A_604 : vector<16xf32>
        %parallel_loop3A_608 = arith.subf %parallel_loop3A_529, %parallel_loop3A_607 : vector<16xf32>
        %parallel_loop3A_609 = arith.addf %parallel_loop3A_514, %parallel_loop3A_608 : vector<16xf32>
        %parallel_loop3A_610 = arith.select %parallel_loop3A_422, %parallel_loop3A_609, %parallel_loop3A_509 : vector<16xi1>, vector<16xf32>
        %parallel_loop3A_611 = arith.addf %parallel_loop3A_105, %parallel_loop3A_610 : vector<16xf32>
        %parallel_loop3A_612 = arith.subf %parallel_loop3A_507, %parallel_loop3A_502 : vector<16xf32>
        %parallel_loop3A_613 = arith.mulf %parallel_loop3A_612, %parallel_loop3A_612 : vector<16xf32>
        %parallel_loop3A_614 = arith.select %parallel_loop3A_422, %parallel_loop3A_613, %parallel_loop3A_509 : vector<16xi1>, vector<16xf32>
        %parallel_loop3A_615 = arith.addf %parallel_loop3A_106, %parallel_loop3A_614 : vector<16xf32>
        %parallel_loop3A_616 = arith.mulf %parallel_loop3A_391, %parallel_loop3A_391 : vector<16xf32>
        %parallel_loop3A_617 = arith.mulf %parallel_loop3A_411, %parallel_loop3A_411 : vector<16xf32>
        %parallel_loop3A_618 = arith.addf %parallel_loop3A_616, %parallel_loop3A_617 : vector<16xf32>
        %parallel_loop3A_619 = arith.mulf %parallel_loop3A_507, %parallel_loop3A_507 : vector<16xf32>
        %parallel_loop3A_620 = arith.select %parallel_loop3A_422, %parallel_loop3A_619, %parallel_loop3A_509 : vector<16xi1>, vector<16xf32>
        %parallel_loop3A_621 = arith.subf %parallel_loop3A_618, %parallel_loop3A_620 : vector<16xf32>
        %parallel_loop3A_622 = arith.addf %parallel_loop3A_107, %parallel_loop3A_621 : vector<16xf32>
        %parallel_loop3A_623 = arith.select %parallel_loop3A_422, %parallel_loop3A_331, %parallel_loop3A_509 : vector<16xi1>, vector<16xf32>
        %parallel_loop3A_624 = arith.addf %parallel_loop3A_108, %parallel_loop3A_623 : vector<16xf32>
        scf.yield %parallel_loop3A_611, %parallel_loop3A_615, %parallel_loop3A_622, %parallel_loop3A_624 : vector<16xf32>, vector<16xf32>, vector<16xf32>, vector<16xf32>
      } {sc.loop_unroll_factor = 7 : i64, sc.parallel_access}
      scf.yield %parallel_loop3A_103#0, %parallel_loop3A_103#1, %parallel_loop3A_103#2, %parallel_loop3A_103#3 : vector<16xf32>, vector<16xf32>, vector<16xf32>, vector<16xf32>
    }
    %scan3A_24 = arith.constant 8 : i32
    %swap3A = arith.constant 0 : i32
    %swap3A_25 = arith.index_cast %swap3A : i32 to index
    %swap3A_26 = arith.constant 0 : index
    %swap3A_27 = tpu.vector_load %arg9[%swap3A_25, %swap3A_26] {strides = array<i32>} : memref<4x16xf32, #tpu.memory_space<vmem>>, vector<16xf32>,
    tpu.vector_store %arg9[%swap3A_25, %swap3A_26], %scan3A_23#0 {strides = array<i32>} : memref<4x16xf32, #tpu.memory_space<vmem>>, vector<16xf32>,
    %swap3A_28 = arith.constant 1 : i32
    %swap3A_29 = arith.index_cast %swap3A_28 : i32 to index
    %swap3A_30 = arith.constant 0 : index
    %swap3A_31 = tpu.vector_load %arg9[%swap3A_29, %swap3A_30] {strides = array<i32>} : memref<4x16xf32, #tpu.memory_space<vmem>>, vector<16xf32>,
    tpu.vector_store %arg9[%swap3A_29, %swap3A_30], %scan3A_23#1 {strides = array<i32>} : memref<4x16xf32, #tpu.memory_space<vmem>>, vector<16xf32>,
    %swap3A_32 = arith.constant 2 : i32
    %swap3A_33 = arith.index_cast %swap3A_32 : i32 to index
    %swap3A_34 = arith.constant 0 : index
    %swap3A_35 = tpu.vector_load %arg9[%swap3A_33, %swap3A_34] {strides = array<i32>} : memref<4x16xf32, #tpu.memory_space<vmem>>, vector<16xf32>,
    tpu.vector_store %arg9[%swap3A_33, %swap3A_34], %scan3A_23#2 {strides = array<i32>} : memref<4x16xf32, #tpu.memory_space<vmem>>, vector<16xf32>,
    %swap3A_36 = arith.constant 3 : i32
    %swap3A_37 = arith.index_cast %swap3A_36 : i32 to index
    %swap3A_38 = arith.constant 0 : index
    %swap3A_39 = tpu.vector_load %arg9[%swap3A_37, %swap3A_38] {strides = array<i32>} : memref<4x16xf32, #tpu.memory_space<vmem>>, vector<16xf32>,
    tpu.vector_store %arg9[%swap3A_37, %swap3A_38], %scan3A_23#3 {strides = array<i32>} : memref<4x16xf32, #tpu.memory_space<vmem>>, vector<16xf32>,
    "tpu.region"() ({
      %run_scoped3A = tpu.sem_alloc : memref<!tpu.dma_semaphore, #tpu.memory_space<semaphore_mem>>
      %dma_start3A_40 = arith.constant 0 : i32
      %dma_start3A_41 = arith.constant 0 : i32
      %dma_start3A_42 = tpu.memref_slice %arg4[%add3A, %dma_start3A_40, %dma_start3A_41] : memref<32x4x16xf32, #tpu.memory_space<hbm>> -> memref<1x4x16xf32, #tpu.memory_space<hbm>>
      %dma_start3A_43 = tpu.memref_squeeze %dma_start3A_42 : memref<1x4x16xf32, #tpu.memory_space<hbm>> -> memref<4x16xf32, #tpu.memory_space<hbm>>
      %dma_start3A_44 = arith.constant 0 : i32
      %dma_start3A_45 = arith.constant 0 : i32
      %dma_start3A_46 = tpu.memref_slice %arg4[%add3A, %dma_start3A_44, %dma_start3A_45] : memref<32x4x16xf32, #tpu.memory_space<hbm>> -> memref<1x4x16xf32, #tpu.memory_space<hbm>>
      %dma_start3A_47 = tpu.memref_squeeze %dma_start3A_46 : memref<1x4x16xf32, #tpu.memory_space<hbm>> -> memref<4x16xf32, #tpu.memory_space<hbm>>
      tpu.enqueue_dma source(%arg9 : memref<4x16xf32, #tpu.memory_space<vmem>>) target(%dma_start3A_47 : memref<4x16xf32, #tpu.memory_space<hbm>>) target_semaphore(%run_scoped3A : memref<!tpu.dma_semaphore, #tpu.memory_space<semaphore_mem>>)
      %dma_wait3A = arith.constant 0 : i32
      %dma_wait3A_48 = arith.constant 0 : i32
      %dma_wait3A_49 = tpu.memref_slice %arg4[%add3A, %dma_wait3A, %dma_wait3A_48] : memref<32x4x16xf32, #tpu.memory_space<hbm>> -> memref<1x4x16xf32, #tpu.memory_space<hbm>>
      %dma_wait3A_50 = tpu.memref_squeeze %dma_wait3A_49 : memref<1x4x16xf32, #tpu.memory_space<hbm>> -> memref<4x16xf32, #tpu.memory_space<hbm>>
      %dma_wait3A_51 = arith.constant 0 : i32
      %dma_wait3A_52 = arith.constant 0 : i32
      %dma_wait3A_53 = tpu.memref_slice %arg4[%add3A, %dma_wait3A_51, %dma_wait3A_52] : memref<32x4x16xf32, #tpu.memory_space<hbm>> -> memref<1x4x16xf32, #tpu.memory_space<hbm>>
      %dma_wait3A_54 = tpu.memref_squeeze %dma_wait3A_53 : memref<1x4x16xf32, #tpu.memory_space<hbm>> -> memref<4x16xf32, #tpu.memory_space<hbm>>
      tpu.wait_dma2 semaphore(%run_scoped3A : memref<!tpu.dma_semaphore, #tpu.memory_space<semaphore_mem>>) src(%arg9 : memref<4x16xf32, #tpu.memory_space<vmem>>) dst(%dma_wait3A_54 : memref<4x16xf32, #tpu.memory_space<hbm>>)
      tpu.yield
    }) : () -> ()
    return
  }
}

</mosaic_0001>

<sc_bundles>
// kernel: kernel.3.cloned.1.call-start
scs
__scs_entry_jumppad:
0x0: {  	(pc) =	sbr.rel $0x88, $3  }
0x1: {  	(tag) =	ssettag $0x0;
	lr =	simm.s32 $0x1  }
0x2: {  	[smem:$0x3F9F] =	sst lr;
	_ =	strace $0xD0000000  }
0x3: {  	_ = 	snop  }
0x4: {  	_ = 	snop  }
0x5: {  	_ = 	snop  }
0x6: {  	_ = 	snop  }
0x7: {  	_ = 	snop  }
__scs_overlays_trampoline_lowered:
0x8: {  	[smem:$0x3FAE] =	sst s0  }
0x9: {  	[smem:$0x3FAF] =	sst s1  }
0xa: {  	[smem:$0x3FB0] =	sst s2  }
0xb: {  	[smem:$0x3FB1] =	sst s3  }
0xc: {  	[smem:$0x3FB2] =	sst s4  }
0xd: {  	[smem:$0x3FB3] =	sst s5  }
0xe: {  	[smem:$0x3FB4] =	sst s6  }
0xf: {  	[smem:$0x3FB5] =	sst s7  }
0x10: {  	[smem:$0x3FB6] =	sst s8  }
0x11: {  	[smem:$0x3FB7] =	sst s9;
	s0 =	simm.s32 @!p0 $0x0  }
0x12: {  	s1 =	sld [smem:$0x3F9D];
	s0 =	simm.s32 @p0 $0x1  }
0x13: {  	[smem:$0x3FB8] =	sst s0;
	s0 =	simm.s32 @!p1 $0x0  }
0x14: {  	s2 =	sld [smem:$0x3F9C];
	s0 =	simm.s32 @p1 $0x1  }
0x15: {  	[smem:$0x3FB9] =	sst s0;
	s0 =	simm.s32 @!p2 $0x0  }
0x16: {  	s3 =	sld [smem:$0x3FDB];
	s0 =	simm.s32 @p2 $0x1  }
0x17: {  	s4 =	simm.s32 $0x1BF5;
	[smem:$0x3FBB] =	sst s0  }
0x18: {  	s0 =	sld [smem:$0x3F9E];
	_ =	swait.ge [sflag:s4], $0x0  }
0x19: {  	s7 =	sld [smem:$0x3F9F]  }
0x1a: {  	s8 =	sadd.s32 $0xFFFFE003, lr  }
0x1b: {  	s9 =	sadd.s32 $0xFFFFFEF7, lr;
	s5 =	simm.s32 $0xFFFFFFFF;
	p2 =	slt.u32 s8, $0xFFFFF086  }
0x1c: {  	p1 =	slt.u32 s9, $0xF7A;
	s5 =	simm.s32 @!p2 $0x0  }
0x1d: {  	s5 =	simm.s32 @p1 $0x1;
	p0 =	seq.s32 s7, s2  }
0x1e: {  	s7 =	smul.u32 @!p0 $0xF7A, s2;
	p2 =	seq.s32 @!p0 s5, $0x0  }
0x1f: {  	s9 =	smul.u32 $0xF7A, s1;
	s8 =	simm.s32 @!p0 $0x1BF5;
	p2 =	por !p2, p0  }
0x20: {  	[sflag:s8] =	ssyncset.s32 @!p0 $0xFFFFF086;
	s6 =	sadd.s32 @!p0 s3, s7;
	s7 =	simm.s32 @!p0 $0x108  }
0x21: {  	s3 =	sadd.s32 s3, s9;
	s6 =	sadd.s32 @!p0 $0x88, s6;
	s7 =	simm.s32 @p2 $0x1082  }
0x22: {  	[simem:s7], [sflag:s8] =	dma.local @!p0 [hbm:s6], $0xF7A  }
0x23: {  	s9 =	sor.u32 $0xD0000000, s2;
	s6 =	simm.s32 $0x108;
	_ =	swait.ge @!p0 [sflag:s8], $0x0  }
0x24: {  	s3 =	sadd.s32 $0x88, s3;
	s6 =	simm.s32 @!p1 $0x1082;
	[sflag:s4] =	ssyncset.s32 $0xFFFFF086  }
0x25: {  	[simem:s6], [sflag:s4] =	dma.local [hbm:s3], $0xF7A  }
0x26: {  	[smem:$0x3F9F] =	sst s1;
	(tag) =	ssettag s2;
	_ =	strace s9  }
0x27: {  	s1 =	sld [smem:$0x3FAF]  }
0x28: {  	s2 =	sld [smem:$0x3FB0]  }
0x29: {  	s4 =	sld [smem:$0x3FB2]  }
0x2a: {  	p0 =	seq.s32 s5, $0x0;
	s5 =	sld [smem:$0x3FB3]  }
0x2b: {  	s6 =	sld [smem:$0x3FB4]  }
0x2c: {  	s7 =	sld [smem:$0x3FB5]  }
0x2d: {  	s3 =	simm.s32 $0x108;
	s8 =	sld [smem:$0x3FB6]  }
0x2e: {  	s3 =	simm.s32 @!p0 $0x1082;
	s9 =	sld [smem:$0x3FB7]  }
0x2f: {  	lr =	sadd.s32 s0, s3;
	s0 =	sld [smem:$0x3FAE]  }
0x30: {  	s3 =	sld [smem:$0x3FB1]  }
0x31: {  	[smem:$0x3FBA] =	sst s10  }
0x32: {  	s10 =	sld [smem:$0x3FB8];
	_ =	sdelay $0x3  }
0x33: {  	p0 =	seq.s32 s10, $0x1;
	s10 =	sld [smem:$0x3FBA];
	_ =	sdelay $0x3  }
0x34: {  	[smem:$0x3FBA] =	sst s10  }
0x35: {  	s10 =	sld [smem:$0x3FB9];
	_ =	sdelay $0x3  }
0x36: {  	p1 =	seq.s32 s10, $0x1;
	s10 =	sld [smem:$0x3FBA];
	_ =	sdelay $0x3  }
0x37: {  	[smem:$0x3FBA] =	sst s10  }
0x38: {  	s10 =	sld [smem:$0x3FBB]  }
0x39: {  	_ = 	snop;
	(pc) =	sbr.ind lr, $3  }
0x3a: {  	_ = 	snop  }
0x3b: {  	_ = 	snop  }
0x3c: {  	p2 =	seq.s32 s10, $0x1;
	s10 =	sld [smem:$0x3FBA]  }
0x3d: {  	_ =	shalt  }
0x3e: {  	_ =	shalt  }
0x3f: {  	_ =	shalt  }
0x40: {  	_ =	shalt  }
0x41: {  	_ =	shalt  }
0x42: {  	_ =	shalt  }
0x43: {  	_ =	shalt  }
0x44: {  	_ =	shalt  }
0x45: {  	_ =	shalt  }
0x46: {  	_ =	shalt  }
0x47: {  	_ =	shalt  }
0x48: {  	_ =	shalt  }
0x49: {  	_ =	shalt  }
0x4a: {  	_ =	shalt  }
0x4b: {  	_ =	shalt  }
0x4c: {  	_ =	shalt  }
0x4d: {  	_ =	shalt  }
0x4e: {  	_ =	shalt  }
0x4f: {  	_ =	shalt  }
0x50: {  	_ =	shalt  }
0x51: {  	_ =	shalt  }
0x52: {  	_ =	shalt  }
0x53: {  	_ =	shalt  }
0x54: {  	_ =	shalt  }
0x55: {  	_ =	shalt  }
0x56: {  	_ =	shalt  }
0x57: {  	_ =	shalt  }
0x58: {  	_ =	shalt  }
0x59: {  	_ =	shalt  }
0x5a: {  	_ =	shalt  }
0x5b: {  	_ =	shalt  }
0x5c: {  	_ =	shalt  }
0x5d: {  	_ =	shalt  }
0x5e: {  	_ =	shalt  }
0x5f: {  	_ =	shalt  }
0x60: {  	_ =	shalt  }
0x61: {  	_ =	shalt  }
0x62: {  	_ =	shalt  }
0x63: {  	_ =	shalt  }
0x64: {  	_ =	shalt  }
0x65: {  	_ =	shalt  }
0x66: {  	_ =	shalt  }
0x67: {  	_ =	shalt  }
0x68: {  	_ =	shalt  }
0x69: {  	_ =	shalt  }
0x6a: {  	_ =	shalt  }
0x6b: {  	_ =	shalt  }
0x6c: {  	_ =	shalt  }
0x6d: {  	_ =	shalt  }
0x6e: {  	_ =	shalt  }
0x6f: {  	_ =	shalt  }
0x70: {  	_ =	shalt  }
0x71: {  	_ =	shalt  }
0x72: {  	_ =	shalt  }
0x73: {  	_ =	shalt  }
0x74: {  	_ =	shalt  }
0x75: {  	_ =	shalt  }
0x76: {  	_ =	shalt  }
0x77: {  	_ =	shalt  }
0x78: {  	_ =	shalt  }
0x79: {  	_ =	shalt  }
0x7a: {  	_ =	shalt  }
0x7b: {  	_ =	shalt  }
0x7c: {  	_ =	shalt  }
0x7d: {  	_ =	shalt  }
0x7e: {  	_ =	shalt  }
0x7f: {  	_ =	shalt  }
0x80: {  	_ =	shalt  }
0x81: {  	_ =	shalt  }
0x82: {  	_ =	shalt  }
0x83: {  	_ =	shalt  }
0x84: {  	_ =	shalt  }
0x85: {  	_ =	shalt  }
0x86: {  	_ =	shalt  }
0x87: {  	_ =	shalt  }
.Lfunc_end0:
.L_simem_size_0:
called_computation_lowered:
.L_overlay_start_0:
0x88: {  	s2 =	sld [smem:$0x3FD9]  }
0x89: {  	s3 =	sld [smem:$0x3FFE];
	_ =	sdelay $0x1  }
0x8a: {  	s1 =	srdreg.scid  }
0x8b: {  	s0 =	sand.u32 $0x1, s1  }
0x8c: {  	s16 =	sshll.u32 s0, $0xA;
	s2 =	sadd.s32 s3, s2  }
0x8d: {  	s2 =	sadd.s32 s2, s16  }
0x8e: {  	[smem:$0x3FC6] =	sst s2  }
0x8f: {  	_ = 	snop  }
0x90: {  	(tm) =	ssettm $0x1  }
0x91: {  	s17 =	sld [smem:$0x3FFB];
	_ =	sdelay $0x3  }
0x92: {  	_ =	strace s17  }
0x93: {  	s2 =	sld [smem:$0x3FFC];
	_ =	sdelay $0x3  }
0x94: {  	_ =	strace s2  }
0x95: {  	s2 =	sld [smem:$0x3FFD];
	_ =	sdelay $0x3  }
0x96: {  	_ =	strace s2  }
0x97: {  	_ =	strace $0x8FFFFFFF  }
0x98: {  	s18 =	sld [smem:$0x3FDB];
	_ =	sdelay $0x1  }
0x99: {  	s19 =	simm.s32 $_scs_section_size  }
0x9a: {  	s4 =	simm.s32 $_size__tile_overlayer_lowered;
	s5 =	simm.s32 $_tile_overlayer_lowered  }
0x9b: {  	s22 =	simm.s32 $0x1BFF;
	s21 =	sshll.u32 s5, $0x1;
	s2 =	sadd.s32 s19, s18  }
0x9c: {  	s6 =	simm.s32 $0x0;
	s20 =	sshll.u32 s4, $0x1;
	s4 =	sadd.s32 s21, s2  }
0x9d: {  	[timem:s6], [sflag:s22] =	dma.local [hbm:s4], s20  }
0x9e: {  	_ =	swait.ge [sflag:s22], s20  }
0x9f: {  	s3 =	ssub.s32 $0x0, s20;
	[sflag:s22] =	ssyncset.done $0x0  }
0xa0: {  	[sflag:s22] =	ssyncadd.s32 s3;
	_ =	sdelay $0x1  }
0xa1: {  	s23 =	simm.s32 $0x1B8B  }
0xa2: {  	_ =	swait.ge [sflag:s23], $0x1  }
0xa3: {  	[sflag:s23] =	ssyncset.done $0x0  }
0xa4: {  	s25 =	simm.s32 $0x1B8E;
	s24 =	sld [smem:$0x3FFE];
	[sflag:s23] =	ssyncadd.s32 $0xFFFFFFFF  }
0xa5: {  	s26 =	simm.s32 $execute0_lowered;
	[smem:$0x3FD2] =	sst s25  }
0xa6: {  	s4 =	sshll.u32 s26, $0x1;
	_ =	strace $0x80000046;
	[dreg:$0x1] =	wrdreg $0xFFFFFFFF  }
0xa7: {  	s28 =	simm.s32 $_size_execute0_lowered;
	s2 =	sadd.s32 s2, s4;
	[dreg:$0x0] =	wrdreg $0x0  }
0xa8: {  	s4 =	sshll.u32 s28, $0x1;
	[dreg:$0x2] =	wrdreg s2  }
0xa9: {  	[dreg:$0x3] =	wrdreg s4  }
0xaa: {  	[dreg:$0x4] =	wrdreg $0xC0  }
0xab: {  	_ =	task [dreg:s6], $0x5FFFF  }
0xac: {  	[dreg:$0x1] =	wrdreg $0xFFFFFFFF  }
0xad: {  	[dreg:$0x0] =	wrdreg $0x60  }
0xae: {  	[dreg:$0x2] =	wrdreg s24  }
0xaf: {  	[dreg:$0x3] =	wrdreg $0x9  }
0xb0: {  	_ =	task.clear_ibuf [dreg:s6], $0x4FFFF;
	_ =	strace $0x90000046  }
0xb1: {  	s29 =	simm.s32 $0x9;
	_ =	strace $0x80000048  }
0xb2: {  	_ =	swait.ge [sflag:s29], $0x1  }
0xb3: {  	[sflag:s29] =	ssyncadd.s32 $0xFFFFFFFF  }
0xb4: {  	_ =	strace $0x90000048  }
0xb5: {  	_ =	sfence  }
0xb6: {  	s30 =	sld [smem:$0x0];
	_ =	sdelay $0x2  }
0xb7: {  	s31 =	sshll.u32 s1, $0xD;
	s1 =	sshrl.u32 s1, $0x2  }
0xb8: {  	s3 =	sand.u32 $0x4000, s31;
	s1 =	sadd.s32 s1, s30  }
0xb9: {  	s0 =	sor.u32 s3, s0;
	s1 =	sshll.u32 s1, $0x11  }
0xba: {  	s0 =	sor.u32 s1, s0  }
0xbb: {  	s0 =	sadd.s32 $0x8F2B, s0  }
0xbc: {  	[sflag:s0] =	ssyncadd.remote.s32 $0x1  }
0xbd: {  	_ =	sfence.sel $0xFFFF  }
0xbe: {  	[dreg:$0x0] =	wrdreg $0xFFFFFFFF;
	(pc) =	sbr.abs _section_cstart, $3  }
0xbf: {  	[dreg:$0x1] =	wrdreg $0xFFFFFFFF  }
0xc0: {  	_ =	task.clear_ibuf [dreg:s6], $0x2FFFF;
	_ =	strace $0x9FFFFFFF  }
0xc1: {  	(tm) =	ssettm $0x7FFFFFFF  }
tec
execute0_lowered:
.L_overlay_start_1:
0x0: {  	(tag) =	ssettag $0x1  }
0x1: {  	v0 =	vlaneseq.u32  }
0x2: {  	s5 =	rddreg [dreg:$0x0];
	s1 =	simm.s32 $0x0;
	v0 =	vmul.u32 $0x1E, v0  }
0x3: {  	[smem:$0x7FF] =	sst s1  }
0x4: {  	s0 =	rddreg [dreg:$0x1];
	_ =	strace $0x80000047;
	v1 =	vadd.s32 $0xB, v0;
	[tilespmem:$0x1FE30] =	vst v0  }
0x5: {  	v2 =	vadd.s32 $0xC, v0;
	[tilespmem:$0x1FE40] =	vst v1  }
0x6: {  	v5 =	vadd.s32 $0xD, v0;
	[tilespmem:$0x1FE50] =	vst v2  }
0x7: {  	v18 =	vadd.s32 $0xE, v0;
	[tilespmem:$0x1FE60] =	vst v5  }
0x8: {  	v43 =	vadd.s32 $0xF, v0;
	[tilespmem:$0x1FE70] =	vst v18  }
0x9: {  	v45 =	vadd.s32 $0x10, v0;
	[tilespmem:$0x1FE80] =	vst v43  }
0xa: {  	v38 =	vadd.s32 $0x11, v0;
	[tilespmem:$0x1FE90] =	vst v45  }
0xb: {  	v48 =	vadd.s32 $0x12, v0;
	[tilespmem:$0x1FEA0] =	vst v38  }
0xc: {  	v19 =	vadd.s32 $0x13, v0;
	[tilespmem:$0x1FEB0] =	vst v48  }
0xd: {  	v54 =	vadd.s32 $0x14, v0;
	[tilespmem:$0x1FEC0] =	vst v19  }
0xe: {  	v55 =	vadd.s32 $0x15, v0;
	[tilespmem:$0x1FED0] =	vst v54  }
0xf: {  	v51 =	vadd.s32 $0x16, v0;
	[tilespmem:$0x1FEE0] =	vst v55  }
0x10: {  	v56 =	vadd.s32 $0x17, v0;
	[tilespmem:$0x1FEF0] =	vst v51  }
0x11: {  	v20 =	vadd.s32 $0x18, v0;
	[tilespmem:$0x1FF00] =	vst v56  }
0x12: {  	v28 =	vadd.s32 $0x1A, v0;
	[tilespmem:$0x1FF10] =	vst v20  }
0x13: {  	v50 =	vadd.s32 $0x1B, v0;
	[tilespmem:$0x1FF20] =	vst v28  }
0x14: {  	v57 =	vadd.s32 $0x1C, v0;
	[tilespmem:$0x1FF30] =	vst v50  }
0x15: {  	v22 =	vadd.s32 $0x1D, v0;
	[tilespmem:$0x1FF40] =	vst v57  }
0x16: {  	v23 =	vor.u32 $0x1, v0;
	[tilespmem:$0x1FF50] =	vst v22  }
0x17: {  	s3 =	srdreg.scid;
	s2 =	stileid.u32;
	s12 =	simm.s32 $0x5C00;
	v24 =	vadd.s32 $0x2, v0;
	[tilespmem:$0x1FF60] =	vst v23  }
0x18: {  	s13 =	simm.s32 $0x1;
	s14 =	simm.s32 $0x2;
	s15 =	simm.s32 $0xB800;
	v25 =	vadd.s32 $0x3, v0;
	[tilespmem:$0x1FF70] =	vst v24  }
0x19: {  	s16 =	simm.s32 $0x11400;
	s17 =	simm.s32 $0x3;
	s18 =	simm.s32 $0x4;
	v26 =	vadd.s32 $0x4, v0;
	[tilespmem:$0x1FF80] =	vst v25  }
0x1a: {  	s19 =	simm.s32 $0x17000;
	s20 =	simm.s32 $0x5;
	s21 =	simm.s32 $0x0;
	v60 =	vadd.s32 $0x5, v0;
	[tilespmem:$0x1FF90] =	vst v26  }
0x1b: {  	s4 =	sand.u32 $0x1, s3;
	s6 =	sshll.u32 s2, $0x1;
	s3 =	sadd.s32 $0x700200, s5;
	v63 =	vadd.s32 $0x6, v0;
	[tilespmem:$0x1FFA0] =	vst v60  }
0x1c: {  	s6 =	sor.u32 s4, s6;
	s8 =	ssub.s32 $0x2, s4;
	s4 =	sadd.s32 $0x870200, s5;
	v58 =	vadd.s32 $0x7, v0;
	[tilespmem:$0x1FFB0] =	vst v63  }
0x1d: {  	s7 =	sshll.u32 s6, $0x6;
	s9 =	smul.u32 $0xB800, s6;
	s31 =	sshrl.u32 s8, $0x1;
	v59 =	vadd.s32 $0x8, v0;
	[tilespmem:$0x1FFC0] =	vst v58  }
0x1e: {  	v61 =	vadd.s32 $0x9, v0;
	s10 =	sadd.s32 s7, s5;
	s11 =	ssub.s32 s8, s31;
	s5 =	sshll.u32 s6, $0x4;
	[tilespmem:$0x1FFD0] =	vst v59  }
0x1f: {  	v27 =	vadd.s32 $0x19, v0;
	[tilespmem:$0x1FFE0] =	vst v61;
	s6 =	sadd.s32 s3, s9;
	s7 =	sadd.s32 s4, s9;
	s8 =	sadd.s32 $0x200, s10  }
0x20: {  	v29 =	vadd.s32 $0xA, v0;
	[tilespmem:$0x1FFF0] =	vst v27;
	s9 =	smax.u32 s11, $0x1;
	s10 =	simm.s32 $0x80;
	s11 =	simm.s32 $0x400  }
.LBB2_1:
0x21: {  	[tilespmem:s1], [sflag:$0x1] =	stream.strided.gather [hbm4b:s6+s10], $0x5C00, s11, s10, $0x38;
	[tilespmem:$0x17200] =	vst v63  }
0x22: {  	v30 =	vimm.f32 $0.0e+00;
	s22 =	simm.s32 $0x0  }
0x23: {  	v31 =	vimm.f32 $0.0e+00;
	v32 =	vimm.f32 $0.0e+00;
	v33 =	vimm.f32 $0.0e+00;
	[tilespmem:s12], [sflag:$0x2] =	stream.strided.gather [hbm4b:s7+s10], $0x5C00, s11, s10, $0x38;
	[tilespmem:$0x17200] =	vst v63  }
.LBB2_2:
0x24: {  	s23 =	sshll.u32 s22, $0x1  }
0x25: {  	s24 =	sor.u32 s5, s23  }
0x26: {  	s24 =	sshrl.u32 s24, $0x3  }
0x27: {  	_ =	swait.ge [sflag:s13], $0x5C00;
	s25 =	sshll.u32 s22, $0x8;
	s24 =	smul.u32 $0x2E000, s24  }
0x28: {  	[sflag:s13] =	ssyncset.done $0x0;
	s25 =	sand.u32 $0x300, s25  }
0x29: {  	[sflag:s13] =	ssyncadd.s32 $0xFFFFA400;
	s24 =	sor.u32 s24, s25  }
0x2a: {  	_ =	swait.ge [sflag:s14], $0x5C00;
	s24 =	sor.u32 $0x80, s24  }
0x2b: {  	[sflag:s14] =	ssyncset.done $0x0;
	s24 =	sshrl.u32 s24, $0x3  }
0x2c: {  	[sflag:s14] =	ssyncadd.s32 $0xFFFFA400;
	s31 =	sadd.s32 s3, s24  }
0x2d: {  	[tilespmem:s15], [sflag:$0x3] =	stream.strided.gather [hbm4b:s31+s10], $0x5C00, s11, s10, $0x38;
	[tilespmem:$0x17200] =	vst v63  }
0x2e: {  	s24 =	sadd.s32 s4, s24  }
0x2f: {  	[tilespmem:s16], [sflag:$0x4] =	stream.strided.gather [hbm4b:s24+s10], $0x5C00, s11, s10, $0x38;
	[tilespmem:$0x17200] =	vst v63  }
0x30: {  	s25 =	simm.s32 $0xB40;
	s24 =	simm.s32 $0xFFFFFFF9  }
.LBB2_3:
0x31: {  	s26 =	sadd.s32 $0xFFFFF4C0, s25  }
0x32: {  	v1 =	vld [tilespmem:$0x1FE40];
	v0 =	vadd.s32 s26, v29  }
0x33: {  	v2 =	vld [tilespmem:$0x1FE50]  }
0x34: {  	v21 =	vld [tilespmem:$0x1FE30];
	v35 =	vadd.s32 s26, v43  }
0x35: {  	v6 =	vld [tilespmem:$0x1FED0]  }
0x36: {  	v36 =	vadd.s32 s26, v45;
	v13 =	vadd.s32 s26, v5;
	v5 =	vld [tilespmem:$0x1FEA0]  }
0x37: {  	v3 =	vld.idx.msk [tilespmem:v0+s12+$0x0], $0xffff  }
0x38: {  	v4 =	vld.idx.msk [tilespmem:v0+s1+$0x0], $0xffff  }
0x39: {  	v44 =	vld.idx.msk [tilespmem:v35+s12+$0x0], $0xffff  }
0x3a: {  	v34 =	vadd.s32 s26, v18;
	v45 =	vld.idx.msk [tilespmem:v35+s1+$0x0], $0xffff  }
0x3b: {  	v49 =	vld.idx.msk [tilespmem:v36+s12+$0x0], $0xffff  }
0x3c: {  	v47 =	vadd.s32 s26, v19;
	v50 =	vld.idx.msk [tilespmem:v36+s1+$0x0], $0xffff  }
0x3d: {  	v39 =	vadd.s32 s26, v22;
	v40 =	vld.idx.msk [tilespmem:v13+s12+$0x0], $0xffff  }
0x3e: {  	v51 =	vadd.s32 s26, v23;
	v41 =	vld.idx.msk [tilespmem:v13+s1+$0x0], $0xffff  }
0x3f: {  	v55 =	vadd.s32 s26, v60;
	v42 =	vld.idx.msk [tilespmem:v34+s12+$0x0], $0xffff  }
0x40: {  	v1 =	vadd.s32 s26, v1;
	v14 =	vld.idx.msk [tilespmem:v34+s1+$0x0], $0xffff  }
0x41: {  	v52 =	vld.idx.msk [tilespmem:v47+s12+$0x0], $0xffff  }
0x42: {  	v2 =	vadd.s32 s26, v2;
	v36 =	vld.idx.msk [tilespmem:v39+s12+$0x0], $0xffff  }
0x43: {  	v54 =	vld.idx.msk [tilespmem:v51+s12+$0x0], $0xffff  }
0x44: {  	v56 =	vadd.s32 s26, v58;
	v8 =	vld.idx.msk [tilespmem:v55+s12+$0x0], $0xffff  }
0x45: {  	v0 =	vadd.s32 s26, v20;
	v37 =	vld.idx.msk [tilespmem:v1+s12+$0x0], $0xffff  }
0x46: {  	v35 =	vadd.s32 s26, v26;
	v1 =	vld.idx.msk [tilespmem:v1+s1+$0x0], $0xffff  }
0x47: {  	v34 =	vadd.s32 s26, v61;
	v38 =	vld.idx.msk [tilespmem:v2+s12+$0x0], $0xffff  }
0x48: {  	v58 =	vadd.s32 s26, v59;
	v2 =	vld.idx.msk [tilespmem:v2+s1+$0x0], $0xffff  }
0x49: {  	v9 =	vld.idx.msk [tilespmem:v56+s12+$0x0], $0xffff  }
0x4a: {  	v48 =	vadd.s32 s26, v21;
	v46 =	vld.idx.msk [tilespmem:v0+s12+$0x0], $0xffff  }
0x4b: {  	v53 =	vadd.s32 s26, v24;
	v3 =	vsub.f32 v4, v3;
	v57 =	vld.idx.msk [tilespmem:v35+s12+$0x0], $0xffff  }
0x4c: {  	v15 =	vld.idx.msk [tilespmem:v34+s12+$0x0], $0xffff;
	v1 =	vsub.f32 v1, v37  }
0x4d: {  	v11 =	vld.idx.msk [tilespmem:v58+s12+$0x0], $0xffff;
	v3 =	vmul.f32 v3, v3;
	v37 =	vadd.s32 s26, v25;
	v2 =	vsub.f32 v2, v38  }
0x4e: {  	v43 =	vld.idx.msk [tilespmem:v51+s1+$0x0], $0xffff;
	v40 =	vsub.f32 v41, v40;
	v10 =	vmax.f32 v42, v52;
	v1 =	vmul.f32 v1, v1  }
0x4f: {  	v4 =	vld.idx.msk [tilespmem:v48+s12+$0x0], $0xffff;
	v42 =	vsub.f32 v14, v42;
	v62 =	vmax.f32 v46, v36;
	v2 =	vmul.f32 v2, v2  }
0x50: {  	v38 =	vld.idx.msk [tilespmem:v53+s12+$0x0], $0xffff;
	v12 =	vmax.f32 v10, v62;
	v1 =	vadd.f32 v1, v3;
	v3 =	vadd.s32 s26, v63  }
0x51: {  	v53 =	vld.idx.msk [tilespmem:v53+s1+$0x0], $0xffff;
	v40 =	vmul.f32 v40, v40;
	vm0 =	vgt.f32 v57, $0.0e+00;
	v14 =	vmax.f32 v15, v12  }
0x52: {  	vm1 =	vmneg vm0;
	vm2 =	vgt.f32 v14, $0.0e+00;
	v57 =	vld.idx.msk [tilespmem:v37+s1+$0x0], $0xffff;
	v1 =	vadd.f32 v2, v1  }
0x53: {  	v41 =	vld.idx.msk [tilespmem:v37+s12+$0x0], $0xffff;
	vm1 =	vmand vm2, vm1  }
0x54: {  	v42 =	vmul.f32 v42, v42;
	v1 =	vadd.f32 v40, v1;
	v40 =	vsel vm1, v8, v4;
	v4 =	vld.idx.msk [tilespmem:v56+s1+$0x0], $0xffff  }
0x55: {  	v13 =	vld.idx.msk [tilespmem:v3+s12+$0x0], $0xffff  }
0x56: {  	v15 =	vsub.f32 v45, v44;
	v1 =	vadd.f32 v42, v1;
	v42 =	vld.idx.msk [tilespmem:v48+s1+$0x0], $0xffff;
	v48 =	vsel vm1, v9, v38  }
0x57: {  	v44 =	vld.idx.msk [tilespmem:v55+s1+$0x0], $0xffff;
	v12 =	vadd.s32 s26, v5;
	v9 =	vmul.f32 $5.000000000e-01, v57;
	v62 =	vmul.f32 $5.000000000e-01, v48  }
0x58: {  	v5 =	vld [tilespmem:$0x1FEB0];
	v8 =	vmul.f32 $5.000000000e-01, v53;
	v38 =	vsub.f32 v50, v49;
	v49 =	vsel vm1, v11, v41  }
0x59: {  	v45 =	vld.idx.msk [tilespmem:v3+s1+$0x0], $0xffff;
	v63 =	vmul.f32 $5.000000000e-01, v49;
	v3 =	vsub.f32 v43, v9;
	v50 =	vsub.f32 v40, v62  }
0x5a: {  	v51 =	vadd.f32 v62, v40;
	v41 =	vsel vm1, v13, v54;
	v54 =	vld.idx.msk [tilespmem:v58+s1+$0x0], $0xffff;
	v58 =	vadd.f32 v9, v43  }
0x5b: {  	v13 =	vmul.f32 $5.000000000e-01, v4;
	v56 =	vsub.f32 v41, v63;
	v2 =	vadd.f32 v63, v41  }
0x5c: {  	v37 =	vmul.f32 v15, v15;
	v10 =	vsub.f32 v42, v8;
	v11 =	vadd.f32 v8, v42  }
0x5d: {  	v15 =	vadd.s32 s26, v5;
	v8 =	vsub.f32 v44, v13;
	v61 =	vadd.f32 v13, v44  }
0x5e: {  	v55 =	vmax.f32 v10, v50;
	v59 =	vmin.f32 v11, v51;
	v3 =	vmax.f32 v3, v56  }
0x5f: {  	v58 =	vmin.f32 v58, v2;
	v10 =	vadd.s32 s26, v6;
	v6 =	vld [tilespmem:$0x1FEE0];
	v14 =	vmul.f32 $5.000000000e-01, v54  }
0x60: {  	v55 =	vsub.f32 v59, v55;
	v3 =	vsub.f32 v58, v3;
	v50 =	vmax.f32 v8, v50  }
0x61: {  	v51 =	vmin.f32 v61, v51;
	v5 =	vsub.f32 v45, v14;
	v58 =	vadd.f32 v14, v45  }
0x62: {  	v9 =	vmul.f32 v57, v53;
	v63 =	vmul.f32 v49, v48;
	v50 =	vsub.f32 v51, v50  }
0x63: {  	v55 =	vmax.f32 v55, $0.0e+00;
	v5 =	vmax.f32 v5, v56;
	v2 =	vmin.f32 v58, v2  }
0x64: {  	v3 =	vmax.f32 v3, $0.0e+00;
	v13 =	vadd.s32 s26, v6;
	v6 =	vld [tilespmem:$0x1FEF0];
	v2 =	vsub.f32 v2, v5  }
0x65: {  	v11 =	vmul.f32 v54, v4;
	v3 =	vmul.f32 v3, v55;
	v56 =	vld.idx.msk [tilespmem:v12+s12+$0x0], $0xffff  }
0x66: {  	v50 =	vmax.f32 v50, $0.0e+00;
	v58 =	vadd.f32 v63, v9;
	v5 =	vld.idx.msk [tilespmem:v12+s1+$0x0], $0xffff;
	v2 =	vmax.f32 v2, $0.0e+00  }
0x67: {  	v59 =	vld.idx.msk [tilespmem:v15+s1+$0x0], $0xffff;
	v14 =	vadd.f32 v11, v63;
	v2 =	vmul.f32 v2, v50  }
0x68: {  	v12 =	vld.idx.msk [tilespmem:v15+s12+$0x0], $0xffff;
	v15 =	vsub.f32 v58, v3  }
0x69: {  	v47 =	vld.idx.msk [tilespmem:v47+s1+$0x0], $0xffff;
	v1 =	vadd.f32 v37, v1;
	v50 =	vsub.f32 v14, v2  }
0x6a: {  	v38 =	vmul.f32 v38, v38;
	v62 =	vadd.s32 s26, v6;
	v37 =	vadd.f32 $9.999999970e-07, v15;
	v6 =	vld [tilespmem:$0x1FF00]  }
0x6b: {  	v63 =	vld.idx.msk [tilespmem:v10+s12+$0x0], $0xffff;
	v5 =	vsub.f32 v5, v56;
	v50 =	vadd.f32 $9.999999970e-07, v50  }
0x6c: {  	v1 =	vadd.f32 v38, v1;
	v9 =	vld.idx.msk [tilespmem:v10+s1+$0x0], $0xffff;
	(erf) = vrcp.f32 v37  }
0x6d: {  	v11 =	vsub.f32 v59, v12;
	v12 =	vld.idx.msk [tilespmem:v13+s12+$0x0], $0xffff;
	v5 =	vmul.f32 v5, v5;
	(erf) = vrcp.f32 v50  }
0x6e: {  	v47 =	vsub.f32 v47, v52;
	v13 =	vld.idx.msk [tilespmem:v13+s1+$0x0], $0xffff  }
0x6f: {  	v10 =	vadd.s32 s26, v6;
	v14 =	vld.idx.msk [tilespmem:v62+s12+$0x0], $0xffff;
	v1 =	vadd.f32 v5, v1;
	v5 =	vmul.f32 v11, v11  }
0x70: {  	v15 =	vld.idx.msk [tilespmem:v62+s1+$0x0], $0xffff  }
0x71: {  	v38 =	vsub.f32 v9, v63;
	v1 =	vadd.f32 v5, v1;
	v5 =	vmul.f32 v47, v47  }
0x72: {  	v61 =	vadd.s32 s26, v28;
	v8 =	vld [tilespmem:$0x1FF40]  }
0x73: {  	v62 =	vld [tilespmem:$0x1FF30];
	v37 =	vsub.f32 v13, v12;
	v1 =	vadd.f32 v5, v1;
	v5 =	vmul.f32 v38, v38  }
0x74: {  	v58 =	vadd.s32 s26, v27;
	v55 =	vld.idx.msk [tilespmem:v10+s12+$0x0], $0xffff  }
0x75: {  	v51 =	vld.idx.msk [tilespmem:v10+s1+$0x0], $0xffff;
	v56 =	vsub.f32 v15, v14;
	v59 =	vpop (erf);
	v1 =	vadd.f32 v5, v1;
	v5 =	vmul.f32 v37, v37  }
0x76: {  	v37 =	vmul.f32 v59, v3;
	v60 =	vpop (erf)  }
0x77: {  	v0 =	vld.idx.msk [tilespmem:v0+s1+$0x0], $0xffff;
	v1 =	vadd.f32 v5, v1;
	v5 =	vmul.f32 v56, v56;
	v38 =	vmul.f32 v60, v2  }
0x78: {  	v52 =	vld.idx.msk [tilespmem:v61+s1+$0x0], $0xffff;
	v9 =	vadd.s32 s26, v8  }
0x79: {  	v63 =	vld.idx.msk [tilespmem:v58+s12+$0x0], $0xffff;
	v1 =	vadd.f32 v5, v1;
	v5 =	vadd.s32 s26, v62;
	vm4 =	vgt.f32 v38, v37  }
0x7a: {  	v47 =	vsub.f32 v51, v55;
	v10 =	vsel vm4, v4, v53;
	v4 =	vld.idx.msk [tilespmem:v58+s1+$0x0], $0xffff  }
0x7b: {  	v6 =	vld [tilespmem:$0x1FE40]  }
0x7c: {  	v0 =	vsub.f32 v0, v46;
	v12 =	vld.idx.msk [tilespmem:v61+s12+$0x0], $0xffff;
	v3 =	vmul.f32 v47, v47  }
0x7d: {  	v48 =	vmax.f32 v48, $9.999999970e-07;
	v46 =	vld.idx.msk [tilespmem:v9+s12+$0x0], $0xffff;
	v2 =	vmax.f32 v49, $9.999999970e-07;
	v51 =	vmax.f32 v10, $9.999999970e-07  }
0x7e: {  	s31 =	sadd.s32 $0xFFFFF6A0, s25;
	v11 =	vsel vm4, v54, v57;
	v1 =	vadd.f32 v3, v1;
	v49 =	vmul.f32 v51, v48;
	v3 =	vld.idx.msk [tilespmem:v5+s12+$0x0], $0xffff  }
0x7f: {  	v61 =	vadd.s32 s31, v29;
	v50 =	vmax.f32 v11, $9.999999970e-07;
	v5 =	vld.idx.msk [tilespmem:v5+s1+$0x0], $0xffff;
	v4 =	vsub.f32 v4, v63  }
0x80: {  	v47 =	vld.idx.msk [tilespmem:v9+s1+$0x0], $0xffff;
	v54 =	vmul.f32 v50, v2;
	v13 =	vshra.s32 v49, $0x1;
	v56 =	vmul.f32 $5.000000000e-01, v49  }
0x81: {  	v9 =	vmul.f32 v4, v4;
	v4 =	vsub.f32 v52, v12;
	v12 =	vadd.s32 s31, v6;
	v6 =	vld [tilespmem:$0x1FE50]  }
0x82: {  	v14 =	vshra.s32 v54, $0x1;
	v58 =	vmul.f32 $5.000000000e-01, v54;
	v55 =	vsub.s32 $0x5F3759DF, v13  }
0x83: {  	v0 =	vmul.f32 v0, v0;
	v57 =	vsub.s32 $0x5F3759DF, v14;
	v15 =	vmul.f32 v55, v56  }
0x84: {  	v8 =	vmul.f32 v57, v58;
	v3 =	vsub.f32 v5, v3  }
0x85: {  	v53 =	vld.idx.msk [tilespmem:v61+s12+$0x0], $0xffff;
	v0 =	vadd.f32 v0, v1;
	v10 =	vmul.f32 v55, v15;
	v13 =	vmul.f32 v4, v4  }
0x86: {  	v4 =	vld.idx.msk [tilespmem:v39+s1+$0x0], $0xffff;
	v63 =	vmul.f32 v3, v3;
	v3 =	vsub.f32 v47, v46;
	v15 =	vadd.s32 s31, v6  }
0x87: {  	v11 =	vmul.f32 v57, v8;
	v6 =	vld [tilespmem:$0x1FE60]  }
0x88: {  	v0 =	vadd.f32 v9, v0;
	v5 =	vsub.f32 $1.500000000e+00, v10;
	v9 =	vmul.f32 v3, v3;
	v3 =	vld.idx.msk [tilespmem:v12+s12+$0x0], $0xffff  }
0x89: {  	v14 =	vsub.f32 $1.500000000e+00, v11;
	v59 =	vld.idx.msk [tilespmem:v12+s1+$0x0], $0xffff;
	v12 =	vadd.s32 s31, v18  }
0x8a: {  	v0 =	vadd.f32 v13, v0;
	v5 =	vmul.f32 v55, v5;
	v55 =	vld.idx.msk [tilespmem:v61+s1+$0x0], $0xffff  }
0x8b: {  	v39 =	vmul.f32 v57, v14;
	v62 =	vld.idx.msk [tilespmem:v15+s12+$0x0], $0xffff  }
0x8c: {  	v57 =	vadd.s32 s31, v23;
	v0 =	vadd.f32 v63, v0;
	v52 =	vld.idx.msk [tilespmem:v15+s1+$0x0], $0xffff  }
0x8d: {  	v8 =	vsel vm4, v44, v42;
	v11 =	vmul.f32 v39, v58;
	v46 =	vadd.s32 s31, v6;
	v6 =	vld [tilespmem:$0x1FE80]  }
0x8e: {  	v10 =	vmul.f32 v5, v56;
	v47 =	vadd.f32 v9, v0;
	v0 =	vadd.s32 s31, v19;
	v60 =	vld.idx.msk [tilespmem:v12+s12+$0x0], $0xffff  }
0x8f: {  	v4 =	vsub.f32 v4, v36;
	v9 =	vsel vm4, v45, v43;
	v14 =	vmul.f32 v11, v39;
	v61 =	vld.idx.msk [tilespmem:v12+s1+$0x0], $0xffff  }
0x90: {  	v36 =	vsub.f32 v8, v40;
	v13 =	vmul.f32 v10, v5;
	v42 =	vsub.f32 v9, v41;
	v8 =	vld [tilespmem:$0x1FFE0]  }
0x91: {  	v3 =	vsub.f32 v59, v3;
	v59 =	vld.idx.msk [tilespmem:v57+s12+$0x0], $0xffff;
	v1 =	vsub.f32 $1.500000000e+00, v14  }
0x92: {  	v9 =	vld [tilespmem:$0x1FFA0];
	v10 =	vsub.f32 $1.500000000e+00, v13;
	v13 =	vsub.f32 v55, v53;
	v53 =	vadd.s32 s31, v24  }
0x93: {  	v44 =	vmul.f32 v1, v39;
	v1 =	vld.idx.msk [tilespmem:v0+s12+$0x0], $0xffff  }
0x94: {  	v5 =	vmul.f32 v10, v5;
	v10 =	vld [tilespmem:$0x1FFC0]  }
0x95: {  	v51 =	vadd.f32 v51, v48;
	v39 =	vadd.s32 s31, v22;
	v43 =	vld.idx.msk [tilespmem:v46+s12+$0x0], $0xffff  }
0x96: {  	v15 =	vadd.s32 s31, v6;
	v45 =	vld.idx.msk [tilespmem:v46+s1+$0x0], $0xffff;
	v11 =	vmul.f32 v5, v56  }
0x97: {  	v50 =	vadd.f32 v51, v50;
	v12 =	vmul.f32 v44, v58;
	v51 =	vld.idx.msk [tilespmem:v53+s1+$0x0], $0xffff  }
0x98: {  	v46 =	vadd.s32 s31, v20;
	v14 =	vmul.f32 v11, v5;
	v11 =	vld [tilespmem:$0x1FFD0]  }
0x99: {  	v6 =	vadd.s32 s31, v21;
	v58 =	vmul.f32 v12, v44;
	v12 =	vld [tilespmem:$0x1FFB0]  }
0x9a: {  	v63 =	vmul.f32 v36, v36;
	v36 =	vld.idx.msk [tilespmem:v39+s12+$0x0], $0xffff  }
0x9b: {  	v41 =	vadd.s32 s31, v8;
	v8 =	vadd.s32 s31, v25;
	v7 =	vld.idx.msk [tilespmem:v15+s12+$0x0], $0xffff  }
0x9c: {  	v52 =	vsub.f32 v52, v62;
	v56 =	vld.idx.msk [tilespmem:v15+s1+$0x0], $0xffff  }
0x9d: {  	v40 =	vadd.s32 s31, v26;
	v3 =	vmul.f32 v3, v3;
	v48 =	vld.idx.msk [tilespmem:v46+s12+$0x0], $0xffff  }
0x9e: {  	v52 =	vmul.f32 v52, v52;
	v10 =	vadd.s32 s31, v10;
	v55 =	vsub.f32 $1.500000000e+00, v14;
	v62 =	vld.idx.msk [tilespmem:v6+s12+$0x0], $0xffff  }
0x9f: {  	v58 =	vsub.f32 $1.500000000e+00, v58;
	v15 =	vmul.f32 v13, v13;
	v43 =	vsub.f32 v45, v43;
	v45 =	vld.idx.msk [tilespmem:v53+s12+$0x0], $0xffff  }
0xa0: {  	v14 =	vmax.f32 v60, v1;
	v13 =	vsub.f32 v61, v60;
	v61 =	vld.idx.msk [tilespmem:v8+s12+$0x0], $0xffff;
	v60 =	vadd.f32 v50, v2  }
0xa1: {  	v2 =	vld.idx.msk [tilespmem:v8+s1+$0x0], $0xffff;
	v44 =	vmul.f32 v58, v44;
	v3 =	vadd.f32 v3, v15;
	v58 =	vadd.s32 s31, v11  }
0xa2: {  	v9 =	vadd.s32 s31, v9;
	v5 =	vmul.f32 v55, v5;
	v55 =	vld.idx.msk [tilespmem:v40+s12+$0x0], $0xffff  }
0xa3: {  	v11 =	vadd.s32 s31, v12;
	v3 =	vadd.f32 v52, v3;
	v52 =	vld.idx.msk [tilespmem:v41+s12+$0x0], $0xffff  }
0xa4: {  	v44 =	vmul.f32 v44, v54;
	v54 =	vld.idx.msk [tilespmem:v10+s12+$0x0], $0xffff  }
0xa5: {  	v43 =	vmul.f32 v43, v43;
	v10 =	vld.idx.msk [tilespmem:v10+s1+$0x0], $0xffff  }
0xa6: {  	v5 =	vmul.f32 v5, v49;
	v15 =	vmax.f32 v48, v36;
	v12 =	vld.idx.msk [tilespmem:v58+s12+$0x0], $0xffff  }
0xa7: {  	v49 =	vmul.f32 v13, v13;
	v3 =	vadd.f32 v43, v3;
	v43 =	vld.idx.msk [tilespmem:v9+s12+$0x0], $0xffff;
	v13 =	vmax.f32 v14, v15  }
0xa8: {  	v5 =	vadd.f32 v44, v5;
	vm9 =	vgt.f32 v55, $0.0e+00;
	v14 =	vld.idx.msk [tilespmem:v11+s12+$0x0], $0xffff;
	v44 =	vmax.f32 v52, v13  }
0xa9: {  	v7 =	vsub.f32 v56, v7;
	vm5 =	vmneg vm9;
	v56 =	vld.idx.msk [tilespmem:v58+s1+$0x0], $0xffff;
	vm3 =	vgt.f32 v44, $0.0e+00  }
0xaa: {  	v42 =	vmul.f32 v42, v42;
	v44 =	vld.idx.msk [tilespmem:v6+s1+$0x0], $0xffff;
	vm5 =	vmand vm3, vm5  }
0xab: {  	v7 =	vmul.f32 v7, v7;
	v3 =	vadd.f32 v49, v3;
	v53 =	vsel vm5, v12, v61;
	v12 =	vld [tilespmem:$0x1FEA0]  }
0xac: {  	v6 =	vld [tilespmem:$0x1FE90];
	v52 =	vsel vm5, v54, v45  }
0xad: {  	v55 =	vadd.f32 v42, v63;
	v3 =	vadd.f32 v7, v3;
	v45 =	vld.idx.msk [tilespmem:v57+s1+$0x0], $0xffff;
	v7 =	vmul.f32 $5.000000000e-01, v52  }
0xae: {  	v58 =	vmul.f32 $5.000000000e-01, v2;
	v49 =	vld.idx.msk [tilespmem:v9+s1+$0x0], $0xffff;
	v42 =	vsel vm5, v43, v62;
	v61 =	vmul.f32 $5.000000000e-01, v51  }
0xaf: {  	v13 =	vld [tilespmem:$0x1FED0];
	v43 =	vsel vm5, v14, v59;
	v15 =	vmul.f32 $5.000000000e-01, v53;
	v54 =	vsub.f32 v42, v7  }
0xb0: {  	v9 =	vsub.f32 v44, v61;
	v59 =	vadd.f32 v61, v44;
	v61 =	vadd.s32 s31, v12  }
0xb1: {  	v63 =	vmul.f32 $5.000000000e-01, v10;
	v7 =	vadd.f32 v7, v42;
	v57 =	vsub.f32 v43, v15  }
0xb2: {  	v50 =	vld.idx.msk [tilespmem:v11+s1+$0x0], $0xffff;
	v6 =	vadd.s32 s31, v6;
	v8 =	vadd.f32 v15, v43;
	v11 =	vsub.f32 v45, v58  }
0xb3: {  	v62 =	vld [tilespmem:$0x1FEB0];
	v58 =	vadd.f32 v58, v45;
	v9 =	vmax.f32 v9, v54;
	v59 =	vmin.f32 v59, v7  }
0xb4: {  	v9 =	vsub.f32 v59, v9;
	v59 =	vadd.s32 s31, v13;
	v13 =	vsub.f32 v49, v63  }
0xb5: {  	v16 =	vld.idx.msk [tilespmem:v61+s12+$0x0], $0xffff  }
0xb6: {  	v11 =	vmax.f32 v11, v57;
	v58 =	vmin.f32 v58, v8;
	v13 =	vmax.f32 v13, v54;
	v54 =	vld.idx.msk [tilespmem:v61+s1+$0x0], $0xffff  }
0xb7: {  	v35 =	vld.idx.msk [tilespmem:v35+s1+$0x0], $0xffff;
	v63 =	vadd.f32 v63, v49;
	v11 =	vsub.f32 v58, v11;
	v58 =	vmul.f32 $5.000000000e-01, v56  }
0xb8: {  	v62 =	vadd.s32 s31, v62;
	v12 =	vld.idx.msk [tilespmem:v6+s12+$0x0], $0xffff  }
0xb9: {  	v6 =	vld.idx.msk [tilespmem:v6+s1+$0x0], $0xffff;
	v7 =	vmin.f32 v63, v7;
	v15 =	vsub.f32 v50, v58;
	v58 =	vadd.f32 v58, v50  }
0xba: {  	v34 =	vld.idx.msk [tilespmem:v34+s1+$0x0], $0xffff;
	v14 =	vmul.f32 v53, v52;
	v9 =	vmax.f32 v9, $0.0e+00;
	v7 =	vsub.f32 v7, v13  }
0xbb: {  	v15 =	vmax.f32 v15, v57;
	v8 =	vmin.f32 v58, v8;
	v58 =	vsub.f32 v54, v16;
	v16 =	vld [tilespmem:$0x1FEF0]  }
0xbc: {  	v17 =	vld [tilespmem:$0x1FEE0];
	v63 =	vmul.f32 v2, v51;
	v11 =	vmax.f32 v11, $0.0e+00;
	v8 =	vsub.f32 v8, v15  }
0xbd: {  	v61 =	vmul.f32 v56, v10;
	v13 =	vld.idx.msk [tilespmem:v62+s1+$0x0], $0xffff;
	v9 =	vmul.f32 v11, v9;
	v7 =	vmax.f32 v7, $0.0e+00  }
0xbe: {  	v6 =	vsub.f32 v6, v12;
	v12 =	vld.idx.msk [tilespmem:v62+s12+$0x0], $0xffff;
	v62 =	vadd.f32 v14, v63;
	v8 =	vmax.f32 v8, $0.0e+00  }
0xbf: {  	v0 =	vld.idx.msk [tilespmem:v0+s1+$0x0], $0xffff;
	v63 =	vadd.f32 v61, v14;
	v7 =	vmul.f32 v8, v7  }
0xc0: {  	v5 =	vadd.f32 v5, v5;
	v61 =	vsub.f32 v62, v9;
	v62 =	vld.idx.msk [tilespmem:v59+s12+$0x0], $0xffff;
	v16 =	vadd.s32 s31, v16  }
0xc1: {  	v6 =	vmul.f32 v6, v6;
	v8 =	vsub.f32 v63, v7;
	v63 =	vld.idx.msk [tilespmem:v59+s1+$0x0], $0xffff  }
0xc2: {  	v5 =	vsub.f32 v60, v5;
	v57 =	vadd.s32 s31, v17  }
0xc3: {  	v54 =	vld [tilespmem:$0x1FF00];
	v3 =	vadd.f32 v6, v3;
	v6 =	vmul.f32 v58, v58;
	v12 =	vsub.f32 v13, v12  }
0xc4: {  	vm0 =	vmor vm0, vm2;
	v0 =	vsub.f32 v0, v1;
	v5 =	vadd.f32 v5, v55;
	v55 =	vld.idx.msk [tilespmem:v46+s1+$0x0], $0xffff  }
0xc5: {  	v14 =	vadd.f32 $9.999999970e-07, v61;
	v3 =	vadd.f32 v6, v3;
	v12 =	vmul.f32 v12, v12;
	v61 =	vld.idx.msk [tilespmem:v16+s12+$0x0], $0xffff  }
0xc6: {  	v0 =	vmul.f32 v0, v0;
	v60 =	vsel vm4, v34, v35;
	v11 =	vsub.f32 v63, v62;
	v62 =	vld.idx.msk [tilespmem:v16+s1+$0x0], $0xffff  }
0xc7: {  	v5 =	vnsel vm0, $0x0, v5;
	v58 =	vld.idx.msk [tilespmem:v57+s1+$0x0], $0xffff;
	v8 =	vadd.f32 $9.999999970e-07, v8;
	v3 =	vadd.f32 v12, v3  }
0xc8: {  	v59 =	vmax.f32 v37, v38;
	v6 =	vld.idx.msk [tilespmem:v57+s12+$0x0], $0xffff;
	(erf) = vrcp.f32 v14;
	v13 =	vadd.s32 s31, v54  }
0xc9: {  	(erf) = vrcp.f32 v8;
	v0 =	vadd.f32 v0, v3;
	v3 =	vmul.f32 v11, v11  }
0xca: {  	v33 =	vadd.f32 v5, v33;
	v17 =	vld [tilespmem:$0x1FE40];
	v8 =	vsub.f32 v60, v59  }
0xcb: {  	v38 =	vadd.s32 s31, v27;
	v0 =	vadd.f32 v3, v0;
	v3 =	vsub.f32 v62, v61  }
0xcc: {  	v14 =	vmul.f32 v60, v60;
	v60 =	vsub.f32 v55, v48;
	v8 =	vmul.f32 v8, v8  }
0xcd: {  	v1 =	vsub.f32 v58, v6;
	v5 =	vld.idx.msk [tilespmem:v13+s12+$0x0], $0xffff;
	v58 =	vmul.f32 v3, v3;
	v3 =	vadd.s32 s31, v28  }
0xce: {  	s28 =	sadd.s32 $0xFFFFF880, s25;
	v4 =	vmul.f32 v4, v4;
	v6 =	vld.idx.msk [tilespmem:v13+s1+$0x0], $0xffff;
	v8 =	vnsel vm0, $0x0, v8  }
0xcf: {  	v32 =	vadd.f32 v8, v32;
	v8 =	vmul.f32 v60, v60;
	v60 =	vadd.s32 s28, v17;
	v17 =	vld [tilespmem:$0x1FE50]  }
0xd0: {  	v63 =	vmul.f32 v35, v35;
	v35 =	vmul.f32 v34, v34;
	v61 =	vld.idx.msk [tilespmem:v38+s1+$0x0], $0xffff  }
0xd1: {  	v57 =	vpop (erf);
	v62 =	vld [tilespmem:$0x1FF40]  }
0xd2: {  	v4 =	vadd.f32 v4, v47;
	v11 =	vadd.f32 v35, v63;
	v1 =	vmul.f32 v1, v1;
	v16 =	vpop (erf);
	v63 =	vld.idx.msk [tilespmem:v3+s12+$0x0], $0xffff  }
0xd3: {  	v46 =	vmul.f32 v57, v9;
	v5 =	vsub.f32 v6, v5;
	v47 =	vmul.f32 v16, v7;
	v3 =	vld.idx.msk [tilespmem:v3+s1+$0x0], $0xffff  }
0xd4: {  	v54 =	vnsel vm0, $0x0, v14;
	v13 =	vmax.f32 v52, $9.999999970e-07;
	v0 =	vadd.f32 v1, v0;
	v7 =	vld [tilespmem:$0x1FF30]  }
0xd5: {  	v6 =	vsub.f32 v11, v54;
	v59 =	vmul.f32 v5, v5;
	v5 =	vld.idx.msk [tilespmem:v38+s12+$0x0], $0xffff;
	vm10 =	vgt.f32 v47, v46  }
0xd6: {  	v11 =	vadd.s32 s31, v62;
	v10 =	vsel vm10, v10, v51;
	v2 =	vsel vm10, v56, v2  }
0xd7: {  	v39 =	vld.idx.msk [tilespmem:v39+s1+$0x0], $0xffff;
	v0 =	vadd.f32 v58, v0;
	v10 =	vmax.f32 v10, $9.999999970e-07;
	v14 =	vmax.f32 v2, $9.999999970e-07  }
0xd8: {  	v2 =	vmax.f32 v53, $9.999999970e-07;
	v3 =	vsub.f32 v3, v63;
	v63 =	vadd.s32 s28, v17;
	v17 =	vld [tilespmem:$0x1FE60]  }
0xd9: {  	v37 =	vld.idx.msk [tilespmem:v40+s1+$0x0], $0xffff;
	v0 =	vadd.f32 v59, v0;
	v7 =	vadd.s32 s31, v7;
	v15 =	vmul.f32 v10, v13  }
0xda: {  	v31 =	vadd.f32 v6, v31;
	v38 =	vld.idx.msk [tilespmem:v41+s1+$0x0], $0xffff;
	v6 =	vmul.f32 v14, v2;
	v5 =	vsub.f32 v61, v5  }
0xdb: {  	v0 =	vadd.f32 v8, v0;
	v16 =	vshra.s32 v15, $0x1;
	v34 =	vld.idx.msk [tilespmem:v11+s12+$0x0], $0xffff  }
0xdc: {  	v56 =	vshra.s32 v6, $0x1;
	v48 =	vmul.f32 $5.000000000e-01, v6;
	v5 =	vmul.f32 v5, v5;
	v9 =	vld.idx.msk [tilespmem:v11+s1+$0x0], $0xffff  }
0xdd: {  	v57 =	vsub.s32 $0x5F3759DF, v16;
	v16 =	vsub.s32 $0x5F3759DF, v56;
	v56 =	vadd.s32 s28, v17;
	v17 =	vld [tilespmem:$0x1FE80]  }
0xde: {  	v51 =	vadd.s32 s28, v29;
	v35 =	vmul.f32 $5.000000000e-01, v15;
	v1 =	vld.idx.msk [tilespmem:v7+s12+$0x0], $0xffff  }
0xdf: {  	v59 =	vmul.f32 v16, v48;
	v0 =	vadd.f32 v5, v0;
	v7 =	vld.idx.msk [tilespmem:v7+s1+$0x0], $0xffff;
	v3 =	vmul.f32 v3, v3  }
0xe0: {  	v11 =	vld.idx.msk [tilespmem:v60+s1+$0x0], $0xffff;
	v58 =	vmul.f32 v57, v35  }
0xe1: {  	v62 =	vmul.f32 v16, v59;
	v0 =	vadd.f32 v3, v0;
	v3 =	vsub.f32 v9, v34;
	v9 =	vld.idx.msk [tilespmem:v60+s12+$0x0], $0xffff  }
0xe2: {  	v61 =	vmul.f32 v57, v58;
	v60 =	vadd.s32 s28, v17;
	v17 =	vld [tilespmem:$0x1FE90]  }
0xe3: {  	v12 =	vld.idx.msk [tilespmem:v51+s1+$0x0], $0xffff;
	v55 =	vsub.f32 $1.500000000e+00, v62  }
0xe4: {  	v5 =	vld.idx.msk [tilespmem:v51+s12+$0x0], $0xffff;
	v1 =	vsub.f32 v7, v1;
	v7 =	vsub.f32 $1.500000000e+00, v61  }
0xe5: {  	v8 =	vmul.f32 v16, v55;
	v16 =	vadd.s32 s28, v18;
	v53 =	vld.idx.msk [tilespmem:v63+s1+$0x0], $0xffff  }
0xe6: {  	v7 =	vmul.f32 v57, v7;
	v57 =	vmul.f32 v3, v3;
	v3 =	vld.idx.msk [tilespmem:v63+s12+$0x0], $0xffff  }
0xe7: {  	v4 =	vnsel vm0, $0x0, v4;
	v63 =	vadd.s32 s28, v17;
	v17 =	vld [tilespmem:$0x1FFE0]  }
0xe8: {  	v10 =	vadd.f32 v10, v13;
	v13 =	vadd.s32 s28, v21;
	v34 =	vadd.f32 v4, v30;
	v4 =	vld.idx.msk [tilespmem:v56+s12+$0x0], $0xffff  }
0xe9: {  	v5 =	vsub.f32 v12, v5;
	v55 =	vadd.s32 s28, v23;
	v1 =	vmul.f32 v1, v1;
	v41 =	vld.idx.msk [tilespmem:v56+s1+$0x0], $0xffff  }
0xea: {  	v9 =	vsub.f32 v11, v9;
	v56 =	vsel vm10, v49, v44;
	v44 =	vld.idx.msk [tilespmem:v16+s12+$0x0], $0xffff  }
0xeb: {  	v5 =	vmul.f32 v5, v5;
	v59 =	vmul.f32 v8, v48;
	v0 =	vadd.f32 v1, v0;
	v16 =	vld.idx.msk [tilespmem:v16+s1+$0x0], $0xffff  }
0xec: {  	v58 =	vmul.f32 v7, v35;
	v9 =	vmul.f32 v9, v9;
	v40 =	vadd.s32 s28, v17;
	v17 =	vld [tilespmem:$0x1FFA0]  }
0xed: {  	v62 =	vmul.f32 v59, v8;
	v1 =	vadd.s32 s28, v19;
	v3 =	vsub.f32 v53, v3;
	v53 =	vld.idx.msk [tilespmem:v13+s12+$0x0], $0xffff  }
0xee: {  	v11 =	vadd.s32 s28, v24;
	v61 =	vmul.f32 v58, v7;
	v5 =	vadd.f32 v9, v5;
	v9 =	vld.idx.msk [tilespmem:v55+s12+$0x0], $0xffff  }
0xef: {  	v30 =	vadd.f32 v57, v0;
	v57 =	vsel vm10, v50, v45;
	v58 =	vsub.f32 $1.500000000e+00, v62;
	v50 =	vld.idx.msk [tilespmem:v60+s12+$0x0], $0xffff  }
0xf0: {  	v45 =	vadd.s32 s28, v20;
	v0 =	vsub.f32 $1.500000000e+00, v61;
	v49 =	vld.idx.msk [tilespmem:v60+s1+$0x0], $0xffff  }
0xf1: {  	v43 =	vsub.f32 v57, v43;
	v8 =	vmul.f32 v58, v8;
	v58 =	vadd.s32 s28, v17;
	v17 =	vld [tilespmem:$0x1FFC0]  }
0xf2: {  	v57 =	vadd.s32 s28, v25;
	v3 =	vmul.f32 v3, v3;
	v7 =	vmul.f32 v0, v7;
	v0 =	vld.idx.msk [tilespmem:v1+s12+$0x0], $0xffff  }
0xf3: {  	v51 =	vsub.f32 v39, v36;
	v36 =	vadd.s32 s28, v22;
	v4 =	vsub.f32 v41, v4;
	v41 =	vld.idx.msk [tilespmem:v11+s12+$0x0], $0xffff  }
0xf4: {  	v59 =	vmul.f32 v8, v48;
	v3 =	vadd.f32 v3, v5;
	v5 =	vld [tilespmem:$0x1FFB0]  }
0xf5: {  	v10 =	vadd.f32 v10, v14;
	v48 =	vld.idx.msk [tilespmem:v45+s12+$0x0], $0xffff  }
0xf6: {  	v35 =	vmul.f32 v7, v35;
	v61 =	vmul.f32 v59, v8;
	v59 =	vadd.s32 s28, v17;
	v17 =	vld [tilespmem:$0x1FFD0]  }
0xf7: {  	v62 =	vsub.f32 v16, v44;
	v16 =	vld.idx.msk [tilespmem:v57+s12+$0x0], $0xffff  }
0xf8: {  	v39 =	vadd.s32 s28, v26;
	v10 =	vadd.f32 v10, v2;
	v60 =	vmul.f32 v35, v7;
	v35 =	vld.idx.msk [tilespmem:v36+s12+$0x0], $0xffff  }
0xf9: {  	v42 =	vsub.f32 v56, v42;
	v2 =	vld.idx.msk [tilespmem:v57+s1+$0x0], $0xffff;
	v56 =	vsub.f32 $1.500000000e+00, v61;
	v5 =	vadd.s32 s28, v5  }
0xfa: {  	v54 =	vld.idx.msk [tilespmem:v63+s12+$0x0], $0xffff;
	v12 =	vsub.f32 $1.500000000e+00, v60  }
0xfb: {  	v52 =	vld.idx.msk [tilespmem:v63+s1+$0x0], $0xffff;
	v8 =	vmul.f32 v56, v8;
	v56 =	vadd.s32 s28, v17  }
0xfc: {  	v7 =	vmul.f32 v12, v7;
	v60 =	vld.idx.msk [tilespmem:v40+s12+$0x0], $0xffff  }
0xfd: {  	v4 =	vmul.f32 v4, v4;
	v63 =	vmax.f32 v44, v0;
	v12 =	vld.idx.msk [tilespmem:v39+s12+$0x0], $0xffff;
	v61 =	vmax.f32 v48, v35  }
0xfe: {  	v7 =	vmul.f32 v7, v15;
	v15 =	vmax.f32 v63, v61;
	v63 =	vld.idx.msk [tilespmem:v5+s12+$0x0], $0xffff  }
0xff: {  	v42 =	vmul.f32 v42, v42;
	v3 =	vadd.f32 v4, v3;
	v6 =	vmul.f32 v8, v6;
	v4 =	vld.idx.msk [tilespmem:v58+s12+$0x0], $0xffff  }
0x100: {  	v43 =	vmul.f32 v43, v43;
	v8 =	vmul.f32 v62, v62;
	v62 =	vld.idx.msk [tilespmem:v56+s12+$0x0], $0xffff  }
0x101: {  	v6 =	vadd.f32 v6, v7;
	v7 =	vsub.f32 v49, v50;
	v44 =	vmax.f32 v60, v15;
	v14 =	vld.idx.msk [tilespmem:v59+s12+$0x0], $0xffff  }
0x102: {  	v3 =	vadd.f32 v8, v3;
	vm11 =	vgt.f32 v12, $0.0e+00;
	vm13 =	vgt.f32 v44, $0.0e+00;
	v44 =	vld.idx.msk [tilespmem:v55+s1+$0x0], $0xffff  }
0x103: {  	v61 =	vmul.f32 $5.000000000e-01, v2;
	v50 =	vld.idx.msk [tilespmem:v11+s1+$0x0], $0xffff;
	v7 =	vmul.f32 v7, v7;
	vm12 =	vmneg vm11  }
0x104: {  	v11 =	vadd.f32 v43, v42;
	v12 =	vsub.f32 v52, v54;
	vm5 =	vmand vm13, vm12;
	v17 =	vld [tilespmem:$0x1FEA0]  }
0x105: {  	v43 =	vld.idx.msk [tilespmem:v13+s1+$0x0], $0xffff;
	v7 =	vadd.f32 v7, v3;
	v42 =	vsel vm5, v63, v9;
	v49 =	vsel vm5, v62, v16  }
0x106: {  	v3 =	vsel vm5, v14, v41;
	v41 =	vsel vm5, v4, v53;
	v15 =	vld.idx.msk [tilespmem:v56+s1+$0x0], $0xffff;
	v4 =	vmul.f32 $5.000000000e-01, v49  }
0x107: {  	v52 =	vadd.f32 v61, v44;
	v53 =	vmax.f32 v46, v47;
	v47 =	vld.idx.msk [tilespmem:v5+s1+$0x0], $0xffff;
	v5 =	vsub.f32 v44, v61  }
0x108: {  	v16 =	vsub.f32 v42, v4;
	v4 =	vadd.f32 v4, v42  }
0x109: {  	v8 =	vld.idx.msk [tilespmem:v59+s1+$0x0], $0xffff;
	v56 =	vadd.s32 s28, v17  }
0x10a: {  	v60 =	vmul.f32 $5.000000000e-01, v50;
	v5 =	vmax.f32 v5, v16;
	v52 =	vmin.f32 v52, v4  }
0x10b: {  	v5 =	vsub.f32 v52, v5;
	v52 =	vmul.f32 $5.000000000e-01, v15  }
0x10c: {  	v46 =	vld.idx.msk [tilespmem:v58+s1+$0x0], $0xffff;
	v14 =	vadd.f32 v60, v43;
	v57 =	vmul.f32 $5.000000000e-01, v3;
	v62 =	vsub.f32 v43, v60  }
0x10d: {  	v17 =	vld [tilespmem:$0x1FEB0];
	v60 =	vsub.f32 v47, v52;
	v52 =	vadd.f32 v52, v47  }
0x10e: {  	v63 =	vmul.f32 $5.000000000e-01, v8;
	v13 =	vadd.f32 v57, v41;
	v61 =	vld.idx.msk [tilespmem:v56+s12+$0x0], $0xffff  }
0x10f: {  	v9 =	vsub.f32 v41, v57;
	v56 =	vld.idx.msk [tilespmem:v56+s1+$0x0], $0xffff;
	v16 =	vmax.f32 v60, v16;
	v4 =	vmin.f32 v52, v4  }
0x110: {  	v14 =	vmin.f32 v14, v13;
	v4 =	vsub.f32 v4, v16;
	v16 =	vld [tilespmem:$0x1FED0]  }
0x111: {  	v58 =	vsub.f32 v46, v63;
	v57 =	vadd.f32 v63, v46;
	v54 =	vmax.f32 v62, v9  }
0x112: {  	v14 =	vsub.f32 v14, v54;
	v54 =	vadd.s32 s28, v17;
	v17 =	vld [tilespmem:$0x1FEE0]  }
0x113: {  	v9 =	vmax.f32 v58, v9;
	v13 =	vmin.f32 v57, v13  }
0x114: {  	v6 =	vadd.f32 v6, v6;
	v9 =	vsub.f32 v13, v9  }
0x115: {  	v59 =	vmul.f32 v49, v3;
	v63 =	vsub.f32 v56, v61;
	v56 =	vld [tilespmem:$0x1FEF0];
	v16 =	vadd.s32 s28, v16  }
0x116: {  	v1 =	vld.idx.msk [tilespmem:v1+s1+$0x0], $0xffff;
	v58 =	vmul.f32 v2, v50;
	v14 =	vmax.f32 v14, $0.0e+00;
	v9 =	vmax.f32 v9, $0.0e+00  }
0x117: {  	v5 =	vmax.f32 v5, $0.0e+00;
	v57 =	vadd.s32 s28, v17;
	v17 =	vld [tilespmem:$0x1FF00];
	v60 =	vmul.f32 v15, v8  }
0x118: {  	v13 =	vld.idx.msk [tilespmem:v54+s12+$0x0], $0xffff;
	v5 =	vmul.f32 v5, v14;
	v52 =	vadd.f32 v59, v58;
	v4 =	vmax.f32 v4, $0.0e+00  }
0x119: {  	v12 =	vmul.f32 v12, v12;
	v54 =	vld.idx.msk [tilespmem:v54+s1+$0x0], $0xffff;
	v62 =	vadd.f32 v60, v59;
	v4 =	vmul.f32 v4, v9  }
0x11a: {  	v6 =	vsub.f32 v10, v6;
	v10 =	vadd.s32 s28, v56;
	v52 =	vsub.f32 v52, v5;
	v59 =	vld.idx.msk [tilespmem:v16+s12+$0x0], $0xffff  }
0x11b: {  	vm1 =	vmor vm9, vm3;
	v0 =	vsub.f32 v1, v0;
	v9 =	vsub.f32 v62, v4;
	v16 =	vld.idx.msk [tilespmem:v16+s1+$0x0], $0xffff  }
0x11c: {  	v7 =	vadd.f32 v12, v7;
	v60 =	vadd.s32 s28, v17;
	v17 =	vld [tilespmem:$0x1FE40];
	v52 =	vadd.f32 $9.999999970e-07, v52  }
0x11d: {  	v55 =	vsel vm10, v38, v37;
	v6 =	vadd.f32 v6, v11;
	v62 =	vld.idx.msk [tilespmem:v57+s12+$0x0], $0xffff;
	v9 =	vadd.f32 $9.999999970e-07, v9  }
0x11e: {  	v61 =	vsub.f32 v55, v53;
	v58 =	vmul.f32 v63, v63;
	(erf) = vrcp.f32 v52;
	v52 =	vld.idx.msk [tilespmem:v57+s1+$0x0], $0xffff  }
0x11f: {  	v56 =	vmul.f32 v51, v51;
	v13 =	vsub.f32 v54, v13;
	v57 =	vld.idx.msk [tilespmem:v10+s12+$0x0], $0xffff;
	(erf) = vrcp.f32 v9  }
0x120: {  	v7 =	vadd.f32 v58, v7;
	v10 =	vld.idx.msk [tilespmem:v10+s1+$0x0], $0xffff;
	v58 =	vsub.f32 v16, v59;
	v16 =	vadd.s32 s28, v27  }
0x121: {  	v11 =	vmul.f32 v61, v61;
	v63 =	vmul.f32 v13, v13;
	v9 =	vadd.f32 v56, v30;
	v30 =	vld.idx.msk [tilespmem:v45+s1+$0x0], $0xffff  }
0x122: {  	v0 =	vmul.f32 v0, v0;
	v6 =	vnsel vm1, $0x0, v6;
	v56 =	vld [tilespmem:$0x1FF40]  }
0x123: {  	v33 =	vadd.f32 v6, v33;
	v6 =	vnsel vm1, $0x0, v11;
	v7 =	vadd.f32 v63, v7;
	v59 =	vld.idx.msk [tilespmem:v60+s12+$0x0], $0xffff  }
0x124: {  	v32 =	vadd.f32 v6, v32;
	v6 =	vmul.f32 v37, v37;
	v60 =	vld.idx.msk [tilespmem:v60+s1+$0x0], $0xffff  }
0x125: {  	v51 =	vadd.s32 s28, v28;
	v63 =	vmul.f32 v55, v55;
	v0 =	vadd.f32 v0, v7;
	v45 =	vld.idx.msk [tilespmem:v16+s12+$0x0], $0xffff  }
0x126: {  	v61 =	vsub.f32 v52, v62;
	v62 =	vmul.f32 v38, v38;
	v7 =	vmul.f32 v58, v58;
	v53 =	vld.idx.msk [tilespmem:v16+s1+$0x0], $0xffff  }
0x127: {  	v1 =	vsub.f32 v10, v57;
	v52 =	vpop (erf);
	v14 =	vadd.s32 s28, v56;
	v16 =	vld [tilespmem:$0x1FF30]  }
0x128: {  	s29 =	sadd.s32 $0xFFFFFA60, s25;
	v10 =	vnsel vm1, $0x0, v63;
	v6 =	vadd.f32 v62, v6;
	v54 =	vpop (erf);
	v0 =	vadd.f32 v7, v0  }
0x129: {  	v7 =	vmul.f32 v61, v61;
	v4 =	vmul.f32 v54, v4;
	v54 =	vadd.s32 s29, v29  }
0x12a: {  	v6 =	vsub.f32 v6, v10;
	v56 =	vadd.s32 s29, v17;
	v17 =	vld [tilespmem:$0x1FE60]  }
0x12b: {  	v58 =	vld.idx.msk [tilespmem:v51+s1+$0x0], $0xffff;
	v0 =	vadd.f32 v7, v0;
	v7 =	vsub.f32 v60, v59  }
0x12c: {  	v5 =	vmul.f32 v52, v5;
	v61 =	vld.idx.msk [tilespmem:v14+s12+$0x0], $0xffff;
	v16 =	vadd.s32 s28, v16  }
0x12d: {  	v55 =	vmul.f32 v7, v7;
	v7 =	vsub.f32 v30, v48;
	v30 =	vadd.f32 v6, v31;
	v6 =	vld.idx.msk [tilespmem:v14+s1+$0x0], $0xffff  }
0x12e: {  	v1 =	vmul.f32 v1, v1;
	vm14 =	vgt.f32 v4, v5;
	v12 =	vld.idx.msk [tilespmem:v54+s12+$0x0], $0xffff  }
0x12f: {  	v3 =	vmax.f32 v3, $9.999999970e-07;
	v8 =	vsel vm14, v8, v50;
	v14 =	vld.idx.msk [tilespmem:v54+s1+$0x0], $0xffff  }
0x130: {  	v0 =	vadd.f32 v1, v0;
	v8 =	vmax.f32 v8, $9.999999970e-07;
	v57 =	vmul.f32 v7, v7;
	v7 =	vld.idx.msk [tilespmem:v51+s12+$0x0], $0xffff  }
0x131: {  	v2 =	vsel vm14, v15, v2;
	v13 =	vmul.f32 v8, v3;
	v59 =	vld.idx.msk [tilespmem:v16+s12+$0x0], $0xffff  }
0x132: {  	v1 =	vmax.f32 v49, $9.999999970e-07;
	v0 =	vadd.f32 v55, v0;
	v11 =	vsub.f32 v53, v45;
	v60 =	vld.idx.msk [tilespmem:v16+s1+$0x0], $0xffff  }
0x133: {  	v49 =	vmax.f32 v5, v4;
	v62 =	vshra.s32 v13, $0x1;
	v45 =	vmul.f32 $5.000000000e-01, v13  }
0x134: {  	v0 =	vadd.f32 v57, v0;
	v11 =	vmul.f32 v11, v11;
	v63 =	vsub.s32 $0x5F3759DF, v62  }
0x135: {  	v38 =	vld.idx.msk [tilespmem:v39+s1+$0x0], $0xffff;
	v52 =	vmul.f32 v63, v45;
	v12 =	vsub.f32 v14, v12;
	v16 =	vmax.f32 v2, $9.999999970e-07  }
0x136: {  	v14 =	vadd.s32 s29, v24;
	v7 =	vsub.f32 v58, v7;
	v58 =	vld [tilespmem:$0x1FE50];
	v48 =	vmul.f32 v16, v1  }
0x137: {  	v39 =	vld.idx.msk [tilespmem:v40+s1+$0x0], $0xffff;
	v0 =	vadd.f32 v11, v0;
	v10 =	vsub.f32 v60, v59;
	v59 =	vadd.s32 s29, v17  }
0x138: {  	v53 =	vld.idx.msk [tilespmem:v36+s1+$0x0], $0xffff;
	v11 =	vmul.f32 v63, v52;
	v31 =	vshra.s32 v48, $0x1;
	v37 =	vmul.f32 $5.000000000e-01, v48  }
0x139: {  	v5 =	vsel vm14, v47, v44;
	v7 =	vmul.f32 v7, v7;
	v55 =	vsub.s32 $0x5F3759DF, v31;
	v17 =	vld [tilespmem:$0x1FE80]  }
0x13a: {  	v54 =	vld.idx.msk [tilespmem:v56+s1+$0x0], $0xffff;
	v2 =	vsub.f32 v6, v61;
	v6 =	vsub.f32 $1.500000000e+00, v11;
	v31 =	vmul.f32 v55, v37  }
0x13b: {  	v0 =	vadd.f32 v7, v0;
	v44 =	vld.idx.msk [tilespmem:v14+s12+$0x0], $0xffff;
	v11 =	vadd.s32 s29, v58;
	v7 =	vmul.f32 v10, v10  }
0x13c: {  	v6 =	vmul.f32 v63, v6;
	v57 =	vmul.f32 v55, v31;
	v63 =	vld.idx.msk [tilespmem:v59+s12+$0x0], $0xffff  }
0x13d: {  	v0 =	vadd.f32 v7, v0;
	v7 =	vsub.f32 v53, v35;
	v35 =	vadd.s32 s29, v20;
	v58 =	vld.idx.msk [tilespmem:v59+s1+$0x0], $0xffff  }
0x13e: {  	v10 =	vsub.f32 $1.500000000e+00, v57;
	v62 =	vadd.s32 s29, v17;
	v17 =	vld [tilespmem:$0x1FFE0]  }
0x13f: {  	v52 =	vmul.f32 v7, v7;
	v7 =	vld.idx.msk [tilespmem:v56+s12+$0x0], $0xffff  }
0x140: {  	v10 =	vmul.f32 v55, v10;
	v55 =	vadd.s32 s29, v18;
	v56 =	vld.idx.msk [tilespmem:v11+s12+$0x0], $0xffff  }
0x141: {  	v4 =	vsel vm14, v46, v43;
	v53 =	vmul.f32 v6, v45;
	v11 =	vld.idx.msk [tilespmem:v11+s1+$0x0], $0xffff  }
0x142: {  	v4 =	vsub.f32 v4, v41;
	v3 =	vadd.f32 v8, v3;
	v8 =	vadd.s32 s29, v21;
	v46 =	vld.idx.msk [tilespmem:v35+s12+$0x0], $0xffff  }
0x143: {  	v2 =	vmul.f32 v2, v2;
	v60 =	vmul.f32 v53, v6;
	v53 =	vadd.s32 s29, v25;
	v50 =	vld.idx.msk [tilespmem:v62+s12+$0x0], $0xffff  }
0x144: {  	v5 =	vsub.f32 v5, v42;
	v41 =	vadd.s32 s29, v17;
	v17 =	vld [tilespmem:$0x1FFA0]  }
0x145: {  	v9 =	vnsel vm1, $0x0, v9;
	v4 =	vmul.f32 v4, v4;
	v0 =	vadd.f32 v2, v0;
	v42 =	vld.idx.msk [tilespmem:v55+s12+$0x0], $0xffff  }
0x146: {  	v5 =	vmul.f32 v5, v5;
	v3 =	vadd.f32 v3, v16;
	v31 =	vadd.f32 v9, v34;
	v47 =	vld.idx.msk [tilespmem:v55+s1+$0x0], $0xffff  }
0x147: {  	v36 =	vadd.f32 v52, v0;
	v61 =	vmul.f32 v10, v37;
	v9 =	vsub.f32 v11, v56;
	v11 =	vld.idx.msk [tilespmem:v8+s12+$0x0], $0xffff  }
0x148: {  	v57 =	vsub.f32 $1.500000000e+00, v60;
	v0 =	vadd.s32 s29, v19;
	v43 =	vsub.f32 v58, v63;
	v58 =	vld.idx.msk [tilespmem:v53+s12+$0x0], $0xffff  }
0x149: {  	v4 =	vadd.f32 v5, v4;
	v5 =	vadd.f32 v3, v1;
	v2 =	vmul.f32 v61, v10;
	v1 =	vld.idx.msk [tilespmem:v53+s1+$0x0], $0xffff  }
0x14a: {  	v6 =	vmul.f32 v57, v6;
	v7 =	vsub.f32 v54, v7;
	v54 =	vadd.s32 s29, v17;
	v17 =	vld [tilespmem:$0x1FFC0]  }
0x14b: {  	v51 =	vadd.s32 s29, v23;
	v53 =	vld [tilespmem:$0x1FE90];
	v2 =	vsub.f32 $1.500000000e+00, v2  }
0x14c: {  	v34 =	vadd.s32 s29, v22;
	v59 =	vmul.f32 v6, v45;
	v45 =	vld.idx.msk [tilespmem:v62+s1+$0x0], $0xffff  }
0x14d: {  	v10 =	vmul.f32 v2, v10;
	v2 =	vld.idx.msk [tilespmem:v0+s12+$0x0], $0xffff  }
0x14e: {  	v40 =	vadd.s32 s29, v26;
	v12 =	vmul.f32 v12, v12;
	v7 =	vmul.f32 v7, v7;
	v0 =	vld.idx.msk [tilespmem:v0+s1+$0x0], $0xffff  }
0x14f: {  	v61 =	vmul.f32 v10, v37;
	v55 =	vadd.s32 s29, v17;
	v17 =	vld [tilespmem:$0x1FFD0]  }
0x150: {  	v60 =	vmul.f32 v59, v6;
	v7 =	vadd.f32 v7, v12;
	v12 =	vld.idx.msk [tilespmem:v51+s12+$0x0], $0xffff  }
0x151: {  	v37 =	vld.idx.msk [tilespmem:v34+s12+$0x0], $0xffff;
	v52 =	vmul.f32 v61, v10  }
0x152: {  	v63 =	vmul.f32 v43, v43;
	v9 =	vmul.f32 v9, v9;
	v43 =	vld.idx.msk [tilespmem:v41+s12+$0x0], $0xffff;
	v15 =	vsub.f32 $1.500000000e+00, v60  }
0x153: {  	v16 =	vsub.f32 v47, v42;
	v62 =	vsub.f32 $1.500000000e+00, v52;
	v52 =	vld.idx.msk [tilespmem:v40+s12+$0x0], $0xffff  }
0x154: {  	v7 =	vadd.f32 v9, v7;
	v56 =	vadd.s32 s29, v17;
	v17 =	vld [tilespmem:$0x1FFB0]  }
0x155: {  	v45 =	vsub.f32 v45, v50;
	v50 =	vld.idx.msk [tilespmem:v14+s1+$0x0], $0xffff;
	v6 =	vmul.f32 v15, v6;
	v59 =	vmul.f32 v16, v16  }
0x156: {  	v16 =	vmax.f32 v42, v2;
	v9 =	vld.idx.msk [tilespmem:v54+s12+$0x0], $0xffff;
	v61 =	vmax.f32 v46, v37;
	v10 =	vmul.f32 v62, v10  }
0x157: {  	v6 =	vmul.f32 v6, v13;
	v47 =	vld.idx.msk [tilespmem:v54+s1+$0x0], $0xffff;
	v16 =	vmax.f32 v16, v61  }
0x158: {  	v16 =	vmax.f32 v43, v16;
	v10 =	vmul.f32 v10, v48;
	v60 =	vld.idx.msk [tilespmem:v55+s12+$0x0], $0xffff;
	vm15 =	vgt.f32 v52, $0.0e+00  }
0x159: {  	v43 =	vld.idx.msk [tilespmem:v8+s1+$0x0], $0xffff;
	vm9 =	vgt.f32 v16, $0.0e+00;
	vm8 =	vmneg vm15;
	v57 =	vadd.s32 s29, v17  }
0x15a: {  	v6 =	vadd.f32 v10, v6;
	vm5 =	vmand vm9, vm8;
	v17 =	vld [tilespmem:$0x1FEA0]  }
0x15b: {  	v7 =	vadd.f32 v63, v7;
	v52 =	vmul.f32 v45, v45;
	v45 =	vsel vm5, v9, v11;
	v11 =	vld.idx.msk [tilespmem:v55+s1+$0x0], $0xffff  }
0x15c: {  	vm2 =	vmor vm11, vm13;
	v0 =	vsub.f32 v0, v2;
	v6 =	vadd.f32 v6, v6;
	v62 =	vld.idx.msk [tilespmem:v56+s12+$0x0], $0xffff  }
0x15d: {  	v7 =	vadd.f32 v59, v7;
	v3 =	vsel vm5, v60, v44;
	v44 =	vld.idx.msk [tilespmem:v51+s1+$0x0], $0xffff;
	v60 =	vmul.f32 $5.000000000e-01, v50  }
0x15e: {  	v8 =	vadd.s32 s29, v53;
	v16 =	vmul.f32 $5.000000000e-01, v1;
	v5 =	vsub.f32 v5, v6;
	v63 =	vld.idx.msk [tilespmem:v57+s12+$0x0], $0xffff  }
0x15f: {  	v7 =	vadd.f32 v52, v7;
	v61 =	vsub.f32 v43, v60;
	v54 =	vadd.s32 s29, v17;
	v17 =	vld [tilespmem:$0x1FEB0]  }
0x160: {  	v52 =	vsel vm14, v39, v38;
	v13 =	vadd.f32 v60, v43;
	v4 =	vadd.f32 v5, v4  }
0x161: {  	v5 =	vsub.f32 v52, v49;
	v51 =	vsel vm5, v62, v58;
	v58 =	vmul.f32 $5.000000000e-01, v3  }
0x162: {  	v14 =	vld.idx.msk [tilespmem:v56+s1+$0x0], $0xffff;
	v62 =	vsub.f32 v44, v16;
	v16 =	vadd.f32 v16, v44;
	v59 =	vmul.f32 $5.000000000e-01, v51  }
0x163: {  	v48 =	vld.idx.msk [tilespmem:v57+s1+$0x0], $0xffff;
	v60 =	vmul.f32 v51, v3;
	v10 =	vadd.f32 v58, v45;
	v42 =	vsel vm5, v63, v12  }
0x164: {  	v12 =	vsub.f32 v45, v58;
	v56 =	vadd.s32 s29, v17;
	v63 =	vmul.f32 $5.000000000e-01, v11;
	v17 =	vld [tilespmem:$0x1FED0]  }
0x165: {  	v13 =	vmin.f32 v13, v10;
	v58 =	vld.idx.msk [tilespmem:v8+s12+$0x0], $0xffff;
	v15 =	vsub.f32 v42, v59;
	v9 =	vadd.f32 v59, v42  }
0x166: {  	v8 =	vld.idx.msk [tilespmem:v8+s1+$0x0], $0xffff;
	v53 =	vmax.f32 v61, v12;
	v59 =	vsub.f32 v47, v63;
	v57 =	vadd.f32 v63, v47  }
0x167: {  	v55 =	vmax.f32 v62, v15;
	v16 =	vmin.f32 v16, v9;
	v13 =	vsub.f32 v13, v53;
	v62 =	vld.idx.msk [tilespmem:v54+s12+$0x0], $0xffff  }
0x168: {  	v53 =	vmul.f32 $5.000000000e-01, v14;
	v54 =	vld.idx.msk [tilespmem:v54+s1+$0x0], $0xffff;
	v16 =	vsub.f32 v16, v55;
	v12 =	vmax.f32 v59, v12  }
0x169: {  	v10 =	vmin.f32 v57, v10;
	v59 =	vmul.f32 v1, v50;
	v55 =	vadd.s32 s29, v17;
	v17 =	vld [tilespmem:$0x1FEE0]  }
0x16a: {  	v61 =	vsub.f32 v48, v53;
	v53 =	vadd.f32 v53, v48;
	v13 =	vmax.f32 v13, $0.0e+00  }
0x16b: {  	v10 =	vsub.f32 v10, v12;
	v8 =	vsub.f32 v8, v58;
	v12 =	vld.idx.msk [tilespmem:v56+s12+$0x0], $0xffff;
	v16 =	vmax.f32 v16, $0.0e+00  }
0x16c: {  	v15 =	vmax.f32 v61, v15;
	v9 =	vmin.f32 v53, v9;
	v13 =	vmul.f32 v16, v13;
	v16 =	vld.idx.msk [tilespmem:v56+s1+$0x0], $0xffff  }
0x16d: {  	v5 =	vmul.f32 v5, v5;
	v9 =	vsub.f32 v9, v15;
	v63 =	vsub.f32 v54, v62  }
0x16e: {  	v61 =	vmul.f32 v14, v11;
	v53 =	vadd.f32 v60, v59;
	v56 =	vadd.s32 s29, v17;
	v17 =	vld [tilespmem:$0x1FEF0]  }
0x16f: {  	v10 =	vmax.f32 v10, $0.0e+00;
	v9 =	vmax.f32 v9, $0.0e+00;
	v62 =	vmul.f32 v63, v63;
	v63 =	vld.idx.msk [tilespmem:v55+s1+$0x0], $0xffff  }
0x170: {  	v8 =	vmul.f32 v8, v8;
	v9 =	vmul.f32 v9, v10;
	v10 =	vadd.f32 v61, v60;
	v60 =	vld.idx.msk [tilespmem:v55+s12+$0x0], $0xffff  }
0x171: {  	v4 =	vnsel vm2, $0x0, v4;
	v53 =	vsub.f32 v53, v13;
	v12 =	vsub.f32 v16, v12;
	v16 =	vld [tilespmem:$0x1FF00]  }
0x172: {  	v33 =	vadd.f32 v4, v33;
	v4 =	vnsel vm2, $0x0, v5;
	v7 =	vadd.f32 v8, v7  }
0x173: {  	v53 =	vadd.f32 $9.999999970e-07, v53;
	v10 =	vsub.f32 v10, v9;
	v61 =	vadd.s32 s29, v17  }
0x174: {  	v5 =	vmul.f32 v38, v38;
	v38 =	vld.idx.msk [tilespmem:v40+s1+$0x0], $0xffff;
	v6 =	vadd.f32 v62, v7;
	v55 =	vmul.f32 v12, v12  }
0x175: {  	v0 =	vmul.f32 v0, v0;
	(erf) = vrcp.f32 v53;
	v10 =	vadd.f32 $9.999999970e-07, v10;
	v7 =	vld.idx.msk [tilespmem:v56+s12+$0x0], $0xffff  }
0x176: {  	v56 =	vld.idx.msk [tilespmem:v56+s1+$0x0], $0xffff;
	v6 =	vadd.f32 v55, v6;
	v59 =	vsub.f32 v63, v60;
	v16 =	vadd.s32 s29, v16  }
0x177: {  	v17 =	vld [tilespmem:$0x1FF30];
	(erf) = vrcp.f32 v10  }
0x178: {  	v62 =	vadd.s32 s29, v27;
	v0 =	vadd.f32 v0, v6;
	v6 =	vmul.f32 v59, v59;
	v58 =	vld.idx.msk [tilespmem:v61+s12+$0x0], $0xffff  }
0x179: {  	v60 =	vld.idx.msk [tilespmem:v61+s1+$0x0], $0xffff  }
0x17a: {  	v0 =	vadd.f32 v6, v0;
	v6 =	vld.idx.msk [tilespmem:v35+s1+$0x0], $0xffff  }
0x17b: {  	v61 =	vld.idx.msk [tilespmem:v16+s12+$0x0], $0xffff  }
0x17c: {  	v2 =	vsub.f32 v56, v7;
	v7 =	vmul.f32 v39, v39;
	v39 =	vadd.s32 s29, v28;
	v63 =	vld.idx.msk [tilespmem:v16+s1+$0x0], $0xffff  }
0x17d: {  	v53 =	vld.idx.msk [tilespmem:v62+s1+$0x0], $0xffff;
	v55 =	vadd.s32 s29, v17  }
0x17e: {  	v2 =	vmul.f32 v2, v2;
	v10 =	vsub.f32 v60, v58;
	v58 =	vld [tilespmem:$0x1FF40]  }
0x17f: {  	v35 =	vadd.f32 v4, v32;
	v17 =	vld [tilespmem:$0x1FE40];
	v4 =	vadd.f32 v7, v5;
	v5 =	vmul.f32 v52, v52;
	v16 =	vpop (erf)  }
0x180: {  	v7 =	vld.idx.msk [tilespmem:v62+s12+$0x0], $0xffff;
	v0 =	vadd.f32 v2, v0;
	v6 =	vsub.f32 v6, v46;
	v54 =	vpop (erf);
	v52 =	vmul.f32 v10, v10  }
0x181: {  	s30 =	sadd.s32 $0xFFFFFC40, s25;
	v13 =	vmul.f32 v16, v13;
	v57 =	vld.idx.msk [tilespmem:v39+s12+$0x0], $0xffff;
	v8 =	vsub.f32 v63, v61;
	v9 =	vmul.f32 v54, v9  }
0x182: {  	v2 =	vld.idx.msk [tilespmem:v55+s12+$0x0], $0xffff;
	v59 =	vmul.f32 v6, v6;
	v61 =	vadd.s32 s30, v29;
	v0 =	vadd.f32 v52, v0  }
0x183: {  	v6 =	vld.idx.msk [tilespmem:v39+s1+$0x0], $0xffff;
	v56 =	vmul.f32 v8, v8;
	vm10 =	vgt.f32 v9, v13;
	v15 =	vadd.s32 s29, v58  }
0x184: {  	v5 =	vnsel vm2, $0x0, v5;
	v1 =	vsel vm10, v14, v1;
	v14 =	vld.idx.msk [tilespmem:v55+s1+$0x0], $0xffff  }
0x185: {  	v11 =	vsel vm10, v11, v50;
	v0 =	vadd.f32 v56, v0;
	v56 =	vadd.s32 s30, v17;
	v17 =	vld [tilespmem:$0x1FE50]  }
0x186: {  	v4 =	vsub.f32 v4, v5;
	v7 =	vsub.f32 v53, v7;
	v39 =	vld.idx.msk [tilespmem:v41+s1+$0x0], $0xffff;
	v10 =	vmax.f32 v11, $9.999999970e-07  }
0x187: {  	v11 =	vmax.f32 v3, $9.999999970e-07;
	v16 =	vmax.f32 v1, $9.999999970e-07;
	v3 =	vmax.f32 v51, $9.999999970e-07;
	v53 =	vld.idx.msk [tilespmem:v61+s1+$0x0], $0xffff  }
0x188: {  	v7 =	vmul.f32 v7, v7;
	v6 =	vsub.f32 v6, v57;
	v51 =	vmul.f32 v16, v3;
	v1 =	vld.idx.msk [tilespmem:v15+s12+$0x0], $0xffff  }
0x189: {  	v12 =	vmul.f32 v10, v11;
	v0 =	vadd.f32 v59, v0;
	v2 =	vsub.f32 v14, v2;
	v14 =	vld.idx.msk [tilespmem:v61+s12+$0x0], $0xffff  }
0x18a: {  	v57 =	vshra.s32 v51, $0x1;
	v52 =	vmul.f32 $5.000000000e-01, v51;
	v59 =	vadd.s32 s30, v17;
	v17 =	vld [tilespmem:$0x1FE60]  }
0x18b: {  	v60 =	vshra.s32 v12, $0x1;
	v46 =	vmul.f32 $5.000000000e-01, v12;
	v62 =	vld.idx.msk [tilespmem:v15+s1+$0x0], $0xffff;
	v58 =	vsub.s32 $0x5F3759DF, v57  }
0x18c: {  	v63 =	vsub.s32 $0x5F3759DF, v60;
	v0 =	vadd.f32 v7, v0;
	v7 =	vld.idx.msk [tilespmem:v34+s1+$0x0], $0xffff;
	v5 =	vmul.f32 v58, v52  }
0x18d: {  	v32 =	vmul.f32 v63, v46;
	v8 =	vld.idx.msk [tilespmem:v56+s12+$0x0], $0xffff  }
0x18e: {  	v5 =	vmul.f32 v58, v5;
	v14 =	vsub.f32 v53, v14;
	v53 =	vld [tilespmem:$0x1FFB0]  }
0x18f: {  	v6 =	vmul.f32 v6, v6;
	v32 =	vmul.f32 v63, v32;
	v60 =	vadd.s32 s30, v17;
	v17 =	vld [tilespmem:$0x1FE80]  }
0x190: {  	v15 =	vadd.s32 s30, v18;
	v61 =	vsub.f32 $1.500000000e+00, v5;
	v5 =	vld.idx.msk [tilespmem:v59+s12+$0x0], $0xffff  }
0x191: {  	v0 =	vadd.f32 v6, v0;
	v2 =	vmul.f32 v2, v2;
	v6 =	vsub.f32 $1.500000000e+00, v32;
	v54 =	vld.idx.msk [tilespmem:v59+s1+$0x0], $0xffff  }
0x192: {  	v34 =	vadd.f32 v4, v30;
	v30 =	vnsel vm2, $0x0, v36;
	v57 =	vadd.s32 s30, v24;
	v59 =	vld [tilespmem:$0x1FE90]  }
0x193: {  	v0 =	vadd.f32 v2, v0;
	v1 =	vsub.f32 v62, v1;
	v4 =	vmul.f32 v63, v6;
	v6 =	vld.idx.msk [tilespmem:v56+s1+$0x0], $0xffff  }
0x194: {  	v32 =	vadd.f32 v30, v31;
	v2 =	vmul.f32 v58, v61;
	v63 =	vadd.s32 s30, v17;
	v56 =	vld.idx.msk [tilespmem:v60+s12+$0x0], $0xffff  }
0x195: {  	v40 =	vsub.f32 v7, v37;
	v31 =	vsel vm10, v48, v44;
	v62 =	vmul.f32 v4, v46;
	v7 =	vld.idx.msk [tilespmem:v60+s1+$0x0], $0xffff  }
0x196: {  	v48 =	vadd.s32 s30, v21;
	v61 =	vmul.f32 v2, v52;
	v60 =	vsel vm10, v47, v43;
	v43 =	vld.idx.msk [tilespmem:v15+s12+$0x0], $0xffff  }
0x197: {  	v31 =	vsub.f32 v31, v42;
	v1 =	vmul.f32 v1, v1;
	v58 =	vmul.f32 v62, v4;
	v17 =	vld [tilespmem:$0x1FFE0]  }
0x198: {  	v42 =	vadd.s32 s30, v22;
	v15 =	vld.idx.msk [tilespmem:v15+s1+$0x0], $0xffff;
	v37 =	vmul.f32 v61, v2;
	v62 =	vsub.f32 v60, v45  }
0x199: {  	v36 =	vadd.f32 v1, v0;
	v30 =	vadd.s32 s30, v59;
	v0 =	vsub.f32 $1.500000000e+00, v58;
	v45 =	vld.idx.msk [tilespmem:v63+s12+$0x0], $0xffff  }
0x19a: {  	v44 =	vmul.f32 v62, v62;
	v47 =	vld.idx.msk [tilespmem:v63+s1+$0x0], $0xffff;
	v63 =	vmul.f32 v31, v31;
	v31 =	vsub.f32 $1.500000000e+00, v37  }
0x19b: {  	v5 =	vsub.f32 v54, v5;
	v54 =	vld.idx.msk [tilespmem:v57+s12+$0x0], $0xffff;
	v6 =	vsub.f32 v6, v8;
	v4 =	vmul.f32 v0, v4  }
0x19c: {  	v0 =	vadd.f32 v63, v44;
	v44 =	vmul.f32 v31, v2;
	v31 =	vadd.s32 s30, v17;
	v17 =	vld [tilespmem:$0x1FFA0]  }
0x19d: {  	v1 =	vadd.s32 s30, v19;
	v8 =	vld.idx.msk [tilespmem:v48+s12+$0x0], $0xffff  }
0x19e: {  	v14 =	vmul.f32 v14, v14;
	v58 =	vadd.s32 s30, v25;
	v6 =	vmul.f32 v6, v6;
	v55 =	vld.idx.msk [tilespmem:v30+s12+$0x0], $0xffff  }
0x19f: {  	v41 =	vadd.s32 s30, v20;
	v50 =	vmax.f32 v13, v9;
	v10 =	vadd.f32 v10, v11;
	v13 =	vld.idx.msk [tilespmem:v30+s1+$0x0], $0xffff  }
0x1a0: {  	v37 =	vld.idx.msk [tilespmem:v42+s12+$0x0], $0xffff;
	v6 =	vadd.f32 v6, v14;
	v14 =	vadd.s32 s30, v53;
	v7 =	vsub.f32 v7, v56  }
0x1a1: {  	v5 =	vmul.f32 v5, v5;
	v49 =	vmul.f32 v4, v46;
	v60 =	vadd.s32 s30, v17;
	v17 =	vld [tilespmem:$0x1FFC0]  }
0x1a2: {  	v10 =	vadd.f32 v10, v16;
	v46 =	vadd.s32 s30, v23;
	v2 =	vld.idx.msk [tilespmem:v1+s12+$0x0], $0xffff;
	v7 =	vmul.f32 v7, v7  }
0x1a3: {  	v16 =	vld.idx.msk [tilespmem:v58+s12+$0x0], $0xffff;
	v5 =	vadd.f32 v5, v6;
	v9 =	vmul.f32 v49, v4;
	v52 =	vmul.f32 v44, v52  }
0x1a4: {  	v30 =	vadd.s32 s30, v26;
	v49 =	vld.idx.msk [tilespmem:v41+s12+$0x0], $0xffff  }
0x1a5: {  	v5 =	vadd.f32 v7, v5;
	v9 =	vsub.f32 $1.500000000e+00, v9;
	v7 =	vld.idx.msk [tilespmem:v14+s12+$0x0], $0xffff;
	v11 =	vmul.f32 v52, v44  }
0x1a6: {  	v61 =	vadd.s32 s30, v17;
	v17 =	vld [tilespmem:$0x1FFD0]  }
0x1a7: {  	v4 =	vmul.f32 v9, v4;
	v53 =	vld.idx.msk [tilespmem:v31+s12+$0x0], $0xffff;
	v9 =	vsub.f32 $1.500000000e+00, v11  }
0x1a8: {  	v59 =	vld.idx.msk [tilespmem:v46+s12+$0x0], $0xffff  }
0x1a9: {  	v11 =	vld.idx.msk [tilespmem:v30+s12+$0x0], $0xffff;
	v63 =	vmax.f32 v49, v37;
	v9 =	vmul.f32 v9, v44;
	v44 =	vmax.f32 v43, v2  }
0x1aa: {  	v44 =	vmax.f32 v44, v63;
	v63 =	vsub.f32 v47, v45;
	v45 =	vld.idx.msk [tilespmem:v48+s1+$0x0], $0xffff  }
0x1ab: {  	v15 =	vsub.f32 v15, v43;
	v6 =	vld.idx.msk [tilespmem:v60+s12+$0x0], $0xffff;
	v62 =	vadd.s32 s30, v17  }
0x1ac: {  	v56 =	vmax.f32 v53, v44;
	v53 =	vld.idx.msk [tilespmem:v57+s1+$0x0], $0xffff  }
0x1ad: {  	v15 =	vmul.f32 v15, v15;
	v9 =	vmul.f32 v9, v51;
	v51 =	vld.idx.msk [tilespmem:v58+s1+$0x0], $0xffff  }
0x1ae: {  	v4 =	vmul.f32 v4, v12;
	v12 =	vld.idx.msk [tilespmem:v61+s12+$0x0], $0xffff  }
0x1af: {  	v10 =	vadd.f32 v10, v3;
	v5 =	vadd.f32 v15, v5;
	v17 =	vld [tilespmem:$0x1FEA0]  }
0x1b0: {  	vm11 =	vgt.f32 v11, $0.0e+00;
	v4 =	vadd.f32 v9, v4;
	v9 =	vmul.f32 v63, v63;
	v43 =	vld.idx.msk [tilespmem:v62+s12+$0x0], $0xffff  }
0x1b1: {  	vm13 =	vgt.f32 v56, $0.0e+00;
	vm12 =	vmneg vm11;
	v48 =	vmul.f32 $5.000000000e-01, v53  }
0x1b2: {  	v46 =	vld.idx.msk [tilespmem:v46+s1+$0x0], $0xffff;
	v11 =	vsub.f32 v13, v55;
	vm4 =	vmand vm13, vm12;
	v5 =	vadd.f32 v9, v5  }
0x1b3: {  	v44 =	vsel vm4, v6, v8;
	v13 =	vadd.f32 v48, v45;
	v3 =	vsel vm4, v12, v54;
	v15 =	vld.idx.msk [tilespmem:v62+s1+$0x0], $0xffff  }
0x1b4: {  	v62 =	vsub.f32 v45, v48;
	v57 =	vadd.s32 s30, v17;
	v17 =	vld [tilespmem:$0x1FEB0];
	v12 =	vmul.f32 $5.000000000e-01, v3  }
0x1b5: {  	v54 =	vsel vm4, v43, v16;
	v43 =	vsel vm4, v7, v59;
	v7 =	vld.idx.msk [tilespmem:v61+s1+$0x0], $0xffff;
	v61 =	vmul.f32 $5.000000000e-01, v51  }
0x1b6: {  	v8 =	vsub.f32 v44, v12;
	v12 =	vadd.f32 v12, v44;
	v6 =	vmul.f32 $5.000000000e-01, v54  }
0x1b7: {  	v47 =	vld.idx.msk [tilespmem:v60+s1+$0x0], $0xffff;
	v63 =	vsub.f32 v46, v61;
	v55 =	vadd.f32 v61, v46  }
0x1b8: {  	v48 =	vld.idx.msk [tilespmem:v14+s1+$0x0], $0xffff;
	v16 =	vsub.f32 v43, v6;
	v6 =	vadd.f32 v6, v43  }
0x1b9: {  	v58 =	vadd.s32 s30, v17;
	v56 =	vmax.f32 v62, v8;
	v13 =	vmin.f32 v13, v12;
	v17 =	vld [tilespmem:$0x1FED0]  }
0x1ba: {  	v14 =	vmax.f32 v63, v16;
	v55 =	vmin.f32 v55, v6;
	v59 =	vmul.f32 $5.000000000e-01, v7  }
0x1bb: {  	v13 =	vsub.f32 v13, v56;
	v14 =	vsub.f32 v55, v14;
	v55 =	vmul.f32 $5.000000000e-01, v15  }
0x1bc: {  	v60 =	vsub.f32 v47, v59;
	v59 =	vadd.f32 v59, v47  }
0x1bd: {  	v61 =	vmul.f32 v54, v3;
	v63 =	vld.idx.msk [tilespmem:v57+s12+$0x0], $0xffff;
	v62 =	vsub.f32 v48, v55;
	v55 =	vadd.f32 v55, v48  }
0x1be: {  	v56 =	vadd.s32 s30, v17;
	v57 =	vld.idx.msk [tilespmem:v57+s1+$0x0], $0xffff;
	v8 =	vmax.f32 v60, v8;
	v12 =	vmin.f32 v59, v12  }
0x1bf: {  	v17 =	vld [tilespmem:$0x1FEF0];
	v60 =	vmul.f32 v51, v53;
	v16 =	vmax.f32 v62, v16;
	v6 =	vmin.f32 v55, v6  }
0x1c0: {  	v1 =	vld.idx.msk [tilespmem:v1+s1+$0x0], $0xffff;
	v13 =	vmax.f32 v13, $0.0e+00;
	v8 =	vsub.f32 v12, v8;
	v6 =	vsub.f32 v6, v16  }
0x1c1: {  	v14 =	vmax.f32 v14, $0.0e+00;
	v16 =	vld [tilespmem:$0x1FEE0];
	v55 =	vadd.f32 v61, v60;
	v60 =	vmul.f32 v11, v11  }
0x1c2: {  	v12 =	vld.idx.msk [tilespmem:v58+s12+$0x0], $0xffff;
	v62 =	vmul.f32 v15, v7;
	v8 =	vmax.f32 v8, $0.0e+00;
	v6 =	vmax.f32 v6, $0.0e+00  }
0x1c3: {  	v13 =	vmul.f32 v14, v13;
	v58 =	vld.idx.msk [tilespmem:v58+s1+$0x0], $0xffff;
	v5 =	vadd.f32 v60, v5;
	v6 =	vmul.f32 v6, v8  }
0x1c4: {  	v60 =	vld.idx.msk [tilespmem:v56+s1+$0x0], $0xffff;
	v8 =	vadd.f32 v62, v61;
	v61 =	vsub.f32 v57, v63;
	v57 =	vadd.s32 s30, v17  }
0x1c5: {  	v4 =	vadd.f32 v4, v4;
	v62 =	vsub.f32 v55, v13;
	v55 =	vld.idx.msk [tilespmem:v56+s12+$0x0], $0xffff  }
0x1c6: {  	v17 =	vld [tilespmem:$0x1FF00];
	v16 =	vadd.s32 s30, v16  }
0x1c7: {  	v4 =	vsub.f32 v10, v4  }
0x1c8: {  	v52 =	vsel vm10, v39, v38;
	v14 =	vadd.f32 $9.999999970e-07, v62  }
0x1c9: {  	v0 =	vadd.f32 v4, v0;
	v12 =	vsub.f32 v58, v12;
	v63 =	vmul.f32 v61, v61;
	v4 =	vld.idx.msk [tilespmem:v57+s12+$0x0], $0xffff  }
0x1ca: {  	(erf) = vrcp.f32 v14;
	v14 =	vsub.f32 v52, v50;
	v50 =	vsub.f32 v60, v55;
	v55 =	vld.idx.msk [tilespmem:v57+s1+$0x0], $0xffff  }
0x1cb: {  	v1 =	vsub.f32 v1, v2;
	v8 =	vsub.f32 v8, v6;
	v62 =	vadd.s32 s30, v17;
	v61 =	vld.idx.msk [tilespmem:v16+s12+$0x0], $0xffff  }
0x1cc: {  	v12 =	vmul.f32 v12, v12;
	v5 =	vadd.f32 v63, v5;
	v57 =	vmul.f32 v40, v40;
	v63 =	vld.idx.msk [tilespmem:v16+s1+$0x0], $0xffff  }
0x1cd: {  	v8 =	vadd.f32 $9.999999970e-07, v8  }
0x1ce: {  	v1 =	vmul.f32 v1, v1;
	v5 =	vadd.f32 v12, v5;
	v11 =	vadd.f32 v57, v36;
	v57 =	vld [tilespmem:$0x1FF30]  }
0x1cf: {  	(erf) = vrcp.f32 v8  }
0x1d0: {  	vm1 =	vmor vm15, vm9;
	v1 =	vadd.f32 v1, v5;
	v59 =	vld.idx.msk [tilespmem:v62+s12+$0x0], $0xffff  }
0x1d1: {  	v5 =	vmul.f32 v50, v50;
	v60 =	vsub.f32 v63, v61;
	v61 =	vld.idx.msk [tilespmem:v62+s1+$0x0], $0xffff;
	v62 =	vadd.s32 s30, v27  }
0x1d2: {  	v0 =	vnsel vm1, $0x0, v0;
	v52 =	vmul.f32 v52, v52;
	v2 =	vmul.f32 v14, v14  }
0x1d3: {  	v17 =	vld [tilespmem:$0x1FE40];
	v1 =	vadd.f32 v5, v1;
	v8 =	vadd.s32 s30, v57;
	v5 =	vmul.f32 v60, v60  }
0x1d4: {  	v36 =	vadd.f32 v0, v33;
	v2 =	vnsel vm1, $0x0, v2;
	v4 =	vsub.f32 v55, v4;
	v63 =	vld.idx.msk [tilespmem:v41+s1+$0x0], $0xffff  }
0x1d5: {  	v58 =	vld [tilespmem:$0x1FF40];
	v50 =	vmul.f32 v39, v39;
	v35 =	vadd.f32 v2, v35;
	v41 =	vmul.f32 v38, v38  }
0x1d6: {  	s31 =	sadd.s32 $0xFFFFFE20, s25;
	v4 =	vmul.f32 v4, v4;
	v1 =	vadd.f32 v5, v1;
	v9 =	vsub.f32 v61, v59;
	v56 =	vld.idx.msk [tilespmem:v62+s12+$0x0], $0xffff  }
0x1d7: {  	v55 =	vadd.s32 s30, v28;
	v2 =	vadd.f32 v50, v41;
	v0 =	vld.idx.msk [tilespmem:v62+s1+$0x0], $0xffff;
	v61 =	vadd.s32 s31, v29;
	v5 =	vpop (erf)  }
0x1d8: {  	v14 =	vld.idx.msk [tilespmem:v8+s12+$0x0], $0xffff;
	v1 =	vadd.f32 v4, v1;
	v16 =	vpop (erf);
	v40 =	vmul.f32 v5, v13;
	v4 =	vmul.f32 v9, v9  }
0x1d9: {  	v5 =	vsub.f32 v63, v49;
	v63 =	vadd.s32 s31, v17;
	v17 =	vld [tilespmem:$0x1FE50];
	v41 =	vmul.f32 v16, v6  }
0x1da: {  	v8 =	vld.idx.msk [tilespmem:v8+s1+$0x0], $0xffff;
	v9 =	vadd.s32 s30, v58;
	v6 =	vnsel vm1, $0x0, v52;
	v1 =	vadd.f32 v4, v1  }
0x1db: {  	v4 =	vmul.f32 v5, v5;
	v2 =	vsub.f32 v2, v6;
	v6 =	vld.idx.msk [tilespmem:v42+s1+$0x0], $0xffff;
	vm14 =	vgt.f32 v41, v40  }
0x1dc: {  	v3 =	vmax.f32 v3, $9.999999970e-07;
	v12 =	vmax.f32 v54, $9.999999970e-07;
	v5 =	vsel vm14, v7, v53;
	v7 =	vld.idx.msk [tilespmem:v55+s12+$0x0], $0xffff  }
0x1dd: {  	v1 =	vadd.f32 v4, v1;
	v4 =	vld.idx.msk [tilespmem:v55+s1+$0x0], $0xffff;
	v59 =	vsel vm14, v15, v51;
	v5 =	vmax.f32 v5, $9.999999970e-07  }
0x1de: {  	v10 =	vmax.f32 v59, $9.999999970e-07;
	v58 =	vadd.s32 s31, v17;
	v17 =	vld [tilespmem:$0x1FE60];
	v13 =	vmul.f32 v5, v3  }
0x1df: {  	v33 =	vld.idx.msk [tilespmem:v61+s1+$0x0], $0xffff;
	v16 =	vmul.f32 v10, v12  }
0x1e0: {  	v0 =	vsub.f32 v0, v56;
	v39 =	vld.idx.msk [tilespmem:v9+s12+$0x0], $0xffff;
	v60 =	vshra.s32 v13, $0x1;
	v38 =	vmul.f32 $5.000000000e-01, v13  }
0x1e1: {  	v51 =	vld.idx.msk [tilespmem:v63+s1+$0x0], $0xffff;
	v62 =	vshra.s32 v16, $0x1;
	v50 =	vmul.f32 $5.000000000e-01, v16;
	v15 =	vsub.s32 $0x5F3759DF, v60  }
0x1e2: {  	v4 =	vsub.f32 v4, v7;
	v7 =	vld.idx.msk [tilespmem:v9+s1+$0x0], $0xffff;
	v49 =	vsub.s32 $0x5F3759DF, v62;
	v56 =	vmul.f32 v15, v38  }
0x1e3: {  	v9 =	vld.idx.msk [tilespmem:v61+s12+$0x0], $0xffff;
	v57 =	vmul.f32 v49, v50;
	v61 =	vadd.s32 s31, v17  }
0x1e4: {  	v17 =	vld [tilespmem:$0x1FE90];
	v59 =	vmul.f32 v4, v4;
	v4 =	vmul.f32 v15, v56  }
0x1e5: {  	v0 =	vmul.f32 v0, v0;
	v60 =	vmul.f32 v49, v57;
	v57 =	vld [tilespmem:$0x1FE80]  }
0x1e6: {  	v8 =	vsub.f32 v8, v14;
	v62 =	vsub.f32 $1.500000000e+00, v4;
	v4 =	vld.idx.msk [tilespmem:v63+s12+$0x0], $0xffff  }
0x1e7: {  	v0 =	vadd.f32 v0, v1;
	v63 =	vadd.s32 s31, v18;
	v56 =	vsub.f32 v7, v39;
	v7 =	vld.idx.msk [tilespmem:v58+s12+$0x0], $0xffff  }
0x1e8: {  	v8 =	vmul.f32 v8, v8;
	v52 =	vld.idx.msk [tilespmem:v61+s12+$0x0], $0xffff  }
0x1e9: {  	v0 =	vadd.f32 v59, v0;
	v14 =	vsub.f32 $1.500000000e+00, v60;
	v60 =	vadd.s32 s31, v17;
	v17 =	vld [tilespmem:$0x1FEA0]  }
0x1ea: {  	v54 =	vld.idx.msk [tilespmem:v61+s1+$0x0], $0xffff  }
0x1eb: {  	v0 =	vadd.f32 v8, v0;
	v8 =	vmul.f32 v49, v14;
	v14 =	vld.idx.msk [tilespmem:v58+s1+$0x0], $0xffff  }
0x1ec: {  	v42 =	vadd.s32 s31, v20;
	v6 =	vsub.f32 v6, v37;
	v1 =	vmul.f32 v15, v62;
	v55 =	vld.idx.msk [tilespmem:v63+s12+$0x0], $0xffff  }
0x1ed: {  	v34 =	vadd.f32 v2, v34;
	v2 =	vmul.f32 v56, v56;
	v15 =	vadd.s32 s31, v57;
	v53 =	vld.idx.msk [tilespmem:v63+s1+$0x0], $0xffff  }
0x1ee: {  	v61 =	vmul.f32 v6, v6;
	v58 =	vmul.f32 v1, v38;
	v63 =	vadd.s32 s31, v17;
	v17 =	vld [tilespmem:$0x1FEB0]  }
0x1ef: {  	v49 =	vsel vm14, v47, v45;
	v57 =	vsel vm14, v48, v46;
	v0 =	vadd.f32 v2, v0  }
0x1f0: {  	v46 =	vadd.s32 s31, v22;
	v59 =	vmul.f32 v8, v50;
	v6 =	vmul.f32 v58, v1;
	v2 =	vld.idx.msk [tilespmem:v60+s12+$0x0], $0xffff  }
0x1f1: {  	v39 =	vadd.f32 v61, v0;
	v0 =	vsub.f32 v49, v44;
	v49 =	vld.idx.msk [tilespmem:v42+s12+$0x0], $0xffff  }
0x1f2: {  	v62 =	vmul.f32 v59, v8;
	v56 =	vsub.f32 $1.500000000e+00, v6;
	v6 =	vld.idx.msk [tilespmem:v15+s12+$0x0], $0xffff  }
0x1f3: {  	v11 =	vnsel vm1, $0x0, v11;
	v58 =	vadd.s32 s31, v17;
	v17 =	vld [tilespmem:$0x1FFE0]  }
0x1f4: {  	v37 =	vadd.f32 v11, v32;
	v11 =	vsub.f32 $1.500000000e+00, v62;
	v15 =	vld.idx.msk [tilespmem:v15+s1+$0x0], $0xffff  }
0x1f5: {  	v3 =	vadd.f32 v5, v3;
	v7 =	vsub.f32 v14, v7;
	v14 =	vadd.s32 s31, v24;
	v47 =	vld.idx.msk [tilespmem:v46+s12+$0x0], $0xffff  }
0x1f6: {  	v1 =	vmul.f32 v56, v1;
	v8 =	vmul.f32 v11, v8;
	v11 =	vld.idx.msk [tilespmem:v60+s1+$0x0], $0xffff  }
0x1f7: {  	v10 =	vadd.f32 v3, v10;
	v45 =	vld.idx.msk [tilespmem:v63+s1+$0x0], $0xffff  }
0x1f8: {  	v3 =	vmul.f32 v1, v38;
	v59 =	vmul.f32 v8, v50;
	v32 =	vadd.s32 s31, v17;
	v17 =	vld [tilespmem:$0x1FFA0]  }
0x1f9: {  	v48 =	vadd.s32 s31, v21;
	v44 =	vadd.s32 s31, v19;
	v38 =	vld.idx.msk [tilespmem:v63+s12+$0x0], $0xffff  }
0x1fa: {  	v5 =	vsub.f32 v57, v43;
	v57 =	vld.idx.msk [tilespmem:v14+s12+$0x0], $0xffff;
	v60 =	vmul.f32 v3, v1;
	v61 =	vmul.f32 v59, v8  }
0x1fb: {  	v9 =	vsub.f32 v33, v9;
	v3 =	vsub.f32 v51, v4;
	v4 =	vld.idx.msk [tilespmem:v58+s12+$0x0], $0xffff  }
0x1fc: {  	v50 =	vadd.s32 s31, v23;
	v43 =	vld.idx.msk [tilespmem:v58+s1+$0x0], $0xffff;
	v63 =	vsub.f32 $1.500000000e+00, v60;
	v60 =	vsub.f32 $1.500000000e+00, v61  }
0x1fd: {  	v9 =	vmul.f32 v9, v9;
	v62 =	vmul.f32 v3, v3;
	v56 =	vadd.s32 s31, v17;
	v17 =	vld [tilespmem:$0x1FFC0]  }
0x1fe: {  	v33 =	vadd.s32 s31, v26;
	v7 =	vmul.f32 v7, v7;
	v3 =	vld.idx.msk [tilespmem:v44+s12+$0x0], $0xffff;
	v8 =	vmul.f32 v60, v8  }
0x1ff: {  	v61 =	vsub.f32 v54, v52;
	v54 =	vld.idx.msk [tilespmem:v48+s12+$0x0], $0xffff;
	v52 =	vadd.s32 s31, v25;
	v9 =	vadd.f32 v62, v9  }
0x200: {  	v1 =	vmul.f32 v63, v1;
	v8 =	vmul.f32 v8, v16;
	v16 =	vld [tilespmem:$0x1FFD0]  }
0x201: {  	v53 =	vsub.f32 v53, v55;
	v51 =	vmul.f32 v61, v61;
	v7 =	vadd.f32 v7, v9;
	v9 =	vld.idx.msk [tilespmem:v50+s12+$0x0], $0xffff  }
0x202: {  	v1 =	vmul.f32 v1, v13;
	v59 =	vadd.s32 s31, v17;
	v17 =	vld [tilespmem:$0x1FFB0]  }
0x203: {  	v62 =	vsub.f32 v15, v6;
	v13 =	vld.idx.msk [tilespmem:v33+s12+$0x0], $0xffff;
	v7 =	vadd.f32 v51, v7;
	v51 =	vmul.f32 v53, v53  }
0x204: {  	v58 =	vmul.f32 v0, v0;
	v6 =	vld.idx.msk [tilespmem:v52+s12+$0x0], $0xffff;
	v1 =	vadd.f32 v8, v1  }
0x205: {  	v0 =	vmul.f32 v62, v62;
	v53 =	vld.idx.msk [tilespmem:v32+s12+$0x0], $0xffff;
	v7 =	vadd.f32 v51, v7;
	v16 =	vadd.s32 s31, v16  }
0x206: {  	v10 =	vadd.f32 v10, v12;
	v1 =	vadd.f32 v1, v1;
	v8 =	vld.idx.msk [tilespmem:v56+s12+$0x0], $0xffff  }
0x207: {  	v7 =	vadd.f32 v0, v7;
	v0 =	vld.idx.msk [tilespmem:v14+s1+$0x0], $0xffff;
	v60 =	vadd.s32 s31, v17  }
0x208: {  	vm10 =	vmor vm11, vm13;
	v40 =	vmax.f32 v40, v41;
	v10 =	vsub.f32 v10, v1;
	v1 =	vld.idx.msk [tilespmem:v52+s1+$0x0], $0xffff  }
0x209: {  	v2 =	vsub.f32 v11, v2;
	v63 =	vmax.f32 v55, v3;
	v55 =	vmax.f32 v49, v47;
	v12 =	vld.idx.msk [tilespmem:v59+s12+$0x0], $0xffff  }
0x20a: {  	v41 =	vadd.s32 s25, v20;
	v5 =	vmul.f32 v5, v5;
	v15 =	vmax.f32 v63, v55;
	v11 =	vld.idx.msk [tilespmem:v16+s12+$0x0], $0xffff  }
0x20b: {  	v2 =	vmul.f32 v2, v2;
	vm15 =	vgt.f32 v13, $0.0e+00;
	v52 =	vld.idx.msk [tilespmem:v48+s1+$0x0], $0xffff;
	v62 =	vmax.f32 v53, v15  }
0x20c: {  	v5 =	vadd.f32 v5, v58;
	vm8 =	vmneg vm15;
	vm9 =	vgt.f32 v62, $0.0e+00;
	v61 =	vld.idx.msk [tilespmem:v60+s12+$0x0], $0xffff  }
0x20d: {  	v63 =	vsub.f32 v45, v38;
	v7 =	vadd.f32 v2, v7;
	vm5 =	vmand vm9, vm8;
	v17 =	vld [tilespmem:$0x1FED0]  }
0x20e: {  	v45 =	vsel vm5, v8, v54;
	v8 =	vld.idx.msk [tilespmem:v59+s1+$0x0], $0xffff;
	v14 =	vmul.f32 $5.000000000e-01, v0;
	v2 =	vsel vm5, v12, v57  }
0x20f: {  	v58 =	vsel vm5, v11, v6;
	v12 =	vsub.f32 v43, v4;
	v43 =	vld.idx.msk [tilespmem:v50+s1+$0x0], $0xffff;
	v4 =	vmul.f32 $5.000000000e-01, v2  }
0x210: {  	v13 =	vmul.f32 v63, v63;
	v53 =	vld.idx.msk [tilespmem:v56+s1+$0x0], $0xffff;
	v59 =	vsub.f32 v52, v14;
	v6 =	vmul.f32 $5.000000000e-01, v58  }
0x211: {  	v11 =	vadd.f32 v4, v45;
	v38 =	vsel vm5, v61, v9;
	v9 =	vsub.f32 v45, v4;
	v4 =	vld.idx.msk [tilespmem:v16+s1+$0x0], $0xffff  }
0x212: {  	v14 =	vadd.f32 v14, v52;
	v54 =	vadd.s32 s31, v17;
	v16 =	vmul.f32 $5.000000000e-01, v1  }
0x213: {  	v48 =	vld.idx.msk [tilespmem:v60+s1+$0x0], $0xffff;
	v57 =	vmul.f32 v58, v2;
	v61 =	vmul.f32 $5.000000000e-01, v8;
	v15 =	vsub.f32 v38, v6  }
0x214: {  	v17 =	vld [tilespmem:$0x1FEE0];
	v14 =	vmin.f32 v14, v11;
	v6 =	vadd.f32 v6, v38;
	v60 =	vsub.f32 v43, v16  }
0x215: {  	v16 =	vadd.f32 v16, v43;
	v50 =	vmax.f32 v59, v9;
	v56 =	vsub.f32 v53, v61  }
0x216: {  	v31 =	vld.idx.msk [tilespmem:v31+s1+$0x0], $0xffff;
	v55 =	vadd.f32 v61, v53;
	v14 =	vsub.f32 v14, v50;
	v62 =	vmul.f32 $5.000000000e-01, v4  }
0x217: {  	v30 =	vld.idx.msk [tilespmem:v30+s1+$0x0], $0xffff;
	v51 =	vmax.f32 v60, v15;
	v16 =	vmin.f32 v16, v6;
	v9 =	vmax.f32 v56, v9  }
0x218: {  	v11 =	vmin.f32 v55, v11;
	v60 =	vld [tilespmem:$0x1FEF0];
	v63 =	vsub.f32 v48, v62;
	v50 =	vadd.f32 v62, v48  }
0x219: {  	v20 =	vld [tilespmem:$0x1FFC0];
	v56 =	vmul.f32 v1, v0;
	v16 =	vsub.f32 v16, v51;
	v51 =	vadd.s32 s31, v17  }
0x21a: {  	v9 =	vsub.f32 v11, v9;
	v17 =	vld [tilespmem:$0x1FF00];
	v15 =	vmax.f32 v63, v15;
	v6 =	vmin.f32 v50, v6  }
0x21b: {  	v42 =	vld.idx.msk [tilespmem:v42+s1+$0x0], $0xffff;
	v14 =	vmax.f32 v14, $0.0e+00;
	v16 =	vmax.f32 v16, $0.0e+00;
	v6 =	vsub.f32 v6, v15  }
0x21c: {  	v59 =	vld.idx.msk [tilespmem:v44+s1+$0x0], $0xffff;
	v9 =	vmax.f32 v9, $0.0e+00;
	v14 =	vmul.f32 v16, v14;
	v16 =	vmul.f32 v4, v8  }
0x21d: {  	v61 =	vld.idx.msk [tilespmem:v54+s12+$0x0], $0xffff;
	v50 =	vadd.f32 v57, v56;
	v15 =	vadd.s32 s31, v60;
	v6 =	vmax.f32 v6, $0.0e+00  }
0x21e: {  	v20 =	vadd.s32 s25, v20;
	v54 =	vld.idx.msk [tilespmem:v54+s1+$0x0], $0xffff;
	v62 =	vadd.f32 v16, v57;
	v6 =	vmul.f32 v6, v9  }
0x21f: {  	v5 =	vadd.f32 v10, v5;
	v55 =	vadd.s32 s31, v17;
	v63 =	vld.idx.msk [tilespmem:v51+s12+$0x0], $0xffff;
	v16 =	vsub.f32 v50, v14  }
0x220: {  	v7 =	vadd.f32 v13, v7;
	v12 =	vmul.f32 v12, v12;
	v56 =	vld.idx.msk [tilespmem:v51+s1+$0x0], $0xffff;
	v9 =	vsub.f32 v62, v6  }
0x221: {  	v3 =	vsub.f32 v59, v3;
	v51 =	vadd.s32 s31, v27;
	v17 =	vld [tilespmem:$0x1FF30];
	v16 =	vadd.f32 $9.999999970e-07, v16  }
0x222: {  	v5 =	vnsel vm10, $0x0, v5;
	v58 =	vmax.f32 v58, $9.999999970e-07;
	v57 =	vld.idx.msk [tilespmem:v15+s12+$0x0], $0xffff;
	v9 =	vadd.f32 $9.999999970e-07, v9  }
0x223: {  	v7 =	vadd.f32 v12, v7;
	v3 =	vmul.f32 v3, v3;
	v59 =	vld.idx.msk [tilespmem:v15+s1+$0x0], $0xffff;
	(erf) = vrcp.f32 v16  }
0x224: {  	v44 =	vadd.f32 v5, v36;
	v60 =	vsub.f32 v54, v61;
	v61 =	vld.idx.msk [tilespmem:v55+s12+$0x0], $0xffff;
	(erf) = vrcp.f32 v9  }
0x225: {  	v3 =	vadd.f32 v3, v7;
	v62 =	vld.idx.msk [tilespmem:v55+s1+$0x0], $0xffff;
	v63 =	vsub.f32 v56, v63;
	v56 =	vadd.s32 s31, v28  }
0x226: {  	v7 =	vmul.f32 v60, v60;
	v16 =	vsel vm14, v31, v30;
	v55 =	vmul.f32 v30, v30;
	v13 =	vld.idx.msk [tilespmem:v51+s1+$0x0], $0xffff  }
0x227: {  	v30 =	vadd.s32 s31, v17;
	v17 =	vld [tilespmem:$0x1FFA0];
	v5 =	vsub.f32 v16, v40;
	v16 =	vmul.f32 v16, v16  }
0x228: {  	v3 =	vadd.f32 v7, v3;
	v7 =	vmul.f32 v63, v63;
	v63 =	vld.idx.msk [tilespmem:v51+s12+$0x0], $0xffff;
	v51 =	vadd.s32 s25, v19  }
0x229: {  	v5 =	vmul.f32 v5, v5;
	v16 =	vnsel vm10, $0x0, v16;
	v54 =	vsub.f32 v59, v57;
	v57 =	vld [tilespmem:$0x1FF40]  }
0x22a: {  	v3 =	vadd.f32 v7, v3;
	v60 =	vsub.f32 v62, v61;
	v61 =	vmul.f32 v31, v31;
	v9 =	vld.idx.msk [tilespmem:v56+s12+$0x0], $0xffff  }
0x22b: {  	v5 =	vnsel vm10, $0x0, v5;
	v12 =	vld.idx.msk [tilespmem:v56+s1+$0x0], $0xffff;
	v56 =	vadd.s32 s25, v18;
	v7 =	vmul.f32 v54, v54  }
0x22c: {  	v62 =	vsub.f32 v42, v49;
	v42 =	vld.idx.msk [tilespmem:v41+s12+$0x0], $0xffff;
	v17 =	vadd.s32 s25, v17;
	v40 =	vadd.f32 v5, v35;
	v31 =	vpop (erf)  }
0x22d: {  	v18 =	vld [tilespmem:$0x1FFB0];
	v35 =	vadd.s32 s25, v26;
	v3 =	vadd.f32 v7, v3;
	v7 =	vmul.f32 v60, v60;
	v59 =	vpop (erf)  }
0x22e: {  	v11 =	vadd.f32 v61, v55;
	v60 =	vld [tilespmem:$0x1FFE0];
	v54 =	vmul.f32 v31, v14;
	v55 =	vmul.f32 v59, v6  }
0x22f: {  	v50 =	vld.idx.msk [tilespmem:v51+s12+$0x0], $0xffff;
	v15 =	vadd.s32 s31, v57;
	v3 =	vadd.f32 v7, v3;
	v7 =	vmul.f32 v62, v62  }
0x230: {  	v10 =	vsub.f32 v13, v63;
	v13 =	vadd.s32 s25, v21;
	v57 =	vld.idx.msk [tilespmem:v56+s12+$0x0], $0xffff;
	vm11 =	vgt.f32 v55, v54  }
0x231: {  	v5 =	vsub.f32 v11, v16;
	v3 =	vadd.f32 v7, v3;
	v7 =	vld.idx.msk [tilespmem:v30+s1+$0x0], $0xffff;
	v0 =	vsel vm11, v8, v0  }
0x232: {  	v6 =	vld.idx.msk [tilespmem:v30+s12+$0x0], $0xffff;
	v30 =	vadd.s32 s25, v22;
	v61 =	vmax.f32 v0, $9.999999970e-07;
	v0 =	vmax.f32 v2, $9.999999970e-07  }
0x233: {  	v16 =	vadd.s32 s25, v25;
	v36 =	vadd.s32 s25, v60;
	v60 =	vld.idx.msk [tilespmem:v35+s12+$0x0], $0xffff;
	v62 =	vmul.f32 v61, v0  }
0x234: {  	v9 =	vsub.f32 v12, v9;
	v18 =	vadd.s32 s25, v18;
	v11 =	vld.idx.msk [tilespmem:v15+s12+$0x0], $0xffff;
	v1 =	vsel vm11, v4, v1  }
0x235: {  	v8 =	vld.idx.msk [tilespmem:v15+s1+$0x0], $0xffff;
	v2 =	vmul.f32 v10, v10;
	v4 =	vshra.s32 v62, $0x1;
	v12 =	vmul.f32 $5.000000000e-01, v62  }
0x236: {  	v10 =	vadd.s32 s25, v23;
	v59 =	vmax.f32 v1, $9.999999970e-07;
	v23 =	vld [tilespmem:$0x1FFD0];
	v1 =	vsub.s32 $0x5F3759DF, v4  }
0x237: {  	v31 =	vld.idx.msk [tilespmem:v30+s12+$0x0], $0xffff;
	v2 =	vadd.f32 v2, v3;
	v3 =	vmul.f32 v59, v58;
	v63 =	vmul.f32 v1, v12  }
0x238: {  	v28 =	vmovc v27;
	v27 =	vld.idx.msk [tilespmem:v46+s1+$0x0], $0xffff;
	v9 =	vmul.f32 v9, v9;
	v6 =	vsub.f32 v7, v6;
	vm12 =	vgt.f32 v60, $0.0e+00  }
0x239: {  	v15 =	vld.idx.msk [tilespmem:v13+s12+$0x0], $0xffff;
	v19 =	vmul.f32 $5.000000000e-01, v3;
	v14 =	vmul.f32 v1, v63;
	v63 =	vshra.s32 v3, $0x1  }
0x23a: {  	v21 =	vld.idx.msk [tilespmem:v36+s12+$0x0], $0xffff;
	v4 =	vadd.s32 s25, v24;
	v2 =	vadd.f32 v9, v2;
	v63 =	vsub.s32 $0x5F3759DF, v63  }
0x23b: {  	v9 =	vld.idx.msk [tilespmem:v16+s12+$0x0], $0xffff;
	v23 =	vadd.s32 s25, v23;
	v14 =	vsub.f32 $1.500000000e+00, v14;
	v7 =	vmul.f32 v63, v19  }
0x23c: {  	v24 =	vmax.f32 v57, v50;
	v8 =	vsub.f32 v8, v11;
	v49 =	vld.idx.msk [tilespmem:v10+s12+$0x0], $0xffff;
	v25 =	vmax.f32 v42, v31  }
0x23d: {  	v11 =	vmax.f32 v24, v25;
	v24 =	vld.idx.msk [tilespmem:v18+s12+$0x0], $0xffff;
	v14 =	vmul.f32 v1, v14;
	v7 =	vmul.f32 v63, v7  }
0x23e: {  	v26 =	vnsel vm10, $0x0, v39;
	vm14 =	vmneg vm12;
	v6 =	vmul.f32 v6, v6;
	v1 =	vld.idx.msk [tilespmem:v17+s12+$0x0], $0xffff  }
0x23f: {  	v11 =	vmax.f32 v21, v11;
	v21 =	vld.idx.msk [tilespmem:v20+s12+$0x0], $0xffff;
	v25 =	vmul.f32 v14, v12;
	v7 =	vsub.f32 $1.500000000e+00, v7  }
0x240: {  	v6 =	vadd.f32 v6, v2;
	v8 =	vmul.f32 v8, v8;
	vm13 =	vgt.f32 v11, $0.0e+00;
	v11 =	vld.idx.msk [tilespmem:v23+s12+$0x0], $0xffff  }
0x241: {  	v22 =	vld.idx.msk [tilespmem:v4+s12+$0x0], $0xffff;
	vm5 =	vmand vm13, vm14;
	v25 =	vmul.f32 v25, v14;
	v7 =	vmul.f32 v63, v7  }
0x242: {  	v46 =	vsel vm5, v24, v49;
	v49 =	vadd.f32 v5, v34;
	v34 =	vadd.f32 v26, v37  }
0x243: {  	v39 =	vsel vm5, v1, v15;
	v1 =	vld.idx.msk [tilespmem:v4+s1+$0x0], $0xffff;
	v25 =	vsub.f32 $1.500000000e+00, v25;
	v15 =	vmul.f32 v7, v19  }
0x244: {  	v2 =	vld.idx.msk [tilespmem:v16+s1+$0x0], $0xffff;
	v5 =	vadd.f32 v8, v6;
	v8 =	vsub.f32 v27, v47  }
0x245: {  	v37 =	vld.idx.msk [tilespmem:v13+s1+$0x0], $0xffff;
	v60 =	vsel vm5, v11, v9;
	v6 =	vmul.f32 v25, v14;
	v4 =	vmul.f32 v15, v7  }
0x246: {  	v47 =	vld.idx.msk [tilespmem:v10+s1+$0x0], $0xffff;
	v63 =	vsel vm5, v21, v22;
	v9 =	vsel vm11, v53, v52;
	v13 =	vmul.f32 $5.000000000e-01, v60  }
0x247: {  	v10 =	vmul.f32 $5.000000000e-01, v63;
	v11 =	vmul.f32 v6, v12;
	v12 =	vsub.f32 $1.500000000e+00, v4;
	v4 =	vld.idx.msk [tilespmem:v20+s1+$0x0], $0xffff  }
0x248: {  	v52 =	vld.idx.msk [tilespmem:v17+s1+$0x0], $0xffff;
	v17 =	vsub.f32 v46, v13;
	v13 =	vadd.f32 v13, v46;
	v53 =	vmul.f32 $5.000000000e-01, v1  }
0x249: {  	v16 =	vld.idx.msk [tilespmem:v23+s1+$0x0], $0xffff;
	v14 =	vsub.f32 v39, v10;
	v10 =	vadd.f32 v10, v39;
	v20 =	vmul.f32 $5.000000000e-01, v2  }
0x24a: {  	v7 =	vmul.f32 v12, v7;
	v12 =	vsub.f32 v37, v53;
	v15 =	vadd.f32 v53, v37  }
0x24b: {  	v53 =	vld.idx.msk [tilespmem:v18+s1+$0x0], $0xffff;
	v18 =	vsub.f32 v47, v20;
	v20 =	vadd.f32 v20, v47  }
0x24c: {  	v12 =	vmax.f32 v12, v14;
	v21 =	vmul.f32 $5.000000000e-01, v4  }
0x24d: {  	v15 =	vmin.f32 v15, v10;
	v18 =	vmax.f32 v18, v17;
	v20 =	vmin.f32 v20, v13  }
0x24e: {  	v12 =	vsub.f32 v15, v12;
	v15 =	vmul.f32 $5.000000000e-01, v16;
	v22 =	vsub.f32 v52, v21  }
0x24f: {  	v18 =	vsub.f32 v20, v18;
	v20 =	vadd.f32 v21, v52  }
0x250: {  	v21 =	vsub.f32 v53, v15;
	v15 =	vadd.f32 v15, v53;
	v14 =	vmax.f32 v22, v14;
	v22 =	vld [tilespmem:$0x1FE40];
	_ =	sdelay $0x1  }
0x251: {  	v10 =	vmin.f32 v20, v10;
	v17 =	vmax.f32 v21, v17;
	v13 =	vmin.f32 v15, v13  }
0x252: {  	v23 =	vadd.s32 s25, v29;
	v10 =	vsub.f32 v10, v14;
	v13 =	vsub.f32 v13, v17  }
0x253: {  	v17 =	vld [tilespmem:$0x1FE50]  }
0x254: {  	v10 =	vmax.f32 v10, $0.0e+00;
	v13 =	vmax.f32 v13, $0.0e+00;
	v22 =	vadd.s32 s25, v22  }
0x255: {  	v10 =	vmul.f32 v13, v10;
	v13 =	vld [tilespmem:$0x1FE60]  }
0x256: {  	v11 =	vmul.f32 v11, v6;
	v19 =	vmul.f32 v7, v19;
	v12 =	vmax.f32 v12, $0.0e+00  }
0x257: {  	v20 =	vmul.f32 v60, v63;
	v15 =	vmax.f32 v18, $0.0e+00;
	v18 =	vld.idx.msk [tilespmem:v23+s1+$0x0], $0xffff;
	v21 =	vmul.f32 v16, v4  }
0x258: {  	v14 =	vld.idx.msk [tilespmem:v23+s12+$0x0], $0xffff;
	v12 =	vmul.f32 v15, v12;
	v15 =	vmul.f32 v2, v1;
	v17 =	vadd.s32 s25, v17  }
0x259: {  	v11 =	vsub.f32 $1.500000000e+00, v11;
	v19 =	vmul.f32 v19, v7;
	v23 =	vld.idx.msk [tilespmem:v22+s12+$0x0], $0xffff  }
0x25a: {  	v15 =	vadd.f32 v20, v15;
	v20 =	vadd.f32 v21, v20;
	v13 =	vadd.s32 s25, v13;
	v21 =	vld.idx.msk [tilespmem:v22+s1+$0x0], $0xffff  }
0x25b: {  	v6 =	vmul.f32 v11, v6;
	v11 =	vsub.f32 $1.500000000e+00, v19;
	v22 =	vsel vm11, v48, v43;
	v43 =	vld [tilespmem:$0x1FE80]  }
0x25c: {  	v9 =	vsub.f32 v9, v45;
	v45 =	vld [tilespmem:$0x1FE90]  }
0x25d: {  	v7 =	vmul.f32 v11, v7;
	v19 =	vld.idx.msk [tilespmem:v17+s12+$0x0], $0xffff  }
0x25e: {  	v15 =	vsub.f32 v15, v12;
	v17 =	vld.idx.msk [tilespmem:v17+s1+$0x0], $0xffff  }
0x25f: {  	v0 =	vadd.f32 v61, v0;
	v6 =	vmul.f32 v6, v62;
	v3 =	vmul.f32 v7, v3;
	v11 =	vld.idx.msk [tilespmem:v13+s12+$0x0], $0xffff  }
0x260: {  	v20 =	vsub.f32 v20, v10;
	v15 =	vadd.f32 $9.999999970e-07, v15;
	v13 =	vld.idx.msk [tilespmem:v13+s1+$0x0], $0xffff;
	v24 =	vadd.s32 s25, v43  }
0x261: {  	v7 =	vadd.s32 s25, v45;
	v14 =	vsub.f32 v18, v14;
	v18 =	vsub.f32 v21, v23  }
0x262: {  	v20 =	vadd.f32 $9.999999970e-07, v20;
	(erf) = vrcp.f32 v15;
	v15 =	vsub.f32 v22, v38;
	v38 =	vld [tilespmem:$0x1FEA0]  }
0x263: {  	v14 =	vmul.f32 v14, v14;
	v48 =	vld [tilespmem:$0x1FEB0];
	v17 =	vsub.f32 v17, v19;
	v18 =	vmul.f32 v18, v18  }
0x264: {  	v0 =	vadd.f32 v0, v59;
	v3 =	vadd.f32 v3, v6;
	(erf) = vrcp.f32 v20;
	v20 =	vld.idx.msk [tilespmem:v56+s1+$0x0], $0xffff  }
0x265: {  	v17 =	vmul.f32 v17, v17;
	v6 =	vadd.f32 v18, v14;
	v11 =	vsub.f32 v13, v11;
	v19 =	vld.idx.msk [tilespmem:v24+s12+$0x0], $0xffff  }
0x266: {  	v0 =	vadd.f32 v0, v58;
	v3 =	vadd.f32 v3, v3;
	v62 =	vld.idx.msk [tilespmem:v24+s1+$0x0], $0xffff  }
0x267: {  	v21 =	vld.idx.msk [tilespmem:v7+s12+$0x0], $0xffff;
	v18 =	vadd.s32 s25, v38;
	v6 =	vadd.f32 v17, v6;
	v11 =	vmul.f32 v11, v11  }
0x268: {  	v8 =	vmul.f32 v8, v8;
	v0 =	vsub.f32 v0, v3;
	v15 =	vmul.f32 v15, v15;
	v7 =	vld.idx.msk [tilespmem:v7+s1+$0x0], $0xffff  }
0x269: {  	v56 =	vld [tilespmem:$0x1FF00];
	v17 =	vsub.f32 v20, v57;
	v3 =	vadd.f32 v11, v6  }
0x26a: {  	v9 =	vmul.f32 v9, v9;
	v13 =	vld.idx.msk [tilespmem:v33+s1+$0x0], $0xffff;
	v33 =	vadd.f32 v8, v5;
	v5 =	vmax.f32 v54, v55  }
0x26b: {  	v54 =	vld [tilespmem:$0x1FED0];
	v6 =	vmul.f32 v17, v17;
	v17 =	vadd.s32 s25, v48;
	v62 =	vsub.f32 v62, v19  }
0x26c: {  	v9 =	vadd.f32 v15, v9;
	v15 =	vpop (erf);
	v14 =	vld.idx.msk [tilespmem:v18+s12+$0x0], $0xffff  }
0x26d: {  	v7 =	vsub.f32 v7, v21;
	v8 =	vld.idx.msk [tilespmem:v18+s1+$0x0], $0xffff;
	v6 =	vadd.f32 v6, v3;
	v62 =	vmul.f32 v62, v62;
	v3 =	vpop (erf)  }
0x26e: {  	v20 =	vld.idx.msk [tilespmem:v32+s1+$0x0], $0xffff;
	v32 =	vmul.f32 v15, v12;
	v3 =	vmul.f32 v3, v10  }
0x26f: {  	vm1 =	vmor vm15, vm9;
	v55 =	vld [tilespmem:$0x1FEE0];
	v7 =	vmul.f32 v7, v7;
	v6 =	vadd.f32 v62, v6  }
0x270: {  	v0 =	vadd.f32 v0, v9;
	v15 =	vmax.f32 v60, $9.999999970e-07;
	v11 =	vld.idx.msk [tilespmem:v17+s12+$0x0], $0xffff;
	vm15 =	vgt.f32 v3, v32  }
0x271: {  	v9 =	vadd.s32 s25, v54;
	v2 =	vsel vm15, v16, v2;
	v6 =	vadd.f32 v7, v6;
	v7 =	vld.idx.msk [tilespmem:v51+s1+$0x0], $0xffff  }
0x272: {  	v8 =	vsub.f32 v8, v14;
	v1 =	vsel vm15, v4, v1;
	v51 =	vld [tilespmem:$0x1FEF0];
	v2 =	vmax.f32 v2, $9.999999970e-07  }
0x273: {  	v14 =	vmax.f32 v63, $9.999999970e-07;
	v4 =	vld.idx.msk [tilespmem:v17+s1+$0x0], $0xffff;
	v1 =	vmax.f32 v1, $9.999999970e-07;
	v17 =	vmul.f32 v2, v15  }
0x274: {  	v12 =	vadd.s32 s25, v55;
	v16 =	vmul.f32 v1, v14  }
0x275: {  	v25 =	vadd.s32 s25, v56;
	v23 =	vshra.s32 v17, $0x1;
	v24 =	vmul.f32 $5.000000000e-01, v17  }
0x276: {  	v0 =	vnsel vm1, $0x0, v0;
	v21 =	vshra.s32 v16, $0x1;
	v23 =	vsub.s32 $0x5F3759DF, v23  }
0x277: {  	v18 =	vld.idx.msk [tilespmem:v9+s12+$0x0], $0xffff;
	v22 =	vmul.f32 $5.000000000e-01, v16;
	v19 =	vadd.s32 s25, v51;
	v27 =	vmul.f32 v23, v24  }
0x278: {  	v9 =	vld.idx.msk [tilespmem:v9+s1+$0x0], $0xffff;
	v8 =	vmul.f32 v8, v8;
	v4 =	vsub.f32 v4, v11;
	v21 =	vsub.s32 $0x5F3759DF, v21  }
0x279: {  	v0 =	vadd.f32 v0, v44;
	v10 =	vsel vm11, v20, v13;
	v11 =	vld.idx.msk [tilespmem:v12+s12+$0x0], $0xffff;
	v26 =	vmul.f32 v21, v22  }
0x27a: {  	v5 =	vsub.f32 v10, v5;
	v6 =	vadd.f32 v8, v6;
	v12 =	vld.idx.msk [tilespmem:v12+s1+$0x0], $0xffff;
	v4 =	vmul.f32 v4, v4  }
0x27b: {  	v7 =	vsub.f32 v7, v50;
	v44 =	vmul.f32 v21, v26;
	v26 =	vmul.f32 v23, v27;
	v27 =	vmovc v28;
	v28 =	vld [tilespmem:$0x1FF20]  }
0x27c: {  	v5 =	vmul.f32 v5, v5;
	v62 =	vld.idx.msk [tilespmem:v19+s12+$0x0], $0xffff  }
0x27d: {  	v7 =	vmul.f32 v7, v7;
	v4 =	vadd.f32 v4, v6;
	v6 =	vsub.f32 v9, v18;
	v18 =	vld.idx.msk [tilespmem:v19+s1+$0x0], $0xffff  }
0x27e: {  	v50 =	vld [tilespmem:$0x1FF30];
	v8 =	vsub.f32 $1.500000000e+00, v44;
	v19 =	vsub.f32 $1.500000000e+00, v26;
	v26 =	vadd.s32 s25, v27  }
0x27f: {  	v44 =	vld.idx.msk [tilespmem:v25+s12+$0x0], $0xffff;
	v6 =	vmul.f32 v6, v6;
	v4 =	vadd.f32 v7, v4  }
0x280: {  	v5 =	vnsel vm1, $0x0, v5;
	v7 =	vld.idx.msk [tilespmem:v25+s1+$0x0], $0xffff;
	v8 =	vmul.f32 v21, v8;
	v19 =	vmul.f32 v23, v19  }
0x281: {  	v57 =	vld [tilespmem:$0x1FF40];
	v11 =	vsub.f32 v12, v11;
	v4 =	vadd.f32 v6, v4;
	v21 =	vadd.s32 s25, v28  }
0x282: {  	v6 =	vmul.f32 v8, v22;
	v23 =	vmul.f32 v19, v24;
	v9 =	vsub.f32 v18, v62;
	v18 =	vld.idx.msk [tilespmem:v41+s1+$0x0], $0xffff  }
0x283: {  	v10 =	vmul.f32 v10, v10;
	v5 =	vadd.f32 v5, v40;
	v11 =	vmul.f32 v11, v11;
	v62 =	vld.idx.msk [tilespmem:v26+s12+$0x0], $0xffff  }
0x284: {  	v25 =	vadd.s32 s25, v50;
	v6 =	vmul.f32 v6, v8;
	v23 =	vmul.f32 v23, v19;
	v40 =	vld.idx.msk [tilespmem:v26+s1+$0x0], $0xffff  }
0x285: {  	v4 =	vadd.f32 v11, v4;
	v7 =	vsub.f32 v7, v44;
	v9 =	vmul.f32 v9, v9  }
0x286: {  	v44 =	vmul.f32 v20, v20;
	v6 =	vsub.f32 $1.500000000e+00, v6;
	v23 =	vsub.f32 $1.500000000e+00, v23;
	v26 =	vld.idx.msk [tilespmem:v21+s12+$0x0], $0xffff  }
0x287: {  	v7 =	vmul.f32 v7, v7;
	v4 =	vadd.f32 v9, v4;
	v41 =	vld.idx.msk [tilespmem:v21+s1+$0x0], $0xffff;
	v21 =	vadd.s32 s25, v57  }
0x288: {  	v18 =	vsub.f32 v18, v42;
	v6 =	vmul.f32 v6, v8;
	v8 =	vmul.f32 v23, v19  }
0x289: {  	v4 =	vadd.f32 v7, v4;
	v7 =	vmul.f32 v13, v13;
	v11 =	vsub.f32 v40, v62;
	v62 =	vld.idx.msk [tilespmem:v25+s12+$0x0], $0xffff  }
0x28a: {  	v10 =	vnsel vm1, $0x0, v10;
	v40 =	vld.idx.msk [tilespmem:v25+s1+$0x0], $0xffff;
	v18 =	vmul.f32 v18, v18;
	v19 =	vmul.f32 v6, v22  }
0x28b: {  	v1 =	vadd.f32 v1, v14;
	v20 =	vmul.f32 v8, v24;
	v7 =	vadd.f32 v44, v7  }
0x28c: {  	v11 =	vmul.f32 v11, v11;
	v4 =	vadd.f32 v18, v4;
	v19 =	vmul.f32 v19, v6  }
0x28d: {  	v20 =	vmul.f32 v20, v8;
	v9 =	vsub.f32 v41, v26;
	v18 =	vld.idx.msk [tilespmem:v21+s12+$0x0], $0xffff;
	v7 =	vsub.f32 v7, v10  }
0x28e: {  	v21 =	vld.idx.msk [tilespmem:v21+s1+$0x0], $0xffff;
	v4 =	vadd.f32 v11, v4;
	v41 =	vsub.f32 $1.500000000e+00, v19  }
0x28f: {  	v61 =	vld [tilespmem:$0x1FFE0];
	v42 =	vsub.f32 $1.500000000e+00, v20;
	v44 =	vsub.f32 v40, v62;
	v62 =	vsel vm15, v52, v37  }
0x290: {  	v59 =	vld [tilespmem:$0x1FFD0];
	v37 =	vsel vm15, v53, v47;
	v9 =	vmul.f32 v9, v9;
	v7 =	vadd.f32 v7, v49  }
0x291: {  	v40 =	vld.idx.msk [tilespmem:v30+s1+$0x0], $0xffff;
	v11 =	vsub.f32 v62, v39;
	v6 =	vmul.f32 v41, v6;
	v8 =	vmul.f32 v42, v8  }
0x292: {  	v12 =	vsub.f32 v37, v46;
	v41 =	vld.idx.msk [tilespmem:v35+s1+$0x0], $0xffff;
	v4 =	vadd.f32 v9, v4;
	v9 =	vmul.f32 v44, v44  }
0x293: {  	v49 =	vsub.f32 v21, v18;
	v6 =	vmul.f32 v6, v16;
	v8 =	vmul.f32 v8, v17;
	v16 =	vld.idx.msk [tilespmem:v36+s1+$0x0], $0xffff  }
0x294: {  	v58 =	vld [tilespmem:$0x1FFC0];
	v1 =	vadd.f32 v1, v2;
	v44 =	vmul.f32 v11, v11;
	v46 =	vmul.f32 v12, v12  }
0x295: {  	v60 =	vld [tilespmem:$0x1FFA0];
	v4 =	vadd.f32 v9, v4;
	v42 =	vadd.f32 v8, v6;
	v6 =	vmul.f32 v49, v49  }
0x296: {  	vm0 =	vmor vm12, vm13;
	v63 =	vld [tilespmem:$0x1FFB0];
	v1 =	vadd.f32 v1, v15;
	v8 =	vadd.f32 v46, v44  }
0x297: {  	v3 =	vmax.f32 v32, v3;
	v23 =	vld [tilespmem:$0x1FF60];
	v2 =	vadd.f32 v42, v42;
	v4 =	vadd.f32 v6, v4  }
0x298: {  	v25 =	vld [tilespmem:$0x1FF80];
	v6 =	vsub.f32 v40, v31;
	v47 =	vsel vm15, v16, v41;
	v52 =	vmul.f32 v16, v16  }
0x299: {  	s24 =	sadd.s32 $0x7, s24;
	v22 =	vld [tilespmem:$0x1FF50];
	v1 =	vsub.f32 v1, v2;
	v49 =	vsub.f32 v47, v3;
	v3 =	vmul.f32 v41, v41  }
0x29a: {  	p0 =	slt.u32 s24, $0x2A;
	v24 =	vld [tilespmem:$0x1FF70];
	v17 =	vnsel vm1, $0x0, v33;
	v6 =	vmul.f32 v6, v6;
	v10 =	vmul.f32 v47, v47  }
.Ltmp0:
0x29b: {  	v26 =	vld [tilespmem:$0x1FF90];
	v1 =	vadd.f32 v1, v8;
	v2 =	vmul.f32 v49, v49;
	v3 =	vadd.f32 v52, v3;
	(pc) =	sbr.rel @p0 .LBB2_3-.Ltmp0, $4  }
0x29c: {  	v19 =	vld [tilespmem:$0x1FEC0];
	v53 =	vadd.f32 v17, v34;
	v4 =	vadd.f32 v6, v4;
	v6 =	vnsel vm0, $0x0, v10  }
0x29d: {  	v20 =	vld [tilespmem:$0x1FF10];
	v1 =	vnsel vm0, $0x0, v1;
	v2 =	vnsel vm0, $0x0, v2;
	v3 =	vsub.f32 v3, v6  }
0x29e: {  	v18 =	vld [tilespmem:$0x1FE70];
	v62 =	vnsel vm0, $0x0, v4;
	v33 =	vadd.f32 v1, v0;
	v32 =	vadd.f32 v2, v5  }
0x29f: {  	s25 =	sadd.s32 $0xD20, s25;
	v5 =	vld [tilespmem:$0x1FE60];
	v30 =	vadd.f32 v62, v53;
	v31 =	vadd.f32 v3, v7  }
0x2a0: {  	p0 =	seq.s32 s22, $0x7  }
0x2a1: {  	s23 =	sadd.s32 @!p0 $0x2, s23  }
0x2a2: {  	s24 =	sadd.s32 @!p0 s5, s23  }
0x2a3: {  	_ =	swait.ge [sflag:s17], $0x5C00;
	s24 =	sshrl.u32 @!p0 s24, $0x3  }
0x2a4: {  	[sflag:s17] =	ssyncset.done $0x0;
	s23 =	sshll.u32 @!p0 s23, $0x7;
	s24 =	smul.u32 @!p0 $0x2E000, s24  }
0x2a5: {  	[sflag:s17] =	ssyncadd.s32 $0xFFFFA400;
	s23 =	sand.u32 @!p0 $0x300, s23  }
0x2a6: {  	s25 =	simm.s32 @!p0 $0x80;
	_ =	swait.ge [sflag:s18], $0x5C00;
	s23 =	sor.u32 @!p0 s23, s24  }
0x2a7: {  	s26 =	simm.s32 @!p0 $0x400;
	[sflag:s18] =	ssyncset.done $0x0;
	s23 =	sshrl.u32 @!p0 s23, $0x3  }
0x2a8: {  	s28 =	simm.s32 @!p0 $0x0;
	[sflag:s18] =	ssyncadd.s32 $0xFFFFA400;
	s24 =	sadd.s32 @!p0 s3, s23  }
0x2a9: {  	[tilespmem:s28], [sflag:$0x1] =	stream.strided.gather @!p0 [hbm4b:s24+s25], $0x5C00, s26, s25, $0x38;
	[tilespmem:$0x17200] =	vst v63  }
0x2aa: {  	s23 =	sadd.s32 @!p0 s4, s23;
	s24 =	simm.s32 @!p0 $0x5C00  }
0x2ab: {  	[tilespmem:s24], [sflag:$0x2] =	stream.strided.gather @!p0 [hbm4b:s23+s25], $0x5C00, s26, s25, $0x38;
	[tilespmem:$0x17200] =	vst v63  }
0x2ac: {  	s23 =	simm.s32 $0xFFFFFFF9;
	s24 =	simm.s32 $0xB40  }
.LBB2_5:
0x2ad: {  	s25 =	sadd.s32 $0xFFFFF4C0, s24  }
0x2ae: {  	v0 =	vadd.s32 s25, v29;
	_ =	sdelay $0x1  }
0x2af: {  	v1 =	vld [tilespmem:$0x1FE40];
	v8 =	vadd.s32 s25, v43  }
0x2b0: {  	v2 =	vld [tilespmem:$0x1FE50]  }
0x2b1: {  	v28 =	vld [tilespmem:$0x1FE30];
	v11 =	vadd.s32 s25, v45  }
0x2b2: {  	v3 =	vld.idx.msk [tilespmem:v0+s16+$0x0], $0xffff  }
0x2b3: {  	v52 =	vadd.s32 s25, v5;
	v4 =	vld.idx.msk [tilespmem:v0+s15+$0x0], $0xffff  }
0x2b4: {  	v14 =	vld.idx.msk [tilespmem:v8+s16+$0x0], $0xffff  }
0x2b5: {  	v6 =	vadd.s32 s25, v18;
	v8 =	vld.idx.msk [tilespmem:v8+s15+$0x0], $0xffff  }
0x2b6: {  	v16 =	vld.idx.msk [tilespmem:v11+s16+$0x0], $0xffff  }
0x2b7: {  	v13 =	vadd.s32 s25, v19;
	v11 =	vld.idx.msk [tilespmem:v11+s15+$0x0], $0xffff  }
0x2b8: {  	v39 =	vadd.s32 s25, v22;
	v9 =	vld.idx.msk [tilespmem:v52+s16+$0x0], $0xffff  }
0x2b9: {  	v17 =	vadd.s32 s25, v23;
	v10 =	vld.idx.msk [tilespmem:v52+s15+$0x0], $0xffff  }
0x2ba: {  	v35 =	vadd.s32 s25, v26;
	v12 =	vld.idx.msk [tilespmem:v6+s16+$0x0], $0xffff  }
0x2bb: {  	v21 =	vadd.s32 s25, v60;
	v6 =	vld.idx.msk [tilespmem:v6+s15+$0x0], $0xffff  }
0x2bc: {  	v1 =	vadd.s32 s25, v1;
	v18 =	vld.idx.msk [tilespmem:v13+s16+$0x0], $0xffff  }
0x2bd: {  	v36 =	vld.idx.msk [tilespmem:v39+s16+$0x0], $0xffff  }
0x2be: {  	v2 =	vadd.s32 s25, v2;
	v0 =	vadd.s32 s25, v20;
	v20 =	vld.idx.msk [tilespmem:v17+s16+$0x0], $0xffff  }
0x2bf: {  	v23 =	vld.idx.msk [tilespmem:v35+s16+$0x0], $0xffff  }
0x2c0: {  	v62 =	vld.idx.msk [tilespmem:v21+s16+$0x0], $0xffff  }
0x2c1: {  	v22 =	vadd.s32 s25, v58;
	v5 =	vld.idx.msk [tilespmem:v1+s16+$0x0], $0xffff  }
0x2c2: {  	v19 =	vadd.s32 s25, v24;
	v24 =	vadd.s32 s25, v59;
	v1 =	vld.idx.msk [tilespmem:v1+s15+$0x0], $0xffff  }
0x2c3: {  	v34 =	vadd.s32 s25, v61;
	v7 =	vld.idx.msk [tilespmem:v2+s16+$0x0], $0xffff  }
0x2c4: {  	v15 =	vadd.s32 s25, v28;
	v2 =	vld.idx.msk [tilespmem:v2+s15+$0x0], $0xffff  }
0x2c5: {  	v46 =	vld.idx.msk [tilespmem:v0+s16+$0x0], $0xffff  }
0x2c6: {  	v26 =	vld.idx.msk [tilespmem:v22+s16+$0x0], $0xffff  }
0x2c7: {  	v45 =	vld.idx.msk [tilespmem:v24+s16+$0x0], $0xffff;
	v3 =	vsub.f32 v4, v3;
	v1 =	vsub.f32 v1, v5;
	v5 =	vadd.s32 s25, v25  }
0x2c8: {  	v25 =	vld.idx.msk [tilespmem:v34+s16+$0x0], $0xffff  }
0x2c9: {  	v4 =	vld.idx.msk [tilespmem:v15+s16+$0x0], $0xffff;
	v3 =	vmul.f32 v3, v3;
	v2 =	vsub.f32 v2, v7;
	v1 =	vmul.f32 v1, v1  }
0x2ca: {  	v9 =	vsub.f32 v10, v9;
	v27 =	vmax.f32 v12, v18;
	v7 =	vld.idx.msk [tilespmem:v19+s16+$0x0], $0xffff;
	v37 =	vmax.f32 v46, v36  }
0x2cb: {  	v19 =	vld.idx.msk [tilespmem:v19+s15+$0x0], $0xffff;
	v2 =	vmul.f32 v2, v2;
	v1 =	vadd.f32 v1, v3;
	v3 =	vadd.s32 s25, v63  }
0x2cc: {  	v6 =	vsub.f32 v6, v12;
	vm0 =	vgt.f32 v23, $0.0e+00;
	v27 =	vmax.f32 v27, v37;
	v53 =	vld.idx.msk [tilespmem:v5+s16+$0x0], $0xffff  }
0x2cd: {  	v9 =	vmul.f32 v9, v9;
	v23 =	vmax.f32 v25, v27;
	v5 =	vld.idx.msk [tilespmem:v5+s15+$0x0], $0xffff;
	v1 =	vadd.f32 v2, v1  }
0x2ce: {  	v42 =	vld.idx.msk [tilespmem:v15+s15+$0x0], $0xffff;
	vm1 =	vmneg vm0;
	vm2 =	vgt.f32 v23, $0.0e+00  }
0x2cf: {  	v43 =	vld.idx.msk [tilespmem:v17+s15+$0x0], $0xffff;
	v6 =	vmul.f32 v6, v6;
	vm1 =	vmand vm2, vm1;
	v1 =	vadd.f32 v9, v1  }
0x2d0: {  	v7 =	vsel vm1, v26, v7;
	v40 =	vsel vm1, v62, v4;
	v62 =	vmul.f32 $5.000000000e-01, v19;
	v47 =	vld.idx.msk [tilespmem:v3+s16+$0x0], $0xffff  }
0x2d1: {  	v49 =	vmul.f32 $5.000000000e-01, v7;
	v1 =	vadd.f32 v6, v1;
	v6 =	vsub.f32 v8, v14  }
0x2d2: {  	v4 =	vld.idx.msk [tilespmem:v22+s15+$0x0], $0xffff;
	v8 =	vsub.f32 v11, v16;
	v10 =	vsel vm1, v45, v53;
	v16 =	vmul.f32 $5.000000000e-01, v5  }
0x2d3: {  	v44 =	vld.idx.msk [tilespmem:v21+s15+$0x0], $0xffff;
	v17 =	vsub.f32 v42, v62;
	v12 =	vadd.f32 v62, v42;
	v52 =	vmul.f32 $5.000000000e-01, v10  }
0x2d4: {  	v14 =	vld.idx.msk [tilespmem:v24+s15+$0x0], $0xffff;
	v53 =	vsub.f32 v40, v49;
	v11 =	vadd.f32 v49, v40;
	v23 =	vmul.f32 v10, v7  }
0x2d5: {  	v45 =	vld.idx.msk [tilespmem:v3+s15+$0x0], $0xffff;
	v3 =	vsub.f32 v43, v16;
	v16 =	vadd.f32 v16, v43;
	v41 =	vsel vm1, v47, v20  }
0x2d6: {  	v49 =	vadd.s32 s25, v54;
	v37 =	vsub.f32 v41, v52;
	v2 =	vadd.f32 v52, v41  }
0x2d7: {  	v17 =	vmax.f32 v17, v53;
	v12 =	vmin.f32 v12, v11;
	v21 =	vmul.f32 $5.000000000e-01, v4  }
0x2d8: {  	v20 =	vadd.s32 s25, v38;
	v3 =	vmax.f32 v3, v37;
	v16 =	vmin.f32 v16, v2  }
0x2d9: {  	v12 =	vsub.f32 v12, v17;
	v3 =	vsub.f32 v16, v3;
	v16 =	vmul.f32 $5.000000000e-01, v14  }
0x2da: {  	v17 =	vadd.s32 s25, v48;
	v22 =	vsub.f32 v44, v21;
	v21 =	vadd.f32 v21, v44  }
0x2db: {  	v6 =	vmul.f32 v6, v6;
	v24 =	vsub.f32 v45, v16;
	v16 =	vadd.f32 v16, v45  }
0x2dc: {  	v52 =	vmul.f32 v14, v4;
	v9 =	vmax.f32 v22, v53;
	v11 =	vmin.f32 v21, v11  }
0x2dd: {  	v21 =	vmul.f32 v5, v19;
	v48 =	vld.idx.msk [tilespmem:v20+s15+$0x0], $0xffff;
	v15 =	vmax.f32 v24, v37;
	v2 =	vmin.f32 v16, v2  }
0x2de: {  	v12 =	vmax.f32 v12, $0.0e+00;
	v9 =	vsub.f32 v11, v9;
	v16 =	vld.idx.msk [tilespmem:v20+s16+$0x0], $0xffff;
	v2 =	vsub.f32 v2, v15  }
0x2df: {  	v22 =	vadd.s32 s25, v55;
	v21 =	vadd.f32 v23, v21;
	v3 =	vmax.f32 v3, $0.0e+00;
	v20 =	vld.idx.msk [tilespmem:v17+s16+$0x0], $0xffff  }
0x2e0: {  	v9 =	vmax.f32 v9, $0.0e+00;
	v3 =	vmul.f32 v3, v12;
	v17 =	vld.idx.msk [tilespmem:v17+s15+$0x0], $0xffff;
	v2 =	vmax.f32 v2, $0.0e+00  }
0x2e1: {  	v62 =	vld.idx.msk [tilespmem:v13+s15+$0x0], $0xffff;
	v8 =	vmul.f32 v8, v8;
	v53 =	vadd.f32 v52, v23;
	v2 =	vmul.f32 v2, v9  }
0x2e2: {  	v1 =	vadd.f32 v6, v1;
	v37 =	vadd.s32 s25, v51;
	v6 =	vsub.f32 v21, v3  }
0x2e3: {  	v38 =	vld.idx.msk [tilespmem:v49+s15+$0x0], $0xffff;
	v11 =	vsub.f32 v48, v16;
	v9 =	vsub.f32 v53, v2  }
0x2e4: {  	v1 =	vadd.f32 v8, v1;
	v6 =	vadd.f32 $9.999999970e-07, v6;
	v16 =	vld.idx.msk [tilespmem:v49+s16+$0x0], $0xffff  }
0x2e5: {  	v17 =	vsub.f32 v17, v20;
	v20 =	vld.idx.msk [tilespmem:v22+s16+$0x0], $0xffff;
	v11 =	vmul.f32 v11, v11;
	v9 =	vadd.f32 $9.999999970e-07, v9  }
0x2e6: {  	(erf) = vrcp.f32 v6;
	v6 =	vld.idx.msk [tilespmem:v22+s15+$0x0], $0xffff;
	v49 =	vsub.f32 v62, v18  }
0x2e7: {  	v51 =	vld.idx.msk [tilespmem:v37+s16+$0x0], $0xffff;
	v48 =	vmul.f32 v17, v17;
	v1 =	vadd.f32 v11, v1;
	(erf) = vrcp.f32 v9  }
0x2e8: {  	v47 =	vadd.s32 s25, v56;
	v13 =	vld.idx.msk [tilespmem:v37+s15+$0x0], $0xffff  }
0x2e9: {  	s26 =	sadd.s32 $0xFFFFF6A0, s24;
	v62 =	vld [tilespmem:$0x1FFF0];
	v52 =	vmul.f32 v49, v49;
	v8 =	vsub.f32 v38, v16;
	v1 =	vadd.f32 v48, v1  }
0x2ea: {  	v21 =	vadd.s32 s26, v29;
	v49 =	vld [tilespmem:$0x1FF20]  }
0x2eb: {  	v6 =	vsub.f32 v6, v20;
	v8 =	vmul.f32 v8, v8;
	v1 =	vadd.f32 v52, v1;
	_ =	sdelay $0x1  }
0x2ec: {  	v15 =	vld.idx.msk [tilespmem:v47+s15+$0x0], $0xffff;
	v37 =	vsub.f32 v13, v51;
	v6 =	vmul.f32 v6, v6;
	v1 =	vadd.f32 v8, v1  }
0x2ed: {  	v53 =	vld.idx.msk [tilespmem:v47+s16+$0x0], $0xffff;
	v9 =	vadd.s32 s25, v62  }
0x2ee: {  	v0 =	vld.idx.msk [tilespmem:v0+s15+$0x0], $0xffff;
	v13 =	vadd.s32 s25, v49;
	v38 =	vpop (erf);
	v1 =	vadd.f32 v6, v1;
	v6 =	vmul.f32 v37, v37  }
0x2ef: {  	v12 =	vld.idx.msk [tilespmem:v21+s15+$0x0], $0xffff;
	v37 =	vmul.f32 v38, v3;
	v48 =	vpop (erf)  }
0x2f0: {  	v8 =	vld.idx.msk [tilespmem:v21+s16+$0x0], $0xffff;
	v1 =	vadd.f32 v6, v1;
	v6 =	vadd.s32 s25, v50;
	v38 =	vmul.f32 v48, v2  }
0x2f1: {  	v21 =	vld [tilespmem:$0x1FE70]  }
0x2f2: {  	v47 =	vsub.f32 v15, v53;
	v52 =	vld.idx.msk [tilespmem:v9+s16+$0x0], $0xffff;
	vm4 =	vgt.f32 v38, v37  }
0x2f3: {  	v0 =	vsub.f32 v0, v46;
	v53 =	vadd.s32 s25, v57;
	v46 =	vld.idx.msk [tilespmem:v13+s16+$0x0], $0xffff;
	v3 =	vsel vm4, v4, v19  }
0x2f4: {  	v7 =	vmax.f32 v7, $9.999999970e-07;
	v51 =	vmul.f32 v47, v47;
	v4 =	vld.idx.msk [tilespmem:v9+s15+$0x0], $0xffff;
	v9 =	vmax.f32 v3, $9.999999970e-07  }
0x2f5: {  	v5 =	vsel vm4, v14, v5;
	v3 =	vmax.f32 v10, $9.999999970e-07;
	v47 =	vld.idx.msk [tilespmem:v6+s16+$0x0], $0xffff;
	v10 =	vmul.f32 v9, v7  }
0x2f6: {  	v21 =	vadd.s32 s26, v21;
	v5 =	vmax.f32 v5, $9.999999970e-07;
	v6 =	vld.idx.msk [tilespmem:v6+s15+$0x0], $0xffff  }
0x2f7: {  	v13 =	vld.idx.msk [tilespmem:v13+s15+$0x0], $0xffff;
	v14 =	vmul.f32 v5, v3;
	v48 =	vshra.s32 v10, $0x1;
	v16 =	vmul.f32 $5.000000000e-01, v10  }
0x2f8: {  	v0 =	vmul.f32 v0, v0;
	v49 =	vld.idx.msk [tilespmem:v53+s16+$0x0], $0xffff;
	v15 =	vsub.s32 $0x5F3759DF, v48  }
0x2f9: {  	v11 =	vld.idx.msk [tilespmem:v53+s15+$0x0], $0xffff;
	v17 =	vshra.s32 v14, $0x1;
	v18 =	vmul.f32 $5.000000000e-01, v14;
	v19 =	vmul.f32 v15, v16  }
0x2fa: {  	v27 =	vld [tilespmem:$0x1FF10];
	v1 =	vadd.f32 v51, v1;
	v4 =	vsub.f32 v4, v52;
	v17 =	vsub.s32 $0x5F3759DF, v17  }
0x2fb: {  	v20 =	vmul.f32 v17, v18;
	v2 =	vsub.f32 v6, v47;
	v47 =	vld [tilespmem:$0x1FE50];
	v51 =	vmul.f32 v15, v19  }
0x2fc: {  	v0 =	vadd.f32 v0, v1;
	v26 =	vld.idx.msk [tilespmem:v21+s16+$0x0], $0xffff;
	v50 =	vmul.f32 v4, v4;
	v4 =	vsub.f32 v13, v46  }
0x2fd: {  	v52 =	vmul.f32 v17, v20;
	v19 =	vld [tilespmem:$0x1FE40];
	v6 =	vsub.f32 $1.500000000e+00, v51  }
0x2fe: {  	v49 =	vsub.f32 v11, v49;
	v21 =	vld.idx.msk [tilespmem:v21+s15+$0x0], $0xffff;
	v0 =	vadd.f32 v50, v0;
	v53 =	vmul.f32 v4, v4  }
0x2ff: {  	v48 =	vmul.f32 v2, v2;
	v46 =	vsub.f32 $1.500000000e+00, v52;
	v51 =	vld [tilespmem:$0x1FE60];
	v6 =	vmul.f32 v15, v6  }
0x300: {  	v4 =	vld.idx.msk [tilespmem:v39+s15+$0x0], $0xffff;
	v52 =	vmul.f32 v49, v49;
	v13 =	vadd.s32 s26, v47;
	v0 =	vadd.f32 v53, v0  }
0x301: {  	v49 =	vld [tilespmem:$0x1FF50];
	v50 =	vmul.f32 v17, v46;
	v17 =	vmul.f32 v6, v16  }
0x302: {  	v19 =	vadd.s32 s26, v19;
	v0 =	vadd.f32 v48, v0;
	v48 =	vld [tilespmem:$0x1FEC0]  }
0x303: {  	v39 =	vmul.f32 v17, v6;
	v17 =	vld [tilespmem:$0x1FE80]  }
0x304: {  	v15 =	vadd.s32 s26, v51;
	v51 =	vld [tilespmem:$0x1FF70]  }
0x305: {  	v20 =	vmul.f32 v50, v18;
	v22 =	vld.idx.msk [tilespmem:v13+s16+$0x0], $0xffff  }
0x306: {  	v13 =	vld.idx.msk [tilespmem:v13+s15+$0x0], $0xffff  }
0x307: {  	v47 =	vadd.f32 v52, v0;
	v46 =	vmul.f32 v20, v50;
	v53 =	vld.idx.msk [tilespmem:v19+s16+$0x0], $0xffff;
	v0 =	vadd.s32 s26, v48  }
0x308: {  	v19 =	vld.idx.msk [tilespmem:v19+s15+$0x0], $0xffff;
	v17 =	vadd.s32 s26, v17  }
0x309: {  	v1 =	vsub.f32 $1.500000000e+00, v46;
	v24 =	vld.idx.msk [tilespmem:v15+s16+$0x0], $0xffff  }
0x30a: {  	v46 =	vadd.s32 s26, v27;
	v15 =	vld.idx.msk [tilespmem:v15+s15+$0x0], $0xffff  }
0x30b: {  	v8 =	vsub.f32 v12, v8;
	v25 =	vsub.f32 $1.500000000e+00, v39;
	v11 =	vmul.f32 v1, v50;
	v50 =	vld [tilespmem:$0x1FF60]  }
0x30c: {  	v39 =	vadd.s32 s26, v49;
	v1 =	vld.idx.msk [tilespmem:v0+s16+$0x0], $0xffff  }
0x30d: {  	v8 =	vmul.f32 v8, v8;
	v23 =	vsel vm4, v45, v43;
	v6 =	vmul.f32 v25, v6;
	v25 =	vld.idx.msk [tilespmem:v17+s16+$0x0], $0xffff  }
0x30e: {  	v23 =	vsub.f32 v23, v41;
	v12 =	vadd.s32 s26, v51;
	v18 =	vmul.f32 v11, v18;
	v17 =	vld.idx.msk [tilespmem:v17+s15+$0x0], $0xffff  }
0x30f: {  	v41 =	vadd.s32 s26, v61;
	v7 =	vadd.f32 v9, v7;
	v9 =	vadd.s32 s26, v28;
	v48 =	vld.idx.msk [tilespmem:v46+s16+$0x0], $0xffff  }
0x310: {  	v2 =	vsub.f32 v19, v53;
	v18 =	vmul.f32 v18, v11;
	v27 =	vadd.s32 s26, v50;
	v19 =	vld [tilespmem:$0x1FF90]  }
0x311: {  	v4 =	vsub.f32 v4, v36;
	v20 =	vsel vm4, v44, v42;
	v49 =	vadd.s32 s26, v60;
	v36 =	vld.idx.msk [tilespmem:v39+s16+$0x0], $0xffff  }
0x312: {  	v13 =	vsub.f32 v13, v22;
	v50 =	vadd.s32 s26, v58;
	v22 =	vld [tilespmem:$0x1FF80];
	v18 =	vsub.f32 $1.500000000e+00, v18  }
0x313: {  	v16 =	vmul.f32 v6, v16;
	v2 =	vmul.f32 v2, v2;
	v15 =	vsub.f32 v15, v24;
	v24 =	vld.idx.msk [tilespmem:v12+s16+$0x0], $0xffff  }
0x314: {  	v20 =	vsub.f32 v20, v40;
	v13 =	vmul.f32 v13, v13;
	v53 =	vld.idx.msk [tilespmem:v41+s16+$0x0], $0xffff;
	v11 =	vmul.f32 v18, v11  }
0x315: {  	v16 =	vmul.f32 v16, v6;
	v2 =	vadd.f32 v2, v8;
	v8 =	vld.idx.msk [tilespmem:v27+s16+$0x0], $0xffff;
	v40 =	vadd.s32 s26, v19  }
0x316: {  	v52 =	vmul.f32 v15, v15;
	v15 =	vadd.s32 s26, v63;
	v44 =	vmul.f32 v11, v14;
	v11 =	vld.idx.msk [tilespmem:v49+s16+$0x0], $0xffff  }
0x317: {  	v18 =	vadd.s32 s26, v59;
	v2 =	vadd.f32 v13, v2;
	v13 =	vld.idx.msk [tilespmem:v50+s16+$0x0], $0xffff  }
0x318: {  	v5 =	vadd.f32 v7, v5;
	v16 =	vsub.f32 $1.500000000e+00, v16;
	v19 =	vld.idx.msk [tilespmem:v9+s16+$0x0], $0xffff  }
0x319: {  	v7 =	vsub.f32 v21, v26;
	v22 =	vadd.s32 s26, v22;
	v2 =	vadd.f32 v52, v2;
	v52 =	vld [tilespmem:$0x1FE90]  }
0x31a: {  	v6 =	vmul.f32 v16, v6;
	v16 =	vld.idx.msk [tilespmem:v40+s16+$0x0], $0xffff  }
0x31b: {  	v23 =	vmul.f32 v23, v23;
	v7 =	vmul.f32 v7, v7;
	v51 =	vsub.f32 v17, v25;
	v25 =	vld.idx.msk [tilespmem:v15+s16+$0x0], $0xffff  }
0x31c: {  	v20 =	vmul.f32 v20, v20;
	v6 =	vmul.f32 v6, v10;
	v17 =	vld.idx.msk [tilespmem:v18+s16+$0x0], $0xffff  }
0x31d: {  	v45 =	vmax.f32 v26, v1;
	v26 =	vmax.f32 v48, v36;
	v7 =	vadd.f32 v7, v2;
	v2 =	vld.idx.msk [tilespmem:v12+s15+$0x0], $0xffff  }
0x31e: {  	v6 =	vadd.f32 v44, v6;
	v14 =	vmax.f32 v45, v26;
	v21 =	vld.idx.msk [tilespmem:v22+s16+$0x0], $0xffff  }
0x31f: {  	v14 =	vmax.f32 v53, v14;
	v12 =	vadd.f32 v23, v20;
	v20 =	vld [tilespmem:$0x1FEA0];
	vm9 =	vgt.f32 v16, $0.0e+00  }
0x320: {  	v44 =	vld.idx.msk [tilespmem:v9+s15+$0x0], $0xffff;
	v10 =	vmul.f32 v51, v51;
	vm3 =	vgt.f32 v14, $0.0e+00;
	vm5 =	vmneg vm9  }
0x321: {  	v5 =	vadd.f32 v5, v3;
	v51 =	vld.idx.msk [tilespmem:v22+s15+$0x0], $0xffff;
	vm5 =	vmand vm3, vm5  }
0x322: {  	v45 =	vld.idx.msk [tilespmem:v27+s15+$0x0], $0xffff;
	v7 =	vadd.f32 v10, v7;
	v9 =	vadd.s32 s26, v52;
	v3 =	vsel vm5, v13, v24  }
0x323: {  	v52 =	vsel vm5, v17, v21;
	v42 =	vsel vm5, v11, v19;
	v11 =	vld.idx.msk [tilespmem:v50+s15+$0x0], $0xffff;
	v53 =	vmul.f32 $5.000000000e-01, v3  }
0x324: {  	v20 =	vadd.s32 s26, v20;
	v43 =	vsel vm5, v25, v8;
	v21 =	vld [tilespmem:$0x1FEB0];
	v8 =	vmul.f32 $5.000000000e-01, v52  }
0x325: {  	v49 =	vld.idx.msk [tilespmem:v49+s15+$0x0], $0xffff;
	v13 =	vsub.f32 v42, v53;
	v10 =	vadd.f32 v53, v42;
	v53 =	vmul.f32 $5.000000000e-01, v2  }
0x326: {  	v16 =	vld.idx.msk [tilespmem:v18+s15+$0x0], $0xffff;
	v18 =	vmul.f32 $5.000000000e-01, v51;
	v17 =	vsub.f32 v43, v8;
	v8 =	vadd.f32 v8, v43  }
0x327: {  	v25 =	vmul.f32 v52, v3;
	v19 =	vsub.f32 v44, v53;
	v14 =	vadd.f32 v53, v44  }
0x328: {  	v50 =	vld.idx.msk [tilespmem:v15+s15+$0x0], $0xffff;
	v53 =	vsub.f32 v45, v18;
	v18 =	vadd.f32 v18, v45;
	v22 =	vmul.f32 $5.000000000e-01, v11  }
0x329: {  	v21 =	vadd.s32 s26, v21;
	v19 =	vmax.f32 v19, v13;
	v14 =	vmin.f32 v14, v10  }
0x32a: {  	v23 =	vld.idx.msk [tilespmem:v9+s16+$0x0], $0xffff;
	v15 =	vmax.f32 v53, v17;
	v18 =	vmin.f32 v18, v8;
	v24 =	vsub.f32 v49, v22  }
0x32b: {  	v9 =	vld.idx.msk [tilespmem:v9+s15+$0x0], $0xffff;
	v22 =	vadd.f32 v22, v49;
	v15 =	vsub.f32 v18, v15;
	v18 =	vmul.f32 $5.000000000e-01, v16  }
0x32c: {  	v27 =	vld.idx.msk [tilespmem:v20+s16+$0x0], $0xffff;
	v14 =	vsub.f32 v14, v19;
	v19 =	vadd.s32 s26, v54;
	v13 =	vmax.f32 v24, v13  }
0x32d: {  	v20 =	vld.idx.msk [tilespmem:v20+s15+$0x0], $0xffff;
	v10 =	vmin.f32 v22, v10;
	v26 =	vsub.f32 v50, v18;
	v18 =	vadd.f32 v18, v50  }
0x32e: {  	v22 =	vmul.f32 v51, v2;
	v14 =	vmax.f32 v14, $0.0e+00;
	v15 =	vmax.f32 v15, $0.0e+00  }
0x32f: {  	v10 =	vsub.f32 v10, v13;
	v13 =	vld.idx.msk [tilespmem:v21+s16+$0x0], $0xffff;
	v17 =	vmax.f32 v26, v17;
	v8 =	vmin.f32 v18, v8  }
0x330: {  	v14 =	vmul.f32 v15, v14;
	v8 =	vsub.f32 v8, v17;
	v17 =	vld.idx.msk [tilespmem:v21+s15+$0x0], $0xffff;
	v21 =	vadd.f32 v25, v22  }
0x331: {  	v6 =	vadd.f32 v6, v6;
	v9 =	vsub.f32 v9, v23;
	v18 =	vld.idx.msk [tilespmem:v35+s15+$0x0], $0xffff  }
0x332: {  	v53 =	vmul.f32 v16, v11;
	v35 =	vsub.f32 v20, v27;
	v20 =	vsub.f32 v21, v14;
	v21 =	vld [tilespmem:$0x1FEF0]  }
0x333: {  	v0 =	vld.idx.msk [tilespmem:v0+s15+$0x0], $0xffff;
	v23 =	vadd.s32 s26, v55;
	v10 =	vmax.f32 v10, $0.0e+00;
	v8 =	vmax.f32 v8, $0.0e+00  }
0x334: {  	v22 =	vld.idx.msk [tilespmem:v34+s15+$0x0], $0xffff;
	v34 =	vadd.f32 v53, v25;
	v8 =	vmul.f32 v8, v10  }
0x335: {  	v5 =	vsub.f32 v5, v6;
	v9 =	vmul.f32 v9, v9;
	v6 =	vld.idx.msk [tilespmem:v19+s16+$0x0], $0xffff  }
0x336: {  	v10 =	vsub.f32 v34, v8;
	v34 =	vld.idx.msk [tilespmem:v19+s15+$0x0], $0xffff;
	v13 =	vsub.f32 v17, v13;
	v17 =	vadd.s32 s26, v56  }
0x337: {  	v21 =	vadd.s32 s26, v21  }
0x338: {  	v7 =	vadd.f32 v9, v7;
	v9 =	vld.idx.msk [tilespmem:v23+s16+$0x0], $0xffff  }
0x339: {  	vm0 =	vmor vm0, vm2;
	v0 =	vsub.f32 v0, v1;
	v1 =	vld.idx.msk [tilespmem:v23+s15+$0x0], $0xffff;
	v19 =	vadd.f32 $9.999999970e-07, v20  }
0x33a: {  	v5 =	vadd.f32 v5, v12;
	v24 =	vld [tilespmem:$0x1FE40];
	v53 =	vmul.f32 v35, v35;
	v10 =	vadd.f32 $9.999999970e-07, v10  }
0x33b: {  	v35 =	vmax.f32 v37, v38;
	(erf) = vrcp.f32 v19;
	v6 =	vsub.f32 v34, v6;
	v34 =	vld.idx.msk [tilespmem:v17+s15+$0x0], $0xffff  }
0x33c: {  	v7 =	vadd.f32 v53, v7;
	v13 =	vmul.f32 v13, v13;
	(erf) = vrcp.f32 v10;
	v37 =	vld.idx.msk [tilespmem:v21+s16+$0x0], $0xffff  }
0x33d: {  	v0 =	vmul.f32 v0, v0;
	v5 =	vnsel vm0, $0x0, v5;
	v38 =	vld.idx.msk [tilespmem:v21+s15+$0x0], $0xffff  }
0x33e: {  	s28 =	sadd.s32 $0xFFFFF880, s24;
	v33 =	vadd.f32 v5, v33;
	v7 =	vadd.f32 v13, v7;
	v5 =	vmul.f32 v6, v6;
	v6 =	vld.idx.msk [tilespmem:v17+s16+$0x0], $0xffff  }
0x33f: {  	v12 =	vadd.s32 s26, v62;
	v24 =	vadd.s32 s28, v24;
	v19 =	vsel vm4, v22, v18  }
0x340: {  	v10 =	vsub.f32 v19, v35;
	v0 =	vadd.f32 v0, v7;
	v17 =	vmul.f32 v19, v19  }
0x341: {  	v1 =	vsub.f32 v1, v9;
	v53 =	vmul.f32 v18, v18;
	v35 =	vmul.f32 v22, v22  }
0x342: {  	v7 =	vmul.f32 v10, v10;
	v0 =	vadd.f32 v5, v0;
	v5 =	vsub.f32 v38, v37;
	v38 =	vld.idx.msk [tilespmem:v46+s15+$0x0], $0xffff  }
0x343: {  	v4 =	vmul.f32 v4, v4;
	v10 =	vadd.f32 v35, v53;
	v6 =	vsub.f32 v34, v6;
	v34 =	vld [tilespmem:$0x1FF30]  }
0x344: {  	v21 =	vadd.s32 s28, v29;
	v7 =	vnsel vm0, $0x0, v7;
	v37 =	vnsel vm0, $0x0, v17;
	v17 =	vpop (erf)  }
0x345: {  	v32 =	vadd.f32 v7, v32;
	v18 =	vpop (erf);
	v46 =	vmul.f32 v17, v14;
	v7 =	vsub.f32 v10, v37;
	v10 =	vld.idx.msk [tilespmem:v24+s16+$0x0], $0xffff  }
0x346: {  	v4 =	vadd.f32 v4, v47;
	v53 =	vmul.f32 v5, v5;
	v5 =	vld [tilespmem:$0x1FF20];
	v47 =	vmul.f32 v18, v8  }
0x347: {  	v1 =	vmul.f32 v1, v1;
	v35 =	vmul.f32 v6, v6;
	v6 =	vld.idx.msk [tilespmem:v12+s16+$0x0], $0xffff  }
0x348: {  	vm10 =	vgt.f32 v47, v46;
	v8 =	vadd.s32 s26, v34;
	v37 =	vsub.f32 v38, v48;
	v38 =	vld.idx.msk [tilespmem:v12+s15+$0x0], $0xffff  }
0x349: {  	v0 =	vadd.f32 v1, v0;
	v2 =	vsel vm10, v11, v2;
	v11 =	vld.idx.msk [tilespmem:v21+s15+$0x0], $0xffff  }
0x34a: {  	v48 =	vadd.s32 s26, v57;
	v12 =	vld.idx.msk [tilespmem:v24+s15+$0x0], $0xffff  }
0x34b: {  	v3 =	vmax.f32 v3, $9.999999970e-07;
	v0 =	vadd.f32 v53, v0;
	v34 =	vsel vm10, v16, v51;
	v24 =	vld [tilespmem:$0x1FE80]  }
0x34c: {  	v14 =	vmax.f32 v2, $9.999999970e-07;
	v13 =	vmax.f32 v34, $9.999999970e-07;
	v9 =	vmul.f32 v37, v37;
	v37 =	vld.idx.msk [tilespmem:v40+s15+$0x0], $0xffff  }
0x34d: {  	v2 =	vmax.f32 v52, $9.999999970e-07;
	v0 =	vadd.f32 v35, v0;
	v5 =	vadd.s32 s26, v5;
	v35 =	vld.idx.msk [tilespmem:v8+s16+$0x0], $0xffff  }
0x34e: {  	v31 =	vadd.f32 v7, v31;
	v15 =	vmul.f32 v14, v3;
	v7 =	vmul.f32 v13, v2;
	v8 =	vld.idx.msk [tilespmem:v8+s15+$0x0], $0xffff  }
0x34f: {  	v18 =	vld.idx.msk [tilespmem:v48+s16+$0x0], $0xffff  }
0x350: {  	v16 =	vshra.s32 v15, $0x1;
	v17 =	vmul.f32 $5.000000000e-01, v15;
	v19 =	vshra.s32 v7, $0x1;
	v48 =	vld.idx.msk [tilespmem:v48+s15+$0x0], $0xffff  }
0x351: {  	v6 =	vsub.f32 v38, v6;
	v51 =	vsub.s32 $0x5F3759DF, v16;
	v16 =	vsub.s32 $0x5F3759DF, v19;
	v19 =	vld.idx.msk [tilespmem:v39+s15+$0x0], $0xffff  }
0x352: {  	v22 =	vmul.f32 v51, v17;
	v53 =	vld.idx.msk [tilespmem:v5+s16+$0x0], $0xffff  }
0x353: {  	v0 =	vadd.f32 v9, v0;
	v24 =	vadd.s32 s28, v24;
	v5 =	vld.idx.msk [tilespmem:v5+s15+$0x0], $0xffff;
	v6 =	vmul.f32 v6, v6  }
0x354: {  	v20 =	vmul.f32 $5.000000000e-01, v7;
	v52 =	vmul.f32 v51, v22;
	v22 =	vld [tilespmem:$0x1FE50]  }
0x355: {  	v0 =	vadd.f32 v6, v0;
	v6 =	vld.idx.msk [tilespmem:v21+s16+$0x0], $0xffff  }
0x356: {  	v23 =	vmul.f32 v16, v20;
	v21 =	vld [tilespmem:$0x1FE60]  }
0x357: {  	v38 =	vld.idx.msk [tilespmem:v41+s15+$0x0], $0xffff  }
0x358: {  	v34 =	vsub.f32 $1.500000000e+00, v52;
	v27 =	vld.idx.msk [tilespmem:v24+s16+$0x0], $0xffff;
	v5 =	vsub.f32 v5, v53;
	v53 =	vmul.f32 v16, v23  }
0x359: {  	v1 =	vsub.f32 v8, v35;
	v24 =	vld.idx.msk [tilespmem:v24+s15+$0x0], $0xffff;
	v22 =	vadd.s32 s28, v22  }
0x35a: {  	v52 =	vld [tilespmem:$0x1FF70];
	v8 =	vmul.f32 v51, v34;
	v5 =	vmul.f32 v5, v5;
	v35 =	vsub.f32 $1.500000000e+00, v53  }
0x35b: {  	v51 =	vsub.f32 v19, v36;
	v19 =	vsel vm10, v49, v44;
	v49 =	vld [tilespmem:$0x1FF50];
	v21 =	vadd.s32 s28, v21  }
0x35c: {  	v0 =	vadd.f32 v5, v0;
	v5 =	vsub.f32 v48, v18;
	v9 =	vmul.f32 v16, v35;
	v16 =	vld [tilespmem:$0x1FE70]  }
0x35d: {  	v48 =	vld [tilespmem:$0x1FF10]  }
0x35e: {  	v4 =	vnsel vm0, $0x0, v4;
	v1 =	vmul.f32 v1, v1;
	v39 =	vmul.f32 v5, v5;
	v5 =	vld.idx.msk [tilespmem:v22+s16+$0x0], $0xffff  }
0x35f: {  	v34 =	vadd.f32 v4, v30;
	v18 =	vmul.f32 v8, v17;
	v22 =	vld.idx.msk [tilespmem:v22+s15+$0x0], $0xffff  }
0x360: {  	v36 =	vadd.s32 s28, v49;
	v0 =	vadd.f32 v1, v0;
	v23 =	vmul.f32 v9, v20;
	v4 =	vld.idx.msk [tilespmem:v21+s16+$0x0], $0xffff  }
0x361: {  	v10 =	vsub.f32 v12, v10;
	v6 =	vsub.f32 v11, v6;
	v40 =	vmul.f32 v18, v8;
	v18 =	vld.idx.msk [tilespmem:v21+s15+$0x0], $0xffff  }
0x362: {  	v11 =	vadd.s32 s28, v52;
	v21 =	vld [tilespmem:$0x1FE90];
	v30 =	vadd.f32 v39, v0;
	v41 =	vmul.f32 v23, v9  }
0x363: {  	v23 =	vsel vm10, v50, v45;
	v0 =	vsub.f32 $1.500000000e+00, v40;
	v45 =	vld [tilespmem:$0x1FEC0];
	v40 =	vadd.s32 s28, v61  }
0x364: {  	v50 =	vld [tilespmem:$0x1FF60];
	v16 =	vadd.s32 s28, v16;
	v26 =	vsub.f32 $1.500000000e+00, v41  }
0x365: {  	v10 =	vmul.f32 v10, v10;
	v35 =	vld.idx.msk [tilespmem:v36+s16+$0x0], $0xffff  }
0x366: {  	v8 =	vmul.f32 v0, v8;
	v5 =	vsub.f32 v22, v5;
	v22 =	vld [tilespmem:$0x1FF80];
	v9 =	vmul.f32 v26, v9  }
0x367: {  	v6 =	vmul.f32 v6, v6;
	v21 =	vadd.s32 s28, v21;
	v4 =	vsub.f32 v18, v4;
	v18 =	vld.idx.msk [tilespmem:v11+s16+$0x0], $0xffff  }
0x368: {  	v19 =	vsub.f32 v19, v42;
	v17 =	vmul.f32 v8, v17;
	v42 =	vld.idx.msk [tilespmem:v40+s16+$0x0], $0xffff;
	v20 =	vmul.f32 v9, v20  }
0x369: {  	v52 =	vadd.s32 s28, v60;
	v6 =	vadd.f32 v10, v6;
	v5 =	vmul.f32 v5, v5;
	v25 =	vld.idx.msk [tilespmem:v16+s16+$0x0], $0xffff  }
0x36a: {  	v1 =	vadd.s32 s28, v45;
	v53 =	vmul.f32 v17, v8;
	v17 =	vmul.f32 v20, v9;
	v20 =	vld [tilespmem:$0x1FF90]  }
0x36b: {  	v45 =	vadd.s32 s28, v48;
	v16 =	vld.idx.msk [tilespmem:v16+s15+$0x0], $0xffff  }
0x36c: {  	v41 =	vadd.s32 s28, v50;
	v4 =	vmul.f32 v4, v4;
	v5 =	vadd.f32 v5, v6;
	v26 =	vld.idx.msk [tilespmem:v21+s16+$0x0], $0xffff  }
0x36d: {  	v3 =	vadd.f32 v14, v3;
	v14 =	vadd.s32 s28, v28;
	v21 =	vld.idx.msk [tilespmem:v21+s15+$0x0], $0xffff  }
0x36e: {  	v22 =	vadd.s32 s28, v22;
	v4 =	vadd.f32 v4, v5;
	v5 =	vld.idx.msk [tilespmem:v52+s16+$0x0], $0xffff  }
0x36f: {  	v0 =	vld.idx.msk [tilespmem:v1+s16+$0x0], $0xffff;
	v39 =	vadd.s32 s28, v20  }
0x370: {  	v12 =	vsub.f32 $1.500000000e+00, v53;
	v53 =	vadd.s32 s28, v58;
	v48 =	vld.idx.msk [tilespmem:v45+s16+$0x0], $0xffff  }
0x371: {  	v6 =	vadd.s32 s28, v63;
	v17 =	vsub.f32 $1.500000000e+00, v17;
	v10 =	vld.idx.msk [tilespmem:v41+s16+$0x0], $0xffff  }
0x372: {  	v8 =	vmul.f32 v12, v8;
	v20 =	vld.idx.msk [tilespmem:v14+s16+$0x0], $0xffff  }
0x373: {  	v44 =	vsub.f32 v16, v25;
	v9 =	vmul.f32 v17, v9;
	v17 =	vadd.s32 s28, v59;
	v16 =	vld.idx.msk [tilespmem:v22+s16+$0x0], $0xffff  }
0x374: {  	v3 =	vadd.f32 v3, v13;
	v23 =	vsub.f32 v23, v43;
	v12 =	vld.idx.msk [tilespmem:v39+s16+$0x0], $0xffff  }
0x375: {  	v43 =	vsub.f32 v24, v27;
	v8 =	vmul.f32 v8, v15;
	v49 =	vmul.f32 v44, v44;
	v13 =	vld.idx.msk [tilespmem:v53+s16+$0x0], $0xffff  }
0x376: {  	v7 =	vmul.f32 v9, v7;
	v9 =	vld.idx.msk [tilespmem:v6+s16+$0x0], $0xffff;
	v50 =	vmax.f32 v25, v0;
	v25 =	vmax.f32 v48, v35  }
0x377: {  	v19 =	vmul.f32 v19, v19;
	v23 =	vmul.f32 v23, v23;
	v15 =	vmax.f32 v50, v25;
	v50 =	vld.idx.msk [tilespmem:v11+s15+$0x0], $0xffff  }
0x378: {  	v4 =	vadd.f32 v49, v4;
	v7 =	vadd.f32 v7, v8;
	v8 =	vmul.f32 v43, v43;
	v24 =	vld.idx.msk [tilespmem:v17+s16+$0x0], $0xffff  }
0x379: {  	v11 =	vadd.f32 v23, v19;
	v43 =	vld.idx.msk [tilespmem:v14+s15+$0x0], $0xffff;
	v44 =	vmax.f32 v42, v15;
	vm11 =	vgt.f32 v12, $0.0e+00  }
0x37a: {  	vm13 =	vgt.f32 v44, $0.0e+00;
	v12 =	vadd.f32 v3, v2;
	v2 =	vld.idx.msk [tilespmem:v22+s15+$0x0], $0xffff;
	vm12 =	vmneg vm11  }
0x37b: {  	v4 =	vadd.f32 v8, v4;
	v8 =	vsub.f32 v21, v26;
	v44 =	vld.idx.msk [tilespmem:v41+s15+$0x0], $0xffff;
	vm5 =	vmand vm13, vm12  }
0x37c: {  	v3 =	vsel vm5, v13, v18;
	v42 =	vsel vm5, v9, v10;
	v9 =	vld.idx.msk [tilespmem:v53+s15+$0x0], $0xffff;
	v53 =	vmul.f32 $5.000000000e-01, v50  }
0x37d: {  	v49 =	vsel vm5, v24, v16;
	v41 =	vsel vm5, v5, v20;
	v13 =	vmul.f32 $5.000000000e-01, v3  }
0x37e: {  	v15 =	vld.idx.msk [tilespmem:v17+s15+$0x0], $0xffff;
	v5 =	vmul.f32 $5.000000000e-01, v49;
	v19 =	vsub.f32 v43, v53;
	v14 =	vadd.f32 v53, v43  }
0x37f: {  	v21 =	vld [tilespmem:$0x1FEA0];
	v17 =	vmul.f32 $5.000000000e-01, v2;
	v10 =	vsub.f32 v41, v13;
	v13 =	vadd.f32 v13, v41  }
0x380: {  	v18 =	vmax.f32 v46, v47;
	v46 =	vld.idx.msk [tilespmem:v52+s15+$0x0], $0xffff;
	v16 =	vsub.f32 v42, v5;
	v5 =	vadd.f32 v5, v42  }
0x381: {  	v47 =	vld.idx.msk [tilespmem:v6+s15+$0x0], $0xffff;
	v6 =	vsub.f32 v44, v17;
	v17 =	vadd.f32 v17, v44  }
0x382: {  	v19 =	vmax.f32 v19, v10;
	v14 =	vmin.f32 v14, v13;
	v22 =	vmul.f32 $5.000000000e-01, v9  }
0x383: {  	v6 =	vmax.f32 v6, v16;
	v17 =	vmin.f32 v17, v5;
	v14 =	vsub.f32 v14, v19;
	v19 =	vld [tilespmem:$0x1FEB0]  }
0x384: {  	v6 =	vsub.f32 v17, v6;
	v17 =	vmul.f32 $5.000000000e-01, v15  }
0x385: {  	v21 =	vadd.s32 s28, v21;
	v23 =	vsub.f32 v46, v22;
	v22 =	vadd.f32 v22, v46  }
0x386: {  	v25 =	vsub.f32 v47, v17;
	v17 =	vadd.f32 v17, v47  }
0x387: {  	v10 =	vmax.f32 v23, v10;
	v13 =	vmin.f32 v22, v13  }
0x388: {  	v19 =	vadd.s32 s28, v19;
	v16 =	vmax.f32 v25, v16;
	v5 =	vmin.f32 v17, v5  }
0x389: {  	v1 =	vld.idx.msk [tilespmem:v1+s15+$0x0], $0xffff;
	v10 =	vsub.f32 v13, v10;
	v5 =	vsub.f32 v5, v16  }
0x38a: {  	v24 =	vmul.f32 v49, v3;
	v26 =	vld.idx.msk [tilespmem:v21+s16+$0x0], $0xffff;
	v52 =	vmul.f32 v15, v9  }
0x38b: {  	v21 =	vld.idx.msk [tilespmem:v21+s15+$0x0], $0xffff;
	v10 =	vmax.f32 v10, $0.0e+00;
	v5 =	vmax.f32 v5, $0.0e+00  }
0x38c: {  	v7 =	vadd.f32 v7, v7;
	v5 =	vmul.f32 v5, v10;
	v10 =	vadd.f32 v52, v24;
	v52 =	vld [tilespmem:$0x1FEF0]  }
0x38d: {  	v16 =	vadd.s32 s28, v54;
	v13 =	vld.idx.msk [tilespmem:v19+s16+$0x0], $0xffff  }
0x38e: {  	v8 =	vmul.f32 v8, v8;
	v7 =	vsub.f32 v12, v7;
	v17 =	vmul.f32 v2, v50;
	v19 =	vld.idx.msk [tilespmem:v19+s15+$0x0], $0xffff  }
0x38f: {  	v14 =	vmax.f32 v14, $0.0e+00;
	v6 =	vmax.f32 v6, $0.0e+00;
	v22 =	vadd.s32 s28, v55  }
0x390: {  	v0 =	vsub.f32 v1, v0;
	v6 =	vmul.f32 v6, v14;
	v17 =	vadd.f32 v24, v17  }
0x391: {  	v4 =	vadd.f32 v8, v4;
	v20 =	vsel vm10, v38, v37;
	v7 =	vadd.f32 v7, v11  }
0x392: {  	v53 =	vsub.f32 v21, v26;
	v17 =	vsub.f32 v17, v6;
	v14 =	vld.idx.msk [tilespmem:v16+s16+$0x0], $0xffff;
	v12 =	vadd.s32 s28, v52  }
0x393: {  	v10 =	vsub.f32 v10, v5;
	v16 =	vld.idx.msk [tilespmem:v16+s15+$0x0], $0xffff;
	v13 =	vsub.f32 v19, v13;
	v19 =	vadd.s32 s28, v56  }
0x394: {  	v11 =	vsub.f32 v20, v18;
	v53 =	vmul.f32 v53, v53;
	v18 =	vld.idx.msk [tilespmem:v22+s16+$0x0], $0xffff;
	v17 =	vadd.f32 $9.999999970e-07, v17  }
0x395: {  	v10 =	vadd.f32 $9.999999970e-07, v10;
	v52 =	vmul.f32 v13, v13;
	v13 =	vld.idx.msk [tilespmem:v22+s15+$0x0], $0xffff  }
0x396: {  	v0 =	vmul.f32 v0, v0;
	v4 =	vadd.f32 v53, v4;
	(erf) = vrcp.f32 v17  }
0x397: {  	v53 =	vmul.f32 v51, v51;
	(erf) = vrcp.f32 v10;
	v1 =	vld.idx.msk [tilespmem:v12+s16+$0x0], $0xffff  }
0x398: {  	v51 =	vsub.f32 v16, v14;
	v16 =	vadd.s32 s28, v62;
	v4 =	vadd.f32 v52, v4;
	v14 =	vld.idx.msk [tilespmem:v19+s16+$0x0], $0xffff  }
0x399: {  	vm1 =	vmor vm9, vm3;
	v10 =	vadd.f32 v53, v30;
	v52 =	vld.idx.msk [tilespmem:v19+s15+$0x0], $0xffff  }
0x39a: {  	v8 =	vld.idx.msk [tilespmem:v12+s15+$0x0], $0xffff;
	v0 =	vadd.f32 v0, v4;
	v4 =	vmul.f32 v51, v51;
	v53 =	vsub.f32 v13, v18  }
0x39b: {  	v7 =	vnsel vm1, $0x0, v7;
	v51 =	vld [tilespmem:$0x1FF20]  }
0x39c: {  	v11 =	vmul.f32 v11, v11;
	v17 =	vld.idx.msk [tilespmem:v45+s15+$0x0], $0xffff;
	v0 =	vadd.f32 v4, v0;
	v4 =	vmul.f32 v53, v53  }
0x39d: {  	v38 =	vmul.f32 v38, v38;
	v33 =	vadd.f32 v7, v33;
	v12 =	vld.idx.msk [tilespmem:v16+s16+$0x0], $0xffff  }
0x39e: {  	v7 =	vnsel vm1, $0x0, v11;
	v0 =	vadd.f32 v4, v0;
	v4 =	vsub.f32 v52, v14;
	v52 =	vld.idx.msk [tilespmem:v16+s15+$0x0], $0xffff  }
0x39f: {  	v3 =	vmax.f32 v3, $9.999999970e-07;
	v32 =	vadd.f32 v7, v32;
	v7 =	vmul.f32 v37, v37;
	v18 =	vpop (erf);
	v16 =	vld [tilespmem:$0x1FF30]  }
0x3a0: {  	v45 =	vmul.f32 v20, v20;
	v1 =	vsub.f32 v8, v1;
	v13 =	vadd.s32 s28, v51;
	v53 =	vpop (erf)  }
0x3a1: {  	v7 =	vadd.f32 v38, v7;
	v6 =	vmul.f32 v18, v6;
	v5 =	vmul.f32 v53, v5  }
0x3a2: {  	v38 =	vadd.s32 s28, v57;
	v8 =	vnsel vm1, $0x0, v45;
	v1 =	vmul.f32 v1, v1  }
0x3a3: {  	v26 =	vld [tilespmem:$0x1FF10];
	v37 =	vmul.f32 v4, v4;
	v4 =	vsub.f32 v17, v48;
	vm14 =	vgt.f32 v5, v6  }
0x3a4: {  	v22 =	vld [tilespmem:$0x1FE40];
	v7 =	vsub.f32 v7, v8;
	v9 =	vsel vm14, v9, v50;
	v16 =	vadd.s32 s28, v16  }
0x3a5: {  	s29 =	sadd.s32 $0xFFFFFA60, s24;
	v0 =	vadd.f32 v1, v0;
	v45 =	vmul.f32 v4, v4;
	v4 =	vld.idx.msk [tilespmem:v13+s16+$0x0], $0xffff;
	v9 =	vmax.f32 v9, $9.999999970e-07  }
0x3a6: {  	v21 =	vadd.s32 s29, v29;
	v48 =	vld.idx.msk [tilespmem:v13+s15+$0x0], $0xffff;
	v13 =	vmul.f32 v9, v3  }
0x3a7: {  	v30 =	vadd.f32 v7, v31;
	v7 =	vld.idx.msk [tilespmem:v38+s15+$0x0], $0xffff;
	v1 =	vmax.f32 v49, $9.999999970e-07;
	v0 =	vadd.f32 v37, v0  }
0x3a8: {  	v11 =	vsub.f32 v52, v12;
	v52 =	vld.idx.msk [tilespmem:v38+s16+$0x0], $0xffff;
	v17 =	vshra.s32 v13, $0x1;
	v18 =	vmul.f32 $5.000000000e-01, v13  }
0x3a9: {  	v2 =	vsel vm14, v15, v2;
	v0 =	vadd.f32 v45, v0;
	v53 =	vsub.s32 $0x5F3759DF, v17;
	v50 =	vld.idx.msk [tilespmem:v16+s16+$0x0], $0xffff  }
0x3aa: {  	v11 =	vmul.f32 v11, v11;
	v51 =	vld.idx.msk [tilespmem:v16+s15+$0x0], $0xffff;
	v16 =	vmax.f32 v2, $9.999999970e-07;
	v45 =	vmul.f32 v53, v18  }
0x3ab: {  	v14 =	vld.idx.msk [tilespmem:v21+s15+$0x0], $0xffff;
	v17 =	vmul.f32 v16, v1  }
0x3ac: {  	v22 =	vadd.s32 s29, v22;
	v38 =	vld.idx.msk [tilespmem:v39+s15+$0x0], $0xffff;
	v0 =	vadd.f32 v11, v0;
	v11 =	vmul.f32 v53, v45  }
0x3ad: {  	v39 =	vld.idx.msk [tilespmem:v40+s15+$0x0], $0xffff;
	v4 =	vsub.f32 v48, v4;
	v19 =	vshra.s32 v17, $0x1;
	v20 =	vmul.f32 $5.000000000e-01, v17  }
0x3ae: {  	v12 =	vld.idx.msk [tilespmem:v21+s16+$0x0], $0xffff;
	v2 =	vsub.f32 v7, v52;
	v49 =	vsub.s32 $0x5F3759DF, v19;
	v7 =	vsub.f32 $1.500000000e+00, v11  }
0x3af: {  	v48 =	vld.idx.msk [tilespmem:v36+s15+$0x0], $0xffff;
	v19 =	vmul.f32 v49, v20  }
0x3b0: {  	v4 =	vmul.f32 v4, v4;
	v8 =	vsub.f32 v51, v50;
	v51 =	vld [tilespmem:$0x1FE50];
	v7 =	vmul.f32 v53, v7  }
0x3b1: {  	v53 =	vld.idx.msk [tilespmem:v22+s15+$0x0], $0xffff;
	v50 =	vmul.f32 v49, v19  }
0x3b2: {  	v0 =	vadd.f32 v4, v0;
	v4 =	vmul.f32 v8, v8;
	v19 =	vld [tilespmem:$0x1FE60];
	v21 =	vmul.f32 v7, v18  }
0x3b3: {  	v3 =	vadd.f32 v9, v3;
	v9 =	vadd.s32 s29, v28;
	v8 =	vsub.f32 $1.500000000e+00, v50;
	v50 =	vld [tilespmem:$0x1FEC0]  }
0x3b4: {  	v0 =	vadd.f32 v4, v0;
	v4 =	vsub.f32 v48, v35;
	v40 =	vmul.f32 v21, v7;
	v21 =	vld [tilespmem:$0x1FE80]  }
0x3b5: {  	v2 =	vmul.f32 v2, v2;
	v11 =	vadd.s32 s29, v51;
	v51 =	vld [tilespmem:$0x1FF60]  }
0x3b6: {  	v35 =	vadd.s32 s29, v26;
	v52 =	vmul.f32 v4, v4;
	v4 =	vld.idx.msk [tilespmem:v22+s16+$0x0], $0xffff  }
0x3b7: {  	v0 =	vadd.f32 v2, v0;
	v8 =	vmul.f32 v49, v8;
	v22 =	vld [tilespmem:$0x1FE70]  }
0x3b8: {  	v49 =	vmax.f32 v6, v5;
	v5 =	vsel vm14, v46, v43;
	v43 =	vld.idx.msk [tilespmem:v9+s15+$0x0], $0xffff;
	v24 =	vsub.f32 $1.500000000e+00, v40  }
0x3b9: {  	v19 =	vadd.s32 s29, v19;
	v36 =	vadd.f32 v52, v0;
	v52 =	vld [tilespmem:$0x1FF70]  }
0x3ba: {  	v45 =	vmul.f32 v8, v20;
	v7 =	vmul.f32 v24, v7;
	v24 =	vld [tilespmem:$0x1FF50]  }
0x3bb: {  	v10 =	vnsel vm1, $0x0, v10;
	v0 =	vadd.s32 s29, v50;
	v46 =	vld.idx.msk [tilespmem:v35+s16+$0x0], $0xffff  }
0x3bc: {  	v31 =	vadd.f32 v10, v34;
	v10 =	vld.idx.msk [tilespmem:v11+s16+$0x0], $0xffff;
	v2 =	vmul.f32 v45, v8  }
0x3bd: {  	v11 =	vld.idx.msk [tilespmem:v11+s15+$0x0], $0xffff;
	v21 =	vadd.s32 s29, v21  }
0x3be: {  	v23 =	vld.idx.msk [tilespmem:v19+s16+$0x0], $0xffff;
	v2 =	vsub.f32 $1.500000000e+00, v2  }
0x3bf: {  	v19 =	vld.idx.msk [tilespmem:v19+s15+$0x0], $0xffff  }
0x3c0: {  	v12 =	vsub.f32 v14, v12;
	v26 =	vadd.s32 s29, v51;
	v8 =	vmul.f32 v2, v8;
	v2 =	vld.idx.msk [tilespmem:v0+s16+$0x0], $0xffff  }
0x3c1: {  	v5 =	vsub.f32 v5, v41;
	v41 =	vadd.s32 s29, v61;
	v4 =	vsub.f32 v53, v4;
	v0 =	vld.idx.msk [tilespmem:v0+s15+$0x0], $0xffff  }
0x3c2: {  	v18 =	vmul.f32 v7, v18;
	v34 =	vadd.s32 s29, v24;
	v24 =	vld.idx.msk [tilespmem:v21+s16+$0x0], $0xffff  }
0x3c3: {  	v12 =	vmul.f32 v12, v12;
	v22 =	vadd.s32 s29, v22;
	v4 =	vmul.f32 v4, v4;
	v21 =	vld.idx.msk [tilespmem:v21+s15+$0x0], $0xffff  }
0x3c4: {  	v53 =	vmul.f32 v18, v7;
	v10 =	vsub.f32 v11, v10;
	v11 =	vld.idx.msk [tilespmem:v9+s16+$0x0], $0xffff  }
0x3c5: {  	v14 =	vadd.s32 s29, v52;
	v4 =	vadd.f32 v4, v12;
	v12 =	vld.idx.msk [tilespmem:v26+s16+$0x0], $0xffff  }
0x3c6: {  	v15 =	vsub.f32 $1.500000000e+00, v53;
	v53 =	vld.idx.msk [tilespmem:v41+s16+$0x0], $0xffff  }
0x3c7: {  	v18 =	vmul.f32 v8, v20;
	v20 =	vld [tilespmem:$0x1FF90]  }
0x3c8: {  	v48 =	vadd.s32 s29, v59;
	v25 =	vld.idx.msk [tilespmem:v22+s16+$0x0], $0xffff  }
0x3c9: {  	v22 =	vld.idx.msk [tilespmem:v22+s15+$0x0], $0xffff  }
0x3ca: {  	v27 =	vadd.s32 s29, v60;
	v19 =	vsub.f32 v19, v23;
	v23 =	vld.idx.msk [tilespmem:v14+s16+$0x0], $0xffff  }
0x3cb: {  	v6 =	vsel vm14, v47, v44;
	v50 =	vld.idx.msk [tilespmem:v14+s15+$0x0], $0xffff  }
0x3cc: {  	v47 =	vadd.s32 s29, v58;
	v10 =	vmul.f32 v10, v10;
	v40 =	vadd.s32 s29, v20;
	v20 =	vld [tilespmem:$0x1FF80]  }
0x3cd: {  	v18 =	vmul.f32 v18, v8;
	v14 =	vld.idx.msk [tilespmem:v48+s15+$0x0], $0xffff  }
0x3ce: {  	v37 =	vld.idx.msk [tilespmem:v34+s16+$0x0], $0xffff;
	v4 =	vadd.f32 v10, v4;
	v52 =	vmul.f32 v19, v19  }
0x3cf: {  	v19 =	vadd.s32 s29, v63;
	v10 =	vld.idx.msk [tilespmem:v27+s16+$0x0], $0xffff;
	v45 =	vsub.f32 $1.500000000e+00, v18  }
0x3d0: {  	v6 =	vsub.f32 v6, v42;
	v4 =	vadd.f32 v52, v4;
	v52 =	vld [tilespmem:$0x1FE90]  }
0x3d1: {  	v5 =	vmul.f32 v5, v5;
	v8 =	vmul.f32 v45, v8;
	v45 =	vld.idx.msk [tilespmem:v47+s16+$0x0], $0xffff;
	v20 =	vadd.s32 s29, v20  }
0x3d2: {  	v3 =	vadd.f32 v3, v16;
	v6 =	vmul.f32 v6, v6;
	v7 =	vmul.f32 v15, v7;
	v18 =	vld.idx.msk [tilespmem:v40+s16+$0x0], $0xffff  }
0x3d3: {  	v16 =	vsub.f32 v22, v25;
	v8 =	vmul.f32 v8, v17;
	v17 =	vsub.f32 v21, v24;
	v21 =	vld.idx.msk [tilespmem:v48+s16+$0x0], $0xffff  }
0x3d4: {  	v5 =	vadd.f32 v6, v5;
	v6 =	vadd.f32 v3, v1;
	v7 =	vmul.f32 v7, v13;
	v13 =	vld.idx.msk [tilespmem:v19+s16+$0x0], $0xffff  }
0x3d5: {  	v44 =	vmul.f32 v16, v16;
	v16 =	vmax.f32 v25, v2;
	v25 =	vmax.f32 v46, v37;
	v48 =	vld.idx.msk [tilespmem:v19+s15+$0x0], $0xffff  }
0x3d6: {  	v16 =	vmax.f32 v16, v25;
	v7 =	vadd.f32 v8, v7;
	v8 =	vadd.s32 s29, v52;
	v22 =	vld.idx.msk [tilespmem:v20+s16+$0x0], $0xffff  }
0x3d7: {  	v4 =	vadd.f32 v44, v4;
	v16 =	vmax.f32 v53, v16;
	vm15 =	vgt.f32 v18, $0.0e+00;
	v1 =	vld.idx.msk [tilespmem:v20+s15+$0x0], $0xffff  }
0x3d8: {  	v44 =	vld.idx.msk [tilespmem:v26+s15+$0x0], $0xffff;
	v17 =	vmul.f32 v17, v17;
	vm9 =	vgt.f32 v16, $0.0e+00;
	vm8 =	vmneg vm15  }
0x3d9: {  	v0 =	vsub.f32 v0, v2;
	v52 =	vmul.f32 $5.000000000e-01, v50;
	v20 =	vld [tilespmem:$0x1FEA0];
	vm5 =	vmand vm9, vm8  }
0x3da: {  	v4 =	vadd.f32 v17, v4;
	v3 =	vsel vm5, v45, v23;
	v45 =	vsel vm5, v10, v11;
	v11 =	vld.idx.msk [tilespmem:v47+s15+$0x0], $0xffff  }
0x3db: {  	v7 =	vadd.f32 v7, v7;
	v18 =	vsub.f32 v43, v52;
	v23 =	vld.idx.msk [tilespmem:v8+s16+$0x0], $0xffff;
	v53 =	vmul.f32 $5.000000000e-01, v3  }
0x3dc: {  	v42 =	vsel vm5, v13, v12;
	v8 =	vld.idx.msk [tilespmem:v8+s15+$0x0], $0xffff;
	v51 =	vsel vm5, v21, v22;
	v16 =	vmul.f32 $5.000000000e-01, v1  }
0x3dd: {  	v13 =	vadd.f32 v52, v43;
	v21 =	vld [tilespmem:$0x1FEB0];
	v10 =	vmul.f32 $5.000000000e-01, v51;
	v12 =	vsub.f32 v45, v53  }
0x3de: {  	v47 =	vld.idx.msk [tilespmem:v27+s15+$0x0], $0xffff;
	v20 =	vadd.s32 s29, v20;
	v9 =	vadd.f32 v53, v45;
	v19 =	vsub.f32 v44, v16  }
0x3df: {  	v25 =	vmul.f32 v51, v3;
	v16 =	vadd.f32 v16, v44;
	v53 =	vsub.f32 v42, v10  }
0x3e0: {  	v10 =	vadd.f32 v10, v42;
	v18 =	vmax.f32 v18, v12;
	v13 =	vmin.f32 v13, v9  }
0x3e1: {  	v22 =	vmul.f32 $5.000000000e-01, v11;
	v8 =	vsub.f32 v8, v23;
	v13 =	vsub.f32 v13, v18  }
0x3e2: {  	v18 =	vmul.f32 $5.000000000e-01, v14;
	v21 =	vadd.s32 s29, v21;
	v19 =	vmax.f32 v19, v53  }
0x3e3: {  	v16 =	vmin.f32 v16, v10;
	v24 =	vsub.f32 v47, v22;
	v22 =	vadd.f32 v22, v47;
	v27 =	vld.idx.msk [tilespmem:v20+s16+$0x0], $0xffff  }
0x3e4: {  	v20 =	vld.idx.msk [tilespmem:v20+s15+$0x0], $0xffff;
	v16 =	vsub.f32 v16, v19;
	v19 =	vadd.s32 s29, v54;
	v26 =	vsub.f32 v48, v18  }
0x3e5: {  	v18 =	vadd.f32 v18, v48;
	v13 =	vmax.f32 v13, $0.0e+00;
	v9 =	vmin.f32 v22, v9;
	v22 =	vld [tilespmem:$0x1FEF0]  }
0x3e6: {  	v12 =	vmax.f32 v24, v12;
	v16 =	vmax.f32 v16, $0.0e+00;
	v15 =	vmax.f32 v26, v53  }
0x3e7: {  	v10 =	vmin.f32 v18, v10;
	v18 =	vmul.f32 v1, v50;
	v9 =	vsub.f32 v9, v12;
	v12 =	vld.idx.msk [tilespmem:v21+s16+$0x0], $0xffff  }
0x3e8: {  	v10 =	vsub.f32 v10, v15;
	v13 =	vmul.f32 v16, v13;
	v16 =	vld.idx.msk [tilespmem:v21+s15+$0x0], $0xffff;
	v21 =	vadd.s32 s29, v55  }
0x3e9: {  	v54 =	vmul.f32 v14, v11;
	v18 =	vadd.f32 v25, v18;
	v9 =	vmax.f32 v9, $0.0e+00  }
0x3ea: {  	v53 =	vsub.f32 v20, v27;
	v10 =	vmax.f32 v10, $0.0e+00;
	v20 =	vld.idx.msk [tilespmem:v19+s16+$0x0], $0xffff;
	v22 =	vadd.s32 s29, v22  }
0x3eb: {  	v8 =	vmul.f32 v8, v8;
	v52 =	vadd.f32 v54, v25;
	v55 =	vld.idx.msk [tilespmem:v19+s15+$0x0], $0xffff;
	v9 =	vmul.f32 v10, v9  }
0x3ec: {  	v6 =	vsub.f32 v6, v7;
	v18 =	vsub.f32 v18, v13  }
0x3ed: {  	v4 =	vadd.f32 v8, v4;
	v54 =	vmul.f32 v53, v53;
	v10 =	vsub.f32 v52, v9;
	v7 =	vld.idx.msk [tilespmem:v21+s16+$0x0], $0xffff  }
0x3ee: {  	v18 =	vadd.f32 $9.999999970e-07, v18;
	v12 =	vsub.f32 v16, v12;
	v16 =	vadd.s32 s29, v56;
	v2 =	vld.idx.msk [tilespmem:v21+s15+$0x0], $0xffff  }
0x3ef: {  	v17 =	vsel vm14, v39, v38;
	v5 =	vadd.f32 v6, v5;
	v10 =	vadd.f32 $9.999999970e-07, v10;
	v53 =	vld.idx.msk [tilespmem:v22+s16+$0x0], $0xffff  }
0x3f0: {  	v4 =	vadd.f32 v54, v4;
	(erf) = vrcp.f32 v18;
	v54 =	vsub.f32 v55, v20;
	v55 =	vld.idx.msk [tilespmem:v22+s15+$0x0], $0xffff  }
0x3f1: {  	v6 =	vsub.f32 v17, v49;
	v52 =	vmul.f32 v12, v12;
	(erf) = vrcp.f32 v10  }
0x3f2: {  	vm2 =	vmor vm11, vm13;
	v0 =	vmul.f32 v0, v0;
	v21 =	vld [tilespmem:$0x1FE40]  }
0x3f3: {  	v6 =	vmul.f32 v6, v6;
	v5 =	vnsel vm2, $0x0, v5;
	v4 =	vadd.f32 v52, v4;
	v49 =	vld.idx.msk [tilespmem:v16+s16+$0x0], $0xffff  }
0x3f4: {  	v33 =	vadd.f32 v5, v33;
	v18 =	vadd.s32 s29, v62;
	v52 =	vld.idx.msk [tilespmem:v16+s15+$0x0], $0xffff;
	v2 =	vsub.f32 v2, v7  }
0x3f5: {  	v0 =	vadd.f32 v0, v4;
	v4 =	vmul.f32 v54, v54;
	v10 =	vsub.f32 v55, v53;
	v53 =	vld [tilespmem:$0x1FF20]  }
0x3f6: {  	s30 =	sadd.s32 $0xFFFFFC40, s24;
	v5 =	vnsel vm2, $0x0, v6;
	v6 =	vmul.f32 v38, v38;
	v24 =	vld [tilespmem:$0x1FE50];
	v7 =	vmul.f32 v39, v39  }
0x3f7: {  	v26 =	vld [tilespmem:$0x1FE80];
	v21 =	vadd.s32 s30, v21;
	v2 =	vmul.f32 v2, v2;
	v0 =	vadd.f32 v4, v0  }
0x3f8: {  	v19 =	vadd.s32 s30, v29;
	v4 =	vld.idx.msk [tilespmem:v35+s15+$0x0], $0xffff;
	v35 =	vadd.f32 v5, v32;
	v5 =	vadd.f32 v7, v6  }
0x3f9: {  	v55 =	vld.idx.msk [tilespmem:v18+s15+$0x0], $0xffff;
	v54 =	vmul.f32 v10, v10;
	v16 =	vpop (erf);
	v0 =	vadd.f32 v2, v0;
	v8 =	vsub.f32 v52, v49  }
0x3fa: {  	v6 =	vmul.f32 v17, v17;
	v17 =	vld [tilespmem:$0x1FF30];
	v13 =	vmul.f32 v16, v13;
	v12 =	vadd.s32 s29, v53;
	v32 =	vpop (erf)  }
0x3fb: {  	v7 =	vld.idx.msk [tilespmem:v18+s16+$0x0], $0xffff;
	v0 =	vadd.f32 v54, v0;
	v38 =	vmul.f32 v8, v8;
	v9 =	vmul.f32 v32, v9  }
0x3fc: {  	v8 =	vld.idx.msk [tilespmem:v21+s16+$0x0], $0xffff  }
0x3fd: {  	v26 =	vadd.s32 s30, v26;
	v0 =	vadd.f32 v38, v0;
	v38 =	vld.idx.msk [tilespmem:v40+s15+$0x0], $0xffff;
	vm10 =	vgt.f32 v9, v13  }
0x3fe: {  	v1 =	vsel vm10, v14, v1;
	v14 =	vld.idx.msk [tilespmem:v19+s16+$0x0], $0xffff  }
0x3ff: {  	v17 =	vadd.s32 s29, v17;
	v4 =	vsub.f32 v4, v46;
	v19 =	vld.idx.msk [tilespmem:v19+s15+$0x0], $0xffff  }
0x400: {  	v11 =	vsel vm10, v11, v50;
	v39 =	vld.idx.msk [tilespmem:v12+s16+$0x0], $0xffff  }
0x401: {  	v46 =	vadd.s32 s29, v57;
	v49 =	vmul.f32 v4, v4;
	v4 =	vld.idx.msk [tilespmem:v12+s15+$0x0], $0xffff;
	v10 =	vmax.f32 v11, $9.999999970e-07  }
0x402: {  	v11 =	vmax.f32 v3, $9.999999970e-07;
	v3 =	vmax.f32 v51, $9.999999970e-07;
	v51 =	vsel vm10, v47, v43;
	v43 =	vld.idx.msk [tilespmem:v26+s16+$0x0], $0xffff  }
0x403: {  	v26 =	vld.idx.msk [tilespmem:v26+s15+$0x0], $0xffff  }
0x404: {  	v7 =	vsub.f32 v55, v7;
	v50 =	vld.idx.msk [tilespmem:v17+s16+$0x0], $0xffff  }
0x405: {  	v6 =	vnsel vm2, $0x0, v6;
	v12 =	vmul.f32 v10, v11;
	v52 =	vld.idx.msk [tilespmem:v17+s15+$0x0], $0xffff  }
0x406: {  	v5 =	vsub.f32 v5, v6;
	v7 =	vmul.f32 v7, v7;
	v0 =	vadd.f32 v49, v0;
	v53 =	vld.idx.msk [tilespmem:v46+s16+$0x0], $0xffff  }
0x407: {  	v16 =	vmax.f32 v1, $9.999999970e-07;
	v54 =	vld.idx.msk [tilespmem:v46+s15+$0x0], $0xffff;
	v17 =	vshra.s32 v12, $0x1;
	v18 =	vmul.f32 $5.000000000e-01, v12  }
0x408: {  	v0 =	vadd.f32 v7, v0;
	v7 =	vld.idx.msk [tilespmem:v34+s15+$0x0], $0xffff;
	v34 =	vadd.f32 v5, v30;
	v55 =	vsub.s32 $0x5F3759DF, v17  }
0x409: {  	v5 =	vld.idx.msk [tilespmem:v21+s15+$0x0], $0xffff;
	v21 =	vnsel vm2, $0x0, v36;
	v4 =	vsub.f32 v4, v39;
	v20 =	vmul.f32 v55, v18  }
0x40a: {  	v32 =	vadd.f32 v21, v31;
	v31 =	vld [tilespmem:$0x1FF10];
	v17 =	vmul.f32 v16, v3  }
0x40b: {  	v14 =	vsub.f32 v19, v14;
	v19 =	vld [tilespmem:$0x1FF80];
	v4 =	vmul.f32 v4, v4;
	v20 =	vmul.f32 v55, v20  }
0x40c: {  	v39 =	vld.idx.msk [tilespmem:v41+s15+$0x0], $0xffff;
	v22 =	vshra.s32 v17, $0x1  }
0x40d: {  	v23 =	vmul.f32 $5.000000000e-01, v17;
	v0 =	vadd.f32 v4, v0;
	v4 =	vsub.f32 $1.500000000e+00, v20;
	v20 =	vld [tilespmem:$0x1FE60]  }
0x40e: {  	v24 =	vadd.s32 s30, v24;
	v41 =	vld [tilespmem:$0x1FE70];
	v22 =	vsub.s32 $0x5F3759DF, v22  }
0x40f: {  	v2 =	vsub.f32 v52, v50;
	v50 =	vld [tilespmem:$0x1FE90];
	v6 =	vmul.f32 v22, v23  }
0x410: {  	v52 =	vld [tilespmem:$0x1FEC0];
	v19 =	vadd.s32 s30, v19  }
0x411: {  	v1 =	vsub.f32 v54, v53;
	v53 =	vld [tilespmem:$0x1FF50];
	v6 =	vmul.f32 v22, v6  }
0x412: {  	v40 =	vsub.f32 v7, v37;
	v37 =	vld [tilespmem:$0x1FF90];
	v4 =	vmul.f32 v55, v4;
	v20 =	vadd.s32 s30, v20  }
0x413: {  	v10 =	vadd.f32 v10, v11;
	v46 =	vsub.f32 $1.500000000e+00, v6;
	v6 =	vld.idx.msk [tilespmem:v24+s16+$0x0], $0xffff  }
0x414: {  	v2 =	vmul.f32 v2, v2;
	v15 =	vadd.s32 s30, v41;
	v24 =	vld.idx.msk [tilespmem:v24+s15+$0x0], $0xffff;
	v25 =	vmul.f32 v4, v18  }
0x415: {  	v30 =	vsub.f32 v51, v45;
	v10 =	vadd.f32 v10, v16;
	v1 =	vmul.f32 v1, v1;
	v16 =	vld.idx.msk [tilespmem:v19+s16+$0x0], $0xffff  }
0x416: {  	v41 =	vadd.s32 s30, v31;
	v0 =	vadd.f32 v2, v0;
	v51 =	vld.idx.msk [tilespmem:v19+s15+$0x0], $0xffff;
	v49 =	vmul.f32 v25, v4  }
0x417: {  	v30 =	vmul.f32 v30, v30;
	v5 =	vsub.f32 v5, v8;
	v2 =	vmul.f32 v22, v46;
	v21 =	vld.idx.msk [tilespmem:v20+s16+$0x0], $0xffff  }
0x418: {  	v36 =	vadd.f32 v1, v0;
	v0 =	vsub.f32 $1.500000000e+00, v49;
	v7 =	vld.idx.msk [tilespmem:v20+s15+$0x0], $0xffff;
	v20 =	vadd.s32 s30, v50  }
0x419: {  	v47 =	vadd.s32 s30, v60;
	v14 =	vmul.f32 v14, v14;
	v27 =	vld.idx.msk [tilespmem:v15+s16+$0x0], $0xffff;
	v25 =	vmul.f32 v2, v23  }
0x41a: {  	v5 =	vmul.f32 v5, v5;
	v22 =	vsel vm10, v48, v44;
	v15 =	vld.idx.msk [tilespmem:v15+s15+$0x0], $0xffff;
	v4 =	vmul.f32 v0, v4  }
0x41b: {  	v22 =	vsub.f32 v22, v42;
	v42 =	vadd.s32 s30, v53;
	v49 =	vld.idx.msk [tilespmem:v41+s16+$0x0], $0xffff;
	v25 =	vmul.f32 v25, v2  }
0x41c: {  	v31 =	vadd.s32 s30, v61;
	v1 =	vadd.s32 s30, v52;
	v55 =	vmul.f32 v4, v18;
	v18 =	vld [tilespmem:$0x1FF60]  }
0x41d: {  	v54 =	vmul.f32 v22, v22;
	v6 =	vsub.f32 v24, v6;
	v22 =	vsub.f32 $1.500000000e+00, v25;
	v44 =	vld.idx.msk [tilespmem:v20+s16+$0x0], $0xffff  }
0x41e: {  	v5 =	vadd.f32 v5, v14;
	v50 =	vmax.f32 v13, v9;
	v25 =	vadd.s32 s30, v28;
	v13 =	vld.idx.msk [tilespmem:v20+s15+$0x0], $0xffff  }
0x41f: {  	v14 =	vadd.s32 s30, v63;
	v6 =	vmul.f32 v6, v6;
	v20 =	vmul.f32 v22, v2;
	v22 =	vld [tilespmem:$0x1FF70]  }
0x420: {  	v0 =	vadd.f32 v54, v30;
	v30 =	vadd.s32 s30, v37;
	v37 =	vld.idx.msk [tilespmem:v42+s16+$0x0], $0xffff;
	v9 =	vmul.f32 v55, v4  }
0x421: {  	v48 =	vadd.s32 s30, v58;
	v5 =	vadd.f32 v6, v5;
	v6 =	vld.idx.msk [tilespmem:v47+s16+$0x0], $0xffff;
	v7 =	vsub.f32 v7, v21  }
0x422: {  	v2 =	vld.idx.msk [tilespmem:v1+s16+$0x0], $0xffff;
	v9 =	vsub.f32 $1.500000000e+00, v9;
	v45 =	vmul.f32 v20, v23  }
0x423: {  	v8 =	vld.idx.msk [tilespmem:v25+s16+$0x0], $0xffff;
	v18 =	vadd.s32 s30, v18;
	v7 =	vmul.f32 v7, v7  }
0x424: {  	v4 =	vmul.f32 v9, v4;
	v11 =	vmul.f32 v45, v20;
	v45 =	vld.idx.msk [tilespmem:v31+s16+$0x0], $0xffff;
	v22 =	vadd.s32 s30, v22  }
0x425: {  	v5 =	vadd.f32 v7, v5;
	v7 =	vld.idx.msk [tilespmem:v14+s16+$0x0], $0xffff  }
0x426: {  	v55 =	vadd.s32 s30, v59;
	v4 =	vmul.f32 v4, v12;
	v12 =	vld.idx.msk [tilespmem:v48+s16+$0x0], $0xffff  }
0x427: {  	v9 =	vsub.f32 $1.500000000e+00, v11;
	v11 =	vld.idx.msk [tilespmem:v30+s16+$0x0], $0xffff  }
0x428: {  	v23 =	vld.idx.msk [tilespmem:v18+s16+$0x0], $0xffff  }
0x429: {  	v15 =	vsub.f32 v15, v27;
	v9 =	vmul.f32 v9, v20;
	v24 =	vld.idx.msk [tilespmem:v22+s16+$0x0], $0xffff  }
0x42a: {  	v21 =	vmax.f32 v49, v37;
	v20 =	vmax.f32 v27, v2;
	v53 =	vld.idx.msk [tilespmem:v22+s15+$0x0], $0xffff  }
0x42b: {  	v15 =	vmul.f32 v15, v15;
	v20 =	vmax.f32 v20, v21;
	v9 =	vmul.f32 v9, v17;
	v17 =	vld.idx.msk [tilespmem:v55+s16+$0x0], $0xffff  }
0x42c: {  	v10 =	vadd.f32 v10, v3;
	v46 =	vmax.f32 v45, v20;
	v45 =	vld.idx.msk [tilespmem:v25+s15+$0x0], $0xffff;
	vm11 =	vgt.f32 v11, $0.0e+00  }
0x42d: {  	v5 =	vadd.f32 v15, v5;
	vm13 =	vgt.f32 v46, $0.0e+00;
	v46 =	vld.idx.msk [tilespmem:v18+s15+$0x0], $0xffff;
	vm12 =	vmneg vm11  }
0x42e: {  	v19 =	vld [tilespmem:$0x1FEA0];
	v11 =	vsub.f32 v13, v44;
	v4 =	vadd.f32 v9, v4;
	vm4 =	vmand vm13, vm12  }
0x42f: {  	v9 =	vsub.f32 v26, v43;
	v43 =	vsel vm4, v7, v23;
	v7 =	vld.idx.msk [tilespmem:v48+s15+$0x0], $0xffff;
	v48 =	vmul.f32 $5.000000000e-01, v53  }
0x430: {  	v54 =	vsel vm4, v12, v24;
	v3 =	vsel vm4, v17, v16;
	v17 =	vmul.f32 $5.000000000e-01, v51  }
0x431: {  	v47 =	vld.idx.msk [tilespmem:v47+s15+$0x0], $0xffff;
	v44 =	vsel vm4, v6, v8;
	v12 =	vmul.f32 $5.000000000e-01, v54;
	v18 =	vsub.f32 v45, v48  }
0x432: {  	v15 =	vld.idx.msk [tilespmem:v55+s15+$0x0], $0xffff;
	v6 =	vmul.f32 $5.000000000e-01, v3;
	v13 =	vadd.f32 v48, v45;
	v55 =	vsub.f32 v46, v17  }
0x433: {  	v52 =	vsel vm10, v39, v38;
	v1 =	vld.idx.msk [tilespmem:v1+s15+$0x0], $0xffff;
	v17 =	vadd.f32 v17, v46;
	v8 =	vsub.f32 v44, v12  }
0x434: {  	v19 =	vadd.s32 s30, v19;
	v48 =	vld.idx.msk [tilespmem:v14+s15+$0x0], $0xffff;
	v16 =	vsub.f32 v43, v6;
	v6 =	vadd.f32 v6, v43  }
0x435: {  	v50 =	vsub.f32 v52, v50;
	v20 =	vld [tilespmem:$0x1FEB0];
	v12 =	vadd.f32 v12, v44  }
0x436: {  	v18 =	vmax.f32 v18, v8;
	v14 =	vmax.f32 v55, v16;
	v17 =	vmin.f32 v17, v6  }
0x437: {  	v13 =	vmin.f32 v13, v12;
	v14 =	vsub.f32 v17, v14;
	v17 =	vmul.f32 $5.000000000e-01, v15  }
0x438: {  	v1 =	vsub.f32 v1, v2;
	v21 =	vmul.f32 $5.000000000e-01, v7;
	v13 =	vsub.f32 v13, v18  }
0x439: {  	v40 =	vmul.f32 v40, v40;
	v25 =	vld.idx.msk [tilespmem:v19+s16+$0x0], $0xffff;
	v24 =	vsub.f32 v48, v17;
	v17 =	vadd.f32 v17, v48  }
0x43a: {  	v20 =	vadd.s32 s30, v20;
	v18 =	vld [tilespmem:$0x1FED0];
	v22 =	vsub.f32 v47, v21;
	v21 =	vadd.f32 v21, v47  }
0x43b: {  	v19 =	vld.idx.msk [tilespmem:v19+s15+$0x0], $0xffff;
	v9 =	vmul.f32 v9, v9;
	v16 =	vmax.f32 v24, v16;
	v6 =	vmin.f32 v17, v6  }
0x43c: {  	v8 =	vmax.f32 v22, v8;
	v12 =	vmin.f32 v21, v12;
	v6 =	vsub.f32 v6, v16;
	v16 =	vld [tilespmem:$0x1FEE0]  }
0x43d: {  	v4 =	vadd.f32 v4, v4;
	v23 =	vmul.f32 v3, v54;
	v8 =	vsub.f32 v12, v8  }
0x43e: {  	v5 =	vadd.f32 v9, v5;
	v55 =	vmul.f32 v15, v7;
	v17 =	vmul.f32 v51, v53  }
0x43f: {  	v12 =	vld.idx.msk [tilespmem:v20+s16+$0x0], $0xffff;
	v18 =	vadd.s32 s30, v18;
	v8 =	vmax.f32 v8, $0.0e+00;
	v6 =	vmax.f32 v6, $0.0e+00  }
0x440: {  	v6 =	vmul.f32 v6, v8;
	v8 =	vadd.f32 v55, v23;
	v55 =	vsub.f32 v19, v25;
	v19 =	vld [tilespmem:$0x1FEF0]  }
0x441: {  	v13 =	vmax.f32 v13, $0.0e+00;
	v14 =	vmax.f32 v14, $0.0e+00;
	v20 =	vld.idx.msk [tilespmem:v20+s15+$0x0], $0xffff;
	v16 =	vadd.s32 s30, v16  }
0x442: {  	v9 =	vmul.f32 v11, v11;
	v13 =	vmul.f32 v14, v13;
	v17 =	vadd.f32 v23, v17  }
0x443: {  	v4 =	vsub.f32 v10, v4;
	v11 =	vadd.f32 v40, v36  }
0x444: {  	v5 =	vadd.f32 v9, v5;
	v14 =	vsub.f32 v17, v13;
	v17 =	vld.idx.msk [tilespmem:v18+s16+$0x0], $0xffff  }
0x445: {  	v0 =	vadd.f32 v4, v0;
	v9 =	vmul.f32 v55, v55;
	v55 =	vld.idx.msk [tilespmem:v18+s15+$0x0], $0xffff;
	v19 =	vadd.s32 s30, v19  }
0x446: {  	vm1 =	vmor vm15, vm9;
	v12 =	vsub.f32 v20, v12;
	v14 =	vadd.f32 $9.999999970e-07, v14;
	v18 =	vld.idx.msk [tilespmem:v16+s16+$0x0], $0xffff  }
0x447: {  	v20 =	vadd.s32 s30, v56;
	v8 =	vsub.f32 v8, v6;
	v5 =	vadd.f32 v9, v5;
	v9 =	vld.idx.msk [tilespmem:v16+s15+$0x0], $0xffff  }
0x448: {  	v0 =	vnsel vm1, $0x0, v0;
	(erf) = vrcp.f32 v14;
	v14 =	vmul.f32 v12, v12  }
0x449: {  	v36 =	vadd.f32 v0, v33;
	v33 =	vld [tilespmem:$0x1FF30];
	v8 =	vadd.f32 $9.999999970e-07, v8  }
0x44a: {  	v1 =	vmul.f32 v1, v1;
	v5 =	vadd.f32 v14, v5;
	v55 =	vsub.f32 v55, v17;
	v4 =	vld.idx.msk [tilespmem:v19+s16+$0x0], $0xffff  }
0x44b: {  	v2 =	vmul.f32 v50, v50;
	(erf) = vrcp.f32 v8;
	v10 =	vld.idx.msk [tilespmem:v19+s15+$0x0], $0xffff  }
0x44c: {  	v12 =	vld.idx.msk [tilespmem:v20+s16+$0x0], $0xffff;
	v1 =	vadd.f32 v1, v5;
	v5 =	vmul.f32 v55, v55;
	v50 =	vsub.f32 v9, v18  }
0x44d: {  	v0 =	vadd.s32 s30, v62;
	v55 =	vld.idx.msk [tilespmem:v20+s15+$0x0], $0xffff  }
0x44e: {  	v1 =	vadd.f32 v5, v1;
	v5 =	vmul.f32 v50, v50;
	v50 =	vmul.f32 v52, v52;
	v52 =	vld [tilespmem:$0x1FF20]  }
0x44f: {  	v22 =	vld [tilespmem:$0x1FE40]  }
0x450: {  	v2 =	vnsel vm1, $0x0, v2;
	v8 =	vld.idx.msk [tilespmem:v41+s15+$0x0], $0xffff;
	v4 =	vsub.f32 v10, v4  }
0x451: {  	v40 =	vmul.f32 v38, v38;
	v38 =	vadd.s32 s30, v57;
	v24 =	vld [tilespmem:$0x1FE50];
	v41 =	vmul.f32 v39, v39  }
0x452: {  	v9 =	vsub.f32 v55, v12;
	v55 =	vld.idx.msk [tilespmem:v0+s16+$0x0], $0xffff;
	v1 =	vadd.f32 v5, v1;
	v4 =	vmul.f32 v4, v4  }
0x453: {  	v35 =	vadd.f32 v2, v35;
	v2 =	vadd.f32 v41, v40;
	v0 =	vld.idx.msk [tilespmem:v0+s15+$0x0], $0xffff;
	v5 =	vpop (erf);
	v12 =	vadd.s32 s30, v52  }
0x454: {  	v16 =	vpop (erf);
	v40 =	vmul.f32 v5, v13;
	v1 =	vadd.f32 v4, v1;
	v4 =	vmul.f32 v9, v9  }
0x455: {  	s31 =	sadd.s32 $0xFFFFFE20, s24;
	v26 =	vld [tilespmem:$0x1FE90];
	v5 =	vsub.f32 v8, v49;
	v8 =	vadd.s32 s30, v33;
	v41 =	vmul.f32 v16, v6  }
0x456: {  	v22 =	vadd.s32 s31, v22;
	v25 =	vld [tilespmem:$0x1FE70];
	v24 =	vadd.s32 s31, v24;
	v17 =	vadd.s32 s31, v29  }
0x457: {  	v19 =	vld.idx.msk [tilespmem:v38+s16+$0x0], $0xffff;
	v1 =	vadd.f32 v4, v1;
	v4 =	vmul.f32 v5, v5;
	vm14 =	vgt.f32 v41, v40  }
0x458: {  	v0 =	vsub.f32 v0, v55;
	v5 =	vsel vm14, v7, v53;
	v39 =	vsel vm14, v15, v51;
	v7 =	vld.idx.msk [tilespmem:v12+s16+$0x0], $0xffff  }
0x459: {  	v1 =	vadd.f32 v4, v1;
	v4 =	vld.idx.msk [tilespmem:v12+s15+$0x0], $0xffff;
	v10 =	vmax.f32 v39, $9.999999970e-07;
	v12 =	vmax.f32 v3, $9.999999970e-07  }
0x45a: {  	v13 =	vmax.f32 v54, $9.999999970e-07;
	v5 =	vmax.f32 v5, $9.999999970e-07;
	v3 =	vld.idx.msk [tilespmem:v8+s16+$0x0], $0xffff;
	v16 =	vmul.f32 v10, v12  }
0x45b: {  	v6 =	vnsel vm1, $0x0, v50;
	v0 =	vmul.f32 v0, v0;
	v8 =	vld.idx.msk [tilespmem:v8+s15+$0x0], $0xffff;
	v14 =	vmul.f32 v5, v13  }
0x45c: {  	v9 =	vld.idx.msk [tilespmem:v17+s16+$0x0], $0xffff;
	v2 =	vsub.f32 v2, v6;
	v20 =	vshra.s32 v16, $0x1;
	v21 =	vmul.f32 $5.000000000e-01, v16  }
0x45d: {  	v17 =	vld.idx.msk [tilespmem:v17+s15+$0x0], $0xffff;
	v49 =	vshra.s32 v14, $0x1;
	v18 =	vmul.f32 $5.000000000e-01, v14;
	v20 =	vsub.s32 $0x5F3759DF, v20  }
0x45e: {  	v55 =	vld.idx.msk [tilespmem:v24+s15+$0x0], $0xffff;
	v15 =	vsub.s32 $0x5F3759DF, v49;
	v4 =	vsub.f32 v4, v7;
	v23 =	vmul.f32 v20, v21  }
0x45f: {  	v33 =	vld [tilespmem:$0x1FE80];
	v27 =	vsel vm14, v48, v46;
	v0 =	vadd.f32 v0, v1;
	v50 =	vmul.f32 v15, v18  }
0x460: {  	v6 =	vld.idx.msk [tilespmem:v42+s15+$0x0], $0xffff;
	v3 =	vsub.f32 v8, v3;
	v51 =	vmul.f32 v4, v4;
	v52 =	vmul.f32 v20, v23  }
0x461: {  	v5 =	vadd.f32 v5, v13;
	v13 =	vsub.f32 v27, v43;
	v7 =	vld.idx.msk [tilespmem:v38+s15+$0x0], $0xffff;
	v4 =	vmul.f32 v15, v50  }
0x462: {  	v27 =	vld [tilespmem:$0x1FF60];
	v3 =	vmul.f32 v3, v3;
	v0 =	vadd.f32 v51, v0;
	v8 =	vsub.f32 $1.500000000e+00, v52  }
0x463: {  	v48 =	vadd.s32 s31, v58;
	v23 =	vld [tilespmem:$0x1FE60]  }
0x464: {  	v53 =	vsub.f32 $1.500000000e+00, v4;
	v4 =	vld.idx.msk [tilespmem:v22+s16+$0x0], $0xffff;
	v0 =	vadd.f32 v3, v0;
	v3 =	vmul.f32 v20, v8  }
0x465: {  	v22 =	vld.idx.msk [tilespmem:v22+s15+$0x0], $0xffff  }
0x466: {  	v25 =	vadd.s32 s31, v25;
	v54 =	vsub.f32 v7, v19;
	v7 =	vld.idx.msk [tilespmem:v24+s16+$0x0], $0xffff;
	v24 =	vmul.f32 v3, v21  }
0x467: {  	v11 =	vnsel vm1, $0x0, v11;
	v51 =	vld [tilespmem:$0x1FEB0];
	v1 =	vmul.f32 v15, v53  }
0x468: {  	v2 =	vadd.f32 v2, v34;
	v6 =	vsub.f32 v6, v37;
	v53 =	vld [tilespmem:$0x1FF70];
	v42 =	vmul.f32 v24, v3  }
0x469: {  	v37 =	vadd.f32 v11, v32;
	v15 =	vadd.s32 s31, v33;
	v33 =	vld.idx.msk [tilespmem:v48+s16+$0x0], $0xffff;
	v19 =	vmul.f32 v1, v18  }
0x46a: {  	[tilespmem:$0x1FE10] =	vst v2;
	v23 =	vadd.s32 s31, v23;
	v2 =	vmul.f32 v54, v54;
	v54 =	vld [tilespmem:$0x1FF90];
	v11 =	vsub.f32 $1.500000000e+00, v42  }
0x46b: {  	v34 =	vmul.f32 v6, v6;
	v6 =	vmul.f32 v19, v1;
	v19 =	vld.idx.msk [tilespmem:v25+s16+$0x0], $0xffff  }
0x46c: {  	v11 =	vmul.f32 v11, v3;
	v3 =	vld [tilespmem:$0x1FEC0]  }
0x46d: {  	v26 =	vadd.s32 s31, v26;
	v24 =	vld.idx.msk [tilespmem:v25+s15+$0x0], $0xffff;
	v50 =	vsub.f32 $1.500000000e+00, v6  }
0x46e: {  	v0 =	vadd.f32 v2, v0;
	v25 =	vld [tilespmem:$0x1FEA0]  }
0x46f: {  	v20 =	vld.idx.msk [tilespmem:v23+s16+$0x0], $0xffff;
	v1 =	vmul.f32 v50, v1  }
0x470: {  	v49 =	vsel vm14, v47, v45;
	v39 =	vadd.f32 v34, v0;
	v23 =	vld.idx.msk [tilespmem:v23+s15+$0x0], $0xffff  }
0x471: {  	v0 =	vsub.f32 v49, v44;
	v44 =	vadd.s32 s31, v3;
	v3 =	vmul.f32 v1, v18;
	v18 =	vld [tilespmem:$0x1FF10]  }
0x472: {  	v2 =	vld.idx.msk [tilespmem:v26+s16+$0x0], $0xffff  }
0x473: {  	v26 =	vld.idx.msk [tilespmem:v26+s15+$0x0], $0xffff;
	v8 =	vadd.s32 s31, v53  }
0x474: {  	v6 =	vld.idx.msk [tilespmem:v15+s16+$0x0], $0xffff;
	v34 =	vadd.s32 s31, v54  }
0x475: {  	v25 =	vadd.s32 s31, v25;
	v20 =	vsub.f32 v23, v20;
	v23 =	vld [tilespmem:$0x1FF80]  }
0x476: {  	v42 =	vadd.s32 s31, v18;
	v18 =	vmul.f32 v11, v21;
	v21 =	vld [tilespmem:$0x1FF50]  }
0x477: {  	v32 =	vadd.s32 s31, v51;
	v15 =	vld.idx.msk [tilespmem:v15+s15+$0x0], $0xffff  }
0x478: {  	v38 =	vld.idx.msk [tilespmem:v8+s16+$0x0], $0xffff  }
0x479: {  	v9 =	vsub.f32 v17, v9;
	v7 =	vsub.f32 v55, v7;
	v55 =	vld.idx.msk [tilespmem:v34+s16+$0x0], $0xffff  }
0x47a: {  	v5 =	vadd.f32 v5, v10;
	v10 =	vld.idx.msk [tilespmem:v25+s16+$0x0], $0xffff;
	v23 =	vadd.s32 s31, v23;
	v18 =	vmul.f32 v18, v11  }
0x47b: {  	v17 =	vld.idx.msk [tilespmem:v25+s15+$0x0], $0xffff;
	v46 =	vadd.s32 s31, v21;
	v21 =	vmul.f32 v3, v1;
	v3 =	vsub.f32 v22, v4  }
0x47c: {  	v9 =	vmul.f32 v9, v9;
	v18 =	vsub.f32 $1.500000000e+00, v18;
	v4 =	vld.idx.msk [tilespmem:v32+s16+$0x0], $0xffff  }
0x47d: {  	v27 =	vadd.s32 s31, v27;
	v25 =	vadd.s32 s31, v28;
	v22 =	vld.idx.msk [tilespmem:v32+s15+$0x0], $0xffff;
	v52 =	vmul.f32 v3, v3  }
0x47e: {  	v49 =	vld.idx.msk [tilespmem:v42+s16+$0x0], $0xffff;
	v32 =	vadd.s32 s31, v61;
	v11 =	vmul.f32 v18, v11;
	v21 =	vsub.f32 $1.500000000e+00, v21  }
0x47f: {  	v7 =	vmul.f32 v7, v7;
	v18 =	vadd.s32 s31, v60;
	v3 =	vld.idx.msk [tilespmem:v44+s16+$0x0], $0xffff;
	v9 =	vadd.f32 v52, v9  }
0x480: {  	v11 =	vmul.f32 v11, v16;
	v16 =	vadd.s32 s31, v59;
	v59 =	vld.idx.msk [tilespmem:v23+s16+$0x0], $0xffff;
	v1 =	vmul.f32 v21, v1  }
0x481: {  	v20 =	vmul.f32 v20, v20;
	v47 =	vld.idx.msk [tilespmem:v46+s16+$0x0], $0xffff;
	v7 =	vadd.f32 v7, v9  }
0x482: {  	v24 =	vsub.f32 v24, v19;
	v21 =	vld.idx.msk [tilespmem:v25+s16+$0x0], $0xffff;
	v1 =	vmul.f32 v1, v14  }
0x483: {  	v13 =	vmul.f32 v13, v13;
	v5 =	vadd.f32 v5, v12;
	v58 =	vld.idx.msk [tilespmem:v32+s16+$0x0], $0xffff;
	v7 =	vadd.f32 v20, v7  }
0x484: {  	v9 =	vld.idx.msk [tilespmem:v27+s16+$0x0], $0xffff;
	v20 =	vmul.f32 v24, v24;
	v24 =	vadd.s32 s31, v63;
	v1 =	vadd.f32 v11, v1  }
0x485: {  	v0 =	vmul.f32 v0, v0;
	v6 =	vsub.f32 v15, v6;
	v61 =	vld.idx.msk [tilespmem:v18+s16+$0x0], $0xffff;
	v19 =	vmax.f32 v19, v3  }
0x486: {  	v7 =	vadd.f32 v20, v7;
	v20 =	vmax.f32 v49, v47;
	v52 =	vadd.f32 v1, v1;
	v1 =	vld.idx.msk [tilespmem:v8+s15+$0x0], $0xffff  }
0x487: {  	v53 =	vsub.f32 v26, v2;
	v6 =	vmul.f32 v6, v6;
	v26 =	vld.idx.msk [tilespmem:v16+s16+$0x0], $0xffff;
	v54 =	vmax.f32 v19, v20  }
0x488: {  	vm15 =	vgt.f32 v55, $0.0e+00;
	v2 =	vmax.f32 v58, v54;
	v5 =	vsub.f32 v5, v52;
	v52 =	vld.idx.msk [tilespmem:v25+s15+$0x0], $0xffff  }
0x489: {  	vm8 =	vmneg vm15;
	v6 =	vadd.f32 v6, v7;
	v7 =	vld.idx.msk [tilespmem:v24+s16+$0x0], $0xffff;
	vm9 =	vgt.f32 v2, $0.0e+00  }
0x48a: {  	v50 =	vld.idx.msk [tilespmem:v23+s15+$0x0], $0xffff;
	v8 =	vadd.f32 v13, v0;
	vm5 =	vmand vm9, vm8  }
0x48b: {  	v10 =	vsub.f32 v17, v10;
	v45 =	vsel vm5, v61, v21;
	v61 =	vmul.f32 $5.000000000e-01, v1  }
0x48c: {  	v43 =	vld.idx.msk [tilespmem:v27+s15+$0x0], $0xffff;
	v58 =	vsub.f32 v22, v4;
	v5 =	vadd.f32 v5, v8;
	v2 =	vsel vm5, v33, v38  }
0x48d: {  	v19 =	vld [tilespmem:$0x1FED0];
	v0 =	vsel vm5, v26, v59;
	v4 =	vmul.f32 $5.000000000e-01, v2;
	v17 =	vsub.f32 v52, v61  }
0x48e: {  	v14 =	vadd.f32 v61, v52;
	v38 =	vsel vm5, v7, v9;
	v7 =	vmul.f32 $5.000000000e-01, v0;
	v9 =	vld.idx.msk [tilespmem:v48+s15+$0x0], $0xffff  }
0x48f: {  	v11 =	vsub.f32 v45, v4;
	v59 =	vadd.f32 v4, v45;
	v4 =	vld.idx.msk [tilespmem:v16+s15+$0x0], $0xffff;
	v16 =	vmul.f32 $5.000000000e-01, v50  }
0x490: {  	vm10 =	vmor vm11, vm13;
	v33 =	vsub.f32 v38, v7;
	v7 =	vadd.f32 v7, v38  }
0x491: {  	v55 =	vmul.f32 v53, v53;
	v53 =	vld.idx.msk [tilespmem:v18+s15+$0x0], $0xffff;
	v18 =	vsub.f32 v43, v16;
	v16 =	vadd.f32 v16, v43  }
0x492: {  	v19 =	vadd.s32 s31, v19;
	v5 =	vnsel vm10, $0x0, v5;
	v48 =	vld.idx.msk [tilespmem:v24+s15+$0x0], $0xffff;
	v17 =	vmax.f32 v17, v11  }
0x493: {  	v14 =	vmin.f32 v14, v59;
	v18 =	vmax.f32 v18, v33;
	v16 =	vmin.f32 v16, v7  }
0x494: {  	v14 =	vsub.f32 v14, v17;
	v20 =	vmul.f32 $5.000000000e-01, v9;
	v16 =	vsub.f32 v16, v18;
	v18 =	vld [tilespmem:$0x1FEE0]  }
0x495: {  	v51 =	vld.idx.msk [tilespmem:v44+s15+$0x0], $0xffff;
	v22 =	vmul.f32 v0, v2;
	v44 =	vadd.f32 v5, v36;
	v17 =	vmul.f32 $5.000000000e-01, v4  }
0x496: {  	v54 =	vld [tilespmem:$0x1FEF0];
	v24 =	vadd.s32 s31, v56;
	v14 =	vmax.f32 v14, $0.0e+00;
	v21 =	vsub.f32 v53, v20  }
0x497: {  	v26 =	vld [tilespmem:$0x1FFD0];
	v20 =	vadd.f32 v20, v53;
	v23 =	vsub.f32 v48, v17;
	v16 =	vmax.f32 v16, $0.0e+00  }
0x498: {  	v36 =	vld [tilespmem:$0x1FF50];
	v17 =	vadd.f32 v17, v48;
	v14 =	vmul.f32 v16, v14;
	v11 =	vmax.f32 v21, v11  }
0x499: {  	v21 =	vld.idx.msk [tilespmem:v30+s15+$0x0], $0xffff;
	v12 =	vmin.f32 v20, v59;
	v20 =	vmul.f32 v50, v1;
	v18 =	vadd.s32 s31, v18  }
0x49a: {  	v16 =	vmul.f32 v4, v9;
	v15 =	vmax.f32 v23, v33;
	v7 =	vmin.f32 v17, v7;
	v17 =	vld.idx.msk [tilespmem:v31+s15+$0x0], $0xffff  }
0x49b: {  	v23 =	vld.idx.msk [tilespmem:v19+s16+$0x0], $0xffff;
	v7 =	vsub.f32 v7, v15;
	v15 =	vadd.s32 s31, v54;
	v20 =	vadd.f32 v22, v20  }
0x49c: {  	v6 =	vadd.f32 v55, v6;
	v19 =	vld.idx.msk [tilespmem:v19+s15+$0x0], $0xffff  }
0x49d: {  	v55 =	vadd.f32 v16, v22;
	v16 =	vsub.f32 v20, v14;
	v20 =	vld.idx.msk [tilespmem:v24+s15+$0x0], $0xffff  }
0x49e: {  	v11 =	vsub.f32 v12, v11;
	v56 =	vld.idx.msk [tilespmem:v18+s16+$0x0], $0xffff  }
0x49f: {  	v10 =	vmul.f32 v10, v10;
	v59 =	vld.idx.msk [tilespmem:v18+s15+$0x0], $0xffff  }
0x4a0: {  	v11 =	vmax.f32 v11, $0.0e+00;
	v7 =	vmax.f32 v7, $0.0e+00;
	v61 =	vld.idx.msk [tilespmem:v15+s16+$0x0], $0xffff  }
0x4a1: {  	v58 =	vmul.f32 v58, v58;
	v6 =	vadd.f32 v10, v6;
	v7 =	vmul.f32 v7, v11;
	v33 =	vld.idx.msk [tilespmem:v15+s15+$0x0], $0xffff  }
0x4a2: {  	v3 =	vsub.f32 v51, v3;
	v18 =	vmax.f32 v40, v41;
	v40 =	vsub.f32 v19, v23;
	v19 =	vld.idx.msk [tilespmem:v24+s16+$0x0], $0xffff  }
0x4a3: {  	v6 =	vadd.f32 v58, v6;
	v11 =	vsub.f32 v55, v7;
	v41 =	vld.idx.msk [tilespmem:v42+s15+$0x0], $0xffff  }
0x4a4: {  	v54 =	vmul.f32 v21, v21;
	v58 =	vmul.f32 v17, v17;
	v16 =	vadd.f32 $9.999999970e-07, v16;
	v55 =	vld [tilespmem:$0x1FF20]  }
0x4a5: {  	v30 =	vmovc v62;
	v42 =	vadd.s32 s31, v62;
	v62 =	vadd.s32 s31, v57;
	v57 =	vld [tilespmem:$0x1FEC0];
	v11 =	vadd.f32 $9.999999970e-07, v11  }
0x4a6: {  	v23 =	vld [tilespmem:$0x1FFC0];
	(erf) = vrcp.f32 v16  }
0x4a7: {  	v3 =	vmul.f32 v3, v3;
	v10 =	vadd.f32 v58, v54;
	v58 =	vld [tilespmem:$0x1FF10];
	(erf) = vrcp.f32 v11  }
0x4a8: {  	v16 =	vsel vm14, v17, v21;
	v17 =	vld [tilespmem:$0x1FF30]  }
0x4a9: {  	v3 =	vadd.f32 v3, v6;
	v6 =	vmul.f32 v40, v40;
	v40 =	vld [tilespmem:$0x1FF60]  }
0x4aa: {  	v51 =	vsub.f32 v33, v61;
	v12 =	vadd.s32 s31, v55;
	v61 =	vld.idx.msk [tilespmem:v42+s16+$0x0], $0xffff  }
0x4ab: {  	v13 =	vld.idx.msk [tilespmem:v42+s15+$0x0], $0xffff  }
0x4ac: {  	v26 =	vadd.s32 s24, v26;
	v5 =	vsub.f32 v16, v18;
	v8 =	vsub.f32 v59, v56;
	v11 =	vld.idx.msk [tilespmem:v62+s16+$0x0], $0xffff  }
0x4ad: {  	v16 =	vmul.f32 v16, v16;
	v3 =	vadd.f32 v6, v3;
	v33 =	vadd.s32 s24, v36;
	v42 =	vld [tilespmem:$0x1FF90]  }
0x4ae: {  	v5 =	vmul.f32 v5, v5;
	v56 =	vsub.f32 v20, v19;
	v36 =	vld [tilespmem:$0x1FFE0];
	v6 =	vmul.f32 v8, v8  }
0x4af: {  	v59 =	vsub.f32 v41, v49;
	v16 =	vnsel vm10, $0x0, v16;
	v41 =	vadd.s32 s24, v58;
	v8 =	vld.idx.msk [tilespmem:v12+s16+$0x0], $0xffff;
	v18 =	vpop (erf)  }
0x4b0: {  	v5 =	vnsel vm10, $0x0, v5;
	v3 =	vadd.f32 v6, v3;
	v6 =	vmul.f32 v51, v51;
	v12 =	vld.idx.msk [tilespmem:v12+s15+$0x0], $0xffff;
	v19 =	vpop (erf)  }
0x4b1: {  	v17 =	vadd.s32 s31, v17;
	v5 =	vadd.f32 v5, v35;
	v55 =	vmul.f32 v19, v7;
	v7 =	vld [tilespmem:$0x1FE70]  }
0x4b2: {  	v35 =	vadd.s32 s24, v42;
	v31 =	vld.idx.msk [tilespmem:v33+s16+$0x0], $0xffff;
	v3 =	vadd.f32 v6, v3;
	v6 =	vmul.f32 v56, v56  }
0x4b3: {  	v51 =	vadd.s32 s24, v57;
	[tilespmem:$0x1FE20] =	vst v5;
	v5 =	vsub.f32 v10, v16;
	v10 =	vadd.s32 s24, v40;
	v40 =	vld [tilespmem:$0x1FF70]  }
0x4b4: {  	v16 =	vld [tilespmem:$0x1FF80];
	v54 =	vmul.f32 v18, v14;
	v3 =	vadd.f32 v6, v3;
	v6 =	vmul.f32 v59, v59  }
0x4b5: {  	v20 =	vadd.s32 s24, v63;
	v23 =	vadd.s32 s24, v23;
	v58 =	vmax.f32 v0, $9.999999970e-07;
	v42 =	vld.idx.msk [tilespmem:v41+s16+$0x0], $0xffff  }
0x4b6: {  	v3 =	vadd.f32 v6, v3;
	v6 =	vld.idx.msk [tilespmem:v17+s15+$0x0], $0xffff;
	vm11 =	vgt.f32 v55, v54;
	v56 =	vadd.s32 s24, v7  }
0x4b7: {  	v36 =	vadd.s32 s24, v36;
	v18 =	vadd.s32 s24, v60;
	v19 =	vld.idx.msk [tilespmem:v35+s16+$0x0], $0xffff;
	v1 =	vsel vm11, v9, v1  }
0x4b8: {  	v59 =	vsub.f32 v13, v61;
	v9 =	vld.idx.msk [tilespmem:v62+s15+$0x0], $0xffff;
	v61 =	vmax.f32 v1, $9.999999970e-07;
	v1 =	vmax.f32 v2, $9.999999970e-07  }
0x4b9: {  	v13 =	vadd.s32 s24, v28;
	v4 =	vsel vm11, v4, v50;
	v50 =	vld.idx.msk [tilespmem:v51+s16+$0x0], $0xffff;
	v62 =	vmul.f32 v61, v1  }
0x4ba: {  	v8 =	vsub.f32 v12, v8;
	v16 =	vadd.s32 s24, v16;
	v2 =	vmul.f32 v59, v59;
	v7 =	vld.idx.msk [tilespmem:v17+s16+$0x0], $0xffff  }
0x4bb: {  	v59 =	vmax.f32 v4, $9.999999970e-07;
	v49 =	vshra.s32 v62, $0x1;
	v14 =	vmul.f32 $5.000000000e-01, v62;
	v57 =	vld.idx.msk [tilespmem:v56+s16+$0x0], $0xffff  }
0x4bc: {  	v24 =	vld.idx.msk [tilespmem:v36+s16+$0x0], $0xffff;
	v2 =	vadd.f32 v2, v3;
	v3 =	vmul.f32 v59, v58;
	v4 =	vsub.s32 $0x5F3759DF, v49  }
0x4bd: {  	v12 =	vadd.s32 s24, v40;
	v8 =	vmul.f32 v8, v8;
	v60 =	vld.idx.msk [tilespmem:v18+s16+$0x0], $0xffff;
	v49 =	vmul.f32 v4, v14  }
0x4be: {  	v63 =	vmax.f32 v42, v31;
	v15 =	vld.idx.msk [tilespmem:v13+s16+$0x0], $0xffff;
	v21 =	vshra.s32 v3, $0x1;
	v22 =	vmul.f32 $5.000000000e-01, v3  }
0x4bf: {  	v2 =	vadd.f32 v8, v2;
	v8 =	vld.idx.msk [tilespmem:v16+s16+$0x0], $0xffff;
	v21 =	vsub.s32 $0x5F3759DF, v21;
	v0 =	vmul.f32 v4, v49  }
0x4c0: {  	v6 =	vsub.f32 v6, v7;
	v7 =	vmul.f32 v21, v22;
	v49 =	vld.idx.msk [tilespmem:v26+s16+$0x0], $0xffff;
	v27 =	vmax.f32 v57, v50  }
0x4c1: {  	vm12 =	vgt.f32 v19, $0.0e+00;
	v0 =	vsub.f32 $1.500000000e+00, v0;
	v40 =	vmax.f32 v27, v63  }
0x4c2: {  	v9 =	vsub.f32 v9, v11;
	v7 =	vmul.f32 v21, v7;
	v11 =	vmax.f32 v24, v40  }
0x4c3: {  	v17 =	vld.idx.msk [tilespmem:v10+s16+$0x0], $0xffff;
	vm14 =	vmneg vm12;
	v4 =	vmul.f32 v4, v0;
	vm13 =	vgt.f32 v11, $0.0e+00  }
0x4c4: {  	v28 =	vnsel vm10, $0x0, v39;
	v25 =	vld.idx.msk [tilespmem:v12+s16+$0x0], $0xffff;
	v7 =	vsub.f32 $1.500000000e+00, v7;
	vm5 =	vmand vm13, vm14  }
0x4c5: {  	v19 =	vmul.f32 v4, v14;
	v39 =	vsel vm5, v60, v15;
	v60 =	vsel vm5, v49, v8;
	v49 =	vld [tilespmem:$0x1FE10]  }
0x4c6: {  	v6 =	vmul.f32 v6, v6;
	v27 =	vld.idx.msk [tilespmem:v20+s16+$0x0], $0xffff  }
0x4c7: {  	v7 =	vmul.f32 v21, v7;
	v21 =	vld.idx.msk [tilespmem:v46+s15+$0x0], $0xffff;
	v19 =	vmul.f32 v19, v4  }
0x4c8: {  	v9 =	vmul.f32 v9, v9;
	v24 =	vld.idx.msk [tilespmem:v23+s16+$0x0], $0xffff  }
0x4c9: {  	v6 =	vadd.f32 v6, v2;
	v2 =	vld.idx.msk [tilespmem:v16+s15+$0x0], $0xffff;
	v15 =	vmul.f32 v7, v22;
	v19 =	vsub.f32 $1.500000000e+00, v19  }
0x4ca: {  	v0 =	vld.idx.msk [tilespmem:v12+s15+$0x0], $0xffff;
	v40 =	vadd.f32 v28, v37;
	v49 =	vadd.f32 v5, v49  }
0x4cb: {  	v37 =	vld.idx.msk [tilespmem:v13+s15+$0x0], $0xffff;
	v5 =	vadd.f32 v9, v6;
	v6 =	vmul.f32 v19, v4;
	v4 =	vmul.f32 v15, v7  }
0x4cc: {  	v8 =	vsub.f32 v21, v47;
	v47 =	vld.idx.msk [tilespmem:v10+s15+$0x0], $0xffff;
	v13 =	vmul.f32 $5.000000000e-01, v60  }
0x4cd: {  	v46 =	vsel vm5, v27, v17;
	v63 =	vsel vm5, v24, v25;
	v12 =	vsub.f32 $1.500000000e+00, v4;
	v4 =	vld.idx.msk [tilespmem:v23+s15+$0x0], $0xffff  }
0x4ce: {  	v10 =	vmul.f32 $5.000000000e-01, v63;
	v17 =	vsub.f32 v46, v13;
	v13 =	vadd.f32 v13, v46  }
0x4cf: {  	v9 =	vsel vm11, v53, v52;
	v52 =	vld.idx.msk [tilespmem:v18+s15+$0x0], $0xffff;
	v53 =	vmul.f32 $5.000000000e-01, v0;
	v18 =	vmul.f32 $5.000000000e-01, v2  }
0x4d0: {  	v16 =	vld.idx.msk [tilespmem:v26+s15+$0x0], $0xffff;
	v11 =	vmul.f32 v6, v14;
	v14 =	vsub.f32 v39, v10;
	v10 =	vadd.f32 v10, v39  }
0x4d1: {  	v15 =	vadd.f32 v53, v37;
	v19 =	vsub.f32 v47, v18  }
0x4d2: {  	v7 =	vmul.f32 v12, v7;
	v12 =	vsub.f32 v37, v53;
	v53 =	vld.idx.msk [tilespmem:v20+s15+$0x0], $0xffff;
	v21 =	vmul.f32 $5.000000000e-01, v4  }
0x4d3: {  	v18 =	vadd.f32 v18, v47;
	v15 =	vmin.f32 v15, v10;
	v19 =	vmax.f32 v19, v17  }
0x4d4: {  	v20 =	vmul.f32 v7, v22;
	v12 =	vmax.f32 v12, v14;
	v22 =	vsub.f32 v52, v21  }
0x4d5: {  	v18 =	vmin.f32 v18, v13;
	v12 =	vsub.f32 v15, v12;
	v15 =	vmul.f32 $5.000000000e-01, v16  }
0x4d6: {  	v18 =	vsub.f32 v18, v19;
	v19 =	vadd.f32 v21, v52;
	v14 =	vmax.f32 v22, v14;
	v22 =	vld [tilespmem:$0x1FE40]  }
0x4d7: {  	v21 =	vsub.f32 v53, v15;
	v15 =	vadd.f32 v15, v53  }
0x4d8: {  	v23 =	vadd.s32 s24, v29  }
0x4d9: {  	v10 =	vmin.f32 v19, v10;
	v17 =	vmax.f32 v21, v17;
	v13 =	vmin.f32 v15, v13  }
0x4da: {  	v10 =	vsub.f32 v10, v14;
	v13 =	vsub.f32 v13, v17  }
0x4db: {  	v17 =	vld [tilespmem:$0x1FE50];
	v22 =	vadd.s32 s24, v22  }
0x4dc: {  	v9 =	vsub.f32 v9, v45;
	v45 =	vld [tilespmem:$0x1FE90];
	v10 =	vmax.f32 v10, $0.0e+00;
	v13 =	vmax.f32 v13, $0.0e+00  }
0x4dd: {  	v11 =	vmul.f32 v11, v6;
	v12 =	vmax.f32 v12, $0.0e+00;
	v10 =	vmul.f32 v13, v10;
	v13 =	vld [tilespmem:$0x1FE60]  }
0x4de: {  	v19 =	vmul.f32 v60, v63;
	v15 =	vmax.f32 v18, $0.0e+00;
	v18 =	vld.idx.msk [tilespmem:v23+s15+$0x0], $0xffff;
	v21 =	vmul.f32 v16, v4  }
0x4df: {  	v11 =	vsub.f32 $1.500000000e+00, v11;
	v14 =	vld.idx.msk [tilespmem:v23+s16+$0x0], $0xffff;
	v12 =	vmul.f32 v15, v12;
	v15 =	vmul.f32 v2, v0  }
0x4e0: {  	v20 =	vmul.f32 v20, v7;
	v17 =	vadd.s32 s24, v17;
	v23 =	vld.idx.msk [tilespmem:v22+s16+$0x0], $0xffff  }
0x4e1: {  	v6 =	vmul.f32 v11, v6;
	v15 =	vadd.f32 v19, v15;
	v19 =	vadd.f32 v21, v19;
	v21 =	vld.idx.msk [tilespmem:v22+s15+$0x0], $0xffff  }
0x4e2: {  	v11 =	vsub.f32 $1.500000000e+00, v20;
	v13 =	vadd.s32 s24, v13;
	v22 =	vsel vm11, v48, v43;
	v43 =	vld [tilespmem:$0x1FE80];
	_ =	sdelay $0x1  }
0x4e3: {  	v7 =	vmul.f32 v11, v7;
	v48 =	vld [tilespmem:$0x1FEB0]  }
0x4e4: {  	v15 =	vsub.f32 v15, v12;
	v20 =	vld.idx.msk [tilespmem:v17+s16+$0x0], $0xffff  }
0x4e5: {  	v3 =	vmul.f32 v7, v3;
	v7 =	vadd.s32 s24, v45;
	v19 =	vsub.f32 v19, v10;
	v17 =	vld.idx.msk [tilespmem:v17+s15+$0x0], $0xffff  }
0x4e6: {  	v1 =	vadd.f32 v61, v1;
	v15 =	vadd.f32 $9.999999970e-07, v15;
	v11 =	vld.idx.msk [tilespmem:v13+s16+$0x0], $0xffff;
	v24 =	vadd.s32 s24, v43  }
0x4e7: {  	v14 =	vsub.f32 v18, v14;
	v19 =	vadd.f32 $9.999999970e-07, v19;
	v13 =	vld.idx.msk [tilespmem:v13+s15+$0x0], $0xffff  }
0x4e8: {  	(erf) = vrcp.f32 v15;
	v15 =	vsub.f32 v22, v38;
	v38 =	vld [tilespmem:$0x1FEA0];
	v18 =	vsub.f32 v21, v23  }
0x4e9: {  	v1 =	vadd.f32 v1, v59;
	v6 =	vmul.f32 v6, v62;
	(erf) = vrcp.f32 v19;
	v19 =	vld.idx.msk [tilespmem:v56+s15+$0x0], $0xffff  }
0x4ea: {  	v14 =	vmul.f32 v14, v14;
	v21 =	vld.idx.msk [tilespmem:v7+s16+$0x0], $0xffff;
	v17 =	vsub.f32 v17, v20;
	v18 =	vmul.f32 v18, v18  }
0x4eb: {  	v1 =	vadd.f32 v1, v58;
	v3 =	vadd.f32 v3, v6;
	v20 =	vld.idx.msk [tilespmem:v24+s16+$0x0], $0xffff  }
0x4ec: {  	v17 =	vmul.f32 v17, v17;
	v6 =	vadd.f32 v18, v14;
	v11 =	vsub.f32 v13, v11;
	v62 =	vld.idx.msk [tilespmem:v24+s15+$0x0], $0xffff  }
0x4ed: {  	v8 =	vmul.f32 v8, v8;
	v3 =	vadd.f32 v3, v3;
	v7 =	vld.idx.msk [tilespmem:v7+s15+$0x0], $0xffff;
	v18 =	vadd.s32 s24, v38  }
0x4ee: {  	v9 =	vmul.f32 v9, v9;
	v6 =	vadd.f32 v17, v6;
	v11 =	vmul.f32 v11, v11  }
0x4ef: {  	v1 =	vsub.f32 v1, v3;
	v15 =	vmul.f32 v15, v15;
	v17 =	vsub.f32 v19, v57;
	v19 =	vld.idx.msk [tilespmem:v32+s15+$0x0], $0xffff  }
0x4f0: {  	v32 =	vadd.f32 v8, v5;
	v5 =	vmax.f32 v54, v55;
	v55 =	vld [tilespmem:$0x1FEE0];
	v3 =	vadd.f32 v11, v6  }
0x4f1: {  	v54 =	vld [tilespmem:$0x1FED0];
	v6 =	vmul.f32 v17, v17;
	v17 =	vadd.s32 s24, v48;
	v11 =	vsub.f32 v62, v20  }
0x4f2: {  	v9 =	vadd.f32 v15, v9;
	v7 =	vsub.f32 v7, v21;
	v14 =	vld.idx.msk [tilespmem:v18+s16+$0x0], $0xffff  }
0x4f3: {  	v15 =	vpop (erf);
	v62 =	vld.idx.msk [tilespmem:v18+s15+$0x0], $0xffff;
	v6 =	vadd.f32 v6, v3;
	v11 =	vmul.f32 v11, v11  }
0x4f4: {  	v56 =	vld [tilespmem:$0x1FF00];
	v9 =	vadd.f32 v1, v9;
	v1 =	vmul.f32 v15, v12;
	v7 =	vmul.f32 v7, v7;
	v3 =	vpop (erf)  }
0x4f5: {  	v13 =	vld.idx.msk [tilespmem:v34+s15+$0x0], $0xffff;
	v34 =	vadd.s32 s24, v55;
	v3 =	vmul.f32 v3, v10;
	v6 =	vadd.f32 v11, v6  }
0x4f6: {  	vm1 =	vmor vm15, vm9;
	v12 =	vld.idx.msk [tilespmem:v17+s16+$0x0], $0xffff  }
0x4f7: {  	v9 =	vnsel vm1, $0x0, v9;
	vm15 =	vgt.f32 v3, v1;
	v6 =	vadd.f32 v7, v6;
	v7 =	vld.idx.msk [tilespmem:v51+s15+$0x0], $0xffff  }
0x4f8: {  	v11 =	vadd.s32 s24, v54;
	v8 =	vsub.f32 v62, v14;
	v0 =	vsel vm15, v4, v0;
	v51 =	vld [tilespmem:$0x1FEF0]  }
0x4f9: {  	v4 =	vld.idx.msk [tilespmem:v17+s15+$0x0], $0xffff;
	v2 =	vsel vm15, v16, v2;
	v16 =	vmax.f32 v63, $9.999999970e-07;
	v15 =	vmax.f32 v0, $9.999999970e-07  }
0x4fa: {  	v17 =	vmax.f32 v60, $9.999999970e-07;
	v14 =	vld.idx.msk [tilespmem:v34+s15+$0x0], $0xffff;
	v2 =	vmax.f32 v2, $9.999999970e-07;
	v18 =	vmul.f32 v15, v16  }
0x4fb: {  	v26 =	vadd.s32 s24, v56;
	v0 =	vadd.f32 v9, v44;
	v44 =	vld.idx.msk [tilespmem:v34+s16+$0x0], $0xffff;
	v9 =	vmul.f32 v2, v17  }
0x4fc: {  	v8 =	vmul.f32 v8, v8;
	v22 =	vshra.s32 v18, $0x1;
	v23 =	vmul.f32 $5.000000000e-01, v18  }
0x4fd: {  	v20 =	vld.idx.msk [tilespmem:v11+s16+$0x0], $0xffff;
	v24 =	vshra.s32 v9, $0x1;
	v25 =	vmul.f32 $5.000000000e-01, v9;
	v21 =	vadd.s32 s24, v51  }
0x4fe: {  	v11 =	vld.idx.msk [tilespmem:v11+s15+$0x0], $0xffff;
	v4 =	vsub.f32 v4, v12;
	v22 =	vsub.s32 $0x5F3759DF, v22;
	v24 =	vsub.s32 $0x5F3759DF, v24  }
0x4ff: {  	v6 =	vadd.f32 v8, v6;
	v27 =	vmul.f32 v22, v23;
	v28 =	vmul.f32 v24, v25  }
0x500: {  	v7 =	vsub.f32 v7, v50;
	v12 =	vsub.f32 v14, v44;
	v44 =	vld.idx.msk [tilespmem:v26+s16+$0x0], $0xffff;
	v4 =	vmul.f32 v4, v4  }
0x501: {  	v62 =	vmul.f32 v22, v27;
	v27 =	vmul.f32 v24, v28;
	v28 =	vld [tilespmem:$0x1FF20]  }
0x502: {  	v10 =	vsel vm11, v19, v13;
	v7 =	vmul.f32 v7, v7;
	v4 =	vadd.f32 v4, v6;
	v34 =	vld.idx.msk [tilespmem:v21+s16+$0x0], $0xffff  }
0x503: {  	v5 =	vsub.f32 v10, v5;
	v6 =	vsub.f32 v11, v20;
	v20 =	vld.idx.msk [tilespmem:v21+s15+$0x0], $0xffff  }
0x504: {  	v21 =	vsub.f32 $1.500000000e+00, v27;
	v27 =	vadd.s32 s24, v30;
	v4 =	vadd.f32 v7, v4;
	v7 =	vld.idx.msk [tilespmem:v26+s15+$0x0], $0xffff  }
0x505: {  	v10 =	vmul.f32 v10, v10;
	v5 =	vmul.f32 v5, v5;
	v8 =	vsub.f32 $1.500000000e+00, v62;
	v26 =	vld [tilespmem:$0x1FE20]  }
0x506: {  	v57 =	vld [tilespmem:$0x1FF40];
	v12 =	vmul.f32 v12, v12;
	v6 =	vmul.f32 v6, v6  }
0x507: {  	v50 =	vld [tilespmem:$0x1FF30];
	v8 =	vmul.f32 v22, v8;
	v21 =	vmul.f32 v24, v21  }
0x508: {  	v22 =	vadd.s32 s24, v28;
	v4 =	vadd.f32 v6, v4;
	v11 =	vsub.f32 v20, v34;
	v20 =	vld.idx.msk [tilespmem:v41+s15+$0x0], $0xffff  }
0x509: {  	v5 =	vnsel vm1, $0x0, v5;
	v6 =	vmul.f32 v8, v23;
	v24 =	vmul.f32 v21, v25;
	v62 =	vld.idx.msk [tilespmem:v27+s16+$0x0], $0xffff  }
0x50a: {  	v10 =	vnsel vm1, $0x0, v10;
	v4 =	vadd.f32 v12, v4;
	v34 =	vld.idx.msk [tilespmem:v27+s15+$0x0], $0xffff;
	v5 =	vadd.f32 v5, v26  }
0x50b: {  	v6 =	vmul.f32 v6, v8;
	v24 =	vmul.f32 v24, v21;
	v7 =	vsub.f32 v7, v44  }
0x50c: {  	v26 =	vadd.s32 s24, v50;
	v44 =	vmul.f32 v19, v19;
	v11 =	vmul.f32 v11, v11  }
0x50d: {  	v27 =	vld.idx.msk [tilespmem:v22+s16+$0x0], $0xffff;
	v6 =	vsub.f32 $1.500000000e+00, v6;
	v24 =	vsub.f32 $1.500000000e+00, v24;
	v7 =	vmul.f32 v7, v7  }
0x50e: {  	v41 =	vld.idx.msk [tilespmem:v22+s15+$0x0], $0xffff;
	v22 =	vadd.s32 s24, v57;
	v4 =	vadd.f32 v11, v4;
	v20 =	vsub.f32 v20, v42  }
0x50f: {  	v6 =	vmul.f32 v6, v8;
	v8 =	vmul.f32 v24, v21;
	v12 =	vsub.f32 v34, v62  }
0x510: {  	v4 =	vadd.f32 v7, v4;
	v7 =	vmul.f32 v13, v13;
	v19 =	vmul.f32 v20, v20  }
0x511: {  	v61 =	vld [tilespmem:$0x1FFE0];
	v15 =	vadd.f32 v15, v16;
	v20 =	vmul.f32 v6, v23;
	v21 =	vmul.f32 v8, v25  }
0x512: {  	v62 =	vld.idx.msk [tilespmem:v26+s16+$0x0], $0xffff;
	v12 =	vmul.f32 v12, v12;
	v7 =	vadd.f32 v44, v7;
	v4 =	vadd.f32 v19, v4  }
0x513: {  	v34 =	vld.idx.msk [tilespmem:v26+s15+$0x0], $0xffff;
	v11 =	vsub.f32 v41, v27;
	v20 =	vmul.f32 v20, v6;
	v21 =	vmul.f32 v21, v8  }
0x514: {  	vm0 =	vmor vm12, vm13;
	v19 =	vld.idx.msk [tilespmem:v22+s16+$0x0], $0xffff;
	v7 =	vsub.f32 v7, v10;
	v4 =	vadd.f32 v12, v4  }
0x515: {  	v22 =	vld.idx.msk [tilespmem:v22+s15+$0x0], $0xffff;
	v41 =	vmul.f32 v11, v11;
	v42 =	vsub.f32 $1.500000000e+00, v20;
	v44 =	vsub.f32 $1.500000000e+00, v21  }
0x516: {  	v1 =	vmax.f32 v1, v3;
	v16 =	vld.idx.msk [tilespmem:v35+s15+$0x0], $0xffff;
	v2 =	vadd.f32 v15, v2;
	v7 =	vadd.f32 v7, v49  }
0x517: {  	v4 =	vadd.f32 v41, v4;
	v6 =	vmul.f32 v42, v6;
	v8 =	vmul.f32 v44, v8;
	v41 =	vld.idx.msk [tilespmem:v33+s15+$0x0], $0xffff  }
0x518: {  	v49 =	vsub.f32 v34, v62;
	v34 =	vsel vm15, v52, v37;
	v37 =	vsel vm15, v53, v47;
	v44 =	vld.idx.msk [tilespmem:v36+s15+$0x0], $0xffff  }
0x519: {  	v59 =	vld [tilespmem:$0x1FFD0];
	v12 =	vsub.f32 v34, v39;
	v6 =	vmul.f32 v6, v18;
	v8 =	vmul.f32 v8, v9  }
0x51a: {  	v58 =	vld [tilespmem:$0x1FFC0];
	v13 =	vsub.f32 v37, v46;
	v62 =	vsub.f32 v22, v19;
	v42 =	vmul.f32 v49, v49  }
0x51b: {  	v63 =	vld [tilespmem:$0x1FFB0];
	v2 =	vadd.f32 v2, v17;
	v47 =	vmul.f32 v12, v12;
	v6 =	vadd.f32 v8, v6  }
0x51c: {  	v60 =	vld [tilespmem:$0x1FFA0];
	v49 =	vmul.f32 v13, v13;
	v4 =	vadd.f32 v42, v4;
	v46 =	vmul.f32 v62, v62  }
0x51d: {  	v24 =	vld [tilespmem:$0x1FF70];
	v52 =	vsub.f32 v41, v31;
	v3 =	vsel vm15, v44, v16;
	v6 =	vadd.f32 v6, v6  }
0x51e: {  	v26 =	vld [tilespmem:$0x1FF90];
	v4 =	vadd.f32 v46, v4;
	v10 =	vmul.f32 v44, v44;
	v1 =	vsub.f32 v3, v1  }
0x51f: {  	s23 =	sadd.s32 $0x7, s23;
	v23 =	vld [tilespmem:$0x1FF60];
	v8 =	vmul.f32 v52, v52;
	v2 =	vsub.f32 v2, v6;
	v6 =	vmul.f32 v16, v16  }
0x520: {  	p0 =	slt.u32 s23, $0x2A;
	v25 =	vld [tilespmem:$0x1FF80];
	v18 =	vnsel vm1, $0x0, v32;
	v9 =	vadd.f32 v49, v47;
	v3 =	vmul.f32 v3, v3  }
.Ltmp1:
0x521: {  	v20 =	vld [tilespmem:$0x1FF10];
	v1 =	vmul.f32 v1, v1;
	v4 =	vadd.f32 v8, v4;
	v6 =	vadd.f32 v10, v6;
	(pc) =	sbr.rel @p0 .LBB2_5-.Ltmp1, $4  }
0x522: {  	v22 =	vld [tilespmem:$0x1FF50];
	v53 =	vadd.f32 v18, v40;
	v3 =	vnsel vm0, $0x0, v3;
	v2 =	vadd.f32 v2, v9  }
0x523: {  	v19 =	vld [tilespmem:$0x1FEC0];
	v1 =	vnsel vm0, $0x0, v1;
	v62 =	vnsel vm0, $0x0, v4;
	v3 =	vsub.f32 v6, v3  }
0x524: {  	v18 =	vld [tilespmem:$0x1FE70];
	v32 =	vadd.f32 v1, v5;
	v2 =	vnsel vm0, $0x0, v2;
	v30 =	vadd.f32 v62, v53  }
0x525: {  	s24 =	sadd.s32 $0xD20, s24;
	v5 =	vld [tilespmem:$0x1FE60];
	v33 =	vadd.f32 v2, v0;
	v31 =	vadd.f32 v3, v7  }
0x526: {  	s22 =	sadd.s32 $0x1, s22  }
0x527: {  	p0 =	sne.s32 s22, $0x8  }
.Ltmp2:
0x528: {  	_ = 	snop;
	(pc) =	sbr.rel @p0 .LBB2_2-.Ltmp2, $2  }
0x529: {  	_ =	sdelay $0x2  }
0x52a: {  	v27 =	vld [tilespmem:$0x1FFF0]  }
0x52b: {  	[tilespmem:$0x17000] =	vst v33  }
0x52c: {  	[tilespmem:$0x17080] =	vst v32;
	s21 =	sadd.s32 $0x1, s21  }
0x52d: {  	[tilespmem:$0x17100] =	vst v31;
	p0 =	sne.s32 s21, s9  }
.Ltmp3:
0x52e: {  	[tilespmem:$0x17180] =	vst v30;
	(pc) =	sbr.rel @p0 .LBB2_1-.Ltmp3, $4  }
0x52f: {  	[hbm4b:s8+s1] =	stream.linear.scatter [tilespmem:s19], [sflag:$0x5], $0x200, $0x38;
	[tilespmem:$0x17200] =	vst v63  }
0x530: {  	_ =	swait.ge [sflag:s20], $0x200  }
0x531: {  	[sflag:s20] =	ssyncset.done $0x0  }
0x532: {  	[sflag:s20] =	ssyncadd.s32 $0xFFFFFE00  }
0x533: {  	_ =	sfence.sel $0x180000  }
0x534: {  	[bflag:$0x0] =	sbarrier.arrive $0xFFFF  }
0x535: {  	p0 =	sne.s32 s2, $0x0;
	_ =	strace $0x90000047  }
0x536: {  	s0 =	sadd.s32 @!p0 $0x100000, s0;
	[bflag:$0x2] =	sbarrier.arrive $0xFFFF  }
0x537: {  	[sflag:s0] =	ssyncadd.tile.s32 @!p0 $0x1;
	_ =	shalt  }
.Lfunc_end2:
_tile_overlayer_lowered:
.L_overlay_start_2:
0x538: {  	(tag) =	ssettag $0x2  }
0x539: {  	s0 =	rddreg [dreg:$0x0];
	s2 =	stileid.u32  }
0x53a: {  	s1 =	rddreg [dreg:$0x1];
	p0 =	sne.s32 s2, $0x0  }
0x53b: {  	s3 =	rddreg [dreg:$0x2];
	[bflag:$0x3] =	sbarrier.arrive $0xFFFF;
	s2 =	simm.s32 @!p0 $0x1C05  }
0x53c: {  	[timem:s3], [sflag:s2] =	dma.local @!p0 [hbm:s0], s1  }
0x53d: {  	s0 =	simm.s32 @!p0 $0x5  }
0x53e: {  	_ =	swait.ge @!p0 [sflag:s0], s1  }
0x53f: {  	s1 =	ssub.s32 @!p0 $0x0, s1;
	[sflag:s0] =	ssyncset.done @!p0 $0x0  }
0x540: {  	[sflag:s0] =	ssyncadd.s32 @!p0 s1  }
0x541: {  	[bflag:$0x3] =	sbarrier.arrive $0xFFFF  }
0x542: {  	_ =	shalt  }

</sc_bundles>
